<compile_context>
chip_gen: v7x
topology: tpu7x:2x2x1
jax: 0.10.2.dev20260603
libtpu: 0.0.44.dev20260713+nightly
codegen_flags: <defaults>
</compile_context>

<pallas_src>
import functools

import numpy as np
import jax
import jax.numpy as jnp
from jax import lax
from jax.experimental import pallas as pl
from jax.experimental.pallas import tpu as pltpu
from jax.experimental.pallas import tpu_sc as plsc

PATCH_HW = 256
PLACE = 64
B = 16
H = 512
W = 512
C = 3
HALF = 256
SLAB = 32
N_SLABS = HALF // SLAB
NBUF = 4
PF = 2
LANES = 16
P = 8
SMALL_PAD = 128


def _resize_matrix(n_out: int, n_in: int) -> np.ndarray:
    scale = n_out / n_in
    i = np.arange(n_out)[:, None]
    j = np.arange(n_in)[None, :]
    coord = (i + 0.5) / scale - 0.5
    w = np.maximum(0.0, 1.0 - np.abs(j - coord) * scale)
    w = w / w.sum(axis=1, keepdims=True)
    return w.astype(np.float32)


_A = _resize_matrix(PLACE, PATCH_HW)


def _resize_body(pp_ref, a_ref, at_ref, out_ref):
    zeros = jnp.zeros((PLACE, SMALL_PAD - PLACE), jnp.float32)
    for c in range(C):
        pc = jnp.clip(pp_ref[c], 0.0, 1.0)
        t1 = jnp.dot(pc, at_ref[...],
                     preferred_element_type=jnp.float32)
        sc = jnp.dot(a_ref[...], t1,
                     preferred_element_type=jnp.float32)
        out_ref[c] = jnp.concatenate([sc, zeros], axis=1)


def _resize_small(patch_planar):
    return pl.pallas_call(
        _resize_body,
        out_shape=jax.ShapeDtypeStruct((C, PLACE, SMALL_PAD), jnp.float32),
    )(patch_planar, jnp.asarray(_A), jnp.asarray(_A.T))


_MESH = plsc.VectorSubcoreMesh(core_axis_name="c", subcore_axis_name="s")


@functools.partial(
    pl.kernel,
    out_type=jax.ShapeDtypeStruct((B, C, H, W), jnp.float32),
    mesh=_MESH,
    scratch_types=(
        [pltpu.VMEM((SLAB, W), jnp.float32) for _ in range(NBUF)]
        + [pltpu.VMEM((C * PLACE, SMALL_PAD), jnp.float32),
           pltpu.VMEM((B, SMALL_PAD), jnp.int32)]
        + [pltpu.SemaphoreType.DMA for _ in range(2 * NBUF)]
    ),
    compiler_params=pltpu.CompilerParams(needs_layout_passes=False),
)
def _sc_scatter(img_hbm, offs_hbm, small_hbm, out_hbm, *scratch):
    bufs = scratch[:NBUF]
    small_v, offs_v = scratch[NBUF], scratch[NBUF + 1]
    in_sems = scratch[NBUF + 2:2 * NBUF + 2]
    out_sems = scratch[2 * NBUF + 2:]
    cid = lax.axis_index("c")
    sid = lax.axis_index("s")
    wid = sid * 2 + cid
    b = wid // 2
    half = wid % 2
    lane = lax.iota(jnp.int32, LANES)
    nbuf = NBUF
    pf = PF
    n = C * N_SLABS

    def slot_params(j):
        ch = j // N_SLABS
        r0 = half * HALF + (j % N_SLABS) * SLAB
        return ch, r0

    def in_copy(j, bi):
        ch, r0 = slot_params(j)
        return pltpu.make_async_copy(
            img_hbm.at[b, ch, pl.ds(r0, SLAB), :], bufs[bi], in_sems[bi])

    def out_copy(j, bi):
        ch, r0 = slot_params(j)
        return pltpu.make_async_copy(
            bufs[bi], out_hbm.at[b, ch, pl.ds(r0, SLAB), :], out_sems[bi])

    def scatter(j, buf):
        ch, r0 = slot_params(j)
        for p in range(P):
            y = yx[p]
            x = yx[p + P]
            lo = jnp.maximum(y, r0)
            hi = jnp.minimum(y + PLACE, r0 + SLAB)
            src_base = ch * PLACE - y

            def row_body(r, carry, y=y, x=x, r0=r0, src_base=src_base,
                         buf=buf):
                roff = jnp.full((LANES,), r - r0, jnp.int32)
                src_row = src_base + r
                for k in range(PLACE // LANES):
                    cc = x + k * LANES + lane
                    val = small_v[src_row, pl.ds(k * LANES, LANES)]
                    plsc.store_scatter(buf, [roff, cc], val)
                return carry

            lax.fori_loop(lo, hi, row_body, 0)

    for j in range(pf):
        in_copy(j, j % nbuf).start()
    pltpu.sync_copy(small_hbm, small_v)
    pltpu.sync_copy(offs_hbm, offs_v)
    yx = offs_v[b, pl.ds(0, LANES)]

    def outer(t, carry):
        jb = t * nbuf
        for bi in range(nbuf):
            j = jb + bi
            m = j + pf
            mbi = (bi + pf) % nbuf

            @pl.when(m < n)
            def _(m=m, mbi=mbi):
                @pl.when(m >= nbuf)
                def _():
                    out_copy(m - nbuf, mbi).wait()
                in_copy(m, mbi).start()

            in_copy(j, bi).wait()
            scatter(j, bufs[bi])
            out_copy(j, bi).start()
        return carry

    lax.fori_loop(0, n // nbuf, outer, 0)
    for j in range(n - nbuf, n):
        out_copy(j, j % nbuf).wait()


def kernel(images, patch_offsets, patch):
    imgs_p = jnp.transpose(images, (0, 3, 1, 2))
    patch_p = jnp.transpose(patch, (2, 0, 1))
    small = _resize_small(patch_p)
    offs = jnp.concatenate(
        [patch_offsets[:, :, 0], patch_offsets[:, :, 1],
         jnp.zeros((B, SMALL_PAD - 2 * P), jnp.int32)], axis=1)
    out_p = _sc_scatter(imgs_p, offs, small.reshape(C * PLACE, SMALL_PAD))
    return jnp.transpose(out_p, (0, 2, 3, 1))

# --- scband reference (transcript-rebuilt; emitter-appended) ---
"""Pipeline reference for scband-patch-attacker-58634893525576 (READ-ONLY COPY).

The authoritative reference and input builder live on the scoring server;
editing this copy changes nothing except your own understanding.
"""

import jax, jax.numpy as jnp
import numpy as np

PATCH_H = 256
PATCH_W = 256
PLACE_HW = 64  # placed patch size inside the image (static for JAX)


def setup_inputs(seed: int = 0) -> dict:
    key = jax.random.key(seed)
    k1, k2, k3 = jax.random.split(key, 3)
    images = jax.random.uniform(k1, (16, 512, 512, 3), dtype=jnp.float32)
    patch_offsets = jax.random.randint(k2, (16, 8, 2), 0, 512 - PLACE_HW).astype(jnp.int32)
    # learnable adversarial patch (parameter), clipped to [0, 1] like the TF Variable constraint
    patch = jax.random.uniform(k3, (PATCH_H, PATCH_W, 3), dtype=jnp.float32)
    return {"images": images, "patch_offsets": patch_offsets, "patch": patch}


def reference(images, patch_offsets, patch):
    # Patcher.call: resize the learnable patch and scatter-overwrite it into each image
    # at the (ymin, xmin) locations given by patch_offsets (derived from detected boxes
    # in the original model; here materialized as integer offsets).
    patch = jnp.clip(patch, 0.0, 1.0)
    small = jax.image.resize(patch, (PLACE_HW, PLACE_HW, 3), method="bilinear")
    P = patch_offsets.shape[1]

    def per_image(img, offs):
        def body(i, im):
            y = offs[i, 0]
            x = offs[i, 1]
            # scatter-overwrite: images[b, y:y+64, x:x+64, :] = small
            return jax.lax.dynamic_update_slice(im, small, (y, x, jnp.int32(0)))
        return jax.lax.fori_loop(0, P, body, img)

    patched = jax.vmap(per_image)(images, patch_offsets)
    return patched

if __name__ == "__main__":
    import jax
    _d = setup_inputs()
    print(jax.jit(kernel)(*tuple(_d.values())))

</pallas_src>

<mosaic_0001>
#map = affine_map<(d0, d1) -> (0, 0, 0, 0)>
#map1 = affine_map<(d0, d1) -> (0, 0)>
module attributes {stable_mosaic.version = 14 : i64} {
  func.func @_sc_scatter(%arg0: i32, %arg1: i32, %arg2: memref<16x3x512x512xf32, #tpu.memory_space<hbm>>, %arg3: memref<16x128xi32, #tpu.memory_space<hbm>>, %arg4: memref<192x128xf32, #tpu.memory_space<hbm>>, %arg5: memref<16x3x512x512xf32, #tpu.memory_space<hbm>>, %arg6: memref<32x512xf32, #tpu.memory_space<vmem>>, %arg7: memref<32x512xf32, #tpu.memory_space<vmem>>, %arg8: memref<32x512xf32, #tpu.memory_space<vmem>>, %arg9: memref<32x512xf32, #tpu.memory_space<vmem>>, %arg10: memref<192x128xf32, #tpu.memory_space<vmem>>, %arg11: memref<16x128xi32, #tpu.memory_space<vmem>>, %arg12: memref<!tpu.dma_semaphore, #tpu.memory_space<semaphore_mem>>, %arg13: memref<!tpu.dma_semaphore, #tpu.memory_space<semaphore_mem>>, %arg14: memref<!tpu.dma_semaphore, #tpu.memory_space<semaphore_mem>>, %arg15: memref<!tpu.dma_semaphore, #tpu.memory_space<semaphore_mem>>, %arg16: memref<!tpu.dma_semaphore, #tpu.memory_space<semaphore_mem>>, %arg17: memref<!tpu.dma_semaphore, #tpu.memory_space<semaphore_mem>>, %arg18: memref<!tpu.dma_semaphore, #tpu.memory_space<semaphore_mem>>, %arg19: memref<!tpu.dma_semaphore, #tpu.memory_space<semaphore_mem>>) attributes {dimension_semantics = [#tpu.dimension_semantics<core_parallel>, #tpu.dimension_semantics<subcore_parallel>], iteration_bounds = array<i64: 2, 16>, scalar_prefetch = 0 : i64, scratch_operands = 14 : i64, tpu.core_type = #tpu.core_type<sc_vector_subcore>, window_params = [{transform_indices = #map}, {transform_indices = #map1}, {transform_indices = #map1}, {transform_indices = #map}]} {
    %mul3A = arith.constant 2 : i32
    %mul3A_0 = arith.muli %arg1, %mul3A : i32
    %add3A = arith.addi %mul3A_0, %arg0 : i32
    %jit3A = arith.constant 2 : i32
    %div3A = arith.divsi %add3A, %jit3A : i32
    %sign3A = arith.constant 0 : i32
    %sign3A_1 = arith.cmpi sgt, %add3A, %sign3A : i32
    %sign3A_2 = arith.extui %sign3A_1 : i1 to i32
    %sign3A_3 = arith.constant 0 : i32
    %sign3A_4 = arith.cmpi slt, %add3A, %sign3A_3 : i32
    %sign3A_5 = arith.extui %sign3A_4 : i1 to i32
    %sign3A_6 = arith.subi %sign3A_2, %sign3A_5 : i32
    %sign3A_7 = arith.constant 0 : i32
    %sign3A_8 = arith.cmpi sgt, %jit3A, %sign3A_7 : i32
    %sign3A_9 = arith.extui %sign3A_8 : i1 to i32
    %sign3A_10 = arith.constant 0 : i32
    %sign3A_11 = arith.cmpi slt, %jit3A, %sign3A_10 : i32
    %sign3A_12 = arith.extui %sign3A_11 : i1 to i32
    %sign3A_13 = arith.subi %sign3A_9, %sign3A_12 : i32
    %ne3A = arith.cmpi ne, %sign3A_6, %sign3A_13 : i32
    %rem3A = arith.remsi %add3A, %jit3A : i32
    %ne3A_14 = arith.constant 0 : i32
    %ne3A_15 = arith.cmpi ne, %rem3A, %ne3A_14 : i32
    %and3A = arith.andi %ne3A, %ne3A_15 : i1
    %sub3A = arith.constant 1 : i32
    %sub3A_16 = arith.subi %div3A, %sub3A : i32
    %select_n3A = arith.select %and3A, %sub3A_16, %div3A : i32
    %jit3A_17 = arith.constant 2 : i32
    %eq3A = arith.constant 0 : i32
    %eq3A_18 = arith.cmpi eq, %jit3A_17, %eq3A : i32
    %jit3A_19 = arith.constant 1 : i32
    %select_n3A_20 = arith.select %eq3A_18, %jit3A_19, %jit3A_17 : i32
    %rem3A_21 = arith.remsi %add3A, %select_n3A_20 : i32
    %ne3A_22 = arith.constant 0 : i32
    %ne3A_23 = arith.cmpi ne, %rem3A_21, %ne3A_22 : i32
    %lt3A = arith.constant 0 : i32
    %lt3A_24 = arith.cmpi slt, %rem3A_21, %lt3A : i32
    %lt3A_25 = arith.constant 0 : i32
    %lt3A_26 = arith.cmpi slt, %select_n3A_20, %lt3A_25 : i32
    %ne3A_27 = arith.xori %lt3A_24, %lt3A_26 : i1
    %and3A_28 = arith.andi %ne3A_27, %ne3A_23 : i1
    %add3A_29 = arith.addi %rem3A_21, %select_n3A_20 : i32
    %select_n3A_30 = arith.select %and3A_28, %add3A_29, %rem3A_21 : i32
    %iota3A = tpu.iota {dimensions = array<i32: 0>} : vector<16xi32>
    %mul3A_31 = arith.constant 256 : i32
    %mul3A_32 = arith.muli %select_n3A_30, %mul3A_31 : i32
    %add3A_33 = arith.constant 0 : i32
    %add3A_34 = arith.addi %mul3A_32, %add3A_33 : i32
    %dma_start3A = arith.constant 0 : i32
    %dma_start3A_35 = arith.constant 0 : i32
    %dma_start3A_36 = tpu.memref_slice %arg2[%select_n3A, %dma_start3A, %add3A_34, %dma_start3A_35] : memref<16x3x512x512xf32, #tpu.memory_space<hbm>> -> memref<1x1x32x512xf32, #tpu.memory_space<hbm>>
    %dma_start3A_37 = tpu.memref_squeeze %dma_start3A_36 : memref<1x1x32x512xf32, #tpu.memory_space<hbm>> -> memref<32x512xf32, #tpu.memory_space<hbm>>
    %dma_start3A_38 = arith.constant 0 : i32
    %dma_start3A_39 = tpu.memref_slice %arg2[%select_n3A, %dma_start3A, %add3A_34, %dma_start3A_38] : memref<16x3x512x512xf32, #tpu.memory_space<hbm>> -> memref<1x1x32x512xf32, #tpu.memory_space<hbm>>
    %dma_start3A_40 = tpu.memref_squeeze %dma_start3A_39 : memref<1x1x32x512xf32, #tpu.memory_space<hbm>> -> memref<32x512xf32, #tpu.memory_space<hbm>>
    tpu.enqueue_dma source(%dma_start3A_40 : memref<32x512xf32, #tpu.memory_space<hbm>>) target(%arg6 : memref<32x512xf32, #tpu.memory_space<vmem>>) target_semaphore(%arg12 : memref<!tpu.dma_semaphore, #tpu.memory_space<semaphore_mem>>)
    %mul3A_41 = arith.constant 256 : i32
    %mul3A_42 = arith.muli %select_n3A_30, %mul3A_41 : i32
    %add3A_43 = arith.constant 32 : i32
    %add3A_44 = arith.addi %mul3A_42, %add3A_43 : i32
    %dma_start3A_45 = arith.constant 0 : i32
    %dma_start3A_46 = arith.constant 0 : i32
    %dma_start3A_47 = tpu.memref_slice %arg2[%select_n3A, %dma_start3A_45, %add3A_44, %dma_start3A_46] : memref<16x3x512x512xf32, #tpu.memory_space<hbm>> -> memref<1x1x32x512xf32, #tpu.memory_space<hbm>>
    %dma_start3A_48 = tpu.memref_squeeze %dma_start3A_47 : memref<1x1x32x512xf32, #tpu.memory_space<hbm>> -> memref<32x512xf32, #tpu.memory_space<hbm>>
    %dma_start3A_49 = arith.constant 0 : i32
    %dma_start3A_50 = tpu.memref_slice %arg2[%select_n3A, %dma_start3A_45, %add3A_44, %dma_start3A_49] : memref<16x3x512x512xf32, #tpu.memory_space<hbm>> -> memref<1x1x32x512xf32, #tpu.memory_space<hbm>>
    %dma_start3A_51 = tpu.memref_squeeze %dma_start3A_50 : memref<1x1x32x512xf32, #tpu.memory_space<hbm>> -> memref<32x512xf32, #tpu.memory_space<hbm>>
    tpu.enqueue_dma source(%dma_start3A_51 : memref<32x512xf32, #tpu.memory_space<hbm>>) target(%arg7 : memref<32x512xf32, #tpu.memory_space<vmem>>) target_semaphore(%arg13 : memref<!tpu.dma_semaphore, #tpu.memory_space<semaphore_mem>>)
    "tpu.region"() ({
      %run_scoped3A = tpu.sem_alloc : memref<!tpu.dma_semaphore, #tpu.memory_space<semaphore_mem>>
      tpu.enqueue_dma source(%arg4 : memref<192x128xf32, #tpu.memory_space<hbm>>) target(%arg10 : memref<192x128xf32, #tpu.memory_space<vmem>>) target_semaphore(%run_scoped3A : memref<!tpu.dma_semaphore, #tpu.memory_space<semaphore_mem>>)
      tpu.wait_dma2 semaphore(%run_scoped3A : memref<!tpu.dma_semaphore, #tpu.memory_space<semaphore_mem>>) src(%arg4 : memref<192x128xf32, #tpu.memory_space<hbm>>) dst(%arg10 : memref<192x128xf32, #tpu.memory_space<vmem>>)
      tpu.yield
    }) : () -> ()
    "tpu.region"() ({
      %run_scoped3A = tpu.sem_alloc : memref<!tpu.dma_semaphore, #tpu.memory_space<semaphore_mem>>
      tpu.enqueue_dma source(%arg3 : memref<16x128xi32, #tpu.memory_space<hbm>>) target(%arg11 : memref<16x128xi32, #tpu.memory_space<vmem>>) target_semaphore(%run_scoped3A : memref<!tpu.dma_semaphore, #tpu.memory_space<semaphore_mem>>)
      tpu.wait_dma2 semaphore(%run_scoped3A : memref<!tpu.dma_semaphore, #tpu.memory_space<semaphore_mem>>) src(%arg3 : memref<16x128xi32, #tpu.memory_space<hbm>>) dst(%arg11 : memref<16x128xi32, #tpu.memory_space<vmem>>)
      tpu.yield
    }) : () -> ()
    %get3A = arith.index_cast %select_n3A : i32 to index
    %get3A_52 = arith.constant 0 : index
    %get3A_53 = tpu.vector_load %arg11[%get3A, %get3A_52] {strides = array<i32>} : memref<16x128xi32, #tpu.memory_space<vmem>>, vector<16xi32>,
    %scan3A = arith.constant 0 : i32
    %scan3A_54 = arith.constant 0 : i32
    %scan3A_55 = arith.constant 6 : i32
    %scan3A_56 = arith.addi %scan3A_54, %scan3A_55 : i32
    %scan3A_57 = arith.constant 1 : i32
    scf.for %scan3A_102 = %scan3A_54 to %scan3A_56 step %scan3A_57  : i32 {
      %mul3A_103 = arith.constant 4 : i32
      %mul3A_104 = arith.muli %scan3A_102, %mul3A_103 : i32
      %add3A_105 = arith.constant 0 : i32
      %add3A_106 = arith.addi %mul3A_104, %add3A_105 : i32
      %add3A_107 = arith.constant 2 : i32
      %add3A_108 = arith.addi %add3A_106, %add3A_107 : i32
      %lt3A_109 = arith.constant 24 : i32
      %lt3A_110 = arith.cmpi slt, %add3A_108, %lt3A_109 : i32
      %convert_element_type3A = arith.extui %lt3A_110 : i1 to i32
      %cond3A = arith.constant 0 : i32
      %cond3A_111 = arith.cmpi ne, %convert_element_type3A, %cond3A : i32
      scf.if %cond3A_111 {
        %ge3A = arith.constant 4 : i32
        %ge3A_1426 = arith.cmpi sge, %add3A_108, %ge3A : i32
        %convert_element_type3A_1427 = arith.extui %ge3A_1426 : i1 to i32
        %cond3A_1428 = arith.constant 0 : i32
        %cond3A_1429 = arith.cmpi ne, %convert_element_type3A_1427, %cond3A_1428 : i32
        scf.if %cond3A_1429 {
          %sub3A_1481 = arith.constant 4 : i32
          %sub3A_1482 = arith.subi %add3A_108, %sub3A_1481 : i32
          %jit3A_1483 = arith.constant 8 : i32
          %div3A_1484 = arith.divsi %sub3A_1482, %jit3A_1483 : i32
          %sign3A_1485 = arith.constant 0 : i32
          %sign3A_1486 = arith.cmpi sgt, %sub3A_1482, %sign3A_1485 : i32
          %sign3A_1487 = arith.extui %sign3A_1486 : i1 to i32
          %sign3A_1488 = arith.constant 0 : i32
          %sign3A_1489 = arith.cmpi slt, %sub3A_1482, %sign3A_1488 : i32
          %sign3A_1490 = arith.extui %sign3A_1489 : i1 to i32
          %sign3A_1491 = arith.subi %sign3A_1487, %sign3A_1490 : i32
          %sign3A_1492 = arith.constant 0 : i32
          %sign3A_1493 = arith.cmpi sgt, %jit3A_1483, %sign3A_1492 : i32
          %sign3A_1494 = arith.extui %sign3A_1493 : i1 to i32
          %sign3A_1495 = arith.constant 0 : i32
          %sign3A_1496 = arith.cmpi slt, %jit3A_1483, %sign3A_1495 : i32
          %sign3A_1497 = arith.extui %sign3A_1496 : i1 to i32
          %sign3A_1498 = arith.subi %sign3A_1494, %sign3A_1497 : i32
          %ne3A_1499 = arith.cmpi ne, %sign3A_1491, %sign3A_1498 : i32
          %rem3A_1500 = arith.remsi %sub3A_1482, %jit3A_1483 : i32
          %ne3A_1501 = arith.constant 0 : i32
          %ne3A_1502 = arith.cmpi ne, %rem3A_1500, %ne3A_1501 : i32
          %and3A_1503 = arith.andi %ne3A_1499, %ne3A_1502 : i1
          %sub3A_1504 = arith.constant 1 : i32
          %sub3A_1505 = arith.subi %div3A_1484, %sub3A_1504 : i32
          %select_n3A_1506 = arith.select %and3A_1503, %sub3A_1505, %div3A_1484 : i32
          %mul3A_1507 = arith.constant 256 : i32
          %mul3A_1508 = arith.muli %select_n3A_30, %mul3A_1507 : i32
          %jit3A_1509 = arith.constant 8 : i32
          %eq3A_1510 = arith.constant 0 : i32
          %eq3A_1511 = arith.cmpi eq, %jit3A_1509, %eq3A_1510 : i32
          %jit3A_1512 = arith.constant 1 : i32
          %select_n3A_1513 = arith.select %eq3A_1511, %jit3A_1512, %jit3A_1509 : i32
          %rem3A_1514 = arith.remsi %sub3A_1482, %select_n3A_1513 : i32
          %ne3A_1515 = arith.constant 0 : i32
          %ne3A_1516 = arith.cmpi ne, %rem3A_1514, %ne3A_1515 : i32
          %lt3A_1517 = arith.constant 0 : i32
          %lt3A_1518 = arith.cmpi slt, %rem3A_1514, %lt3A_1517 : i32
          %lt3A_1519 = arith.constant 0 : i32
          %lt3A_1520 = arith.cmpi slt, %select_n3A_1513, %lt3A_1519 : i32
          %ne3A_1521 = arith.xori %lt3A_1518, %lt3A_1520 : i1
          %and3A_1522 = arith.andi %ne3A_1521, %ne3A_1516 : i1
          %add3A_1523 = arith.addi %rem3A_1514, %select_n3A_1513 : i32
          %select_n3A_1524 = arith.select %and3A_1522, %add3A_1523, %rem3A_1514 : i32
          %mul3A_1525 = arith.constant 32 : i32
          %mul3A_1526 = arith.muli %select_n3A_1524, %mul3A_1525 : i32
          %add3A_1527 = arith.addi %mul3A_1508, %mul3A_1526 : i32
          %dma_wait3A_1528 = arith.constant 0 : i32
          %dma_wait3A_1529 = tpu.memref_slice %arg5[%select_n3A, %select_n3A_1506, %add3A_1527, %dma_wait3A_1528] : memref<16x3x512x512xf32, #tpu.memory_space<hbm>> -> memref<1x1x32x512xf32, #tpu.memory_space<hbm>>
          %dma_wait3A_1530 = tpu.memref_squeeze %dma_wait3A_1529 : memref<1x1x32x512xf32, #tpu.memory_space<hbm>> -> memref<32x512xf32, #tpu.memory_space<hbm>>
          %dma_wait3A_1531 = arith.constant 0 : i32
          %dma_wait3A_1532 = tpu.memref_slice %arg5[%select_n3A, %select_n3A_1506, %add3A_1527, %dma_wait3A_1531] : memref<16x3x512x512xf32, #tpu.memory_space<hbm>> -> memref<1x1x32x512xf32, #tpu.memory_space<hbm>>
          %dma_wait3A_1533 = tpu.memref_squeeze %dma_wait3A_1532 : memref<1x1x32x512xf32, #tpu.memory_space<hbm>> -> memref<32x512xf32, #tpu.memory_space<hbm>>
          tpu.wait_dma2 semaphore(%arg18 : memref<!tpu.dma_semaphore, #tpu.memory_space<semaphore_mem>>) src(%arg8 : memref<32x512xf32, #tpu.memory_space<vmem>>) dst(%dma_wait3A_1533 : memref<32x512xf32, #tpu.memory_space<hbm>>)
        } else {
        }
        %jit3A_1430 = arith.constant 8 : i32
        %div3A_1431 = arith.divsi %add3A_108, %jit3A_1430 : i32
        %sign3A_1432 = arith.constant 0 : i32
        %sign3A_1433 = arith.cmpi sgt, %add3A_108, %sign3A_1432 : i32
        %sign3A_1434 = arith.extui %sign3A_1433 : i1 to i32
        %sign3A_1435 = arith.constant 0 : i32
        %sign3A_1436 = arith.cmpi slt, %add3A_108, %sign3A_1435 : i32
        %sign3A_1437 = arith.extui %sign3A_1436 : i1 to i32
        %sign3A_1438 = arith.subi %sign3A_1434, %sign3A_1437 : i32
        %sign3A_1439 = arith.constant 0 : i32
        %sign3A_1440 = arith.cmpi sgt, %jit3A_1430, %sign3A_1439 : i32
        %sign3A_1441 = arith.extui %sign3A_1440 : i1 to i32
        %sign3A_1442 = arith.constant 0 : i32
        %sign3A_1443 = arith.cmpi slt, %jit3A_1430, %sign3A_1442 : i32
        %sign3A_1444 = arith.extui %sign3A_1443 : i1 to i32
        %sign3A_1445 = arith.subi %sign3A_1441, %sign3A_1444 : i32
        %ne3A_1446 = arith.cmpi ne, %sign3A_1438, %sign3A_1445 : i32
        %rem3A_1447 = arith.remsi %add3A_108, %jit3A_1430 : i32
        %ne3A_1448 = arith.constant 0 : i32
        %ne3A_1449 = arith.cmpi ne, %rem3A_1447, %ne3A_1448 : i32
        %and3A_1450 = arith.andi %ne3A_1446, %ne3A_1449 : i1
        %sub3A_1451 = arith.constant 1 : i32
        %sub3A_1452 = arith.subi %div3A_1431, %sub3A_1451 : i32
        %select_n3A_1453 = arith.select %and3A_1450, %sub3A_1452, %div3A_1431 : i32
        %mul3A_1454 = arith.constant 256 : i32
        %mul3A_1455 = arith.muli %select_n3A_30, %mul3A_1454 : i32
        %jit3A_1456 = arith.constant 8 : i32
        %eq3A_1457 = arith.constant 0 : i32
        %eq3A_1458 = arith.cmpi eq, %jit3A_1456, %eq3A_1457 : i32
        %jit3A_1459 = arith.constant 1 : i32
        %select_n3A_1460 = arith.select %eq3A_1458, %jit3A_1459, %jit3A_1456 : i32
        %rem3A_1461 = arith.remsi %add3A_108, %select_n3A_1460 : i32
        %ne3A_1462 = arith.constant 0 : i32
        %ne3A_1463 = arith.cmpi ne, %rem3A_1461, %ne3A_1462 : i32
        %lt3A_1464 = arith.constant 0 : i32
        %lt3A_1465 = arith.cmpi slt, %rem3A_1461, %lt3A_1464 : i32
        %lt3A_1466 = arith.constant 0 : i32
        %lt3A_1467 = arith.cmpi slt, %select_n3A_1460, %lt3A_1466 : i32
        %ne3A_1468 = arith.xori %lt3A_1465, %lt3A_1467 : i1
        %and3A_1469 = arith.andi %ne3A_1468, %ne3A_1463 : i1
        %add3A_1470 = arith.addi %rem3A_1461, %select_n3A_1460 : i32
        %select_n3A_1471 = arith.select %and3A_1469, %add3A_1470, %rem3A_1461 : i32
        %mul3A_1472 = arith.constant 32 : i32
        %mul3A_1473 = arith.muli %select_n3A_1471, %mul3A_1472 : i32
        %add3A_1474 = arith.addi %mul3A_1455, %mul3A_1473 : i32
        %dma_start3A_1475 = arith.constant 0 : i32
        %dma_start3A_1476 = tpu.memref_slice %arg2[%select_n3A, %select_n3A_1453, %add3A_1474, %dma_start3A_1475] : memref<16x3x512x512xf32, #tpu.memory_space<hbm>> -> memref<1x1x32x512xf32, #tpu.memory_space<hbm>>
        %dma_start3A_1477 = tpu.memref_squeeze %dma_start3A_1476 : memref<1x1x32x512xf32, #tpu.memory_space<hbm>> -> memref<32x512xf32, #tpu.memory_space<hbm>>
        %dma_start3A_1478 = arith.constant 0 : i32
        %dma_start3A_1479 = tpu.memref_slice %arg2[%select_n3A, %select_n3A_1453, %add3A_1474, %dma_start3A_1478] : memref<16x3x512x512xf32, #tpu.memory_space<hbm>> -> memref<1x1x32x512xf32, #tpu.memory_space<hbm>>
        %dma_start3A_1480 = tpu.memref_squeeze %dma_start3A_1479 : memref<1x1x32x512xf32, #tpu.memory_space<hbm>> -> memref<32x512xf32, #tpu.memory_space<hbm>>
        tpu.enqueue_dma source(%dma_start3A_1480 : memref<32x512xf32, #tpu.memory_space<hbm>>) target(%arg8 : memref<32x512xf32, #tpu.memory_space<vmem>>) target_semaphore(%arg14 : memref<!tpu.dma_semaphore, #tpu.memory_space<semaphore_mem>>)
      } else {
      }
      %jit3A_112 = arith.constant 8 : i32
      %div3A_113 = arith.divsi %add3A_106, %jit3A_112 : i32
      %sign3A_114 = arith.constant 0 : i32
      %sign3A_115 = arith.cmpi sgt, %add3A_106, %sign3A_114 : i32
      %sign3A_116 = arith.extui %sign3A_115 : i1 to i32
      %sign3A_117 = arith.constant 0 : i32
      %sign3A_118 = arith.cmpi slt, %add3A_106, %sign3A_117 : i32
      %sign3A_119 = arith.extui %sign3A_118 : i1 to i32
      %sign3A_120 = arith.subi %sign3A_116, %sign3A_119 : i32
      %sign3A_121 = arith.constant 0 : i32
      %sign3A_122 = arith.cmpi sgt, %jit3A_112, %sign3A_121 : i32
      %sign3A_123 = arith.extui %sign3A_122 : i1 to i32
      %sign3A_124 = arith.constant 0 : i32
      %sign3A_125 = arith.cmpi slt, %jit3A_112, %sign3A_124 : i32
      %sign3A_126 = arith.extui %sign3A_125 : i1 to i32
      %sign3A_127 = arith.subi %sign3A_123, %sign3A_126 : i32
      %ne3A_128 = arith.cmpi ne, %sign3A_120, %sign3A_127 : i32
      %rem3A_129 = arith.remsi %add3A_106, %jit3A_112 : i32
      %ne3A_130 = arith.constant 0 : i32
      %ne3A_131 = arith.cmpi ne, %rem3A_129, %ne3A_130 : i32
      %and3A_132 = arith.andi %ne3A_128, %ne3A_131 : i1
      %sub3A_133 = arith.constant 1 : i32
      %sub3A_134 = arith.subi %div3A_113, %sub3A_133 : i32
      %select_n3A_135 = arith.select %and3A_132, %sub3A_134, %div3A_113 : i32
      %mul3A_136 = arith.constant 256 : i32
      %mul3A_137 = arith.muli %select_n3A_30, %mul3A_136 : i32
      %jit3A_138 = arith.constant 8 : i32
      %eq3A_139 = arith.constant 0 : i32
      %eq3A_140 = arith.cmpi eq, %jit3A_138, %eq3A_139 : i32
      %jit3A_141 = arith.constant 1 : i32
      %select_n3A_142 = arith.select %eq3A_140, %jit3A_141, %jit3A_138 : i32
      %rem3A_143 = arith.remsi %add3A_106, %select_n3A_142 : i32
      %ne3A_144 = arith.constant 0 : i32
      %ne3A_145 = arith.cmpi ne, %rem3A_143, %ne3A_144 : i32
      %lt3A_146 = arith.constant 0 : i32
      %lt3A_147 = arith.cmpi slt, %rem3A_143, %lt3A_146 : i32
      %lt3A_148 = arith.constant 0 : i32
      %lt3A_149 = arith.cmpi slt, %select_n3A_142, %lt3A_148 : i32
      %ne3A_150 = arith.xori %lt3A_147, %lt3A_149 : i1
      %and3A_151 = arith.andi %ne3A_150, %ne3A_145 : i1
      %add3A_152 = arith.addi %rem3A_143, %select_n3A_142 : i32
      %select_n3A_153 = arith.select %and3A_151, %add3A_152, %rem3A_143 : i32
      %mul3A_154 = arith.constant 32 : i32
      %mul3A_155 = arith.muli %select_n3A_153, %mul3A_154 : i32
      %add3A_156 = arith.addi %mul3A_137, %mul3A_155 : i32
      %dma_wait3A_157 = arith.constant 0 : i32
      %dma_wait3A_158 = tpu.memref_slice %arg2[%select_n3A, %select_n3A_135, %add3A_156, %dma_wait3A_157] : memref<16x3x512x512xf32, #tpu.memory_space<hbm>> -> memref<1x1x32x512xf32, #tpu.memory_space<hbm>>
      %dma_wait3A_159 = tpu.memref_squeeze %dma_wait3A_158 : memref<1x1x32x512xf32, #tpu.memory_space<hbm>> -> memref<32x512xf32, #tpu.memory_space<hbm>>
      %dma_wait3A_160 = arith.constant 0 : i32
      %dma_wait3A_161 = tpu.memref_slice %arg2[%select_n3A, %select_n3A_135, %add3A_156, %dma_wait3A_160] : memref<16x3x512x512xf32, #tpu.memory_space<hbm>> -> memref<1x1x32x512xf32, #tpu.memory_space<hbm>>
      %dma_wait3A_162 = tpu.memref_squeeze %dma_wait3A_161 : memref<1x1x32x512xf32, #tpu.memory_space<hbm>> -> memref<32x512xf32, #tpu.memory_space<hbm>>
      tpu.wait_dma2 semaphore(%arg12 : memref<!tpu.dma_semaphore, #tpu.memory_space<semaphore_mem>>) src(%dma_wait3A_162 : memref<32x512xf32, #tpu.memory_space<hbm>>) dst(%arg6 : memref<32x512xf32, #tpu.memory_space<vmem>>)
      %jit3A_163 = arith.constant 8 : i32
      %div3A_164 = arith.divsi %add3A_106, %jit3A_163 : i32
      %sign3A_165 = arith.constant 0 : i32
      %sign3A_166 = arith.cmpi sgt, %add3A_106, %sign3A_165 : i32
      %sign3A_167 = arith.extui %sign3A_166 : i1 to i32
      %sign3A_168 = arith.constant 0 : i32
      %sign3A_169 = arith.cmpi slt, %add3A_106, %sign3A_168 : i32
      %sign3A_170 = arith.extui %sign3A_169 : i1 to i32
      %sign3A_171 = arith.subi %sign3A_167, %sign3A_170 : i32
      %sign3A_172 = arith.constant 0 : i32
      %sign3A_173 = arith.cmpi sgt, %jit3A_163, %sign3A_172 : i32
      %sign3A_174 = arith.extui %sign3A_173 : i1 to i32
      %sign3A_175 = arith.constant 0 : i32
      %sign3A_176 = arith.cmpi slt, %jit3A_163, %sign3A_175 : i32
      %sign3A_177 = arith.extui %sign3A_176 : i1 to i32
      %sign3A_178 = arith.subi %sign3A_174, %sign3A_177 : i32
      %ne3A_179 = arith.cmpi ne, %sign3A_171, %sign3A_178 : i32
      %rem3A_180 = arith.remsi %add3A_106, %jit3A_163 : i32
      %ne3A_181 = arith.constant 0 : i32
      %ne3A_182 = arith.cmpi ne, %rem3A_180, %ne3A_181 : i32
      %and3A_183 = arith.andi %ne3A_179, %ne3A_182 : i1
      %sub3A_184 = arith.constant 1 : i32
      %sub3A_185 = arith.subi %div3A_164, %sub3A_184 : i32
      %select_n3A_186 = arith.select %and3A_183, %sub3A_185, %div3A_164 : i32
      %mul3A_187 = arith.constant 256 : i32
      %mul3A_188 = arith.muli %select_n3A_30, %mul3A_187 : i32
      %jit3A_189 = arith.constant 8 : i32
      %eq3A_190 = arith.constant 0 : i32
      %eq3A_191 = arith.cmpi eq, %jit3A_189, %eq3A_190 : i32
      %jit3A_192 = arith.constant 1 : i32
      %select_n3A_193 = arith.select %eq3A_191, %jit3A_192, %jit3A_189 : i32
      %rem3A_194 = arith.remsi %add3A_106, %select_n3A_193 : i32
      %ne3A_195 = arith.constant 0 : i32
      %ne3A_196 = arith.cmpi ne, %rem3A_194, %ne3A_195 : i32
      %lt3A_197 = arith.constant 0 : i32
      %lt3A_198 = arith.cmpi slt, %rem3A_194, %lt3A_197 : i32
      %lt3A_199 = arith.constant 0 : i32
      %lt3A_200 = arith.cmpi slt, %select_n3A_193, %lt3A_199 : i32
      %ne3A_201 = arith.xori %lt3A_198, %lt3A_200 : i1
      %and3A_202 = arith.andi %ne3A_201, %ne3A_196 : i1
      %add3A_203 = arith.addi %rem3A_194, %select_n3A_193 : i32
      %select_n3A_204 = arith.select %and3A_202, %add3A_203, %rem3A_194 : i32
      %mul3A_205 = arith.constant 32 : i32
      %mul3A_206 = arith.muli %select_n3A_204, %mul3A_205 : i32
      %add3A_207 = arith.addi %mul3A_188, %mul3A_206 : i32
      %slice3A = vector.extract_strided_slice %get3A_53 {offsets = [0], sizes = [1], strides = [1]} : vector<16xi32> to vector<1xi32>
      %squeeze3A = vector.extract %slice3A[0] : i32 from vector<1xi32>
      %slice3A_208 = vector.extract_strided_slice %get3A_53 {offsets = [8], sizes = [1], strides = [1]} : vector<16xi32> to vector<1xi32>
      %squeeze3A_209 = vector.extract %slice3A_208[0] : i32 from vector<1xi32>
      %max3A = arith.maxsi %squeeze3A, %add3A_207 : i32
      %add3A_210 = arith.constant 64 : i32
      %add3A_211 = arith.addi %squeeze3A, %add3A_210 : i32
      %add3A_212 = arith.constant 32 : i32
      %add3A_213 = arith.addi %add3A_207, %add3A_212 : i32
      %min3A = arith.minsi %add3A_211, %add3A_213 : i32
      %mul3A_214 = arith.constant 64 : i32
      %mul3A_215 = arith.muli %select_n3A_186, %mul3A_214 : i32
      %sub3A_216 = arith.subi %mul3A_215, %squeeze3A : i32
      %while3A = arith.constant 0 : i32
      %while3A_217 = arith.subi %min3A, %max3A : i32
      %while3A_218 = arith.addi %max3A, %while3A_217 : i32
      %while3A_219 = arith.constant 1 : i32
      %while3A_220 = arith.divsi %while3A_217, %while3A_219 : i32
      %while3A_221 = arith.muli %while3A_220, %while3A_219 : i32
      %while3A_222 = arith.addi %max3A, %while3A_221 : i32
      %while3A_223 = arith.constant 1 : i32
      scf.for %while3A_1426 = %max3A to %while3A_222 step %while3A_223  : i32 {
        %sub3A_1427 = arith.subi %while3A_1426, %add3A_207 : i32
        %broadcast_in_dim3A = vector.broadcast %sub3A_1427 : i32 to vector<16xi32>
        %add3A_1428 = arith.addi %sub3A_216, %while3A_1426 : i32
        %add3A_1429 = arith.constant 0 : i32
        %add3A_1430 = arith.addi %squeeze3A_209, %add3A_1429 : i32
        %add3A_1431 = vector.broadcast %add3A_1430 : i32 to vector<16xi32>
        %add3A_1432 = arith.addi %add3A_1431, %iota3A : vector<16xi32>
        %get3A_1433 = arith.index_cast %add3A_1428 : i32 to index
        %get3A_1434 = arith.constant 0 : index
        %get3A_1435 = tpu.vector_load %arg10[%get3A_1433, %get3A_1434] {strides = array<i32>} : memref<192x128xf32, #tpu.memory_space<vmem>>, vector<16xf32>,
        tpu.vector_store_idx %arg6[%broadcast_in_dim3A, %add3A_1432], %get3A_1435 : memref<32x512xf32, #tpu.memory_space<vmem>>[vector<16xi32>, vector<16xi32>], vector<16xf32>,
        %add3A_1436 = arith.constant 16 : i32
        %add3A_1437 = arith.addi %squeeze3A_209, %add3A_1436 : i32
        %add3A_1438 = vector.broadcast %add3A_1437 : i32 to vector<16xi32>
        %add3A_1439 = arith.addi %add3A_1438, %iota3A : vector<16xi32>
        %get3A_1440 = arith.index_cast %add3A_1428 : i32 to index
        %get3A_1441 = arith.constant 16 : index
        %get3A_1442 = tpu.vector_load %arg10[%get3A_1440, %get3A_1441] {strides = array<i32>} : memref<192x128xf32, #tpu.memory_space<vmem>>, vector<16xf32>,
        tpu.vector_store_idx %arg6[%broadcast_in_dim3A, %add3A_1439], %get3A_1442 : memref<32x512xf32, #tpu.memory_space<vmem>>[vector<16xi32>, vector<16xi32>], vector<16xf32>,
        %add3A_1443 = arith.constant 32 : i32
        %add3A_1444 = arith.addi %squeeze3A_209, %add3A_1443 : i32
        %add3A_1445 = vector.broadcast %add3A_1444 : i32 to vector<16xi32>
        %add3A_1446 = arith.addi %add3A_1445, %iota3A : vector<16xi32>
        %get3A_1447 = arith.index_cast %add3A_1428 : i32 to index
        %get3A_1448 = arith.constant 32 : index
        %get3A_1449 = tpu.vector_load %arg10[%get3A_1447, %get3A_1448] {strides = array<i32>} : memref<192x128xf32, #tpu.memory_space<vmem>>, vector<16xf32>,
        tpu.vector_store_idx %arg6[%broadcast_in_dim3A, %add3A_1446], %get3A_1449 : memref<32x512xf32, #tpu.memory_space<vmem>>[vector<16xi32>, vector<16xi32>], vector<16xf32>,
        %add3A_1450 = arith.constant 48 : i32
        %add3A_1451 = arith.addi %squeeze3A_209, %add3A_1450 : i32
        %add3A_1452 = vector.broadcast %add3A_1451 : i32 to vector<16xi32>
        %add3A_1453 = arith.addi %add3A_1452, %iota3A : vector<16xi32>
        %get3A_1454 = arith.index_cast %add3A_1428 : i32 to index
        %get3A_1455 = arith.constant 48 : index
        %get3A_1456 = tpu.vector_load %arg10[%get3A_1454, %get3A_1455] {strides = array<i32>} : memref<192x128xf32, #tpu.memory_space<vmem>>, vector<16xf32>,
        tpu.vector_store_idx %arg6[%broadcast_in_dim3A, %add3A_1453], %get3A_1456 : memref<32x512xf32, #tpu.memory_space<vmem>>[vector<16xi32>, vector<16xi32>], vector<16xf32>,
      }
      %while3A_224 = arith.constant 1 : i32
      scf.for %while3A_1426 = %while3A_222 to %while3A_218 step %while3A_224  : i32 {
        %sub3A_1427 = arith.subi %while3A_1426, %add3A_207 : i32
        %broadcast_in_dim3A = vector.broadcast %sub3A_1427 : i32 to vector<16xi32>
        %add3A_1428 = arith.addi %sub3A_216, %while3A_1426 : i32
        %add3A_1429 = arith.constant 0 : i32
        %add3A_1430 = arith.addi %squeeze3A_209, %add3A_1429 : i32
        %add3A_1431 = vector.broadcast %add3A_1430 : i32 to vector<16xi32>
        %add3A_1432 = arith.addi %add3A_1431, %iota3A : vector<16xi32>
        %get3A_1433 = arith.index_cast %add3A_1428 : i32 to index
        %get3A_1434 = arith.constant 0 : index
        %get3A_1435 = tpu.vector_load %arg10[%get3A_1433, %get3A_1434] {strides = array<i32>} : memref<192x128xf32, #tpu.memory_space<vmem>>, vector<16xf32>,
        tpu.vector_store_idx %arg6[%broadcast_in_dim3A, %add3A_1432], %get3A_1435 : memref<32x512xf32, #tpu.memory_space<vmem>>[vector<16xi32>, vector<16xi32>], vector<16xf32>,
        %add3A_1436 = arith.constant 16 : i32
        %add3A_1437 = arith.addi %squeeze3A_209, %add3A_1436 : i32
        %add3A_1438 = vector.broadcast %add3A_1437 : i32 to vector<16xi32>
        %add3A_1439 = arith.addi %add3A_1438, %iota3A : vector<16xi32>
        %get3A_1440 = arith.index_cast %add3A_1428 : i32 to index
        %get3A_1441 = arith.constant 16 : index
        %get3A_1442 = tpu.vector_load %arg10[%get3A_1440, %get3A_1441] {strides = array<i32>} : memref<192x128xf32, #tpu.memory_space<vmem>>, vector<16xf32>,
        tpu.vector_store_idx %arg6[%broadcast_in_dim3A, %add3A_1439], %get3A_1442 : memref<32x512xf32, #tpu.memory_space<vmem>>[vector<16xi32>, vector<16xi32>], vector<16xf32>,
        %add3A_1443 = arith.constant 32 : i32
        %add3A_1444 = arith.addi %squeeze3A_209, %add3A_1443 : i32
        %add3A_1445 = vector.broadcast %add3A_1444 : i32 to vector<16xi32>
        %add3A_1446 = arith.addi %add3A_1445, %iota3A : vector<16xi32>
        %get3A_1447 = arith.index_cast %add3A_1428 : i32 to index
        %get3A_1448 = arith.constant 32 : index
        %get3A_1449 = tpu.vector_load %arg10[%get3A_1447, %get3A_1448] {strides = array<i32>} : memref<192x128xf32, #tpu.memory_space<vmem>>, vector<16xf32>,
        tpu.vector_store_idx %arg6[%broadcast_in_dim3A, %add3A_1446], %get3A_1449 : memref<32x512xf32, #tpu.memory_space<vmem>>[vector<16xi32>, vector<16xi32>], vector<16xf32>,
        %add3A_1450 = arith.constant 48 : i32
        %add3A_1451 = arith.addi %squeeze3A_209, %add3A_1450 : i32
        %add3A_1452 = vector.broadcast %add3A_1451 : i32 to vector<16xi32>
        %add3A_1453 = arith.addi %add3A_1452, %iota3A : vector<16xi32>
        %get3A_1454 = arith.index_cast %add3A_1428 : i32 to index
        %get3A_1455 = arith.constant 48 : index
        %get3A_1456 = tpu.vector_load %arg10[%get3A_1454, %get3A_1455] {strides = array<i32>} : memref<192x128xf32, #tpu.memory_space<vmem>>, vector<16xf32>,
        tpu.vector_store_idx %arg6[%broadcast_in_dim3A, %add3A_1453], %get3A_1456 : memref<32x512xf32, #tpu.memory_space<vmem>>[vector<16xi32>, vector<16xi32>], vector<16xf32>,
      }
      %slice3A_225 = vector.extract_strided_slice %get3A_53 {offsets = [1], sizes = [1], strides = [1]} : vector<16xi32> to vector<1xi32>
      %squeeze3A_226 = vector.extract %slice3A_225[0] : i32 from vector<1xi32>
      %slice3A_227 = vector.extract_strided_slice %get3A_53 {offsets = [9], sizes = [1], strides = [1]} : vector<16xi32> to vector<1xi32>
      %squeeze3A_228 = vector.extract %slice3A_227[0] : i32 from vector<1xi32>
      %max3A_229 = arith.maxsi %squeeze3A_226, %add3A_207 : i32
      %add3A_230 = arith.constant 64 : i32
      %add3A_231 = arith.addi %squeeze3A_226, %add3A_230 : i32
      %add3A_232 = arith.constant 32 : i32
      %add3A_233 = arith.addi %add3A_207, %add3A_232 : i32
      %min3A_234 = arith.minsi %add3A_231, %add3A_233 : i32
      %mul3A_235 = arith.constant 64 : i32
      %mul3A_236 = arith.muli %select_n3A_186, %mul3A_235 : i32
      %sub3A_237 = arith.subi %mul3A_236, %squeeze3A_226 : i32
      %while3A_238 = arith.constant 0 : i32
      %while3A_239 = arith.subi %min3A_234, %max3A_229 : i32
      %while3A_240 = arith.addi %max3A_229, %while3A_239 : i32
      %while3A_241 = arith.constant 1 : i32
      %while3A_242 = arith.divsi %while3A_239, %while3A_241 : i32
      %while3A_243 = arith.muli %while3A_242, %while3A_241 : i32
      %while3A_244 = arith.addi %max3A_229, %while3A_243 : i32
      %while3A_245 = arith.constant 1 : i32
      scf.for %while3A_1426 = %max3A_229 to %while3A_244 step %while3A_245  : i32 {
        %sub3A_1427 = arith.subi %while3A_1426, %add3A_207 : i32
        %broadcast_in_dim3A = vector.broadcast %sub3A_1427 : i32 to vector<16xi32>
        %add3A_1428 = arith.addi %sub3A_237, %while3A_1426 : i32
        %add3A_1429 = arith.constant 0 : i32
        %add3A_1430 = arith.addi %squeeze3A_228, %add3A_1429 : i32
        %add3A_1431 = vector.broadcast %add3A_1430 : i32 to vector<16xi32>
        %add3A_1432 = arith.addi %add3A_1431, %iota3A : vector<16xi32>
        %get3A_1433 = arith.index_cast %add3A_1428 : i32 to index
        %get3A_1434 = arith.constant 0 : index
        %get3A_1435 = tpu.vector_load %arg10[%get3A_1433, %get3A_1434] {strides = array<i32>} : memref<192x128xf32, #tpu.memory_space<vmem>>, vector<16xf32>,
        tpu.vector_store_idx %arg6[%broadcast_in_dim3A, %add3A_1432], %get3A_1435 : memref<32x512xf32, #tpu.memory_space<vmem>>[vector<16xi32>, vector<16xi32>], vector<16xf32>,
        %add3A_1436 = arith.constant 16 : i32
        %add3A_1437 = arith.addi %squeeze3A_228, %add3A_1436 : i32
        %add3A_1438 = vector.broadcast %add3A_1437 : i32 to vector<16xi32>
        %add3A_1439 = arith.addi %add3A_1438, %iota3A : vector<16xi32>
        %get3A_1440 = arith.index_cast %add3A_1428 : i32 to index
        %get3A_1441 = arith.constant 16 : index
        %get3A_1442 = tpu.vector_load %arg10[%get3A_1440, %get3A_1441] {strides = array<i32>} : memref<192x128xf32, #tpu.memory_space<vmem>>, vector<16xf32>,
        tpu.vector_store_idx %arg6[%broadcast_in_dim3A, %add3A_1439], %get3A_1442 : memref<32x512xf32, #tpu.memory_space<vmem>>[vector<16xi32>, vector<16xi32>], vector<16xf32>,
        %add3A_1443 = arith.constant 32 : i32
        %add3A_1444 = arith.addi %squeeze3A_228, %add3A_1443 : i32
        %add3A_1445 = vector.broadcast %add3A_1444 : i32 to vector<16xi32>
        %add3A_1446 = arith.addi %add3A_1445, %iota3A : vector<16xi32>
        %get3A_1447 = arith.index_cast %add3A_1428 : i32 to index
        %get3A_1448 = arith.constant 32 : index
        %get3A_1449 = tpu.vector_load %arg10[%get3A_1447, %get3A_1448] {strides = array<i32>} : memref<192x128xf32, #tpu.memory_space<vmem>>, vector<16xf32>,
        tpu.vector_store_idx %arg6[%broadcast_in_dim3A, %add3A_1446], %get3A_1449 : memref<32x512xf32, #tpu.memory_space<vmem>>[vector<16xi32>, vector<16xi32>], vector<16xf32>,
        %add3A_1450 = arith.constant 48 : i32
        %add3A_1451 = arith.addi %squeeze3A_228, %add3A_1450 : i32
        %add3A_1452 = vector.broadcast %add3A_1451 : i32 to vector<16xi32>
        %add3A_1453 = arith.addi %add3A_1452, %iota3A : vector<16xi32>
        %get3A_1454 = arith.index_cast %add3A_1428 : i32 to index
        %get3A_1455 = arith.constant 48 : index
        %get3A_1456 = tpu.vector_load %arg10[%get3A_1454, %get3A_1455] {strides = array<i32>} : memref<192x128xf32, #tpu.memory_space<vmem>>, vector<16xf32>,
        tpu.vector_store_idx %arg6[%broadcast_in_dim3A, %add3A_1453], %get3A_1456 : memref<32x512xf32, #tpu.memory_space<vmem>>[vector<16xi32>, vector<16xi32>], vector<16xf32>,
      }
      %while3A_246 = arith.constant 1 : i32
      scf.for %while3A_1426 = %while3A_244 to %while3A_240 step %while3A_246  : i32 {
        %sub3A_1427 = arith.subi %while3A_1426, %add3A_207 : i32
        %broadcast_in_dim3A = vector.broadcast %sub3A_1427 : i32 to vector<16xi32>
        %add3A_1428 = arith.addi %sub3A_237, %while3A_1426 : i32
        %add3A_1429 = arith.constant 0 : i32
        %add3A_1430 = arith.addi %squeeze3A_228, %add3A_1429 : i32
        %add3A_1431 = vector.broadcast %add3A_1430 : i32 to vector<16xi32>
        %add3A_1432 = arith.addi %add3A_1431, %iota3A : vector<16xi32>
        %get3A_1433 = arith.index_cast %add3A_1428 : i32 to index
        %get3A_1434 = arith.constant 0 : index
        %get3A_1435 = tpu.vector_load %arg10[%get3A_1433, %get3A_1434] {strides = array<i32>} : memref<192x128xf32, #tpu.memory_space<vmem>>, vector<16xf32>,
        tpu.vector_store_idx %arg6[%broadcast_in_dim3A, %add3A_1432], %get3A_1435 : memref<32x512xf32, #tpu.memory_space<vmem>>[vector<16xi32>, vector<16xi32>], vector<16xf32>,
        %add3A_1436 = arith.constant 16 : i32
        %add3A_1437 = arith.addi %squeeze3A_228, %add3A_1436 : i32
        %add3A_1438 = vector.broadcast %add3A_1437 : i32 to vector<16xi32>
        %add3A_1439 = arith.addi %add3A_1438, %iota3A : vector<16xi32>
        %get3A_1440 = arith.index_cast %add3A_1428 : i32 to index
        %get3A_1441 = arith.constant 16 : index
        %get3A_1442 = tpu.vector_load %arg10[%get3A_1440, %get3A_1441] {strides = array<i32>} : memref<192x128xf32, #tpu.memory_space<vmem>>, vector<16xf32>,
        tpu.vector_store_idx %arg6[%broadcast_in_dim3A, %add3A_1439], %get3A_1442 : memref<32x512xf32, #tpu.memory_space<vmem>>[vector<16xi32>, vector<16xi32>], vector<16xf32>,
        %add3A_1443 = arith.constant 32 : i32
        %add3A_1444 = arith.addi %squeeze3A_228, %add3A_1443 : i32
        %add3A_1445 = vector.broadcast %add3A_1444 : i32 to vector<16xi32>
        %add3A_1446 = arith.addi %add3A_1445, %iota3A : vector<16xi32>
        %get3A_1447 = arith.index_cast %add3A_1428 : i32 to index
        %get3A_1448 = arith.constant 32 : index
        %get3A_1449 = tpu.vector_load %arg10[%get3A_1447, %get3A_1448] {strides = array<i32>} : memref<192x128xf32, #tpu.memory_space<vmem>>, vector<16xf32>,
        tpu.vector_store_idx %arg6[%broadcast_in_dim3A, %add3A_1446], %get3A_1449 : memref<32x512xf32, #tpu.memory_space<vmem>>[vector<16xi32>, vector<16xi32>], vector<16xf32>,
        %add3A_1450 = arith.constant 48 : i32
        %add3A_1451 = arith.addi %squeeze3A_228, %add3A_1450 : i32
        %add3A_1452 = vector.broadcast %add3A_1451 : i32 to vector<16xi32>
        %add3A_1453 = arith.addi %add3A_1452, %iota3A : vector<16xi32>
        %get3A_1454 = arith.index_cast %add3A_1428 : i32 to index
        %get3A_1455 = arith.constant 48 : index
        %get3A_1456 = tpu.vector_load %arg10[%get3A_1454, %get3A_1455] {strides = array<i32>} : memref<192x128xf32, #tpu.memory_space<vmem>>, vector<16xf32>,
        tpu.vector_store_idx %arg6[%broadcast_in_dim3A, %add3A_1453], %get3A_1456 : memref<32x512xf32, #tpu.memory_space<vmem>>[vector<16xi32>, vector<16xi32>], vector<16xf32>,
      }
      %slice3A_247 = vector.extract_strided_slice %get3A_53 {offsets = [2], sizes = [1], strides = [1]} : vector<16xi32> to vector<1xi32>
      %squeeze3A_248 = vector.extract %slice3A_247[0] : i32 from vector<1xi32>
      %slice3A_249 = vector.extract_strided_slice %get3A_53 {offsets = [10], sizes = [1], strides = [1]} : vector<16xi32> to vector<1xi32>
      %squeeze3A_250 = vector.extract %slice3A_249[0] : i32 from vector<1xi32>
      %max3A_251 = arith.maxsi %squeeze3A_248, %add3A_207 : i32
      %add3A_252 = arith.constant 64 : i32
      %add3A_253 = arith.addi %squeeze3A_248, %add3A_252 : i32
      %add3A_254 = arith.constant 32 : i32
      %add3A_255 = arith.addi %add3A_207, %add3A_254 : i32
      %min3A_256 = arith.minsi %add3A_253, %add3A_255 : i32
      %mul3A_257 = arith.constant 64 : i32
      %mul3A_258 = arith.muli %select_n3A_186, %mul3A_257 : i32
      %sub3A_259 = arith.subi %mul3A_258, %squeeze3A_248 : i32
      %while3A_260 = arith.constant 0 : i32
      %while3A_261 = arith.subi %min3A_256, %max3A_251 : i32
      %while3A_262 = arith.addi %max3A_251, %while3A_261 : i32
      %while3A_263 = arith.constant 1 : i32
      %while3A_264 = arith.divsi %while3A_261, %while3A_263 : i32
      %while3A_265 = arith.muli %while3A_264, %while3A_263 : i32
      %while3A_266 = arith.addi %max3A_251, %while3A_265 : i32
      %while3A_267 = arith.constant 1 : i32
      scf.for %while3A_1426 = %max3A_251 to %while3A_266 step %while3A_267  : i32 {
        %sub3A_1427 = arith.subi %while3A_1426, %add3A_207 : i32
        %broadcast_in_dim3A = vector.broadcast %sub3A_1427 : i32 to vector<16xi32>
        %add3A_1428 = arith.addi %sub3A_259, %while3A_1426 : i32
        %add3A_1429 = arith.constant 0 : i32
        %add3A_1430 = arith.addi %squeeze3A_250, %add3A_1429 : i32
        %add3A_1431 = vector.broadcast %add3A_1430 : i32 to vector<16xi32>
        %add3A_1432 = arith.addi %add3A_1431, %iota3A : vector<16xi32>
        %get3A_1433 = arith.index_cast %add3A_1428 : i32 to index
        %get3A_1434 = arith.constant 0 : index
        %get3A_1435 = tpu.vector_load %arg10[%get3A_1433, %get3A_1434] {strides = array<i32>} : memref<192x128xf32, #tpu.memory_space<vmem>>, vector<16xf32>,
        tpu.vector_store_idx %arg6[%broadcast_in_dim3A, %add3A_1432], %get3A_1435 : memref<32x512xf32, #tpu.memory_space<vmem>>[vector<16xi32>, vector<16xi32>], vector<16xf32>,
        %add3A_1436 = arith.constant 16 : i32
        %add3A_1437 = arith.addi %squeeze3A_250, %add3A_1436 : i32
        %add3A_1438 = vector.broadcast %add3A_1437 : i32 to vector<16xi32>
        %add3A_1439 = arith.addi %add3A_1438, %iota3A : vector<16xi32>
        %get3A_1440 = arith.index_cast %add3A_1428 : i32 to index
        %get3A_1441 = arith.constant 16 : index
        %get3A_1442 = tpu.vector_load %arg10[%get3A_1440, %get3A_1441] {strides = array<i32>} : memref<192x128xf32, #tpu.memory_space<vmem>>, vector<16xf32>,
        tpu.vector_store_idx %arg6[%broadcast_in_dim3A, %add3A_1439], %get3A_1442 : memref<32x512xf32, #tpu.memory_space<vmem>>[vector<16xi32>, vector<16xi32>], vector<16xf32>,
        %add3A_1443 = arith.constant 32 : i32
        %add3A_1444 = arith.addi %squeeze3A_250, %add3A_1443 : i32
        %add3A_1445 = vector.broadcast %add3A_1444 : i32 to vector<16xi32>
        %add3A_1446 = arith.addi %add3A_1445, %iota3A : vector<16xi32>
        %get3A_1447 = arith.index_cast %add3A_1428 : i32 to index
        %get3A_1448 = arith.constant 32 : index
        %get3A_1449 = tpu.vector_load %arg10[%get3A_1447, %get3A_1448] {strides = array<i32>} : memref<192x128xf32, #tpu.memory_space<vmem>>, vector<16xf32>,
        tpu.vector_store_idx %arg6[%broadcast_in_dim3A, %add3A_1446], %get3A_1449 : memref<32x512xf32, #tpu.memory_space<vmem>>[vector<16xi32>, vector<16xi32>], vector<16xf32>,
        %add3A_1450 = arith.constant 48 : i32
        %add3A_1451 = arith.addi %squeeze3A_250, %add3A_1450 : i32
        %add3A_1452 = vector.broadcast %add3A_1451 : i32 to vector<16xi32>
        %add3A_1453 = arith.addi %add3A_1452, %iota3A : vector<16xi32>
        %get3A_1454 = arith.index_cast %add3A_1428 : i32 to index
        %get3A_1455 = arith.constant 48 : index
        %get3A_1456 = tpu.vector_load %arg10[%get3A_1454, %get3A_1455] {strides = array<i32>} : memref<192x128xf32, #tpu.memory_space<vmem>>, vector<16xf32>,
        tpu.vector_store_idx %arg6[%broadcast_in_dim3A, %add3A_1453], %get3A_1456 : memref<32x512xf32, #tpu.memory_space<vmem>>[vector<16xi32>, vector<16xi32>], vector<16xf32>,
      }
      %while3A_268 = arith.constant 1 : i32
      scf.for %while3A_1426 = %while3A_266 to %while3A_262 step %while3A_268  : i32 {
        %sub3A_1427 = arith.subi %while3A_1426, %add3A_207 : i32
        %broadcast_in_dim3A = vector.broadcast %sub3A_1427 : i32 to vector<16xi32>
        %add3A_1428 = arith.addi %sub3A_259, %while3A_1426 : i32
        %add3A_1429 = arith.constant 0 : i32
        %add3A_1430 = arith.addi %squeeze3A_250, %add3A_1429 : i32
        %add3A_1431 = vector.broadcast %add3A_1430 : i32 to vector<16xi32>
        %add3A_1432 = arith.addi %add3A_1431, %iota3A : vector<16xi32>
        %get3A_1433 = arith.index_cast %add3A_1428 : i32 to index
        %get3A_1434 = arith.constant 0 : index
        %get3A_1435 = tpu.vector_load %arg10[%get3A_1433, %get3A_1434] {strides = array<i32>} : memref<192x128xf32, #tpu.memory_space<vmem>>, vector<16xf32>,
        tpu.vector_store_idx %arg6[%broadcast_in_dim3A, %add3A_1432], %get3A_1435 : memref<32x512xf32, #tpu.memory_space<vmem>>[vector<16xi32>, vector<16xi32>], vector<16xf32>,
        %add3A_1436 = arith.constant 16 : i32
        %add3A_1437 = arith.addi %squeeze3A_250, %add3A_1436 : i32
        %add3A_1438 = vector.broadcast %add3A_1437 : i32 to vector<16xi32>
        %add3A_1439 = arith.addi %add3A_1438, %iota3A : vector<16xi32>
        %get3A_1440 = arith.index_cast %add3A_1428 : i32 to index
        %get3A_1441 = arith.constant 16 : index
        %get3A_1442 = tpu.vector_load %arg10[%get3A_1440, %get3A_1441] {strides = array<i32>} : memref<192x128xf32, #tpu.memory_space<vmem>>, vector<16xf32>,
        tpu.vector_store_idx %arg6[%broadcast_in_dim3A, %add3A_1439], %get3A_1442 : memref<32x512xf32, #tpu.memory_space<vmem>>[vector<16xi32>, vector<16xi32>], vector<16xf32>,
        %add3A_1443 = arith.constant 32 : i32
        %add3A_1444 = arith.addi %squeeze3A_250, %add3A_1443 : i32
        %add3A_1445 = vector.broadcast %add3A_1444 : i32 to vector<16xi32>
        %add3A_1446 = arith.addi %add3A_1445, %iota3A : vector<16xi32>
        %get3A_1447 = arith.index_cast %add3A_1428 : i32 to index
        %get3A_1448 = arith.constant 32 : index
        %get3A_1449 = tpu.vector_load %arg10[%get3A_1447, %get3A_1448] {strides = array<i32>} : memref<192x128xf32, #tpu.memory_space<vmem>>, vector<16xf32>,
        tpu.vector_store_idx %arg6[%broadcast_in_dim3A, %add3A_1446], %get3A_1449 : memref<32x512xf32, #tpu.memory_space<vmem>>[vector<16xi32>, vector<16xi32>], vector<16xf32>,
        %add3A_1450 = arith.constant 48 : i32
        %add3A_1451 = arith.addi %squeeze3A_250, %add3A_1450 : i32
        %add3A_1452 = vector.broadcast %add3A_1451 : i32 to vector<16xi32>
        %add3A_1453 = arith.addi %add3A_1452, %iota3A : vector<16xi32>
        %get3A_1454 = arith.index_cast %add3A_1428 : i32 to index
        %get3A_1455 = arith.constant 48 : index
        %get3A_1456 = tpu.vector_load %arg10[%get3A_1454, %get3A_1455] {strides = array<i32>} : memref<192x128xf32, #tpu.memory_space<vmem>>, vector<16xf32>,
        tpu.vector_store_idx %arg6[%broadcast_in_dim3A, %add3A_1453], %get3A_1456 : memref<32x512xf32, #tpu.memory_space<vmem>>[vector<16xi32>, vector<16xi32>], vector<16xf32>,
      }
      %slice3A_269 = vector.extract_strided_slice %get3A_53 {offsets = [3], sizes = [1], strides = [1]} : vector<16xi32> to vector<1xi32>
      %squeeze3A_270 = vector.extract %slice3A_269[0] : i32 from vector<1xi32>
      %slice3A_271 = vector.extract_strided_slice %get3A_53 {offsets = [11], sizes = [1], strides = [1]} : vector<16xi32> to vector<1xi32>
      %squeeze3A_272 = vector.extract %slice3A_271[0] : i32 from vector<1xi32>
      %max3A_273 = arith.maxsi %squeeze3A_270, %add3A_207 : i32
      %add3A_274 = arith.constant 64 : i32
      %add3A_275 = arith.addi %squeeze3A_270, %add3A_274 : i32
      %add3A_276 = arith.constant 32 : i32
      %add3A_277 = arith.addi %add3A_207, %add3A_276 : i32
      %min3A_278 = arith.minsi %add3A_275, %add3A_277 : i32
      %mul3A_279 = arith.constant 64 : i32
      %mul3A_280 = arith.muli %select_n3A_186, %mul3A_279 : i32
      %sub3A_281 = arith.subi %mul3A_280, %squeeze3A_270 : i32
      %while3A_282 = arith.constant 0 : i32
      %while3A_283 = arith.subi %min3A_278, %max3A_273 : i32
      %while3A_284 = arith.addi %max3A_273, %while3A_283 : i32
      %while3A_285 = arith.constant 1 : i32
      %while3A_286 = arith.divsi %while3A_283, %while3A_285 : i32
      %while3A_287 = arith.muli %while3A_286, %while3A_285 : i32
      %while3A_288 = arith.addi %max3A_273, %while3A_287 : i32
      %while3A_289 = arith.constant 1 : i32
      scf.for %while3A_1426 = %max3A_273 to %while3A_288 step %while3A_289  : i32 {
        %sub3A_1427 = arith.subi %while3A_1426, %add3A_207 : i32
        %broadcast_in_dim3A = vector.broadcast %sub3A_1427 : i32 to vector<16xi32>
        %add3A_1428 = arith.addi %sub3A_281, %while3A_1426 : i32
        %add3A_1429 = arith.constant 0 : i32
        %add3A_1430 = arith.addi %squeeze3A_272, %add3A_1429 : i32
        %add3A_1431 = vector.broadcast %add3A_1430 : i32 to vector<16xi32>
        %add3A_1432 = arith.addi %add3A_1431, %iota3A : vector<16xi32>
        %get3A_1433 = arith.index_cast %add3A_1428 : i32 to index
        %get3A_1434 = arith.constant 0 : index
        %get3A_1435 = tpu.vector_load %arg10[%get3A_1433, %get3A_1434] {strides = array<i32>} : memref<192x128xf32, #tpu.memory_space<vmem>>, vector<16xf32>,
        tpu.vector_store_idx %arg6[%broadcast_in_dim3A, %add3A_1432], %get3A_1435 : memref<32x512xf32, #tpu.memory_space<vmem>>[vector<16xi32>, vector<16xi32>], vector<16xf32>,
        %add3A_1436 = arith.constant 16 : i32
        %add3A_1437 = arith.addi %squeeze3A_272, %add3A_1436 : i32
        %add3A_1438 = vector.broadcast %add3A_1437 : i32 to vector<16xi32>
        %add3A_1439 = arith.addi %add3A_1438, %iota3A : vector<16xi32>
        %get3A_1440 = arith.index_cast %add3A_1428 : i32 to index
        %get3A_1441 = arith.constant 16 : index
        %get3A_1442 = tpu.vector_load %arg10[%get3A_1440, %get3A_1441] {strides = array<i32>} : memref<192x128xf32, #tpu.memory_space<vmem>>, vector<16xf32>,
        tpu.vector_store_idx %arg6[%broadcast_in_dim3A, %add3A_1439], %get3A_1442 : memref<32x512xf32, #tpu.memory_space<vmem>>[vector<16xi32>, vector<16xi32>], vector<16xf32>,
        %add3A_1443 = arith.constant 32 : i32
        %add3A_1444 = arith.addi %squeeze3A_272, %add3A_1443 : i32
        %add3A_1445 = vector.broadcast %add3A_1444 : i32 to vector<16xi32>
        %add3A_1446 = arith.addi %add3A_1445, %iota3A : vector<16xi32>
        %get3A_1447 = arith.index_cast %add3A_1428 : i32 to index
        %get3A_1448 = arith.constant 32 : index
        %get3A_1449 = tpu.vector_load %arg10[%get3A_1447, %get3A_1448] {strides = array<i32>} : memref<192x128xf32, #tpu.memory_space<vmem>>, vector<16xf32>,
        tpu.vector_store_idx %arg6[%broadcast_in_dim3A, %add3A_1446], %get3A_1449 : memref<32x512xf32, #tpu.memory_space<vmem>>[vector<16xi32>, vector<16xi32>], vector<16xf32>,
        %add3A_1450 = arith.constant 48 : i32
        %add3A_1451 = arith.addi %squeeze3A_272, %add3A_1450 : i32
        %add3A_1452 = vector.broadcast %add3A_1451 : i32 to vector<16xi32>
        %add3A_1453 = arith.addi %add3A_1452, %iota3A : vector<16xi32>
        %get3A_1454 = arith.index_cast %add3A_1428 : i32 to index
        %get3A_1455 = arith.constant 48 : index
        %get3A_1456 = tpu.vector_load %arg10[%get3A_1454, %get3A_1455] {strides = array<i32>} : memref<192x128xf32, #tpu.memory_space<vmem>>, vector<16xf32>,
        tpu.vector_store_idx %arg6[%broadcast_in_dim3A, %add3A_1453], %get3A_1456 : memref<32x512xf32, #tpu.memory_space<vmem>>[vector<16xi32>, vector<16xi32>], vector<16xf32>,
      }
      %while3A_290 = arith.constant 1 : i32
      scf.for %while3A_1426 = %while3A_288 to %while3A_284 step %while3A_290  : i32 {
        %sub3A_1427 = arith.subi %while3A_1426, %add3A_207 : i32
        %broadcast_in_dim3A = vector.broadcast %sub3A_1427 : i32 to vector<16xi32>
        %add3A_1428 = arith.addi %sub3A_281, %while3A_1426 : i32
        %add3A_1429 = arith.constant 0 : i32
        %add3A_1430 = arith.addi %squeeze3A_272, %add3A_1429 : i32
        %add3A_1431 = vector.broadcast %add3A_1430 : i32 to vector<16xi32>
        %add3A_1432 = arith.addi %add3A_1431, %iota3A : vector<16xi32>
        %get3A_1433 = arith.index_cast %add3A_1428 : i32 to index
        %get3A_1434 = arith.constant 0 : index
        %get3A_1435 = tpu.vector_load %arg10[%get3A_1433, %get3A_1434] {strides = array<i32>} : memref<192x128xf32, #tpu.memory_space<vmem>>, vector<16xf32>,
        tpu.vector_store_idx %arg6[%broadcast_in_dim3A, %add3A_1432], %get3A_1435 : memref<32x512xf32, #tpu.memory_space<vmem>>[vector<16xi32>, vector<16xi32>], vector<16xf32>,
        %add3A_1436 = arith.constant 16 : i32
        %add3A_1437 = arith.addi %squeeze3A_272, %add3A_1436 : i32
        %add3A_1438 = vector.broadcast %add3A_1437 : i32 to vector<16xi32>
        %add3A_1439 = arith.addi %add3A_1438, %iota3A : vector<16xi32>
        %get3A_1440 = arith.index_cast %add3A_1428 : i32 to index
        %get3A_1441 = arith.constant 16 : index
        %get3A_1442 = tpu.vector_load %arg10[%get3A_1440, %get3A_1441] {strides = array<i32>} : memref<192x128xf32, #tpu.memory_space<vmem>>, vector<16xf32>,
        tpu.vector_store_idx %arg6[%broadcast_in_dim3A, %add3A_1439], %get3A_1442 : memref<32x512xf32, #tpu.memory_space<vmem>>[vector<16xi32>, vector<16xi32>], vector<16xf32>,
        %add3A_1443 = arith.constant 32 : i32
        %add3A_1444 = arith.addi %squeeze3A_272, %add3A_1443 : i32
        %add3A_1445 = vector.broadcast %add3A_1444 : i32 to vector<16xi32>
        %add3A_1446 = arith.addi %add3A_1445, %iota3A : vector<16xi32>
        %get3A_1447 = arith.index_cast %add3A_1428 : i32 to index
        %get3A_1448 = arith.constant 32 : index
        %get3A_1449 = tpu.vector_load %arg10[%get3A_1447, %get3A_1448] {strides = array<i32>} : memref<192x128xf32, #tpu.memory_space<vmem>>, vector<16xf32>,
        tpu.vector_store_idx %arg6[%broadcast_in_dim3A, %add3A_1446], %get3A_1449 : memref<32x512xf32, #tpu.memory_space<vmem>>[vector<16xi32>, vector<16xi32>], vector<16xf32>,
        %add3A_1450 = arith.constant 48 : i32
        %add3A_1451 = arith.addi %squeeze3A_272, %add3A_1450 : i32
        %add3A_1452 = vector.broadcast %add3A_1451 : i32 to vector<16xi32>
        %add3A_1453 = arith.addi %add3A_1452, %iota3A : vector<16xi32>
        %get3A_1454 = arith.index_cast %add3A_1428 : i32 to index
        %get3A_1455 = arith.constant 48 : index
        %get3A_1456 = tpu.vector_load %arg10[%get3A_1454, %get3A_1455] {strides = array<i32>} : memref<192x128xf32, #tpu.memory_space<vmem>>, vector<16xf32>,
        tpu.vector_store_idx %arg6[%broadcast_in_dim3A, %add3A_1453], %get3A_1456 : memref<32x512xf32, #tpu.memory_space<vmem>>[vector<16xi32>, vector<16xi32>], vector<16xf32>,
      }
      %slice3A_291 = vector.extract_strided_slice %get3A_53 {offsets = [4], sizes = [1], strides = [1]} : vector<16xi32> to vector<1xi32>
      %squeeze3A_292 = vector.extract %slice3A_291[0] : i32 from vector<1xi32>
      %slice3A_293 = vector.extract_strided_slice %get3A_53 {offsets = [12], sizes = [1], strides = [1]} : vector<16xi32> to vector<1xi32>
      %squeeze3A_294 = vector.extract %slice3A_293[0] : i32 from vector<1xi32>
      %max3A_295 = arith.maxsi %squeeze3A_292, %add3A_207 : i32
      %add3A_296 = arith.constant 64 : i32
      %add3A_297 = arith.addi %squeeze3A_292, %add3A_296 : i32
      %add3A_298 = arith.constant 32 : i32
      %add3A_299 = arith.addi %add3A_207, %add3A_298 : i32
      %min3A_300 = arith.minsi %add3A_297, %add3A_299 : i32
      %mul3A_301 = arith.constant 64 : i32
      %mul3A_302 = arith.muli %select_n3A_186, %mul3A_301 : i32
      %sub3A_303 = arith.subi %mul3A_302, %squeeze3A_292 : i32
      %while3A_304 = arith.constant 0 : i32
      %while3A_305 = arith.subi %min3A_300, %max3A_295 : i32
      %while3A_306 = arith.addi %max3A_295, %while3A_305 : i32
      %while3A_307 = arith.constant 1 : i32
      %while3A_308 = arith.divsi %while3A_305, %while3A_307 : i32
      %while3A_309 = arith.muli %while3A_308, %while3A_307 : i32
      %while3A_310 = arith.addi %max3A_295, %while3A_309 : i32
      %while3A_311 = arith.constant 1 : i32
      scf.for %while3A_1426 = %max3A_295 to %while3A_310 step %while3A_311  : i32 {
        %sub3A_1427 = arith.subi %while3A_1426, %add3A_207 : i32
        %broadcast_in_dim3A = vector.broadcast %sub3A_1427 : i32 to vector<16xi32>
        %add3A_1428 = arith.addi %sub3A_303, %while3A_1426 : i32
        %add3A_1429 = arith.constant 0 : i32
        %add3A_1430 = arith.addi %squeeze3A_294, %add3A_1429 : i32
        %add3A_1431 = vector.broadcast %add3A_1430 : i32 to vector<16xi32>
        %add3A_1432 = arith.addi %add3A_1431, %iota3A : vector<16xi32>
        %get3A_1433 = arith.index_cast %add3A_1428 : i32 to index
        %get3A_1434 = arith.constant 0 : index
        %get3A_1435 = tpu.vector_load %arg10[%get3A_1433, %get3A_1434] {strides = array<i32>} : memref<192x128xf32, #tpu.memory_space<vmem>>, vector<16xf32>,
        tpu.vector_store_idx %arg6[%broadcast_in_dim3A, %add3A_1432], %get3A_1435 : memref<32x512xf32, #tpu.memory_space<vmem>>[vector<16xi32>, vector<16xi32>], vector<16xf32>,
        %add3A_1436 = arith.constant 16 : i32
        %add3A_1437 = arith.addi %squeeze3A_294, %add3A_1436 : i32
        %add3A_1438 = vector.broadcast %add3A_1437 : i32 to vector<16xi32>
        %add3A_1439 = arith.addi %add3A_1438, %iota3A : vector<16xi32>
        %get3A_1440 = arith.index_cast %add3A_1428 : i32 to index
        %get3A_1441 = arith.constant 16 : index
        %get3A_1442 = tpu.vector_load %arg10[%get3A_1440, %get3A_1441] {strides = array<i32>} : memref<192x128xf32, #tpu.memory_space<vmem>>, vector<16xf32>,
        tpu.vector_store_idx %arg6[%broadcast_in_dim3A, %add3A_1439], %get3A_1442 : memref<32x512xf32, #tpu.memory_space<vmem>>[vector<16xi32>, vector<16xi32>], vector<16xf32>,
        %add3A_1443 = arith.constant 32 : i32
        %add3A_1444 = arith.addi %squeeze3A_294, %add3A_1443 : i32
        %add3A_1445 = vector.broadcast %add3A_1444 : i32 to vector<16xi32>
        %add3A_1446 = arith.addi %add3A_1445, %iota3A : vector<16xi32>
        %get3A_1447 = arith.index_cast %add3A_1428 : i32 to index
        %get3A_1448 = arith.constant 32 : index
        %get3A_1449 = tpu.vector_load %arg10[%get3A_1447, %get3A_1448] {strides = array<i32>} : memref<192x128xf32, #tpu.memory_space<vmem>>, vector<16xf32>,
        tpu.vector_store_idx %arg6[%broadcast_in_dim3A, %add3A_1446], %get3A_1449 : memref<32x512xf32, #tpu.memory_space<vmem>>[vector<16xi32>, vector<16xi32>], vector<16xf32>,
        %add3A_1450 = arith.constant 48 : i32
        %add3A_1451 = arith.addi %squeeze3A_294, %add3A_1450 : i32
        %add3A_1452 = vector.broadcast %add3A_1451 : i32 to vector<16xi32>
        %add3A_1453 = arith.addi %add3A_1452, %iota3A : vector<16xi32>
        %get3A_1454 = arith.index_cast %add3A_1428 : i32 to index
        %get3A_1455 = arith.constant 48 : index
        %get3A_1456 = tpu.vector_load %arg10[%get3A_1454, %get3A_1455] {strides = array<i32>} : memref<192x128xf32, #tpu.memory_space<vmem>>, vector<16xf32>,
        tpu.vector_store_idx %arg6[%broadcast_in_dim3A, %add3A_1453], %get3A_1456 : memref<32x512xf32, #tpu.memory_space<vmem>>[vector<16xi32>, vector<16xi32>], vector<16xf32>,
      }
      %while3A_312 = arith.constant 1 : i32
      scf.for %while3A_1426 = %while3A_310 to %while3A_306 step %while3A_312  : i32 {
        %sub3A_1427 = arith.subi %while3A_1426, %add3A_207 : i32
        %broadcast_in_dim3A = vector.broadcast %sub3A_1427 : i32 to vector<16xi32>
        %add3A_1428 = arith.addi %sub3A_303, %while3A_1426 : i32
        %add3A_1429 = arith.constant 0 : i32
        %add3A_1430 = arith.addi %squeeze3A_294, %add3A_1429 : i32
        %add3A_1431 = vector.broadcast %add3A_1430 : i32 to vector<16xi32>
        %add3A_1432 = arith.addi %add3A_1431, %iota3A : vector<16xi32>
        %get3A_1433 = arith.index_cast %add3A_1428 : i32 to index
        %get3A_1434 = arith.constant 0 : index
        %get3A_1435 = tpu.vector_load %arg10[%get3A_1433, %get3A_1434] {strides = array<i32>} : memref<192x128xf32, #tpu.memory_space<vmem>>, vector<16xf32>,
        tpu.vector_store_idx %arg6[%broadcast_in_dim3A, %add3A_1432], %get3A_1435 : memref<32x512xf32, #tpu.memory_space<vmem>>[vector<16xi32>, vector<16xi32>], vector<16xf32>,
        %add3A_1436 = arith.constant 16 : i32
        %add3A_1437 = arith.addi %squeeze3A_294, %add3A_1436 : i32
        %add3A_1438 = vector.broadcast %add3A_1437 : i32 to vector<16xi32>
        %add3A_1439 = arith.addi %add3A_1438, %iota3A : vector<16xi32>
        %get3A_1440 = arith.index_cast %add3A_1428 : i32 to index
        %get3A_1441 = arith.constant 16 : index
        %get3A_1442 = tpu.vector_load %arg10[%get3A_1440, %get3A_1441] {strides = array<i32>} : memref<192x128xf32, #tpu.memory_space<vmem>>, vector<16xf32>,
        tpu.vector_store_idx %arg6[%broadcast_in_dim3A, %add3A_1439], %get3A_1442 : memref<32x512xf32, #tpu.memory_space<vmem>>[vector<16xi32>, vector<16xi32>], vector<16xf32>,
        %add3A_1443 = arith.constant 32 : i32
        %add3A_1444 = arith.addi %squeeze3A_294, %add3A_1443 : i32
        %add3A_1445 = vector.broadcast %add3A_1444 : i32 to vector<16xi32>
        %add3A_1446 = arith.addi %add3A_1445, %iota3A : vector<16xi32>
        %get3A_1447 = arith.index_cast %add3A_1428 : i32 to index
        %get3A_1448 = arith.constant 32 : index
        %get3A_1449 = tpu.vector_load %arg10[%get3A_1447, %get3A_1448] {strides = array<i32>} : memref<192x128xf32, #tpu.memory_space<vmem>>, vector<16xf32>,
        tpu.vector_store_idx %arg6[%broadcast_in_dim3A, %add3A_1446], %get3A_1449 : memref<32x512xf32, #tpu.memory_space<vmem>>[vector<16xi32>, vector<16xi32>], vector<16xf32>,
        %add3A_1450 = arith.constant 48 : i32
        %add3A_1451 = arith.addi %squeeze3A_294, %add3A_1450 : i32
        %add3A_1452 = vector.broadcast %add3A_1451 : i32 to vector<16xi32>
        %add3A_1453 = arith.addi %add3A_1452, %iota3A : vector<16xi32>
        %get3A_1454 = arith.index_cast %add3A_1428 : i32 to index
        %get3A_1455 = arith.constant 48 : index
        %get3A_1456 = tpu.vector_load %arg10[%get3A_1454, %get3A_1455] {strides = array<i32>} : memref<192x128xf32, #tpu.memory_space<vmem>>, vector<16xf32>,
        tpu.vector_store_idx %arg6[%broadcast_in_dim3A, %add3A_1453], %get3A_1456 : memref<32x512xf32, #tpu.memory_space<vmem>>[vector<16xi32>, vector<16xi32>], vector<16xf32>,
      }
      %slice3A_313 = vector.extract_strided_slice %get3A_53 {offsets = [5], sizes = [1], strides = [1]} : vector<16xi32> to vector<1xi32>
      %squeeze3A_314 = vector.extract %slice3A_313[0] : i32 from vector<1xi32>
      %slice3A_315 = vector.extract_strided_slice %get3A_53 {offsets = [13], sizes = [1], strides = [1]} : vector<16xi32> to vector<1xi32>
      %squeeze3A_316 = vector.extract %slice3A_315[0] : i32 from vector<1xi32>
      %max3A_317 = arith.maxsi %squeeze3A_314, %add3A_207 : i32
      %add3A_318 = arith.constant 64 : i32
      %add3A_319 = arith.addi %squeeze3A_314, %add3A_318 : i32
      %add3A_320 = arith.constant 32 : i32
      %add3A_321 = arith.addi %add3A_207, %add3A_320 : i32
      %min3A_322 = arith.minsi %add3A_319, %add3A_321 : i32
      %mul3A_323 = arith.constant 64 : i32
      %mul3A_324 = arith.muli %select_n3A_186, %mul3A_323 : i32
      %sub3A_325 = arith.subi %mul3A_324, %squeeze3A_314 : i32
      %while3A_326 = arith.constant 0 : i32
      %while3A_327 = arith.subi %min3A_322, %max3A_317 : i32
      %while3A_328 = arith.addi %max3A_317, %while3A_327 : i32
      %while3A_329 = arith.constant 1 : i32
      %while3A_330 = arith.divsi %while3A_327, %while3A_329 : i32
      %while3A_331 = arith.muli %while3A_330, %while3A_329 : i32
      %while3A_332 = arith.addi %max3A_317, %while3A_331 : i32
      %while3A_333 = arith.constant 1 : i32
      scf.for %while3A_1426 = %max3A_317 to %while3A_332 step %while3A_333  : i32 {
        %sub3A_1427 = arith.subi %while3A_1426, %add3A_207 : i32
        %broadcast_in_dim3A = vector.broadcast %sub3A_1427 : i32 to vector<16xi32>
        %add3A_1428 = arith.addi %sub3A_325, %while3A_1426 : i32
        %add3A_1429 = arith.constant 0 : i32
        %add3A_1430 = arith.addi %squeeze3A_316, %add3A_1429 : i32
        %add3A_1431 = vector.broadcast %add3A_1430 : i32 to vector<16xi32>
        %add3A_1432 = arith.addi %add3A_1431, %iota3A : vector<16xi32>
        %get3A_1433 = arith.index_cast %add3A_1428 : i32 to index
        %get3A_1434 = arith.constant 0 : index
        %get3A_1435 = tpu.vector_load %arg10[%get3A_1433, %get3A_1434] {strides = array<i32>} : memref<192x128xf32, #tpu.memory_space<vmem>>, vector<16xf32>,
        tpu.vector_store_idx %arg6[%broadcast_in_dim3A, %add3A_1432], %get3A_1435 : memref<32x512xf32, #tpu.memory_space<vmem>>[vector<16xi32>, vector<16xi32>], vector<16xf32>,
        %add3A_1436 = arith.constant 16 : i32
        %add3A_1437 = arith.addi %squeeze3A_316, %add3A_1436 : i32
        %add3A_1438 = vector.broadcast %add3A_1437 : i32 to vector<16xi32>
        %add3A_1439 = arith.addi %add3A_1438, %iota3A : vector<16xi32>
        %get3A_1440 = arith.index_cast %add3A_1428 : i32 to index
        %get3A_1441 = arith.constant 16 : index
        %get3A_1442 = tpu.vector_load %arg10[%get3A_1440, %get3A_1441] {strides = array<i32>} : memref<192x128xf32, #tpu.memory_space<vmem>>, vector<16xf32>,
        tpu.vector_store_idx %arg6[%broadcast_in_dim3A, %add3A_1439], %get3A_1442 : memref<32x512xf32, #tpu.memory_space<vmem>>[vector<16xi32>, vector<16xi32>], vector<16xf32>,
        %add3A_1443 = arith.constant 32 : i32
        %add3A_1444 = arith.addi %squeeze3A_316, %add3A_1443 : i32
        %add3A_1445 = vector.broadcast %add3A_1444 : i32 to vector<16xi32>
        %add3A_1446 = arith.addi %add3A_1445, %iota3A : vector<16xi32>
        %get3A_1447 = arith.index_cast %add3A_1428 : i32 to index
        %get3A_1448 = arith.constant 32 : index
        %get3A_1449 = tpu.vector_load %arg10[%get3A_1447, %get3A_1448] {strides = array<i32>} : memref<192x128xf32, #tpu.memory_space<vmem>>, vector<16xf32>,
        tpu.vector_store_idx %arg6[%broadcast_in_dim3A, %add3A_1446], %get3A_1449 : memref<32x512xf32, #tpu.memory_space<vmem>>[vector<16xi32>, vector<16xi32>], vector<16xf32>,
        %add3A_1450 = arith.constant 48 : i32
        %add3A_1451 = arith.addi %squeeze3A_316, %add3A_1450 : i32
        %add3A_1452 = vector.broadcast %add3A_1451 : i32 to vector<16xi32>
        %add3A_1453 = arith.addi %add3A_1452, %iota3A : vector<16xi32>
        %get3A_1454 = arith.index_cast %add3A_1428 : i32 to index
        %get3A_1455 = arith.constant 48 : index
        %get3A_1456 = tpu.vector_load %arg10[%get3A_1454, %get3A_1455] {strides = array<i32>} : memref<192x128xf32, #tpu.memory_space<vmem>>, vector<16xf32>,
        tpu.vector_store_idx %arg6[%broadcast_in_dim3A, %add3A_1453], %get3A_1456 : memref<32x512xf32, #tpu.memory_space<vmem>>[vector<16xi32>, vector<16xi32>], vector<16xf32>,
      }
      %while3A_334 = arith.constant 1 : i32
      scf.for %while3A_1426 = %while3A_332 to %while3A_328 step %while3A_334  : i32 {
        %sub3A_1427 = arith.subi %while3A_1426, %add3A_207 : i32
        %broadcast_in_dim3A = vector.broadcast %sub3A_1427 : i32 to vector<16xi32>
        %add3A_1428 = arith.addi %sub3A_325, %while3A_1426 : i32
        %add3A_1429 = arith.constant 0 : i32
        %add3A_1430 = arith.addi %squeeze3A_316, %add3A_1429 : i32
        %add3A_1431 = vector.broadcast %add3A_1430 : i32 to vector<16xi32>
        %add3A_1432 = arith.addi %add3A_1431, %iota3A : vector<16xi32>
        %get3A_1433 = arith.index_cast %add3A_1428 : i32 to index
        %get3A_1434 = arith.constant 0 : index
        %get3A_1435 = tpu.vector_load %arg10[%get3A_1433, %get3A_1434] {strides = array<i32>} : memref<192x128xf32, #tpu.memory_space<vmem>>, vector<16xf32>,
        tpu.vector_store_idx %arg6[%broadcast_in_dim3A, %add3A_1432], %get3A_1435 : memref<32x512xf32, #tpu.memory_space<vmem>>[vector<16xi32>, vector<16xi32>], vector<16xf32>,
        %add3A_1436 = arith.constant 16 : i32
        %add3A_1437 = arith.addi %squeeze3A_316, %add3A_1436 : i32
        %add3A_1438 = vector.broadcast %add3A_1437 : i32 to vector<16xi32>
        %add3A_1439 = arith.addi %add3A_1438, %iota3A : vector<16xi32>
        %get3A_1440 = arith.index_cast %add3A_1428 : i32 to index
        %get3A_1441 = arith.constant 16 : index
        %get3A_1442 = tpu.vector_load %arg10[%get3A_1440, %get3A_1441] {strides = array<i32>} : memref<192x128xf32, #tpu.memory_space<vmem>>, vector<16xf32>,
        tpu.vector_store_idx %arg6[%broadcast_in_dim3A, %add3A_1439], %get3A_1442 : memref<32x512xf32, #tpu.memory_space<vmem>>[vector<16xi32>, vector<16xi32>], vector<16xf32>,
        %add3A_1443 = arith.constant 32 : i32
        %add3A_1444 = arith.addi %squeeze3A_316, %add3A_1443 : i32
        %add3A_1445 = vector.broadcast %add3A_1444 : i32 to vector<16xi32>
        %add3A_1446 = arith.addi %add3A_1445, %iota3A : vector<16xi32>
        %get3A_1447 = arith.index_cast %add3A_1428 : i32 to index
        %get3A_1448 = arith.constant 32 : index
        %get3A_1449 = tpu.vector_load %arg10[%get3A_1447, %get3A_1448] {strides = array<i32>} : memref<192x128xf32, #tpu.memory_space<vmem>>, vector<16xf32>,
        tpu.vector_store_idx %arg6[%broadcast_in_dim3A, %add3A_1446], %get3A_1449 : memref<32x512xf32, #tpu.memory_space<vmem>>[vector<16xi32>, vector<16xi32>], vector<16xf32>,
        %add3A_1450 = arith.constant 48 : i32
        %add3A_1451 = arith.addi %squeeze3A_316, %add3A_1450 : i32
        %add3A_1452 = vector.broadcast %add3A_1451 : i32 to vector<16xi32>
        %add3A_1453 = arith.addi %add3A_1452, %iota3A : vector<16xi32>
        %get3A_1454 = arith.index_cast %add3A_1428 : i32 to index
        %get3A_1455 = arith.constant 48 : index
        %get3A_1456 = tpu.vector_load %arg10[%get3A_1454, %get3A_1455] {strides = array<i32>} : memref<192x128xf32, #tpu.memory_space<vmem>>, vector<16xf32>,
        tpu.vector_store_idx %arg6[%broadcast_in_dim3A, %add3A_1453], %get3A_1456 : memref<32x512xf32, #tpu.memory_space<vmem>>[vector<16xi32>, vector<16xi32>], vector<16xf32>,
      }
      %slice3A_335 = vector.extract_strided_slice %get3A_53 {offsets = [6], sizes = [1], strides = [1]} : vector<16xi32> to vector<1xi32>
      %squeeze3A_336 = vector.extract %slice3A_335[0] : i32 from vector<1xi32>
      %slice3A_337 = vector.extract_strided_slice %get3A_53 {offsets = [14], sizes = [1], strides = [1]} : vector<16xi32> to vector<1xi32>
      %squeeze3A_338 = vector.extract %slice3A_337[0] : i32 from vector<1xi32>
      %max3A_339 = arith.maxsi %squeeze3A_336, %add3A_207 : i32
      %add3A_340 = arith.constant 64 : i32
      %add3A_341 = arith.addi %squeeze3A_336, %add3A_340 : i32
      %add3A_342 = arith.constant 32 : i32
      %add3A_343 = arith.addi %add3A_207, %add3A_342 : i32
      %min3A_344 = arith.minsi %add3A_341, %add3A_343 : i32
      %mul3A_345 = arith.constant 64 : i32
      %mul3A_346 = arith.muli %select_n3A_186, %mul3A_345 : i32
      %sub3A_347 = arith.subi %mul3A_346, %squeeze3A_336 : i32
      %while3A_348 = arith.constant 0 : i32
      %while3A_349 = arith.subi %min3A_344, %max3A_339 : i32
      %while3A_350 = arith.addi %max3A_339, %while3A_349 : i32
      %while3A_351 = arith.constant 1 : i32
      %while3A_352 = arith.divsi %while3A_349, %while3A_351 : i32
      %while3A_353 = arith.muli %while3A_352, %while3A_351 : i32
      %while3A_354 = arith.addi %max3A_339, %while3A_353 : i32
      %while3A_355 = arith.constant 1 : i32
      scf.for %while3A_1426 = %max3A_339 to %while3A_354 step %while3A_355  : i32 {
        %sub3A_1427 = arith.subi %while3A_1426, %add3A_207 : i32
        %broadcast_in_dim3A = vector.broadcast %sub3A_1427 : i32 to vector<16xi32>
        %add3A_1428 = arith.addi %sub3A_347, %while3A_1426 : i32
        %add3A_1429 = arith.constant 0 : i32
        %add3A_1430 = arith.addi %squeeze3A_338, %add3A_1429 : i32
        %add3A_1431 = vector.broadcast %add3A_1430 : i32 to vector<16xi32>
        %add3A_1432 = arith.addi %add3A_1431, %iota3A : vector<16xi32>
        %get3A_1433 = arith.index_cast %add3A_1428 : i32 to index
        %get3A_1434 = arith.constant 0 : index
        %get3A_1435 = tpu.vector_load %arg10[%get3A_1433, %get3A_1434] {strides = array<i32>} : memref<192x128xf32, #tpu.memory_space<vmem>>, vector<16xf32>,
        tpu.vector_store_idx %arg6[%broadcast_in_dim3A, %add3A_1432], %get3A_1435 : memref<32x512xf32, #tpu.memory_space<vmem>>[vector<16xi32>, vector<16xi32>], vector<16xf32>,
        %add3A_1436 = arith.constant 16 : i32
        %add3A_1437 = arith.addi %squeeze3A_338, %add3A_1436 : i32
        %add3A_1438 = vector.broadcast %add3A_1437 : i32 to vector<16xi32>
        %add3A_1439 = arith.addi %add3A_1438, %iota3A : vector<16xi32>
        %get3A_1440 = arith.index_cast %add3A_1428 : i32 to index
        %get3A_1441 = arith.constant 16 : index
        %get3A_1442 = tpu.vector_load %arg10[%get3A_1440, %get3A_1441] {strides = array<i32>} : memref<192x128xf32, #tpu.memory_space<vmem>>, vector<16xf32>,
        tpu.vector_store_idx %arg6[%broadcast_in_dim3A, %add3A_1439], %get3A_1442 : memref<32x512xf32, #tpu.memory_space<vmem>>[vector<16xi32>, vector<16xi32>], vector<16xf32>,
        %add3A_1443 = arith.constant 32 : i32
        %add3A_1444 = arith.addi %squeeze3A_338, %add3A_1443 : i32
        %add3A_1445 = vector.broadcast %add3A_1444 : i32 to vector<16xi32>
        %add3A_1446 = arith.addi %add3A_1445, %iota3A : vector<16xi32>
        %get3A_1447 = arith.index_cast %add3A_1428 : i32 to index
        %get3A_1448 = arith.constant 32 : index
        %get3A_1449 = tpu.vector_load %arg10[%get3A_1447, %get3A_1448] {strides = array<i32>} : memref<192x128xf32, #tpu.memory_space<vmem>>, vector<16xf32>,
        tpu.vector_store_idx %arg6[%broadcast_in_dim3A, %add3A_1446], %get3A_1449 : memref<32x512xf32, #tpu.memory_space<vmem>>[vector<16xi32>, vector<16xi32>], vector<16xf32>,
        %add3A_1450 = arith.constant 48 : i32
        %add3A_1451 = arith.addi %squeeze3A_338, %add3A_1450 : i32
        %add3A_1452 = vector.broadcast %add3A_1451 : i32 to vector<16xi32>
        %add3A_1453 = arith.addi %add3A_1452, %iota3A : vector<16xi32>
        %get3A_1454 = arith.index_cast %add3A_1428 : i32 to index
        %get3A_1455 = arith.constant 48 : index
        %get3A_1456 = tpu.vector_load %arg10[%get3A_1454, %get3A_1455] {strides = array<i32>} : memref<192x128xf32, #tpu.memory_space<vmem>>, vector<16xf32>,
        tpu.vector_store_idx %arg6[%broadcast_in_dim3A, %add3A_1453], %get3A_1456 : memref<32x512xf32, #tpu.memory_space<vmem>>[vector<16xi32>, vector<16xi32>], vector<16xf32>,
      }
      %while3A_356 = arith.constant 1 : i32
      scf.for %while3A_1426 = %while3A_354 to %while3A_350 step %while3A_356  : i32 {
        %sub3A_1427 = arith.subi %while3A_1426, %add3A_207 : i32
        %broadcast_in_dim3A = vector.broadcast %sub3A_1427 : i32 to vector<16xi32>
        %add3A_1428 = arith.addi %sub3A_347, %while3A_1426 : i32
        %add3A_1429 = arith.constant 0 : i32
        %add3A_1430 = arith.addi %squeeze3A_338, %add3A_1429 : i32
        %add3A_1431 = vector.broadcast %add3A_1430 : i32 to vector<16xi32>
        %add3A_1432 = arith.addi %add3A_1431, %iota3A : vector<16xi32>
        %get3A_1433 = arith.index_cast %add3A_1428 : i32 to index
        %get3A_1434 = arith.constant 0 : index
        %get3A_1435 = tpu.vector_load %arg10[%get3A_1433, %get3A_1434] {strides = array<i32>} : memref<192x128xf32, #tpu.memory_space<vmem>>, vector<16xf32>,
        tpu.vector_store_idx %arg6[%broadcast_in_dim3A, %add3A_1432], %get3A_1435 : memref<32x512xf32, #tpu.memory_space<vmem>>[vector<16xi32>, vector<16xi32>], vector<16xf32>,
        %add3A_1436 = arith.constant 16 : i32
        %add3A_1437 = arith.addi %squeeze3A_338, %add3A_1436 : i32
        %add3A_1438 = vector.broadcast %add3A_1437 : i32 to vector<16xi32>
        %add3A_1439 = arith.addi %add3A_1438, %iota3A : vector<16xi32>
        %get3A_1440 = arith.index_cast %add3A_1428 : i32 to index
        %get3A_1441 = arith.constant 16 : index
        %get3A_1442 = tpu.vector_load %arg10[%get3A_1440, %get3A_1441] {strides = array<i32>} : memref<192x128xf32, #tpu.memory_space<vmem>>, vector<16xf32>,
        tpu.vector_store_idx %arg6[%broadcast_in_dim3A, %add3A_1439], %get3A_1442 : memref<32x512xf32, #tpu.memory_space<vmem>>[vector<16xi32>, vector<16xi32>], vector<16xf32>,
        %add3A_1443 = arith.constant 32 : i32
        %add3A_1444 = arith.addi %squeeze3A_338, %add3A_1443 : i32
        %add3A_1445 = vector.broadcast %add3A_1444 : i32 to vector<16xi32>
        %add3A_1446 = arith.addi %add3A_1445, %iota3A : vector<16xi32>
        %get3A_1447 = arith.index_cast %add3A_1428 : i32 to index
        %get3A_1448 = arith.constant 32 : index
        %get3A_1449 = tpu.vector_load %arg10[%get3A_1447, %get3A_1448] {strides = array<i32>} : memref<192x128xf32, #tpu.memory_space<vmem>>, vector<16xf32>,
        tpu.vector_store_idx %arg6[%broadcast_in_dim3A, %add3A_1446], %get3A_1449 : memref<32x512xf32, #tpu.memory_space<vmem>>[vector<16xi32>, vector<16xi32>], vector<16xf32>,
        %add3A_1450 = arith.constant 48 : i32
        %add3A_1451 = arith.addi %squeeze3A_338, %add3A_1450 : i32
        %add3A_1452 = vector.broadcast %add3A_1451 : i32 to vector<16xi32>
        %add3A_1453 = arith.addi %add3A_1452, %iota3A : vector<16xi32>
        %get3A_1454 = arith.index_cast %add3A_1428 : i32 to index
        %get3A_1455 = arith.constant 48 : index
        %get3A_1456 = tpu.vector_load %arg10[%get3A_1454, %get3A_1455] {strides = array<i32>} : memref<192x128xf32, #tpu.memory_space<vmem>>, vector<16xf32>,
        tpu.vector_store_idx %arg6[%broadcast_in_dim3A, %add3A_1453], %get3A_1456 : memref<32x512xf32, #tpu.memory_space<vmem>>[vector<16xi32>, vector<16xi32>], vector<16xf32>,
      }
      %slice3A_357 = vector.extract_strided_slice %get3A_53 {offsets = [7], sizes = [1], strides = [1]} : vector<16xi32> to vector<1xi32>
      %squeeze3A_358 = vector.extract %slice3A_357[0] : i32 from vector<1xi32>
      %slice3A_359 = vector.extract_strided_slice %get3A_53 {offsets = [15], sizes = [1], strides = [1]} : vector<16xi32> to vector<1xi32>
      %squeeze3A_360 = vector.extract %slice3A_359[0] : i32 from vector<1xi32>
      %max3A_361 = arith.maxsi %squeeze3A_358, %add3A_207 : i32
      %add3A_362 = arith.constant 64 : i32
      %add3A_363 = arith.addi %squeeze3A_358, %add3A_362 : i32
      %add3A_364 = arith.constant 32 : i32
      %add3A_365 = arith.addi %add3A_207, %add3A_364 : i32
      %min3A_366 = arith.minsi %add3A_363, %add3A_365 : i32
      %mul3A_367 = arith.constant 64 : i32
      %mul3A_368 = arith.muli %select_n3A_186, %mul3A_367 : i32
      %sub3A_369 = arith.subi %mul3A_368, %squeeze3A_358 : i32
      %while3A_370 = arith.constant 0 : i32
      %while3A_371 = arith.subi %min3A_366, %max3A_361 : i32
      %while3A_372 = arith.addi %max3A_361, %while3A_371 : i32
      %while3A_373 = arith.constant 1 : i32
      %while3A_374 = arith.divsi %while3A_371, %while3A_373 : i32
      %while3A_375 = arith.muli %while3A_374, %while3A_373 : i32
      %while3A_376 = arith.addi %max3A_361, %while3A_375 : i32
      %while3A_377 = arith.constant 1 : i32
      scf.for %while3A_1426 = %max3A_361 to %while3A_376 step %while3A_377  : i32 {
        %sub3A_1427 = arith.subi %while3A_1426, %add3A_207 : i32
        %broadcast_in_dim3A = vector.broadcast %sub3A_1427 : i32 to vector<16xi32>
        %add3A_1428 = arith.addi %sub3A_369, %while3A_1426 : i32
        %add3A_1429 = arith.constant 0 : i32
        %add3A_1430 = arith.addi %squeeze3A_360, %add3A_1429 : i32
        %add3A_1431 = vector.broadcast %add3A_1430 : i32 to vector<16xi32>
        %add3A_1432 = arith.addi %add3A_1431, %iota3A : vector<16xi32>
        %get3A_1433 = arith.index_cast %add3A_1428 : i32 to index
        %get3A_1434 = arith.constant 0 : index
        %get3A_1435 = tpu.vector_load %arg10[%get3A_1433, %get3A_1434] {strides = array<i32>} : memref<192x128xf32, #tpu.memory_space<vmem>>, vector<16xf32>,
        tpu.vector_store_idx %arg6[%broadcast_in_dim3A, %add3A_1432], %get3A_1435 : memref<32x512xf32, #tpu.memory_space<vmem>>[vector<16xi32>, vector<16xi32>], vector<16xf32>,
        %add3A_1436 = arith.constant 16 : i32
        %add3A_1437 = arith.addi %squeeze3A_360, %add3A_1436 : i32
        %add3A_1438 = vector.broadcast %add3A_1437 : i32 to vector<16xi32>
        %add3A_1439 = arith.addi %add3A_1438, %iota3A : vector<16xi32>
        %get3A_1440 = arith.index_cast %add3A_1428 : i32 to index
        %get3A_1441 = arith.constant 16 : index
        %get3A_1442 = tpu.vector_load %arg10[%get3A_1440, %get3A_1441] {strides = array<i32>} : memref<192x128xf32, #tpu.memory_space<vmem>>, vector<16xf32>,
        tpu.vector_store_idx %arg6[%broadcast_in_dim3A, %add3A_1439], %get3A_1442 : memref<32x512xf32, #tpu.memory_space<vmem>>[vector<16xi32>, vector<16xi32>], vector<16xf32>,
        %add3A_1443 = arith.constant 32 : i32
        %add3A_1444 = arith.addi %squeeze3A_360, %add3A_1443 : i32
        %add3A_1445 = vector.broadcast %add3A_1444 : i32 to vector<16xi32>
        %add3A_1446 = arith.addi %add3A_1445, %iota3A : vector<16xi32>
        %get3A_1447 = arith.index_cast %add3A_1428 : i32 to index
        %get3A_1448 = arith.constant 32 : index
        %get3A_1449 = tpu.vector_load %arg10[%get3A_1447, %get3A_1448] {strides = array<i32>} : memref<192x128xf32, #tpu.memory_space<vmem>>, vector<16xf32>,
        tpu.vector_store_idx %arg6[%broadcast_in_dim3A, %add3A_1446], %get3A_1449 : memref<32x512xf32, #tpu.memory_space<vmem>>[vector<16xi32>, vector<16xi32>], vector<16xf32>,
        %add3A_1450 = arith.constant 48 : i32
        %add3A_1451 = arith.addi %squeeze3A_360, %add3A_1450 : i32
        %add3A_1452 = vector.broadcast %add3A_1451 : i32 to vector<16xi32>
        %add3A_1453 = arith.addi %add3A_1452, %iota3A : vector<16xi32>
        %get3A_1454 = arith.index_cast %add3A_1428 : i32 to index
        %get3A_1455 = arith.constant 48 : index
        %get3A_1456 = tpu.vector_load %arg10[%get3A_1454, %get3A_1455] {strides = array<i32>} : memref<192x128xf32, #tpu.memory_space<vmem>>, vector<16xf32>,
        tpu.vector_store_idx %arg6[%broadcast_in_dim3A, %add3A_1453], %get3A_1456 : memref<32x512xf32, #tpu.memory_space<vmem>>[vector<16xi32>, vector<16xi32>], vector<16xf32>,
      }
      %while3A_378 = arith.constant 1 : i32
      scf.for %while3A_1426 = %while3A_376 to %while3A_372 step %while3A_378  : i32 {
        %sub3A_1427 = arith.subi %while3A_1426, %add3A_207 : i32
        %broadcast_in_dim3A = vector.broadcast %sub3A_1427 : i32 to vector<16xi32>
        %add3A_1428 = arith.addi %sub3A_369, %while3A_1426 : i32
        %add3A_1429 = arith.constant 0 : i32
        %add3A_1430 = arith.addi %squeeze3A_360, %add3A_1429 : i32
        %add3A_1431 = vector.broadcast %add3A_1430 : i32 to vector<16xi32>
        %add3A_1432 = arith.addi %add3A_1431, %iota3A : vector<16xi32>
        %get3A_1433 = arith.index_cast %add3A_1428 : i32 to index
        %get3A_1434 = arith.constant 0 : index
        %get3A_1435 = tpu.vector_load %arg10[%get3A_1433, %get3A_1434] {strides = array<i32>} : memref<192x128xf32, #tpu.memory_space<vmem>>, vector<16xf32>,
        tpu.vector_store_idx %arg6[%broadcast_in_dim3A, %add3A_1432], %get3A_1435 : memref<32x512xf32, #tpu.memory_space<vmem>>[vector<16xi32>, vector<16xi32>], vector<16xf32>,
        %add3A_1436 = arith.constant 16 : i32
        %add3A_1437 = arith.addi %squeeze3A_360, %add3A_1436 : i32
        %add3A_1438 = vector.broadcast %add3A_1437 : i32 to vector<16xi32>
        %add3A_1439 = arith.addi %add3A_1438, %iota3A : vector<16xi32>
        %get3A_1440 = arith.index_cast %add3A_1428 : i32 to index
        %get3A_1441 = arith.constant 16 : index
        %get3A_1442 = tpu.vector_load %arg10[%get3A_1440, %get3A_1441] {strides = array<i32>} : memref<192x128xf32, #tpu.memory_space<vmem>>, vector<16xf32>,
        tpu.vector_store_idx %arg6[%broadcast_in_dim3A, %add3A_1439], %get3A_1442 : memref<32x512xf32, #tpu.memory_space<vmem>>[vector<16xi32>, vector<16xi32>], vector<16xf32>,
        %add3A_1443 = arith.constant 32 : i32
        %add3A_1444 = arith.addi %squeeze3A_360, %add3A_1443 : i32
        %add3A_1445 = vector.broadcast %add3A_1444 : i32 to vector<16xi32>
        %add3A_1446 = arith.addi %add3A_1445, %iota3A : vector<16xi32>
        %get3A_1447 = arith.index_cast %add3A_1428 : i32 to index
        %get3A_1448 = arith.constant 32 : index
        %get3A_1449 = tpu.vector_load %arg10[%get3A_1447, %get3A_1448] {strides = array<i32>} : memref<192x128xf32, #tpu.memory_space<vmem>>, vector<16xf32>,
        tpu.vector_store_idx %arg6[%broadcast_in_dim3A, %add3A_1446], %get3A_1449 : memref<32x512xf32, #tpu.memory_space<vmem>>[vector<16xi32>, vector<16xi32>], vector<16xf32>,
        %add3A_1450 = arith.constant 48 : i32
        %add3A_1451 = arith.addi %squeeze3A_360, %add3A_1450 : i32
        %add3A_1452 = vector.broadcast %add3A_1451 : i32 to vector<16xi32>
        %add3A_1453 = arith.addi %add3A_1452, %iota3A : vector<16xi32>
        %get3A_1454 = arith.index_cast %add3A_1428 : i32 to index
        %get3A_1455 = arith.constant 48 : index
        %get3A_1456 = tpu.vector_load %arg10[%get3A_1454, %get3A_1455] {strides = array<i32>} : memref<192x128xf32, #tpu.memory_space<vmem>>, vector<16xf32>,
        tpu.vector_store_idx %arg6[%broadcast_in_dim3A, %add3A_1453], %get3A_1456 : memref<32x512xf32, #tpu.memory_space<vmem>>[vector<16xi32>, vector<16xi32>], vector<16xf32>,
      }
      %jit3A_379 = arith.constant 8 : i32
      %div3A_380 = arith.divsi %add3A_106, %jit3A_379 : i32
      %sign3A_381 = arith.constant 0 : i32
      %sign3A_382 = arith.cmpi sgt, %add3A_106, %sign3A_381 : i32
      %sign3A_383 = arith.extui %sign3A_382 : i1 to i32
      %sign3A_384 = arith.constant 0 : i32
      %sign3A_385 = arith.cmpi slt, %add3A_106, %sign3A_384 : i32
      %sign3A_386 = arith.extui %sign3A_385 : i1 to i32
      %sign3A_387 = arith.subi %sign3A_383, %sign3A_386 : i32
      %sign3A_388 = arith.constant 0 : i32
      %sign3A_389 = arith.cmpi sgt, %jit3A_379, %sign3A_388 : i32
      %sign3A_390 = arith.extui %sign3A_389 : i1 to i32
      %sign3A_391 = arith.constant 0 : i32
      %sign3A_392 = arith.cmpi slt, %jit3A_379, %sign3A_391 : i32
      %sign3A_393 = arith.extui %sign3A_392 : i1 to i32
      %sign3A_394 = arith.subi %sign3A_390, %sign3A_393 : i32
      %ne3A_395 = arith.cmpi ne, %sign3A_387, %sign3A_394 : i32
      %rem3A_396 = arith.remsi %add3A_106, %jit3A_379 : i32
      %ne3A_397 = arith.constant 0 : i32
      %ne3A_398 = arith.cmpi ne, %rem3A_396, %ne3A_397 : i32
      %and3A_399 = arith.andi %ne3A_395, %ne3A_398 : i1
      %sub3A_400 = arith.constant 1 : i32
      %sub3A_401 = arith.subi %div3A_380, %sub3A_400 : i32
      %select_n3A_402 = arith.select %and3A_399, %sub3A_401, %div3A_380 : i32
      %mul3A_403 = arith.constant 256 : i32
      %mul3A_404 = arith.muli %select_n3A_30, %mul3A_403 : i32
      %jit3A_405 = arith.constant 8 : i32
      %eq3A_406 = arith.constant 0 : i32
      %eq3A_407 = arith.cmpi eq, %jit3A_405, %eq3A_406 : i32
      %jit3A_408 = arith.constant 1 : i32
      %select_n3A_409 = arith.select %eq3A_407, %jit3A_408, %jit3A_405 : i32
      %rem3A_410 = arith.remsi %add3A_106, %select_n3A_409 : i32
      %ne3A_411 = arith.constant 0 : i32
      %ne3A_412 = arith.cmpi ne, %rem3A_410, %ne3A_411 : i32
      %lt3A_413 = arith.constant 0 : i32
      %lt3A_414 = arith.cmpi slt, %rem3A_410, %lt3A_413 : i32
      %lt3A_415 = arith.constant 0 : i32
      %lt3A_416 = arith.cmpi slt, %select_n3A_409, %lt3A_415 : i32
      %ne3A_417 = arith.xori %lt3A_414, %lt3A_416 : i1
      %and3A_418 = arith.andi %ne3A_417, %ne3A_412 : i1
      %add3A_419 = arith.addi %rem3A_410, %select_n3A_409 : i32
      %select_n3A_420 = arith.select %and3A_418, %add3A_419, %rem3A_410 : i32
      %mul3A_421 = arith.constant 32 : i32
      %mul3A_422 = arith.muli %select_n3A_420, %mul3A_421 : i32
      %add3A_423 = arith.addi %mul3A_404, %mul3A_422 : i32
      %dma_start3A_424 = arith.constant 0 : i32
      %dma_start3A_425 = tpu.memref_slice %arg5[%select_n3A, %select_n3A_402, %add3A_423, %dma_start3A_424] : memref<16x3x512x512xf32, #tpu.memory_space<hbm>> -> memref<1x1x32x512xf32, #tpu.memory_space<hbm>>
      %dma_start3A_426 = tpu.memref_squeeze %dma_start3A_425 : memref<1x1x32x512xf32, #tpu.memory_space<hbm>> -> memref<32x512xf32, #tpu.memory_space<hbm>>
      %dma_start3A_427 = arith.constant 0 : i32
      %dma_start3A_428 = tpu.memref_slice %arg5[%select_n3A, %select_n3A_402, %add3A_423, %dma_start3A_427] : memref<16x3x512x512xf32, #tpu.memory_space<hbm>> -> memref<1x1x32x512xf32, #tpu.memory_space<hbm>>
      %dma_start3A_429 = tpu.memref_squeeze %dma_start3A_428 : memref<1x1x32x512xf32, #tpu.memory_space<hbm>> -> memref<32x512xf32, #tpu.memory_space<hbm>>
      tpu.enqueue_dma source(%arg6 : memref<32x512xf32, #tpu.memory_space<vmem>>) target(%dma_start3A_429 : memref<32x512xf32, #tpu.memory_space<hbm>>) target_semaphore(%arg16 : memref<!tpu.dma_semaphore, #tpu.memory_space<semaphore_mem>>)
      %add3A_430 = arith.constant 1 : i32
      %add3A_431 = arith.addi %mul3A_104, %add3A_430 : i32
      %add3A_432 = arith.constant 2 : i32
      %add3A_433 = arith.addi %add3A_431, %add3A_432 : i32
      %lt3A_434 = arith.constant 24 : i32
      %lt3A_435 = arith.cmpi slt, %add3A_433, %lt3A_434 : i32
      %convert_element_type3A_436 = arith.extui %lt3A_435 : i1 to i32
      %cond3A_437 = arith.constant 0 : i32
      %cond3A_438 = arith.cmpi ne, %convert_element_type3A_436, %cond3A_437 : i32
      scf.if %cond3A_438 {
        %ge3A = arith.constant 4 : i32
        %ge3A_1426 = arith.cmpi sge, %add3A_433, %ge3A : i32
        %convert_element_type3A_1427 = arith.extui %ge3A_1426 : i1 to i32
        %cond3A_1428 = arith.constant 0 : i32
        %cond3A_1429 = arith.cmpi ne, %convert_element_type3A_1427, %cond3A_1428 : i32
        scf.if %cond3A_1429 {
          %sub3A_1481 = arith.constant 4 : i32
          %sub3A_1482 = arith.subi %add3A_433, %sub3A_1481 : i32
          %jit3A_1483 = arith.constant 8 : i32
          %div3A_1484 = arith.divsi %sub3A_1482, %jit3A_1483 : i32
          %sign3A_1485 = arith.constant 0 : i32
          %sign3A_1486 = arith.cmpi sgt, %sub3A_1482, %sign3A_1485 : i32
          %sign3A_1487 = arith.extui %sign3A_1486 : i1 to i32
          %sign3A_1488 = arith.constant 0 : i32
          %sign3A_1489 = arith.cmpi slt, %sub3A_1482, %sign3A_1488 : i32
          %sign3A_1490 = arith.extui %sign3A_1489 : i1 to i32
          %sign3A_1491 = arith.subi %sign3A_1487, %sign3A_1490 : i32
          %sign3A_1492 = arith.constant 0 : i32
          %sign3A_1493 = arith.cmpi sgt, %jit3A_1483, %sign3A_1492 : i32
          %sign3A_1494 = arith.extui %sign3A_1493 : i1 to i32
          %sign3A_1495 = arith.constant 0 : i32
          %sign3A_1496 = arith.cmpi slt, %jit3A_1483, %sign3A_1495 : i32
          %sign3A_1497 = arith.extui %sign3A_1496 : i1 to i32
          %sign3A_1498 = arith.subi %sign3A_1494, %sign3A_1497 : i32
          %ne3A_1499 = arith.cmpi ne, %sign3A_1491, %sign3A_1498 : i32
          %rem3A_1500 = arith.remsi %sub3A_1482, %jit3A_1483 : i32
          %ne3A_1501 = arith.constant 0 : i32
          %ne3A_1502 = arith.cmpi ne, %rem3A_1500, %ne3A_1501 : i32
          %and3A_1503 = arith.andi %ne3A_1499, %ne3A_1502 : i1
          %sub3A_1504 = arith.constant 1 : i32
          %sub3A_1505 = arith.subi %div3A_1484, %sub3A_1504 : i32
          %select_n3A_1506 = arith.select %and3A_1503, %sub3A_1505, %div3A_1484 : i32
          %mul3A_1507 = arith.constant 256 : i32
          %mul3A_1508 = arith.muli %select_n3A_30, %mul3A_1507 : i32
          %jit3A_1509 = arith.constant 8 : i32
          %eq3A_1510 = arith.constant 0 : i32
          %eq3A_1511 = arith.cmpi eq, %jit3A_1509, %eq3A_1510 : i32
          %jit3A_1512 = arith.constant 1 : i32
          %select_n3A_1513 = arith.select %eq3A_1511, %jit3A_1512, %jit3A_1509 : i32
          %rem3A_1514 = arith.remsi %sub3A_1482, %select_n3A_1513 : i32
          %ne3A_1515 = arith.constant 0 : i32
          %ne3A_1516 = arith.cmpi ne, %rem3A_1514, %ne3A_1515 : i32
          %lt3A_1517 = arith.constant 0 : i32
          %lt3A_1518 = arith.cmpi slt, %rem3A_1514, %lt3A_1517 : i32
          %lt3A_1519 = arith.constant 0 : i32
          %lt3A_1520 = arith.cmpi slt, %select_n3A_1513, %lt3A_1519 : i32
          %ne3A_1521 = arith.xori %lt3A_1518, %lt3A_1520 : i1
          %and3A_1522 = arith.andi %ne3A_1521, %ne3A_1516 : i1
          %add3A_1523 = arith.addi %rem3A_1514, %select_n3A_1513 : i32
          %select_n3A_1524 = arith.select %and3A_1522, %add3A_1523, %rem3A_1514 : i32
          %mul3A_1525 = arith.constant 32 : i32
          %mul3A_1526 = arith.muli %select_n3A_1524, %mul3A_1525 : i32
          %add3A_1527 = arith.addi %mul3A_1508, %mul3A_1526 : i32
          %dma_wait3A_1528 = arith.constant 0 : i32
          %dma_wait3A_1529 = tpu.memref_slice %arg5[%select_n3A, %select_n3A_1506, %add3A_1527, %dma_wait3A_1528] : memref<16x3x512x512xf32, #tpu.memory_space<hbm>> -> memref<1x1x32x512xf32, #tpu.memory_space<hbm>>
          %dma_wait3A_1530 = tpu.memref_squeeze %dma_wait3A_1529 : memref<1x1x32x512xf32, #tpu.memory_space<hbm>> -> memref<32x512xf32, #tpu.memory_space<hbm>>
          %dma_wait3A_1531 = arith.constant 0 : i32
          %dma_wait3A_1532 = tpu.memref_slice %arg5[%select_n3A, %select_n3A_1506, %add3A_1527, %dma_wait3A_1531] : memref<16x3x512x512xf32, #tpu.memory_space<hbm>> -> memref<1x1x32x512xf32, #tpu.memory_space<hbm>>
          %dma_wait3A_1533 = tpu.memref_squeeze %dma_wait3A_1532 : memref<1x1x32x512xf32, #tpu.memory_space<hbm>> -> memref<32x512xf32, #tpu.memory_space<hbm>>
          tpu.wait_dma2 semaphore(%arg19 : memref<!tpu.dma_semaphore, #tpu.memory_space<semaphore_mem>>) src(%arg9 : memref<32x512xf32, #tpu.memory_space<vmem>>) dst(%dma_wait3A_1533 : memref<32x512xf32, #tpu.memory_space<hbm>>)
        } else {
        }
        %jit3A_1430 = arith.constant 8 : i32
        %div3A_1431 = arith.divsi %add3A_433, %jit3A_1430 : i32
        %sign3A_1432 = arith.constant 0 : i32
        %sign3A_1433 = arith.cmpi sgt, %add3A_433, %sign3A_1432 : i32
        %sign3A_1434 = arith.extui %sign3A_1433 : i1 to i32
        %sign3A_1435 = arith.constant 0 : i32
        %sign3A_1436 = arith.cmpi slt, %add3A_433, %sign3A_1435 : i32
        %sign3A_1437 = arith.extui %sign3A_1436 : i1 to i32
        %sign3A_1438 = arith.subi %sign3A_1434, %sign3A_1437 : i32
        %sign3A_1439 = arith.constant 0 : i32
        %sign3A_1440 = arith.cmpi sgt, %jit3A_1430, %sign3A_1439 : i32
        %sign3A_1441 = arith.extui %sign3A_1440 : i1 to i32
        %sign3A_1442 = arith.constant 0 : i32
        %sign3A_1443 = arith.cmpi slt, %jit3A_1430, %sign3A_1442 : i32
        %sign3A_1444 = arith.extui %sign3A_1443 : i1 to i32
        %sign3A_1445 = arith.subi %sign3A_1441, %sign3A_1444 : i32
        %ne3A_1446 = arith.cmpi ne, %sign3A_1438, %sign3A_1445 : i32
        %rem3A_1447 = arith.remsi %add3A_433, %jit3A_1430 : i32
        %ne3A_1448 = arith.constant 0 : i32
        %ne3A_1449 = arith.cmpi ne, %rem3A_1447, %ne3A_1448 : i32
        %and3A_1450 = arith.andi %ne3A_1446, %ne3A_1449 : i1
        %sub3A_1451 = arith.constant 1 : i32
        %sub3A_1452 = arith.subi %div3A_1431, %sub3A_1451 : i32
        %select_n3A_1453 = arith.select %and3A_1450, %sub3A_1452, %div3A_1431 : i32
        %mul3A_1454 = arith.constant 256 : i32
        %mul3A_1455 = arith.muli %select_n3A_30, %mul3A_1454 : i32
        %jit3A_1456 = arith.constant 8 : i32
        %eq3A_1457 = arith.constant 0 : i32
        %eq3A_1458 = arith.cmpi eq, %jit3A_1456, %eq3A_1457 : i32
        %jit3A_1459 = arith.constant 1 : i32
        %select_n3A_1460 = arith.select %eq3A_1458, %jit3A_1459, %jit3A_1456 : i32
        %rem3A_1461 = arith.remsi %add3A_433, %select_n3A_1460 : i32
        %ne3A_1462 = arith.constant 0 : i32
        %ne3A_1463 = arith.cmpi ne, %rem3A_1461, %ne3A_1462 : i32
        %lt3A_1464 = arith.constant 0 : i32
        %lt3A_1465 = arith.cmpi slt, %rem3A_1461, %lt3A_1464 : i32
        %lt3A_1466 = arith.constant 0 : i32
        %lt3A_1467 = arith.cmpi slt, %select_n3A_1460, %lt3A_1466 : i32
        %ne3A_1468 = arith.xori %lt3A_1465, %lt3A_1467 : i1
        %and3A_1469 = arith.andi %ne3A_1468, %ne3A_1463 : i1
        %add3A_1470 = arith.addi %rem3A_1461, %select_n3A_1460 : i32
        %select_n3A_1471 = arith.select %and3A_1469, %add3A_1470, %rem3A_1461 : i32
        %mul3A_1472 = arith.constant 32 : i32
        %mul3A_1473 = arith.muli %select_n3A_1471, %mul3A_1472 : i32
        %add3A_1474 = arith.addi %mul3A_1455, %mul3A_1473 : i32
        %dma_start3A_1475 = arith.constant 0 : i32
        %dma_start3A_1476 = tpu.memref_slice %arg2[%select_n3A, %select_n3A_1453, %add3A_1474, %dma_start3A_1475] : memref<16x3x512x512xf32, #tpu.memory_space<hbm>> -> memref<1x1x32x512xf32, #tpu.memory_space<hbm>>
        %dma_start3A_1477 = tpu.memref_squeeze %dma_start3A_1476 : memref<1x1x32x512xf32, #tpu.memory_space<hbm>> -> memref<32x512xf32, #tpu.memory_space<hbm>>
        %dma_start3A_1478 = arith.constant 0 : i32
        %dma_start3A_1479 = tpu.memref_slice %arg2[%select_n3A, %select_n3A_1453, %add3A_1474, %dma_start3A_1478] : memref<16x3x512x512xf32, #tpu.memory_space<hbm>> -> memref<1x1x32x512xf32, #tpu.memory_space<hbm>>
        %dma_start3A_1480 = tpu.memref_squeeze %dma_start3A_1479 : memref<1x1x32x512xf32, #tpu.memory_space<hbm>> -> memref<32x512xf32, #tpu.memory_space<hbm>>
        tpu.enqueue_dma source(%dma_start3A_1480 : memref<32x512xf32, #tpu.memory_space<hbm>>) target(%arg9 : memref<32x512xf32, #tpu.memory_space<vmem>>) target_semaphore(%arg15 : memref<!tpu.dma_semaphore, #tpu.memory_space<semaphore_mem>>)
      } else {
      }
      %jit3A_439 = arith.constant 8 : i32
      %div3A_440 = arith.divsi %add3A_431, %jit3A_439 : i32
      %sign3A_441 = arith.constant 0 : i32
      %sign3A_442 = arith.cmpi sgt, %add3A_431, %sign3A_441 : i32
      %sign3A_443 = arith.extui %sign3A_442 : i1 to i32
      %sign3A_444 = arith.constant 0 : i32
      %sign3A_445 = arith.cmpi slt, %add3A_431, %sign3A_444 : i32
      %sign3A_446 = arith.extui %sign3A_445 : i1 to i32
      %sign3A_447 = arith.subi %sign3A_443, %sign3A_446 : i32
      %sign3A_448 = arith.constant 0 : i32
      %sign3A_449 = arith.cmpi sgt, %jit3A_439, %sign3A_448 : i32
      %sign3A_450 = arith.extui %sign3A_449 : i1 to i32
      %sign3A_451 = arith.constant 0 : i32
      %sign3A_452 = arith.cmpi slt, %jit3A_439, %sign3A_451 : i32
      %sign3A_453 = arith.extui %sign3A_452 : i1 to i32
      %sign3A_454 = arith.subi %sign3A_450, %sign3A_453 : i32
      %ne3A_455 = arith.cmpi ne, %sign3A_447, %sign3A_454 : i32
      %rem3A_456 = arith.remsi %add3A_431, %jit3A_439 : i32
      %ne3A_457 = arith.constant 0 : i32
      %ne3A_458 = arith.cmpi ne, %rem3A_456, %ne3A_457 : i32
      %and3A_459 = arith.andi %ne3A_455, %ne3A_458 : i1
      %sub3A_460 = arith.constant 1 : i32
      %sub3A_461 = arith.subi %div3A_440, %sub3A_460 : i32
      %select_n3A_462 = arith.select %and3A_459, %sub3A_461, %div3A_440 : i32
      %mul3A_463 = arith.constant 256 : i32
      %mul3A_464 = arith.muli %select_n3A_30, %mul3A_463 : i32
      %jit3A_465 = arith.constant 8 : i32
      %eq3A_466 = arith.constant 0 : i32
      %eq3A_467 = arith.cmpi eq, %jit3A_465, %eq3A_466 : i32
      %jit3A_468 = arith.constant 1 : i32
      %select_n3A_469 = arith.select %eq3A_467, %jit3A_468, %jit3A_465 : i32
      %rem3A_470 = arith.remsi %add3A_431, %select_n3A_469 : i32
      %ne3A_471 = arith.constant 0 : i32
      %ne3A_472 = arith.cmpi ne, %rem3A_470, %ne3A_471 : i32
      %lt3A_473 = arith.constant 0 : i32
      %lt3A_474 = arith.cmpi slt, %rem3A_470, %lt3A_473 : i32
      %lt3A_475 = arith.constant 0 : i32
      %lt3A_476 = arith.cmpi slt, %select_n3A_469, %lt3A_475 : i32
      %ne3A_477 = arith.xori %lt3A_474, %lt3A_476 : i1
      %and3A_478 = arith.andi %ne3A_477, %ne3A_472 : i1
      %add3A_479 = arith.addi %rem3A_470, %select_n3A_469 : i32
      %select_n3A_480 = arith.select %and3A_478, %add3A_479, %rem3A_470 : i32
      %mul3A_481 = arith.constant 32 : i32
      %mul3A_482 = arith.muli %select_n3A_480, %mul3A_481 : i32
      %add3A_483 = arith.addi %mul3A_464, %mul3A_482 : i32
      %dma_wait3A_484 = arith.constant 0 : i32
      %dma_wait3A_485 = tpu.memref_slice %arg2[%select_n3A, %select_n3A_462, %add3A_483, %dma_wait3A_484] : memref<16x3x512x512xf32, #tpu.memory_space<hbm>> -> memref<1x1x32x512xf32, #tpu.memory_space<hbm>>
      %dma_wait3A_486 = tpu.memref_squeeze %dma_wait3A_485 : memref<1x1x32x512xf32, #tpu.memory_space<hbm>> -> memref<32x512xf32, #tpu.memory_space<hbm>>
      %dma_wait3A_487 = arith.constant 0 : i32
      %dma_wait3A_488 = tpu.memref_slice %arg2[%select_n3A, %select_n3A_462, %add3A_483, %dma_wait3A_487] : memref<16x3x512x512xf32, #tpu.memory_space<hbm>> -> memref<1x1x32x512xf32, #tpu.memory_space<hbm>>
      %dma_wait3A_489 = tpu.memref_squeeze %dma_wait3A_488 : memref<1x1x32x512xf32, #tpu.memory_space<hbm>> -> memref<32x512xf32, #tpu.memory_space<hbm>>
      tpu.wait_dma2 semaphore(%arg13 : memref<!tpu.dma_semaphore, #tpu.memory_space<semaphore_mem>>) src(%dma_wait3A_489 : memref<32x512xf32, #tpu.memory_space<hbm>>) dst(%arg7 : memref<32x512xf32, #tpu.memory_space<vmem>>)
      %jit3A_490 = arith.constant 8 : i32
      %div3A_491 = arith.divsi %add3A_431, %jit3A_490 : i32
      %sign3A_492 = arith.constant 0 : i32
      %sign3A_493 = arith.cmpi sgt, %add3A_431, %sign3A_492 : i32
      %sign3A_494 = arith.extui %sign3A_493 : i1 to i32
      %sign3A_495 = arith.constant 0 : i32
      %sign3A_496 = arith.cmpi slt, %add3A_431, %sign3A_495 : i32
      %sign3A_497 = arith.extui %sign3A_496 : i1 to i32
      %sign3A_498 = arith.subi %sign3A_494, %sign3A_497 : i32
      %sign3A_499 = arith.constant 0 : i32
      %sign3A_500 = arith.cmpi sgt, %jit3A_490, %sign3A_499 : i32
      %sign3A_501 = arith.extui %sign3A_500 : i1 to i32
      %sign3A_502 = arith.constant 0 : i32
      %sign3A_503 = arith.cmpi slt, %jit3A_490, %sign3A_502 : i32
      %sign3A_504 = arith.extui %sign3A_503 : i1 to i32
      %sign3A_505 = arith.subi %sign3A_501, %sign3A_504 : i32
      %ne3A_506 = arith.cmpi ne, %sign3A_498, %sign3A_505 : i32
      %rem3A_507 = arith.remsi %add3A_431, %jit3A_490 : i32
      %ne3A_508 = arith.constant 0 : i32
      %ne3A_509 = arith.cmpi ne, %rem3A_507, %ne3A_508 : i32
      %and3A_510 = arith.andi %ne3A_506, %ne3A_509 : i1
      %sub3A_511 = arith.constant 1 : i32
      %sub3A_512 = arith.subi %div3A_491, %sub3A_511 : i32
      %select_n3A_513 = arith.select %and3A_510, %sub3A_512, %div3A_491 : i32
      %mul3A_514 = arith.constant 256 : i32
      %mul3A_515 = arith.muli %select_n3A_30, %mul3A_514 : i32
      %jit3A_516 = arith.constant 8 : i32
      %eq3A_517 = arith.constant 0 : i32
      %eq3A_518 = arith.cmpi eq, %jit3A_516, %eq3A_517 : i32
      %jit3A_519 = arith.constant 1 : i32
      %select_n3A_520 = arith.select %eq3A_518, %jit3A_519, %jit3A_516 : i32
      %rem3A_521 = arith.remsi %add3A_431, %select_n3A_520 : i32
      %ne3A_522 = arith.constant 0 : i32
      %ne3A_523 = arith.cmpi ne, %rem3A_521, %ne3A_522 : i32
      %lt3A_524 = arith.constant 0 : i32
      %lt3A_525 = arith.cmpi slt, %rem3A_521, %lt3A_524 : i32
      %lt3A_526 = arith.constant 0 : i32
      %lt3A_527 = arith.cmpi slt, %select_n3A_520, %lt3A_526 : i32
      %ne3A_528 = arith.xori %lt3A_525, %lt3A_527 : i1
      %and3A_529 = arith.andi %ne3A_528, %ne3A_523 : i1
      %add3A_530 = arith.addi %rem3A_521, %select_n3A_520 : i32
      %select_n3A_531 = arith.select %and3A_529, %add3A_530, %rem3A_521 : i32
      %mul3A_532 = arith.constant 32 : i32
      %mul3A_533 = arith.muli %select_n3A_531, %mul3A_532 : i32
      %add3A_534 = arith.addi %mul3A_515, %mul3A_533 : i32
      %slice3A_535 = vector.extract_strided_slice %get3A_53 {offsets = [0], sizes = [1], strides = [1]} : vector<16xi32> to vector<1xi32>
      %squeeze3A_536 = vector.extract %slice3A_535[0] : i32 from vector<1xi32>
      %slice3A_537 = vector.extract_strided_slice %get3A_53 {offsets = [8], sizes = [1], strides = [1]} : vector<16xi32> to vector<1xi32>
      %squeeze3A_538 = vector.extract %slice3A_537[0] : i32 from vector<1xi32>
      %max3A_539 = arith.maxsi %squeeze3A_536, %add3A_534 : i32
      %add3A_540 = arith.constant 64 : i32
      %add3A_541 = arith.addi %squeeze3A_536, %add3A_540 : i32
      %add3A_542 = arith.constant 32 : i32
      %add3A_543 = arith.addi %add3A_534, %add3A_542 : i32
      %min3A_544 = arith.minsi %add3A_541, %add3A_543 : i32
      %mul3A_545 = arith.constant 64 : i32
      %mul3A_546 = arith.muli %select_n3A_513, %mul3A_545 : i32
      %sub3A_547 = arith.subi %mul3A_546, %squeeze3A_536 : i32
      %while3A_548 = arith.constant 0 : i32
      %while3A_549 = arith.subi %min3A_544, %max3A_539 : i32
      %while3A_550 = arith.addi %max3A_539, %while3A_549 : i32
      %while3A_551 = arith.constant 1 : i32
      %while3A_552 = arith.divsi %while3A_549, %while3A_551 : i32
      %while3A_553 = arith.muli %while3A_552, %while3A_551 : i32
      %while3A_554 = arith.addi %max3A_539, %while3A_553 : i32
      %while3A_555 = arith.constant 1 : i32
      scf.for %while3A_1426 = %max3A_539 to %while3A_554 step %while3A_555  : i32 {
        %sub3A_1427 = arith.subi %while3A_1426, %add3A_534 : i32
        %broadcast_in_dim3A = vector.broadcast %sub3A_1427 : i32 to vector<16xi32>
        %add3A_1428 = arith.addi %sub3A_547, %while3A_1426 : i32
        %add3A_1429 = arith.constant 0 : i32
        %add3A_1430 = arith.addi %squeeze3A_538, %add3A_1429 : i32
        %add3A_1431 = vector.broadcast %add3A_1430 : i32 to vector<16xi32>
        %add3A_1432 = arith.addi %add3A_1431, %iota3A : vector<16xi32>
        %get3A_1433 = arith.index_cast %add3A_1428 : i32 to index
        %get3A_1434 = arith.constant 0 : index
        %get3A_1435 = tpu.vector_load %arg10[%get3A_1433, %get3A_1434] {strides = array<i32>} : memref<192x128xf32, #tpu.memory_space<vmem>>, vector<16xf32>,
        tpu.vector_store_idx %arg7[%broadcast_in_dim3A, %add3A_1432], %get3A_1435 : memref<32x512xf32, #tpu.memory_space<vmem>>[vector<16xi32>, vector<16xi32>], vector<16xf32>,
        %add3A_1436 = arith.constant 16 : i32
        %add3A_1437 = arith.addi %squeeze3A_538, %add3A_1436 : i32
        %add3A_1438 = vector.broadcast %add3A_1437 : i32 to vector<16xi32>
        %add3A_1439 = arith.addi %add3A_1438, %iota3A : vector<16xi32>
        %get3A_1440 = arith.index_cast %add3A_1428 : i32 to index
        %get3A_1441 = arith.constant 16 : index
        %get3A_1442 = tpu.vector_load %arg10[%get3A_1440, %get3A_1441] {strides = array<i32>} : memref<192x128xf32, #tpu.memory_space<vmem>>, vector<16xf32>,
        tpu.vector_store_idx %arg7[%broadcast_in_dim3A, %add3A_1439], %get3A_1442 : memref<32x512xf32, #tpu.memory_space<vmem>>[vector<16xi32>, vector<16xi32>], vector<16xf32>,
        %add3A_1443 = arith.constant 32 : i32
        %add3A_1444 = arith.addi %squeeze3A_538, %add3A_1443 : i32
        %add3A_1445 = vector.broadcast %add3A_1444 : i32 to vector<16xi32>
        %add3A_1446 = arith.addi %add3A_1445, %iota3A : vector<16xi32>
        %get3A_1447 = arith.index_cast %add3A_1428 : i32 to index
        %get3A_1448 = arith.constant 32 : index
        %get3A_1449 = tpu.vector_load %arg10[%get3A_1447, %get3A_1448] {strides = array<i32>} : memref<192x128xf32, #tpu.memory_space<vmem>>, vector<16xf32>,
        tpu.vector_store_idx %arg7[%broadcast_in_dim3A, %add3A_1446], %get3A_1449 : memref<32x512xf32, #tpu.memory_space<vmem>>[vector<16xi32>, vector<16xi32>], vector<16xf32>,
        %add3A_1450 = arith.constant 48 : i32
        %add3A_1451 = arith.addi %squeeze3A_538, %add3A_1450 : i32
        %add3A_1452 = vector.broadcast %add3A_1451 : i32 to vector<16xi32>
        %add3A_1453 = arith.addi %add3A_1452, %iota3A : vector<16xi32>
        %get3A_1454 = arith.index_cast %add3A_1428 : i32 to index
        %get3A_1455 = arith.constant 48 : index
        %get3A_1456 = tpu.vector_load %arg10[%get3A_1454, %get3A_1455] {strides = array<i32>} : memref<192x128xf32, #tpu.memory_space<vmem>>, vector<16xf32>,
        tpu.vector_store_idx %arg7[%broadcast_in_dim3A, %add3A_1453], %get3A_1456 : memref<32x512xf32, #tpu.memory_space<vmem>>[vector<16xi32>, vector<16xi32>], vector<16xf32>,
      }
      %while3A_556 = arith.constant 1 : i32
      scf.for %while3A_1426 = %while3A_554 to %while3A_550 step %while3A_556  : i32 {
        %sub3A_1427 = arith.subi %while3A_1426, %add3A_534 : i32
        %broadcast_in_dim3A = vector.broadcast %sub3A_1427 : i32 to vector<16xi32>
        %add3A_1428 = arith.addi %sub3A_547, %while3A_1426 : i32
        %add3A_1429 = arith.constant 0 : i32
        %add3A_1430 = arith.addi %squeeze3A_538, %add3A_1429 : i32
        %add3A_1431 = vector.broadcast %add3A_1430 : i32 to vector<16xi32>
        %add3A_1432 = arith.addi %add3A_1431, %iota3A : vector<16xi32>
        %get3A_1433 = arith.index_cast %add3A_1428 : i32 to index
        %get3A_1434 = arith.constant 0 : index
        %get3A_1435 = tpu.vector_load %arg10[%get3A_1433, %get3A_1434] {strides = array<i32>} : memref<192x128xf32, #tpu.memory_space<vmem>>, vector<16xf32>,
        tpu.vector_store_idx %arg7[%broadcast_in_dim3A, %add3A_1432], %get3A_1435 : memref<32x512xf32, #tpu.memory_space<vmem>>[vector<16xi32>, vector<16xi32>], vector<16xf32>,
        %add3A_1436 = arith.constant 16 : i32
        %add3A_1437 = arith.addi %squeeze3A_538, %add3A_1436 : i32
        %add3A_1438 = vector.broadcast %add3A_1437 : i32 to vector<16xi32>
        %add3A_1439 = arith.addi %add3A_1438, %iota3A : vector<16xi32>
        %get3A_1440 = arith.index_cast %add3A_1428 : i32 to index
        %get3A_1441 = arith.constant 16 : index
        %get3A_1442 = tpu.vector_load %arg10[%get3A_1440, %get3A_1441] {strides = array<i32>} : memref<192x128xf32, #tpu.memory_space<vmem>>, vector<16xf32>,
        tpu.vector_store_idx %arg7[%broadcast_in_dim3A, %add3A_1439], %get3A_1442 : memref<32x512xf32, #tpu.memory_space<vmem>>[vector<16xi32>, vector<16xi32>], vector<16xf32>,
        %add3A_1443 = arith.constant 32 : i32
        %add3A_1444 = arith.addi %squeeze3A_538, %add3A_1443 : i32
        %add3A_1445 = vector.broadcast %add3A_1444 : i32 to vector<16xi32>
        %add3A_1446 = arith.addi %add3A_1445, %iota3A : vector<16xi32>
        %get3A_1447 = arith.index_cast %add3A_1428 : i32 to index
        %get3A_1448 = arith.constant 32 : index
        %get3A_1449 = tpu.vector_load %arg10[%get3A_1447, %get3A_1448] {strides = array<i32>} : memref<192x128xf32, #tpu.memory_space<vmem>>, vector<16xf32>,
        tpu.vector_store_idx %arg7[%broadcast_in_dim3A, %add3A_1446], %get3A_1449 : memref<32x512xf32, #tpu.memory_space<vmem>>[vector<16xi32>, vector<16xi32>], vector<16xf32>,
        %add3A_1450 = arith.constant 48 : i32
        %add3A_1451 = arith.addi %squeeze3A_538, %add3A_1450 : i32
        %add3A_1452 = vector.broadcast %add3A_1451 : i32 to vector<16xi32>
        %add3A_1453 = arith.addi %add3A_1452, %iota3A : vector<16xi32>
        %get3A_1454 = arith.index_cast %add3A_1428 : i32 to index
        %get3A_1455 = arith.constant 48 : index
        %get3A_1456 = tpu.vector_load %arg10[%get3A_1454, %get3A_1455] {strides = array<i32>} : memref<192x128xf32, #tpu.memory_space<vmem>>, vector<16xf32>,
        tpu.vector_store_idx %arg7[%broadcast_in_dim3A, %add3A_1453], %get3A_1456 : memref<32x512xf32, #tpu.memory_space<vmem>>[vector<16xi32>, vector<16xi32>], vector<16xf32>,
      }
      %slice3A_557 = vector.extract_strided_slice %get3A_53 {offsets = [1], sizes = [1], strides = [1]} : vector<16xi32> to vector<1xi32>
      %squeeze3A_558 = vector.extract %slice3A_557[0] : i32 from vector<1xi32>
      %slice3A_559 = vector.extract_strided_slice %get3A_53 {offsets = [9], sizes = [1], strides = [1]} : vector<16xi32> to vector<1xi32>
      %squeeze3A_560 = vector.extract %slice3A_559[0] : i32 from vector<1xi32>
      %max3A_561 = arith.maxsi %squeeze3A_558, %add3A_534 : i32
      %add3A_562 = arith.constant 64 : i32
      %add3A_563 = arith.addi %squeeze3A_558, %add3A_562 : i32
      %add3A_564 = arith.constant 32 : i32
      %add3A_565 = arith.addi %add3A_534, %add3A_564 : i32
      %min3A_566 = arith.minsi %add3A_563, %add3A_565 : i32
      %mul3A_567 = arith.constant 64 : i32
      %mul3A_568 = arith.muli %select_n3A_513, %mul3A_567 : i32
      %sub3A_569 = arith.subi %mul3A_568, %squeeze3A_558 : i32
      %while3A_570 = arith.constant 0 : i32
      %while3A_571 = arith.subi %min3A_566, %max3A_561 : i32
      %while3A_572 = arith.addi %max3A_561, %while3A_571 : i32
      %while3A_573 = arith.constant 1 : i32
      %while3A_574 = arith.divsi %while3A_571, %while3A_573 : i32
      %while3A_575 = arith.muli %while3A_574, %while3A_573 : i32
      %while3A_576 = arith.addi %max3A_561, %while3A_575 : i32
      %while3A_577 = arith.constant 1 : i32
      scf.for %while3A_1426 = %max3A_561 to %while3A_576 step %while3A_577  : i32 {
        %sub3A_1427 = arith.subi %while3A_1426, %add3A_534 : i32
        %broadcast_in_dim3A = vector.broadcast %sub3A_1427 : i32 to vector<16xi32>
        %add3A_1428 = arith.addi %sub3A_569, %while3A_1426 : i32
        %add3A_1429 = arith.constant 0 : i32
        %add3A_1430 = arith.addi %squeeze3A_560, %add3A_1429 : i32
        %add3A_1431 = vector.broadcast %add3A_1430 : i32 to vector<16xi32>
        %add3A_1432 = arith.addi %add3A_1431, %iota3A : vector<16xi32>
        %get3A_1433 = arith.index_cast %add3A_1428 : i32 to index
        %get3A_1434 = arith.constant 0 : index
        %get3A_1435 = tpu.vector_load %arg10[%get3A_1433, %get3A_1434] {strides = array<i32>} : memref<192x128xf32, #tpu.memory_space<vmem>>, vector<16xf32>,
        tpu.vector_store_idx %arg7[%broadcast_in_dim3A, %add3A_1432], %get3A_1435 : memref<32x512xf32, #tpu.memory_space<vmem>>[vector<16xi32>, vector<16xi32>], vector<16xf32>,
        %add3A_1436 = arith.constant 16 : i32
        %add3A_1437 = arith.addi %squeeze3A_560, %add3A_1436 : i32
        %add3A_1438 = vector.broadcast %add3A_1437 : i32 to vector<16xi32>
        %add3A_1439 = arith.addi %add3A_1438, %iota3A : vector<16xi32>
        %get3A_1440 = arith.index_cast %add3A_1428 : i32 to index
        %get3A_1441 = arith.constant 16 : index
        %get3A_1442 = tpu.vector_load %arg10[%get3A_1440, %get3A_1441] {strides = array<i32>} : memref<192x128xf32, #tpu.memory_space<vmem>>, vector<16xf32>,
        tpu.vector_store_idx %arg7[%broadcast_in_dim3A, %add3A_1439], %get3A_1442 : memref<32x512xf32, #tpu.memory_space<vmem>>[vector<16xi32>, vector<16xi32>], vector<16xf32>,
        %add3A_1443 = arith.constant 32 : i32
        %add3A_1444 = arith.addi %squeeze3A_560, %add3A_1443 : i32
        %add3A_1445 = vector.broadcast %add3A_1444 : i32 to vector<16xi32>
        %add3A_1446 = arith.addi %add3A_1445, %iota3A : vector<16xi32>
        %get3A_1447 = arith.index_cast %add3A_1428 : i32 to index
        %get3A_1448 = arith.constant 32 : index
        %get3A_1449 = tpu.vector_load %arg10[%get3A_1447, %get3A_1448] {strides = array<i32>} : memref<192x128xf32, #tpu.memory_space<vmem>>, vector<16xf32>,
        tpu.vector_store_idx %arg7[%broadcast_in_dim3A, %add3A_1446], %get3A_1449 : memref<32x512xf32, #tpu.memory_space<vmem>>[vector<16xi32>, vector<16xi32>], vector<16xf32>,
        %add3A_1450 = arith.constant 48 : i32
        %add3A_1451 = arith.addi %squeeze3A_560, %add3A_1450 : i32
        %add3A_1452 = vector.broadcast %add3A_1451 : i32 to vector<16xi32>
        %add3A_1453 = arith.addi %add3A_1452, %iota3A : vector<16xi32>
        %get3A_1454 = arith.index_cast %add3A_1428 : i32 to index
        %get3A_1455 = arith.constant 48 : index
        %get3A_1456 = tpu.vector_load %arg10[%get3A_1454, %get3A_1455] {strides = array<i32>} : memref<192x128xf32, #tpu.memory_space<vmem>>, vector<16xf32>,
        tpu.vector_store_idx %arg7[%broadcast_in_dim3A, %add3A_1453], %get3A_1456 : memref<32x512xf32, #tpu.memory_space<vmem>>[vector<16xi32>, vector<16xi32>], vector<16xf32>,
      }
      %while3A_578 = arith.constant 1 : i32
      scf.for %while3A_1426 = %while3A_576 to %while3A_572 step %while3A_578  : i32 {
        %sub3A_1427 = arith.subi %while3A_1426, %add3A_534 : i32
        %broadcast_in_dim3A = vector.broadcast %sub3A_1427 : i32 to vector<16xi32>
        %add3A_1428 = arith.addi %sub3A_569, %while3A_1426 : i32
        %add3A_1429 = arith.constant 0 : i32
        %add3A_1430 = arith.addi %squeeze3A_560, %add3A_1429 : i32
        %add3A_1431 = vector.broadcast %add3A_1430 : i32 to vector<16xi32>
        %add3A_1432 = arith.addi %add3A_1431, %iota3A : vector<16xi32>
        %get3A_1433 = arith.index_cast %add3A_1428 : i32 to index
        %get3A_1434 = arith.constant 0 : index
        %get3A_1435 = tpu.vector_load %arg10[%get3A_1433, %get3A_1434] {strides = array<i32>} : memref<192x128xf32, #tpu.memory_space<vmem>>, vector<16xf32>,
        tpu.vector_store_idx %arg7[%broadcast_in_dim3A, %add3A_1432], %get3A_1435 : memref<32x512xf32, #tpu.memory_space<vmem>>[vector<16xi32>, vector<16xi32>], vector<16xf32>,
        %add3A_1436 = arith.constant 16 : i32
        %add3A_1437 = arith.addi %squeeze3A_560, %add3A_1436 : i32
        %add3A_1438 = vector.broadcast %add3A_1437 : i32 to vector<16xi32>
        %add3A_1439 = arith.addi %add3A_1438, %iota3A : vector<16xi32>
        %get3A_1440 = arith.index_cast %add3A_1428 : i32 to index
        %get3A_1441 = arith.constant 16 : index
        %get3A_1442 = tpu.vector_load %arg10[%get3A_1440, %get3A_1441] {strides = array<i32>} : memref<192x128xf32, #tpu.memory_space<vmem>>, vector<16xf32>,
        tpu.vector_store_idx %arg7[%broadcast_in_dim3A, %add3A_1439], %get3A_1442 : memref<32x512xf32, #tpu.memory_space<vmem>>[vector<16xi32>, vector<16xi32>], vector<16xf32>,
        %add3A_1443 = arith.constant 32 : i32
        %add3A_1444 = arith.addi %squeeze3A_560, %add3A_1443 : i32
        %add3A_1445 = vector.broadcast %add3A_1444 : i32 to vector<16xi32>
        %add3A_1446 = arith.addi %add3A_1445, %iota3A : vector<16xi32>
        %get3A_1447 = arith.index_cast %add3A_1428 : i32 to index
        %get3A_1448 = arith.constant 32 : index
        %get3A_1449 = tpu.vector_load %arg10[%get3A_1447, %get3A_1448] {strides = array<i32>} : memref<192x128xf32, #tpu.memory_space<vmem>>, vector<16xf32>,
        tpu.vector_store_idx %arg7[%broadcast_in_dim3A, %add3A_1446], %get3A_1449 : memref<32x512xf32, #tpu.memory_space<vmem>>[vector<16xi32>, vector<16xi32>], vector<16xf32>,
        %add3A_1450 = arith.constant 48 : i32
        %add3A_1451 = arith.addi %squeeze3A_560, %add3A_1450 : i32
        %add3A_1452 = vector.broadcast %add3A_1451 : i32 to vector<16xi32>
        %add3A_1453 = arith.addi %add3A_1452, %iota3A : vector<16xi32>
        %get3A_1454 = arith.index_cast %add3A_1428 : i32 to index
        %get3A_1455 = arith.constant 48 : index
        %get3A_1456 = tpu.vector_load %arg10[%get3A_1454, %get3A_1455] {strides = array<i32>} : memref<192x128xf32, #tpu.memory_space<vmem>>, vector<16xf32>,
        tpu.vector_store_idx %arg7[%broadcast_in_dim3A, %add3A_1453], %get3A_1456 : memref<32x512xf32, #tpu.memory_space<vmem>>[vector<16xi32>, vector<16xi32>], vector<16xf32>,
      }
      %slice3A_579 = vector.extract_strided_slice %get3A_53 {offsets = [2], sizes = [1], strides = [1]} : vector<16xi32> to vector<1xi32>
      %squeeze3A_580 = vector.extract %slice3A_579[0] : i32 from vector<1xi32>
      %slice3A_581 = vector.extract_strided_slice %get3A_53 {offsets = [10], sizes = [1], strides = [1]} : vector<16xi32> to vector<1xi32>
      %squeeze3A_582 = vector.extract %slice3A_581[0] : i32 from vector<1xi32>
      %max3A_583 = arith.maxsi %squeeze3A_580, %add3A_534 : i32
      %add3A_584 = arith.constant 64 : i32
      %add3A_585 = arith.addi %squeeze3A_580, %add3A_584 : i32
      %add3A_586 = arith.constant 32 : i32
      %add3A_587 = arith.addi %add3A_534, %add3A_586 : i32
      %min3A_588 = arith.minsi %add3A_585, %add3A_587 : i32
      %mul3A_589 = arith.constant 64 : i32
      %mul3A_590 = arith.muli %select_n3A_513, %mul3A_589 : i32
      %sub3A_591 = arith.subi %mul3A_590, %squeeze3A_580 : i32
      %while3A_592 = arith.constant 0 : i32
      %while3A_593 = arith.subi %min3A_588, %max3A_583 : i32
      %while3A_594 = arith.addi %max3A_583, %while3A_593 : i32
      %while3A_595 = arith.constant 1 : i32
      %while3A_596 = arith.divsi %while3A_593, %while3A_595 : i32
      %while3A_597 = arith.muli %while3A_596, %while3A_595 : i32
      %while3A_598 = arith.addi %max3A_583, %while3A_597 : i32
      %while3A_599 = arith.constant 1 : i32
      scf.for %while3A_1426 = %max3A_583 to %while3A_598 step %while3A_599  : i32 {
        %sub3A_1427 = arith.subi %while3A_1426, %add3A_534 : i32
        %broadcast_in_dim3A = vector.broadcast %sub3A_1427 : i32 to vector<16xi32>
        %add3A_1428 = arith.addi %sub3A_591, %while3A_1426 : i32
        %add3A_1429 = arith.constant 0 : i32
        %add3A_1430 = arith.addi %squeeze3A_582, %add3A_1429 : i32
        %add3A_1431 = vector.broadcast %add3A_1430 : i32 to vector<16xi32>
        %add3A_1432 = arith.addi %add3A_1431, %iota3A : vector<16xi32>
        %get3A_1433 = arith.index_cast %add3A_1428 : i32 to index
        %get3A_1434 = arith.constant 0 : index
        %get3A_1435 = tpu.vector_load %arg10[%get3A_1433, %get3A_1434] {strides = array<i32>} : memref<192x128xf32, #tpu.memory_space<vmem>>, vector<16xf32>,
        tpu.vector_store_idx %arg7[%broadcast_in_dim3A, %add3A_1432], %get3A_1435 : memref<32x512xf32, #tpu.memory_space<vmem>>[vector<16xi32>, vector<16xi32>], vector<16xf32>,
        %add3A_1436 = arith.constant 16 : i32
        %add3A_1437 = arith.addi %squeeze3A_582, %add3A_1436 : i32
        %add3A_1438 = vector.broadcast %add3A_1437 : i32 to vector<16xi32>
        %add3A_1439 = arith.addi %add3A_1438, %iota3A : vector<16xi32>
        %get3A_1440 = arith.index_cast %add3A_1428 : i32 to index
        %get3A_1441 = arith.constant 16 : index
        %get3A_1442 = tpu.vector_load %arg10[%get3A_1440, %get3A_1441] {strides = array<i32>} : memref<192x128xf32, #tpu.memory_space<vmem>>, vector<16xf32>,
        tpu.vector_store_idx %arg7[%broadcast_in_dim3A, %add3A_1439], %get3A_1442 : memref<32x512xf32, #tpu.memory_space<vmem>>[vector<16xi32>, vector<16xi32>], vector<16xf32>,
        %add3A_1443 = arith.constant 32 : i32
        %add3A_1444 = arith.addi %squeeze3A_582, %add3A_1443 : i32
        %add3A_1445 = vector.broadcast %add3A_1444 : i32 to vector<16xi32>
        %add3A_1446 = arith.addi %add3A_1445, %iota3A : vector<16xi32>
        %get3A_1447 = arith.index_cast %add3A_1428 : i32 to index
        %get3A_1448 = arith.constant 32 : index
        %get3A_1449 = tpu.vector_load %arg10[%get3A_1447, %get3A_1448] {strides = array<i32>} : memref<192x128xf32, #tpu.memory_space<vmem>>, vector<16xf32>,
        tpu.vector_store_idx %arg7[%broadcast_in_dim3A, %add3A_1446], %get3A_1449 : memref<32x512xf32, #tpu.memory_space<vmem>>[vector<16xi32>, vector<16xi32>], vector<16xf32>,
        %add3A_1450 = arith.constant 48 : i32
        %add3A_1451 = arith.addi %squeeze3A_582, %add3A_1450 : i32
        %add3A_1452 = vector.broadcast %add3A_1451 : i32 to vector<16xi32>
        %add3A_1453 = arith.addi %add3A_1452, %iota3A : vector<16xi32>
        %get3A_1454 = arith.index_cast %add3A_1428 : i32 to index
        %get3A_1455 = arith.constant 48 : index
        %get3A_1456 = tpu.vector_load %arg10[%get3A_1454, %get3A_1455] {strides = array<i32>} : memref<192x128xf32, #tpu.memory_space<vmem>>, vector<16xf32>,
        tpu.vector_store_idx %arg7[%broadcast_in_dim3A, %add3A_1453], %get3A_1456 : memref<32x512xf32, #tpu.memory_space<vmem>>[vector<16xi32>, vector<16xi32>], vector<16xf32>,
      }
      %while3A_600 = arith.constant 1 : i32
      scf.for %while3A_1426 = %while3A_598 to %while3A_594 step %while3A_600  : i32 {
        %sub3A_1427 = arith.subi %while3A_1426, %add3A_534 : i32
        %broadcast_in_dim3A = vector.broadcast %sub3A_1427 : i32 to vector<16xi32>
        %add3A_1428 = arith.addi %sub3A_591, %while3A_1426 : i32
        %add3A_1429 = arith.constant 0 : i32
        %add3A_1430 = arith.addi %squeeze3A_582, %add3A_1429 : i32
        %add3A_1431 = vector.broadcast %add3A_1430 : i32 to vector<16xi32>
        %add3A_1432 = arith.addi %add3A_1431, %iota3A : vector<16xi32>
        %get3A_1433 = arith.index_cast %add3A_1428 : i32 to index
        %get3A_1434 = arith.constant 0 : index
        %get3A_1435 = tpu.vector_load %arg10[%get3A_1433, %get3A_1434] {strides = array<i32>} : memref<192x128xf32, #tpu.memory_space<vmem>>, vector<16xf32>,
        tpu.vector_store_idx %arg7[%broadcast_in_dim3A, %add3A_1432], %get3A_1435 : memref<32x512xf32, #tpu.memory_space<vmem>>[vector<16xi32>, vector<16xi32>], vector<16xf32>,
        %add3A_1436 = arith.constant 16 : i32
        %add3A_1437 = arith.addi %squeeze3A_582, %add3A_1436 : i32
        %add3A_1438 = vector.broadcast %add3A_1437 : i32 to vector<16xi32>
        %add3A_1439 = arith.addi %add3A_1438, %iota3A : vector<16xi32>
        %get3A_1440 = arith.index_cast %add3A_1428 : i32 to index
        %get3A_1441 = arith.constant 16 : index
        %get3A_1442 = tpu.vector_load %arg10[%get3A_1440, %get3A_1441] {strides = array<i32>} : memref<192x128xf32, #tpu.memory_space<vmem>>, vector<16xf32>,
        tpu.vector_store_idx %arg7[%broadcast_in_dim3A, %add3A_1439], %get3A_1442 : memref<32x512xf32, #tpu.memory_space<vmem>>[vector<16xi32>, vector<16xi32>], vector<16xf32>,
        %add3A_1443 = arith.constant 32 : i32
        %add3A_1444 = arith.addi %squeeze3A_582, %add3A_1443 : i32
        %add3A_1445 = vector.broadcast %add3A_1444 : i32 to vector<16xi32>
        %add3A_1446 = arith.addi %add3A_1445, %iota3A : vector<16xi32>
        %get3A_1447 = arith.index_cast %add3A_1428 : i32 to index
        %get3A_1448 = arith.constant 32 : index
        %get3A_1449 = tpu.vector_load %arg10[%get3A_1447, %get3A_1448] {strides = array<i32>} : memref<192x128xf32, #tpu.memory_space<vmem>>, vector<16xf32>,
        tpu.vector_store_idx %arg7[%broadcast_in_dim3A, %add3A_1446], %get3A_1449 : memref<32x512xf32, #tpu.memory_space<vmem>>[vector<16xi32>, vector<16xi32>], vector<16xf32>,
        %add3A_1450 = arith.constant 48 : i32
        %add3A_1451 = arith.addi %squeeze3A_582, %add3A_1450 : i32
        %add3A_1452 = vector.broadcast %add3A_1451 : i32 to vector<16xi32>
        %add3A_1453 = arith.addi %add3A_1452, %iota3A : vector<16xi32>
        %get3A_1454 = arith.index_cast %add3A_1428 : i32 to index
        %get3A_1455 = arith.constant 48 : index
        %get3A_1456 = tpu.vector_load %arg10[%get3A_1454, %get3A_1455] {strides = array<i32>} : memref<192x128xf32, #tpu.memory_space<vmem>>, vector<16xf32>,
        tpu.vector_store_idx %arg7[%broadcast_in_dim3A, %add3A_1453], %get3A_1456 : memref<32x512xf32, #tpu.memory_space<vmem>>[vector<16xi32>, vector<16xi32>], vector<16xf32>,
      }
      %slice3A_601 = vector.extract_strided_slice %get3A_53 {offsets = [3], sizes = [1], strides = [1]} : vector<16xi32> to vector<1xi32>
      %squeeze3A_602 = vector.extract %slice3A_601[0] : i32 from vector<1xi32>
      %slice3A_603 = vector.extract_strided_slice %get3A_53 {offsets = [11], sizes = [1], strides = [1]} : vector<16xi32> to vector<1xi32>
      %squeeze3A_604 = vector.extract %slice3A_603[0] : i32 from vector<1xi32>
      %max3A_605 = arith.maxsi %squeeze3A_602, %add3A_534 : i32
      %add3A_606 = arith.constant 64 : i32
      %add3A_607 = arith.addi %squeeze3A_602, %add3A_606 : i32
      %add3A_608 = arith.constant 32 : i32
      %add3A_609 = arith.addi %add3A_534, %add3A_608 : i32
      %min3A_610 = arith.minsi %add3A_607, %add3A_609 : i32
      %mul3A_611 = arith.constant 64 : i32
      %mul3A_612 = arith.muli %select_n3A_513, %mul3A_611 : i32
      %sub3A_613 = arith.subi %mul3A_612, %squeeze3A_602 : i32
      %while3A_614 = arith.constant 0 : i32
      %while3A_615 = arith.subi %min3A_610, %max3A_605 : i32
      %while3A_616 = arith.addi %max3A_605, %while3A_615 : i32
      %while3A_617 = arith.constant 1 : i32
      %while3A_618 = arith.divsi %while3A_615, %while3A_617 : i32
      %while3A_619 = arith.muli %while3A_618, %while3A_617 : i32
      %while3A_620 = arith.addi %max3A_605, %while3A_619 : i32
      %while3A_621 = arith.constant 1 : i32
      scf.for %while3A_1426 = %max3A_605 to %while3A_620 step %while3A_621  : i32 {
        %sub3A_1427 = arith.subi %while3A_1426, %add3A_534 : i32
        %broadcast_in_dim3A = vector.broadcast %sub3A_1427 : i32 to vector<16xi32>
        %add3A_1428 = arith.addi %sub3A_613, %while3A_1426 : i32
        %add3A_1429 = arith.constant 0 : i32
        %add3A_1430 = arith.addi %squeeze3A_604, %add3A_1429 : i32
        %add3A_1431 = vector.broadcast %add3A_1430 : i32 to vector<16xi32>
        %add3A_1432 = arith.addi %add3A_1431, %iota3A : vector<16xi32>
        %get3A_1433 = arith.index_cast %add3A_1428 : i32 to index
        %get3A_1434 = arith.constant 0 : index
        %get3A_1435 = tpu.vector_load %arg10[%get3A_1433, %get3A_1434] {strides = array<i32>} : memref<192x128xf32, #tpu.memory_space<vmem>>, vector<16xf32>,
        tpu.vector_store_idx %arg7[%broadcast_in_dim3A, %add3A_1432], %get3A_1435 : memref<32x512xf32, #tpu.memory_space<vmem>>[vector<16xi32>, vector<16xi32>], vector<16xf32>,
        %add3A_1436 = arith.constant 16 : i32
        %add3A_1437 = arith.addi %squeeze3A_604, %add3A_1436 : i32
        %add3A_1438 = vector.broadcast %add3A_1437 : i32 to vector<16xi32>
        %add3A_1439 = arith.addi %add3A_1438, %iota3A : vector<16xi32>
        %get3A_1440 = arith.index_cast %add3A_1428 : i32 to index
        %get3A_1441 = arith.constant 16 : index
        %get3A_1442 = tpu.vector_load %arg10[%get3A_1440, %get3A_1441] {strides = array<i32>} : memref<192x128xf32, #tpu.memory_space<vmem>>, vector<16xf32>,
        tpu.vector_store_idx %arg7[%broadcast_in_dim3A, %add3A_1439], %get3A_1442 : memref<32x512xf32, #tpu.memory_space<vmem>>[vector<16xi32>, vector<16xi32>], vector<16xf32>,
        %add3A_1443 = arith.constant 32 : i32
        %add3A_1444 = arith.addi %squeeze3A_604, %add3A_1443 : i32
        %add3A_1445 = vector.broadcast %add3A_1444 : i32 to vector<16xi32>
        %add3A_1446 = arith.addi %add3A_1445, %iota3A : vector<16xi32>
        %get3A_1447 = arith.index_cast %add3A_1428 : i32 to index
        %get3A_1448 = arith.constant 32 : index
        %get3A_1449 = tpu.vector_load %arg10[%get3A_1447, %get3A_1448] {strides = array<i32>} : memref<192x128xf32, #tpu.memory_space<vmem>>, vector<16xf32>,
        tpu.vector_store_idx %arg7[%broadcast_in_dim3A, %add3A_1446], %get3A_1449 : memref<32x512xf32, #tpu.memory_space<vmem>>[vector<16xi32>, vector<16xi32>], vector<16xf32>,
        %add3A_1450 = arith.constant 48 : i32
        %add3A_1451 = arith.addi %squeeze3A_604, %add3A_1450 : i32
        %add3A_1452 = vector.broadcast %add3A_1451 : i32 to vector<16xi32>
        %add3A_1453 = arith.addi %add3A_1452, %iota3A : vector<16xi32>
        %get3A_1454 = arith.index_cast %add3A_1428 : i32 to index
        %get3A_1455 = arith.constant 48 : index
        %get3A_1456 = tpu.vector_load %arg10[%get3A_1454, %get3A_1455] {strides = array<i32>} : memref<192x128xf32, #tpu.memory_space<vmem>>, vector<16xf32>,
        tpu.vector_store_idx %arg7[%broadcast_in_dim3A, %add3A_1453], %get3A_1456 : memref<32x512xf32, #tpu.memory_space<vmem>>[vector<16xi32>, vector<16xi32>], vector<16xf32>,
      }
      %while3A_622 = arith.constant 1 : i32
      scf.for %while3A_1426 = %while3A_620 to %while3A_616 step %while3A_622  : i32 {
        %sub3A_1427 = arith.subi %while3A_1426, %add3A_534 : i32
        %broadcast_in_dim3A = vector.broadcast %sub3A_1427 : i32 to vector<16xi32>
        %add3A_1428 = arith.addi %sub3A_613, %while3A_1426 : i32
        %add3A_1429 = arith.constant 0 : i32
        %add3A_1430 = arith.addi %squeeze3A_604, %add3A_1429 : i32
        %add3A_1431 = vector.broadcast %add3A_1430 : i32 to vector<16xi32>
        %add3A_1432 = arith.addi %add3A_1431, %iota3A : vector<16xi32>
        %get3A_1433 = arith.index_cast %add3A_1428 : i32 to index
        %get3A_1434 = arith.constant 0 : index
        %get3A_1435 = tpu.vector_load %arg10[%get3A_1433, %get3A_1434] {strides = array<i32>} : memref<192x128xf32, #tpu.memory_space<vmem>>, vector<16xf32>,
        tpu.vector_store_idx %arg7[%broadcast_in_dim3A, %add3A_1432], %get3A_1435 : memref<32x512xf32, #tpu.memory_space<vmem>>[vector<16xi32>, vector<16xi32>], vector<16xf32>,
        %add3A_1436 = arith.constant 16 : i32
        %add3A_1437 = arith.addi %squeeze3A_604, %add3A_1436 : i32
        %add3A_1438 = vector.broadcast %add3A_1437 : i32 to vector<16xi32>
        %add3A_1439 = arith.addi %add3A_1438, %iota3A : vector<16xi32>
        %get3A_1440 = arith.index_cast %add3A_1428 : i32 to index
        %get3A_1441 = arith.constant 16 : index
        %get3A_1442 = tpu.vector_load %arg10[%get3A_1440, %get3A_1441] {strides = array<i32>} : memref<192x128xf32, #tpu.memory_space<vmem>>, vector<16xf32>,
        tpu.vector_store_idx %arg7[%broadcast_in_dim3A, %add3A_1439], %get3A_1442 : memref<32x512xf32, #tpu.memory_space<vmem>>[vector<16xi32>, vector<16xi32>], vector<16xf32>,
        %add3A_1443 = arith.constant 32 : i32
        %add3A_1444 = arith.addi %squeeze3A_604, %add3A_1443 : i32
        %add3A_1445 = vector.broadcast %add3A_1444 : i32 to vector<16xi32>
        %add3A_1446 = arith.addi %add3A_1445, %iota3A : vector<16xi32>
        %get3A_1447 = arith.index_cast %add3A_1428 : i32 to index
        %get3A_1448 = arith.constant 32 : index
        %get3A_1449 = tpu.vector_load %arg10[%get3A_1447, %get3A_1448] {strides = array<i32>} : memref<192x128xf32, #tpu.memory_space<vmem>>, vector<16xf32>,
        tpu.vector_store_idx %arg7[%broadcast_in_dim3A, %add3A_1446], %get3A_1449 : memref<32x512xf32, #tpu.memory_space<vmem>>[vector<16xi32>, vector<16xi32>], vector<16xf32>,
        %add3A_1450 = arith.constant 48 : i32
        %add3A_1451 = arith.addi %squeeze3A_604, %add3A_1450 : i32
        %add3A_1452 = vector.broadcast %add3A_1451 : i32 to vector<16xi32>
        %add3A_1453 = arith.addi %add3A_1452, %iota3A : vector<16xi32>
        %get3A_1454 = arith.index_cast %add3A_1428 : i32 to index
        %get3A_1455 = arith.constant 48 : index
        %get3A_1456 = tpu.vector_load %arg10[%get3A_1454, %get3A_1455] {strides = array<i32>} : memref<192x128xf32, #tpu.memory_space<vmem>>, vector<16xf32>,
        tpu.vector_store_idx %arg7[%broadcast_in_dim3A, %add3A_1453], %get3A_1456 : memref<32x512xf32, #tpu.memory_space<vmem>>[vector<16xi32>, vector<16xi32>], vector<16xf32>,
      }
      %slice3A_623 = vector.extract_strided_slice %get3A_53 {offsets = [4], sizes = [1], strides = [1]} : vector<16xi32> to vector<1xi32>
      %squeeze3A_624 = vector.extract %slice3A_623[0] : i32 from vector<1xi32>
      %slice3A_625 = vector.extract_strided_slice %get3A_53 {offsets = [12], sizes = [1], strides = [1]} : vector<16xi32> to vector<1xi32>
      %squeeze3A_626 = vector.extract %slice3A_625[0] : i32 from vector<1xi32>
      %max3A_627 = arith.maxsi %squeeze3A_624, %add3A_534 : i32
      %add3A_628 = arith.constant 64 : i32
      %add3A_629 = arith.addi %squeeze3A_624, %add3A_628 : i32
      %add3A_630 = arith.constant 32 : i32
      %add3A_631 = arith.addi %add3A_534, %add3A_630 : i32
      %min3A_632 = arith.minsi %add3A_629, %add3A_631 : i32
      %mul3A_633 = arith.constant 64 : i32
      %mul3A_634 = arith.muli %select_n3A_513, %mul3A_633 : i32
      %sub3A_635 = arith.subi %mul3A_634, %squeeze3A_624 : i32
      %while3A_636 = arith.constant 0 : i32
      %while3A_637 = arith.subi %min3A_632, %max3A_627 : i32
      %while3A_638 = arith.addi %max3A_627, %while3A_637 : i32
      %while3A_639 = arith.constant 1 : i32
      %while3A_640 = arith.divsi %while3A_637, %while3A_639 : i32
      %while3A_641 = arith.muli %while3A_640, %while3A_639 : i32
      %while3A_642 = arith.addi %max3A_627, %while3A_641 : i32
      %while3A_643 = arith.constant 1 : i32
      scf.for %while3A_1426 = %max3A_627 to %while3A_642 step %while3A_643  : i32 {
        %sub3A_1427 = arith.subi %while3A_1426, %add3A_534 : i32
        %broadcast_in_dim3A = vector.broadcast %sub3A_1427 : i32 to vector<16xi32>
        %add3A_1428 = arith.addi %sub3A_635, %while3A_1426 : i32
        %add3A_1429 = arith.constant 0 : i32
        %add3A_1430 = arith.addi %squeeze3A_626, %add3A_1429 : i32
        %add3A_1431 = vector.broadcast %add3A_1430 : i32 to vector<16xi32>
        %add3A_1432 = arith.addi %add3A_1431, %iota3A : vector<16xi32>
        %get3A_1433 = arith.index_cast %add3A_1428 : i32 to index
        %get3A_1434 = arith.constant 0 : index
        %get3A_1435 = tpu.vector_load %arg10[%get3A_1433, %get3A_1434] {strides = array<i32>} : memref<192x128xf32, #tpu.memory_space<vmem>>, vector<16xf32>,
        tpu.vector_store_idx %arg7[%broadcast_in_dim3A, %add3A_1432], %get3A_1435 : memref<32x512xf32, #tpu.memory_space<vmem>>[vector<16xi32>, vector<16xi32>], vector<16xf32>,
        %add3A_1436 = arith.constant 16 : i32
        %add3A_1437 = arith.addi %squeeze3A_626, %add3A_1436 : i32
        %add3A_1438 = vector.broadcast %add3A_1437 : i32 to vector<16xi32>
        %add3A_1439 = arith.addi %add3A_1438, %iota3A : vector<16xi32>
        %get3A_1440 = arith.index_cast %add3A_1428 : i32 to index
        %get3A_1441 = arith.constant 16 : index
        %get3A_1442 = tpu.vector_load %arg10[%get3A_1440, %get3A_1441] {strides = array<i32>} : memref<192x128xf32, #tpu.memory_space<vmem>>, vector<16xf32>,
        tpu.vector_store_idx %arg7[%broadcast_in_dim3A, %add3A_1439], %get3A_1442 : memref<32x512xf32, #tpu.memory_space<vmem>>[vector<16xi32>, vector<16xi32>], vector<16xf32>,
        %add3A_1443 = arith.constant 32 : i32
        %add3A_1444 = arith.addi %squeeze3A_626, %add3A_1443 : i32
        %add3A_1445 = vector.broadcast %add3A_1444 : i32 to vector<16xi32>
        %add3A_1446 = arith.addi %add3A_1445, %iota3A : vector<16xi32>
        %get3A_1447 = arith.index_cast %add3A_1428 : i32 to index
        %get3A_1448 = arith.constant 32 : index
        %get3A_1449 = tpu.vector_load %arg10[%get3A_1447, %get3A_1448] {strides = array<i32>} : memref<192x128xf32, #tpu.memory_space<vmem>>, vector<16xf32>,
        tpu.vector_store_idx %arg7[%broadcast_in_dim3A, %add3A_1446], %get3A_1449 : memref<32x512xf32, #tpu.memory_space<vmem>>[vector<16xi32>, vector<16xi32>], vector<16xf32>,
        %add3A_1450 = arith.constant 48 : i32
        %add3A_1451 = arith.addi %squeeze3A_626, %add3A_1450 : i32
        %add3A_1452 = vector.broadcast %add3A_1451 : i32 to vector<16xi32>
        %add3A_1453 = arith.addi %add3A_1452, %iota3A : vector<16xi32>
        %get3A_1454 = arith.index_cast %add3A_1428 : i32 to index
        %get3A_1455 = arith.constant 48 : index
        %get3A_1456 = tpu.vector_load %arg10[%get3A_1454, %get3A_1455] {strides = array<i32>} : memref<192x128xf32, #tpu.memory_space<vmem>>, vector<16xf32>,
        tpu.vector_store_idx %arg7[%broadcast_in_dim3A, %add3A_1453], %get3A_1456 : memref<32x512xf32, #tpu.memory_space<vmem>>[vector<16xi32>, vector<16xi32>], vector<16xf32>,
      }
      %while3A_644 = arith.constant 1 : i32
      scf.for %while3A_1426 = %while3A_642 to %while3A_638 step %while3A_644  : i32 {
        %sub3A_1427 = arith.subi %while3A_1426, %add3A_534 : i32
        %broadcast_in_dim3A = vector.broadcast %sub3A_1427 : i32 to vector<16xi32>
        %add3A_1428 = arith.addi %sub3A_635, %while3A_1426 : i32
        %add3A_1429 = arith.constant 0 : i32
        %add3A_1430 = arith.addi %squeeze3A_626, %add3A_1429 : i32
        %add3A_1431 = vector.broadcast %add3A_1430 : i32 to vector<16xi32>
        %add3A_1432 = arith.addi %add3A_1431, %iota3A : vector<16xi32>
        %get3A_1433 = arith.index_cast %add3A_1428 : i32 to index
        %get3A_1434 = arith.constant 0 : index
        %get3A_1435 = tpu.vector_load %arg10[%get3A_1433, %get3A_1434] {strides = array<i32>} : memref<192x128xf32, #tpu.memory_space<vmem>>, vector<16xf32>,
        tpu.vector_store_idx %arg7[%broadcast_in_dim3A, %add3A_1432], %get3A_1435 : memref<32x512xf32, #tpu.memory_space<vmem>>[vector<16xi32>, vector<16xi32>], vector<16xf32>,
        %add3A_1436 = arith.constant 16 : i32
        %add3A_1437 = arith.addi %squeeze3A_626, %add3A_1436 : i32
        %add3A_1438 = vector.broadcast %add3A_1437 : i32 to vector<16xi32>
        %add3A_1439 = arith.addi %add3A_1438, %iota3A : vector<16xi32>
        %get3A_1440 = arith.index_cast %add3A_1428 : i32 to index
        %get3A_1441 = arith.constant 16 : index
        %get3A_1442 = tpu.vector_load %arg10[%get3A_1440, %get3A_1441] {strides = array<i32>} : memref<192x128xf32, #tpu.memory_space<vmem>>, vector<16xf32>,
        tpu.vector_store_idx %arg7[%broadcast_in_dim3A, %add3A_1439], %get3A_1442 : memref<32x512xf32, #tpu.memory_space<vmem>>[vector<16xi32>, vector<16xi32>], vector<16xf32>,
        %add3A_1443 = arith.constant 32 : i32
        %add3A_1444 = arith.addi %squeeze3A_626, %add3A_1443 : i32
        %add3A_1445 = vector.broadcast %add3A_1444 : i32 to vector<16xi32>
        %add3A_1446 = arith.addi %add3A_1445, %iota3A : vector<16xi32>
        %get3A_1447 = arith.index_cast %add3A_1428 : i32 to index
        %get3A_1448 = arith.constant 32 : index
        %get3A_1449 = tpu.vector_load %arg10[%get3A_1447, %get3A_1448] {strides = array<i32>} : memref<192x128xf32, #tpu.memory_space<vmem>>, vector<16xf32>,
        tpu.vector_store_idx %arg7[%broadcast_in_dim3A, %add3A_1446], %get3A_1449 : memref<32x512xf32, #tpu.memory_space<vmem>>[vector<16xi32>, vector<16xi32>], vector<16xf32>,
        %add3A_1450 = arith.constant 48 : i32
        %add3A_1451 = arith.addi %squeeze3A_626, %add3A_1450 : i32
        %add3A_1452 = vector.broadcast %add3A_1451 : i32 to vector<16xi32>
        %add3A_1453 = arith.addi %add3A_1452, %iota3A : vector<16xi32>
        %get3A_1454 = arith.index_cast %add3A_1428 : i32 to index
        %get3A_1455 = arith.constant 48 : index
        %get3A_1456 = tpu.vector_load %arg10[%get3A_1454, %get3A_1455] {strides = array<i32>} : memref<192x128xf32, #tpu.memory_space<vmem>>, vector<16xf32>,
        tpu.vector_store_idx %arg7[%broadcast_in_dim3A, %add3A_1453], %get3A_1456 : memref<32x512xf32, #tpu.memory_space<vmem>>[vector<16xi32>, vector<16xi32>], vector<16xf32>,
      }
      %slice3A_645 = vector.extract_strided_slice %get3A_53 {offsets = [5], sizes = [1], strides = [1]} : vector<16xi32> to vector<1xi32>
      %squeeze3A_646 = vector.extract %slice3A_645[0] : i32 from vector<1xi32>
      %slice3A_647 = vector.extract_strided_slice %get3A_53 {offsets = [13], sizes = [1], strides = [1]} : vector<16xi32> to vector<1xi32>
      %squeeze3A_648 = vector.extract %slice3A_647[0] : i32 from vector<1xi32>
      %max3A_649 = arith.maxsi %squeeze3A_646, %add3A_534 : i32
      %add3A_650 = arith.constant 64 : i32
      %add3A_651 = arith.addi %squeeze3A_646, %add3A_650 : i32
      %add3A_652 = arith.constant 32 : i32
      %add3A_653 = arith.addi %add3A_534, %add3A_652 : i32
      %min3A_654 = arith.minsi %add3A_651, %add3A_653 : i32
      %mul3A_655 = arith.constant 64 : i32
      %mul3A_656 = arith.muli %select_n3A_513, %mul3A_655 : i32
      %sub3A_657 = arith.subi %mul3A_656, %squeeze3A_646 : i32
      %while3A_658 = arith.constant 0 : i32
      %while3A_659 = arith.subi %min3A_654, %max3A_649 : i32
      %while3A_660 = arith.addi %max3A_649, %while3A_659 : i32
      %while3A_661 = arith.constant 1 : i32
      %while3A_662 = arith.divsi %while3A_659, %while3A_661 : i32
      %while3A_663 = arith.muli %while3A_662, %while3A_661 : i32
      %while3A_664 = arith.addi %max3A_649, %while3A_663 : i32
      %while3A_665 = arith.constant 1 : i32
      scf.for %while3A_1426 = %max3A_649 to %while3A_664 step %while3A_665  : i32 {
        %sub3A_1427 = arith.subi %while3A_1426, %add3A_534 : i32
        %broadcast_in_dim3A = vector.broadcast %sub3A_1427 : i32 to vector<16xi32>
        %add3A_1428 = arith.addi %sub3A_657, %while3A_1426 : i32
        %add3A_1429 = arith.constant 0 : i32
        %add3A_1430 = arith.addi %squeeze3A_648, %add3A_1429 : i32
        %add3A_1431 = vector.broadcast %add3A_1430 : i32 to vector<16xi32>
        %add3A_1432 = arith.addi %add3A_1431, %iota3A : vector<16xi32>
        %get3A_1433 = arith.index_cast %add3A_1428 : i32 to index
        %get3A_1434 = arith.constant 0 : index
        %get3A_1435 = tpu.vector_load %arg10[%get3A_1433, %get3A_1434] {strides = array<i32>} : memref<192x128xf32, #tpu.memory_space<vmem>>, vector<16xf32>,
        tpu.vector_store_idx %arg7[%broadcast_in_dim3A, %add3A_1432], %get3A_1435 : memref<32x512xf32, #tpu.memory_space<vmem>>[vector<16xi32>, vector<16xi32>], vector<16xf32>,
        %add3A_1436 = arith.constant 16 : i32
        %add3A_1437 = arith.addi %squeeze3A_648, %add3A_1436 : i32
        %add3A_1438 = vector.broadcast %add3A_1437 : i32 to vector<16xi32>
        %add3A_1439 = arith.addi %add3A_1438, %iota3A : vector<16xi32>
        %get3A_1440 = arith.index_cast %add3A_1428 : i32 to index
        %get3A_1441 = arith.constant 16 : index
        %get3A_1442 = tpu.vector_load %arg10[%get3A_1440, %get3A_1441] {strides = array<i32>} : memref<192x128xf32, #tpu.memory_space<vmem>>, vector<16xf32>,
        tpu.vector_store_idx %arg7[%broadcast_in_dim3A, %add3A_1439], %get3A_1442 : memref<32x512xf32, #tpu.memory_space<vmem>>[vector<16xi32>, vector<16xi32>], vector<16xf32>,
        %add3A_1443 = arith.constant 32 : i32
        %add3A_1444 = arith.addi %squeeze3A_648, %add3A_1443 : i32
        %add3A_1445 = vector.broadcast %add3A_1444 : i32 to vector<16xi32>
        %add3A_1446 = arith.addi %add3A_1445, %iota3A : vector<16xi32>
        %get3A_1447 = arith.index_cast %add3A_1428 : i32 to index
        %get3A_1448 = arith.constant 32 : index
        %get3A_1449 = tpu.vector_load %arg10[%get3A_1447, %get3A_1448] {strides = array<i32>} : memref<192x128xf32, #tpu.memory_space<vmem>>, vector<16xf32>,
        tpu.vector_store_idx %arg7[%broadcast_in_dim3A, %add3A_1446], %get3A_1449 : memref<32x512xf32, #tpu.memory_space<vmem>>[vector<16xi32>, vector<16xi32>], vector<16xf32>,
        %add3A_1450 = arith.constant 48 : i32
        %add3A_1451 = arith.addi %squeeze3A_648, %add3A_1450 : i32
        %add3A_1452 = vector.broadcast %add3A_1451 : i32 to vector<16xi32>
        %add3A_1453 = arith.addi %add3A_1452, %iota3A : vector<16xi32>
        %get3A_1454 = arith.index_cast %add3A_1428 : i32 to index
        %get3A_1455 = arith.constant 48 : index
        %get3A_1456 = tpu.vector_load %arg10[%get3A_1454, %get3A_1455] {strides = array<i32>} : memref<192x128xf32, #tpu.memory_space<vmem>>, vector<16xf32>,
        tpu.vector_store_idx %arg7[%broadcast_in_dim3A, %add3A_1453], %get3A_1456 : memref<32x512xf32, #tpu.memory_space<vmem>>[vector<16xi32>, vector<16xi32>], vector<16xf32>,
      }
      %while3A_666 = arith.constant 1 : i32
      scf.for %while3A_1426 = %while3A_664 to %while3A_660 step %while3A_666  : i32 {
        %sub3A_1427 = arith.subi %while3A_1426, %add3A_534 : i32
        %broadcast_in_dim3A = vector.broadcast %sub3A_1427 : i32 to vector<16xi32>
        %add3A_1428 = arith.addi %sub3A_657, %while3A_1426 : i32
        %add3A_1429 = arith.constant 0 : i32
        %add3A_1430 = arith.addi %squeeze3A_648, %add3A_1429 : i32
        %add3A_1431 = vector.broadcast %add3A_1430 : i32 to vector<16xi32>
        %add3A_1432 = arith.addi %add3A_1431, %iota3A : vector<16xi32>
        %get3A_1433 = arith.index_cast %add3A_1428 : i32 to index
        %get3A_1434 = arith.constant 0 : index
        %get3A_1435 = tpu.vector_load %arg10[%get3A_1433, %get3A_1434] {strides = array<i32>} : memref<192x128xf32, #tpu.memory_space<vmem>>, vector<16xf32>,
        tpu.vector_store_idx %arg7[%broadcast_in_dim3A, %add3A_1432], %get3A_1435 : memref<32x512xf32, #tpu.memory_space<vmem>>[vector<16xi32>, vector<16xi32>], vector<16xf32>,
        %add3A_1436 = arith.constant 16 : i32
        %add3A_1437 = arith.addi %squeeze3A_648, %add3A_1436 : i32
        %add3A_1438 = vector.broadcast %add3A_1437 : i32 to vector<16xi32>
        %add3A_1439 = arith.addi %add3A_1438, %iota3A : vector<16xi32>
        %get3A_1440 = arith.index_cast %add3A_1428 : i32 to index
        %get3A_1441 = arith.constant 16 : index
        %get3A_1442 = tpu.vector_load %arg10[%get3A_1440, %get3A_1441] {strides = array<i32>} : memref<192x128xf32, #tpu.memory_space<vmem>>, vector<16xf32>,
        tpu.vector_store_idx %arg7[%broadcast_in_dim3A, %add3A_1439], %get3A_1442 : memref<32x512xf32, #tpu.memory_space<vmem>>[vector<16xi32>, vector<16xi32>], vector<16xf32>,
        %add3A_1443 = arith.constant 32 : i32
        %add3A_1444 = arith.addi %squeeze3A_648, %add3A_1443 : i32
        %add3A_1445 = vector.broadcast %add3A_1444 : i32 to vector<16xi32>
        %add3A_1446 = arith.addi %add3A_1445, %iota3A : vector<16xi32>
        %get3A_1447 = arith.index_cast %add3A_1428 : i32 to index
        %get3A_1448 = arith.constant 32 : index
        %get3A_1449 = tpu.vector_load %arg10[%get3A_1447, %get3A_1448] {strides = array<i32>} : memref<192x128xf32, #tpu.memory_space<vmem>>, vector<16xf32>,
        tpu.vector_store_idx %arg7[%broadcast_in_dim3A, %add3A_1446], %get3A_1449 : memref<32x512xf32, #tpu.memory_space<vmem>>[vector<16xi32>, vector<16xi32>], vector<16xf32>,
        %add3A_1450 = arith.constant 48 : i32
        %add3A_1451 = arith.addi %squeeze3A_648, %add3A_1450 : i32
        %add3A_1452 = vector.broadcast %add3A_1451 : i32 to vector<16xi32>
        %add3A_1453 = arith.addi %add3A_1452, %iota3A : vector<16xi32>
        %get3A_1454 = arith.index_cast %add3A_1428 : i32 to index
        %get3A_1455 = arith.constant 48 : index
        %get3A_1456 = tpu.vector_load %arg10[%get3A_1454, %get3A_1455] {strides = array<i32>} : memref<192x128xf32, #tpu.memory_space<vmem>>, vector<16xf32>,
        tpu.vector_store_idx %arg7[%broadcast_in_dim3A, %add3A_1453], %get3A_1456 : memref<32x512xf32, #tpu.memory_space<vmem>>[vector<16xi32>, vector<16xi32>], vector<16xf32>,
      }
      %slice3A_667 = vector.extract_strided_slice %get3A_53 {offsets = [6], sizes = [1], strides = [1]} : vector<16xi32> to vector<1xi32>
      %squeeze3A_668 = vector.extract %slice3A_667[0] : i32 from vector<1xi32>
      %slice3A_669 = vector.extract_strided_slice %get3A_53 {offsets = [14], sizes = [1], strides = [1]} : vector<16xi32> to vector<1xi32>
      %squeeze3A_670 = vector.extract %slice3A_669[0] : i32 from vector<1xi32>
      %max3A_671 = arith.maxsi %squeeze3A_668, %add3A_534 : i32
      %add3A_672 = arith.constant 64 : i32
      %add3A_673 = arith.addi %squeeze3A_668, %add3A_672 : i32
      %add3A_674 = arith.constant 32 : i32
      %add3A_675 = arith.addi %add3A_534, %add3A_674 : i32
      %min3A_676 = arith.minsi %add3A_673, %add3A_675 : i32
      %mul3A_677 = arith.constant 64 : i32
      %mul3A_678 = arith.muli %select_n3A_513, %mul3A_677 : i32
      %sub3A_679 = arith.subi %mul3A_678, %squeeze3A_668 : i32
      %while3A_680 = arith.constant 0 : i32
      %while3A_681 = arith.subi %min3A_676, %max3A_671 : i32
      %while3A_682 = arith.addi %max3A_671, %while3A_681 : i32
      %while3A_683 = arith.constant 1 : i32
      %while3A_684 = arith.divsi %while3A_681, %while3A_683 : i32
      %while3A_685 = arith.muli %while3A_684, %while3A_683 : i32
      %while3A_686 = arith.addi %max3A_671, %while3A_685 : i32
      %while3A_687 = arith.constant 1 : i32
      scf.for %while3A_1426 = %max3A_671 to %while3A_686 step %while3A_687  : i32 {
        %sub3A_1427 = arith.subi %while3A_1426, %add3A_534 : i32
        %broadcast_in_dim3A = vector.broadcast %sub3A_1427 : i32 to vector<16xi32>
        %add3A_1428 = arith.addi %sub3A_679, %while3A_1426 : i32
        %add3A_1429 = arith.constant 0 : i32
        %add3A_1430 = arith.addi %squeeze3A_670, %add3A_1429 : i32
        %add3A_1431 = vector.broadcast %add3A_1430 : i32 to vector<16xi32>
        %add3A_1432 = arith.addi %add3A_1431, %iota3A : vector<16xi32>
        %get3A_1433 = arith.index_cast %add3A_1428 : i32 to index
        %get3A_1434 = arith.constant 0 : index
        %get3A_1435 = tpu.vector_load %arg10[%get3A_1433, %get3A_1434] {strides = array<i32>} : memref<192x128xf32, #tpu.memory_space<vmem>>, vector<16xf32>,
        tpu.vector_store_idx %arg7[%broadcast_in_dim3A, %add3A_1432], %get3A_1435 : memref<32x512xf32, #tpu.memory_space<vmem>>[vector<16xi32>, vector<16xi32>], vector<16xf32>,
        %add3A_1436 = arith.constant 16 : i32
        %add3A_1437 = arith.addi %squeeze3A_670, %add3A_1436 : i32
        %add3A_1438 = vector.broadcast %add3A_1437 : i32 to vector<16xi32>
        %add3A_1439 = arith.addi %add3A_1438, %iota3A : vector<16xi32>
        %get3A_1440 = arith.index_cast %add3A_1428 : i32 to index
        %get3A_1441 = arith.constant 16 : index
        %get3A_1442 = tpu.vector_load %arg10[%get3A_1440, %get3A_1441] {strides = array<i32>} : memref<192x128xf32, #tpu.memory_space<vmem>>, vector<16xf32>,
        tpu.vector_store_idx %arg7[%broadcast_in_dim3A, %add3A_1439], %get3A_1442 : memref<32x512xf32, #tpu.memory_space<vmem>>[vector<16xi32>, vector<16xi32>], vector<16xf32>,
        %add3A_1443 = arith.constant 32 : i32
        %add3A_1444 = arith.addi %squeeze3A_670, %add3A_1443 : i32
        %add3A_1445 = vector.broadcast %add3A_1444 : i32 to vector<16xi32>
        %add3A_1446 = arith.addi %add3A_1445, %iota3A : vector<16xi32>
        %get3A_1447 = arith.index_cast %add3A_1428 : i32 to index
        %get3A_1448 = arith.constant 32 : index
        %get3A_1449 = tpu.vector_load %arg10[%get3A_1447, %get3A_1448] {strides = array<i32>} : memref<192x128xf32, #tpu.memory_space<vmem>>, vector<16xf32>,
        tpu.vector_store_idx %arg7[%broadcast_in_dim3A, %add3A_1446], %get3A_1449 : memref<32x512xf32, #tpu.memory_space<vmem>>[vector<16xi32>, vector<16xi32>], vector<16xf32>,
        %add3A_1450 = arith.constant 48 : i32
        %add3A_1451 = arith.addi %squeeze3A_670, %add3A_1450 : i32
        %add3A_1452 = vector.broadcast %add3A_1451 : i32 to vector<16xi32>
        %add3A_1453 = arith.addi %add3A_1452, %iota3A : vector<16xi32>
        %get3A_1454 = arith.index_cast %add3A_1428 : i32 to index
        %get3A_1455 = arith.constant 48 : index
        %get3A_1456 = tpu.vector_load %arg10[%get3A_1454, %get3A_1455] {strides = array<i32>} : memref<192x128xf32, #tpu.memory_space<vmem>>, vector<16xf32>,
        tpu.vector_store_idx %arg7[%broadcast_in_dim3A, %add3A_1453], %get3A_1456 : memref<32x512xf32, #tpu.memory_space<vmem>>[vector<16xi32>, vector<16xi32>], vector<16xf32>,
      }
      %while3A_688 = arith.constant 1 : i32
      scf.for %while3A_1426 = %while3A_686 to %while3A_682 step %while3A_688  : i32 {
        %sub3A_1427 = arith.subi %while3A_1426, %add3A_534 : i32
        %broadcast_in_dim3A = vector.broadcast %sub3A_1427 : i32 to vector<16xi32>
        %add3A_1428 = arith.addi %sub3A_679, %while3A_1426 : i32
        %add3A_1429 = arith.constant 0 : i32
        %add3A_1430 = arith.addi %squeeze3A_670, %add3A_1429 : i32
        %add3A_1431 = vector.broadcast %add3A_1430 : i32 to vector<16xi32>
        %add3A_1432 = arith.addi %add3A_1431, %iota3A : vector<16xi32>
        %get3A_1433 = arith.index_cast %add3A_1428 : i32 to index
        %get3A_1434 = arith.constant 0 : index
        %get3A_1435 = tpu.vector_load %arg10[%get3A_1433, %get3A_1434] {strides = array<i32>} : memref<192x128xf32, #tpu.memory_space<vmem>>, vector<16xf32>,
        tpu.vector_store_idx %arg7[%broadcast_in_dim3A, %add3A_1432], %get3A_1435 : memref<32x512xf32, #tpu.memory_space<vmem>>[vector<16xi32>, vector<16xi32>], vector<16xf32>,
        %add3A_1436 = arith.constant 16 : i32
        %add3A_1437 = arith.addi %squeeze3A_670, %add3A_1436 : i32
        %add3A_1438 = vector.broadcast %add3A_1437 : i32 to vector<16xi32>
        %add3A_1439 = arith.addi %add3A_1438, %iota3A : vector<16xi32>
        %get3A_1440 = arith.index_cast %add3A_1428 : i32 to index
        %get3A_1441 = arith.constant 16 : index
        %get3A_1442 = tpu.vector_load %arg10[%get3A_1440, %get3A_1441] {strides = array<i32>} : memref<192x128xf32, #tpu.memory_space<vmem>>, vector<16xf32>,
        tpu.vector_store_idx %arg7[%broadcast_in_dim3A, %add3A_1439], %get3A_1442 : memref<32x512xf32, #tpu.memory_space<vmem>>[vector<16xi32>, vector<16xi32>], vector<16xf32>,
        %add3A_1443 = arith.constant 32 : i32
        %add3A_1444 = arith.addi %squeeze3A_670, %add3A_1443 : i32
        %add3A_1445 = vector.broadcast %add3A_1444 : i32 to vector<16xi32>
        %add3A_1446 = arith.addi %add3A_1445, %iota3A : vector<16xi32>
        %get3A_1447 = arith.index_cast %add3A_1428 : i32 to index
        %get3A_1448 = arith.constant 32 : index
        %get3A_1449 = tpu.vector_load %arg10[%get3A_1447, %get3A_1448] {strides = array<i32>} : memref<192x128xf32, #tpu.memory_space<vmem>>, vector<16xf32>,
        tpu.vector_store_idx %arg7[%broadcast_in_dim3A, %add3A_1446], %get3A_1449 : memref<32x512xf32, #tpu.memory_space<vmem>>[vector<16xi32>, vector<16xi32>], vector<16xf32>,
        %add3A_1450 = arith.constant 48 : i32
        %add3A_1451 = arith.addi %squeeze3A_670, %add3A_1450 : i32
        %add3A_1452 = vector.broadcast %add3A_1451 : i32 to vector<16xi32>
        %add3A_1453 = arith.addi %add3A_1452, %iota3A : vector<16xi32>
        %get3A_1454 = arith.index_cast %add3A_1428 : i32 to index
        %get3A_1455 = arith.constant 48 : index
        %get3A_1456 = tpu.vector_load %arg10[%get3A_1454, %get3A_1455] {strides = array<i32>} : memref<192x128xf32, #tpu.memory_space<vmem>>, vector<16xf32>,
        tpu.vector_store_idx %arg7[%broadcast_in_dim3A, %add3A_1453], %get3A_1456 : memref<32x512xf32, #tpu.memory_space<vmem>>[vector<16xi32>, vector<16xi32>], vector<16xf32>,
      }
      %slice3A_689 = vector.extract_strided_slice %get3A_53 {offsets = [7], sizes = [1], strides = [1]} : vector<16xi32> to vector<1xi32>
      %squeeze3A_690 = vector.extract %slice3A_689[0] : i32 from vector<1xi32>
      %slice3A_691 = vector.extract_strided_slice %get3A_53 {offsets = [15], sizes = [1], strides = [1]} : vector<16xi32> to vector<1xi32>
      %squeeze3A_692 = vector.extract %slice3A_691[0] : i32 from vector<1xi32>
      %max3A_693 = arith.maxsi %squeeze3A_690, %add3A_534 : i32
      %add3A_694 = arith.constant 64 : i32
      %add3A_695 = arith.addi %squeeze3A_690, %add3A_694 : i32
      %add3A_696 = arith.constant 32 : i32
      %add3A_697 = arith.addi %add3A_534, %add3A_696 : i32
      %min3A_698 = arith.minsi %add3A_695, %add3A_697 : i32
      %mul3A_699 = arith.constant 64 : i32
      %mul3A_700 = arith.muli %select_n3A_513, %mul3A_699 : i32
      %sub3A_701 = arith.subi %mul3A_700, %squeeze3A_690 : i32
      %while3A_702 = arith.constant 0 : i32
      %while3A_703 = arith.subi %min3A_698, %max3A_693 : i32
      %while3A_704 = arith.addi %max3A_693, %while3A_703 : i32
      %while3A_705 = arith.constant 1 : i32
      %while3A_706 = arith.divsi %while3A_703, %while3A_705 : i32
      %while3A_707 = arith.muli %while3A_706, %while3A_705 : i32
      %while3A_708 = arith.addi %max3A_693, %while3A_707 : i32
      %while3A_709 = arith.constant 1 : i32
      scf.for %while3A_1426 = %max3A_693 to %while3A_708 step %while3A_709  : i32 {
        %sub3A_1427 = arith.subi %while3A_1426, %add3A_534 : i32
        %broadcast_in_dim3A = vector.broadcast %sub3A_1427 : i32 to vector<16xi32>
        %add3A_1428 = arith.addi %sub3A_701, %while3A_1426 : i32
        %add3A_1429 = arith.constant 0 : i32
        %add3A_1430 = arith.addi %squeeze3A_692, %add3A_1429 : i32
        %add3A_1431 = vector.broadcast %add3A_1430 : i32 to vector<16xi32>
        %add3A_1432 = arith.addi %add3A_1431, %iota3A : vector<16xi32>
        %get3A_1433 = arith.index_cast %add3A_1428 : i32 to index
        %get3A_1434 = arith.constant 0 : index
        %get3A_1435 = tpu.vector_load %arg10[%get3A_1433, %get3A_1434] {strides = array<i32>} : memref<192x128xf32, #tpu.memory_space<vmem>>, vector<16xf32>,
        tpu.vector_store_idx %arg7[%broadcast_in_dim3A, %add3A_1432], %get3A_1435 : memref<32x512xf32, #tpu.memory_space<vmem>>[vector<16xi32>, vector<16xi32>], vector<16xf32>,
        %add3A_1436 = arith.constant 16 : i32
        %add3A_1437 = arith.addi %squeeze3A_692, %add3A_1436 : i32
        %add3A_1438 = vector.broadcast %add3A_1437 : i32 to vector<16xi32>
        %add3A_1439 = arith.addi %add3A_1438, %iota3A : vector<16xi32>
        %get3A_1440 = arith.index_cast %add3A_1428 : i32 to index
        %get3A_1441 = arith.constant 16 : index
        %get3A_1442 = tpu.vector_load %arg10[%get3A_1440, %get3A_1441] {strides = array<i32>} : memref<192x128xf32, #tpu.memory_space<vmem>>, vector<16xf32>,
        tpu.vector_store_idx %arg7[%broadcast_in_dim3A, %add3A_1439], %get3A_1442 : memref<32x512xf32, #tpu.memory_space<vmem>>[vector<16xi32>, vector<16xi32>], vector<16xf32>,
        %add3A_1443 = arith.constant 32 : i32
        %add3A_1444 = arith.addi %squeeze3A_692, %add3A_1443 : i32
        %add3A_1445 = vector.broadcast %add3A_1444 : i32 to vector<16xi32>
        %add3A_1446 = arith.addi %add3A_1445, %iota3A : vector<16xi32>
        %get3A_1447 = arith.index_cast %add3A_1428 : i32 to index
        %get3A_1448 = arith.constant 32 : index
        %get3A_1449 = tpu.vector_load %arg10[%get3A_1447, %get3A_1448] {strides = array<i32>} : memref<192x128xf32, #tpu.memory_space<vmem>>, vector<16xf32>,
        tpu.vector_store_idx %arg7[%broadcast_in_dim3A, %add3A_1446], %get3A_1449 : memref<32x512xf32, #tpu.memory_space<vmem>>[vector<16xi32>, vector<16xi32>], vector<16xf32>,
        %add3A_1450 = arith.constant 48 : i32
        %add3A_1451 = arith.addi %squeeze3A_692, %add3A_1450 : i32
        %add3A_1452 = vector.broadcast %add3A_1451 : i32 to vector<16xi32>
        %add3A_1453 = arith.addi %add3A_1452, %iota3A : vector<16xi32>
        %get3A_1454 = arith.index_cast %add3A_1428 : i32 to index
        %get3A_1455 = arith.constant 48 : index
        %get3A_1456 = tpu.vector_load %arg10[%get3A_1454, %get3A_1455] {strides = array<i32>} : memref<192x128xf32, #tpu.memory_space<vmem>>, vector<16xf32>,
        tpu.vector_store_idx %arg7[%broadcast_in_dim3A, %add3A_1453], %get3A_1456 : memref<32x512xf32, #tpu.memory_space<vmem>>[vector<16xi32>, vector<16xi32>], vector<16xf32>,
      }
      %while3A_710 = arith.constant 1 : i32
      scf.for %while3A_1426 = %while3A_708 to %while3A_704 step %while3A_710  : i32 {
        %sub3A_1427 = arith.subi %while3A_1426, %add3A_534 : i32
        %broadcast_in_dim3A = vector.broadcast %sub3A_1427 : i32 to vector<16xi32>
        %add3A_1428 = arith.addi %sub3A_701, %while3A_1426 : i32
        %add3A_1429 = arith.constant 0 : i32
        %add3A_1430 = arith.addi %squeeze3A_692, %add3A_1429 : i32
        %add3A_1431 = vector.broadcast %add3A_1430 : i32 to vector<16xi32>
        %add3A_1432 = arith.addi %add3A_1431, %iota3A : vector<16xi32>
        %get3A_1433 = arith.index_cast %add3A_1428 : i32 to index
        %get3A_1434 = arith.constant 0 : index
        %get3A_1435 = tpu.vector_load %arg10[%get3A_1433, %get3A_1434] {strides = array<i32>} : memref<192x128xf32, #tpu.memory_space<vmem>>, vector<16xf32>,
        tpu.vector_store_idx %arg7[%broadcast_in_dim3A, %add3A_1432], %get3A_1435 : memref<32x512xf32, #tpu.memory_space<vmem>>[vector<16xi32>, vector<16xi32>], vector<16xf32>,
        %add3A_1436 = arith.constant 16 : i32
        %add3A_1437 = arith.addi %squeeze3A_692, %add3A_1436 : i32
        %add3A_1438 = vector.broadcast %add3A_1437 : i32 to vector<16xi32>
        %add3A_1439 = arith.addi %add3A_1438, %iota3A : vector<16xi32>
        %get3A_1440 = arith.index_cast %add3A_1428 : i32 to index
        %get3A_1441 = arith.constant 16 : index
        %get3A_1442 = tpu.vector_load %arg10[%get3A_1440, %get3A_1441] {strides = array<i32>} : memref<192x128xf32, #tpu.memory_space<vmem>>, vector<16xf32>,
        tpu.vector_store_idx %arg7[%broadcast_in_dim3A, %add3A_1439], %get3A_1442 : memref<32x512xf32, #tpu.memory_space<vmem>>[vector<16xi32>, vector<16xi32>], vector<16xf32>,
        %add3A_1443 = arith.constant 32 : i32
        %add3A_1444 = arith.addi %squeeze3A_692, %add3A_1443 : i32
        %add3A_1445 = vector.broadcast %add3A_1444 : i32 to vector<16xi32>
        %add3A_1446 = arith.addi %add3A_1445, %iota3A : vector<16xi32>
        %get3A_1447 = arith.index_cast %add3A_1428 : i32 to index
        %get3A_1448 = arith.constant 32 : index
        %get3A_1449 = tpu.vector_load %arg10[%get3A_1447, %get3A_1448] {strides = array<i32>} : memref<192x128xf32, #tpu.memory_space<vmem>>, vector<16xf32>,
        tpu.vector_store_idx %arg7[%broadcast_in_dim3A, %add3A_1446], %get3A_1449 : memref<32x512xf32, #tpu.memory_space<vmem>>[vector<16xi32>, vector<16xi32>], vector<16xf32>,
        %add3A_1450 = arith.constant 48 : i32
        %add3A_1451 = arith.addi %squeeze3A_692, %add3A_1450 : i32
        %add3A_1452 = vector.broadcast %add3A_1451 : i32 to vector<16xi32>
        %add3A_1453 = arith.addi %add3A_1452, %iota3A : vector<16xi32>
        %get3A_1454 = arith.index_cast %add3A_1428 : i32 to index
        %get3A_1455 = arith.constant 48 : index
        %get3A_1456 = tpu.vector_load %arg10[%get3A_1454, %get3A_1455] {strides = array<i32>} : memref<192x128xf32, #tpu.memory_space<vmem>>, vector<16xf32>,
        tpu.vector_store_idx %arg7[%broadcast_in_dim3A, %add3A_1453], %get3A_1456 : memref<32x512xf32, #tpu.memory_space<vmem>>[vector<16xi32>, vector<16xi32>], vector<16xf32>,
      }
      %jit3A_711 = arith.constant 8 : i32
      %div3A_712 = arith.divsi %add3A_431, %jit3A_711 : i32
      %sign3A_713 = arith.constant 0 : i32
      %sign3A_714 = arith.cmpi sgt, %add3A_431, %sign3A_713 : i32
      %sign3A_715 = arith.extui %sign3A_714 : i1 to i32
      %sign3A_716 = arith.constant 0 : i32
      %sign3A_717 = arith.cmpi slt, %add3A_431, %sign3A_716 : i32
      %sign3A_718 = arith.extui %sign3A_717 : i1 to i32
      %sign3A_719 = arith.subi %sign3A_715, %sign3A_718 : i32
      %sign3A_720 = arith.constant 0 : i32
      %sign3A_721 = arith.cmpi sgt, %jit3A_711, %sign3A_720 : i32
      %sign3A_722 = arith.extui %sign3A_721 : i1 to i32
      %sign3A_723 = arith.constant 0 : i32
      %sign3A_724 = arith.cmpi slt, %jit3A_711, %sign3A_723 : i32
      %sign3A_725 = arith.extui %sign3A_724 : i1 to i32
      %sign3A_726 = arith.subi %sign3A_722, %sign3A_725 : i32
      %ne3A_727 = arith.cmpi ne, %sign3A_719, %sign3A_726 : i32
      %rem3A_728 = arith.remsi %add3A_431, %jit3A_711 : i32
      %ne3A_729 = arith.constant 0 : i32
      %ne3A_730 = arith.cmpi ne, %rem3A_728, %ne3A_729 : i32
      %and3A_731 = arith.andi %ne3A_727, %ne3A_730 : i1
      %sub3A_732 = arith.constant 1 : i32
      %sub3A_733 = arith.subi %div3A_712, %sub3A_732 : i32
      %select_n3A_734 = arith.select %and3A_731, %sub3A_733, %div3A_712 : i32
      %mul3A_735 = arith.constant 256 : i32
      %mul3A_736 = arith.muli %select_n3A_30, %mul3A_735 : i32
      %jit3A_737 = arith.constant 8 : i32
      %eq3A_738 = arith.constant 0 : i32
      %eq3A_739 = arith.cmpi eq, %jit3A_737, %eq3A_738 : i32
      %jit3A_740 = arith.constant 1 : i32
      %select_n3A_741 = arith.select %eq3A_739, %jit3A_740, %jit3A_737 : i32
      %rem3A_742 = arith.remsi %add3A_431, %select_n3A_741 : i32
      %ne3A_743 = arith.constant 0 : i32
      %ne3A_744 = arith.cmpi ne, %rem3A_742, %ne3A_743 : i32
      %lt3A_745 = arith.constant 0 : i32
      %lt3A_746 = arith.cmpi slt, %rem3A_742, %lt3A_745 : i32
      %lt3A_747 = arith.constant 0 : i32
      %lt3A_748 = arith.cmpi slt, %select_n3A_741, %lt3A_747 : i32
      %ne3A_749 = arith.xori %lt3A_746, %lt3A_748 : i1
      %and3A_750 = arith.andi %ne3A_749, %ne3A_744 : i1
      %add3A_751 = arith.addi %rem3A_742, %select_n3A_741 : i32
      %select_n3A_752 = arith.select %and3A_750, %add3A_751, %rem3A_742 : i32
      %mul3A_753 = arith.constant 32 : i32
      %mul3A_754 = arith.muli %select_n3A_752, %mul3A_753 : i32
      %add3A_755 = arith.addi %mul3A_736, %mul3A_754 : i32
      %dma_start3A_756 = arith.constant 0 : i32
      %dma_start3A_757 = tpu.memref_slice %arg5[%select_n3A, %select_n3A_734, %add3A_755, %dma_start3A_756] : memref<16x3x512x512xf32, #tpu.memory_space<hbm>> -> memref<1x1x32x512xf32, #tpu.memory_space<hbm>>
      %dma_start3A_758 = tpu.memref_squeeze %dma_start3A_757 : memref<1x1x32x512xf32, #tpu.memory_space<hbm>> -> memref<32x512xf32, #tpu.memory_space<hbm>>
      %dma_start3A_759 = arith.constant 0 : i32
      %dma_start3A_760 = tpu.memref_slice %arg5[%select_n3A, %select_n3A_734, %add3A_755, %dma_start3A_759] : memref<16x3x512x512xf32, #tpu.memory_space<hbm>> -> memref<1x1x32x512xf32, #tpu.memory_space<hbm>>
      %dma_start3A_761 = tpu.memref_squeeze %dma_start3A_760 : memref<1x1x32x512xf32, #tpu.memory_space<hbm>> -> memref<32x512xf32, #tpu.memory_space<hbm>>
      tpu.enqueue_dma source(%arg7 : memref<32x512xf32, #tpu.memory_space<vmem>>) target(%dma_start3A_761 : memref<32x512xf32, #tpu.memory_space<hbm>>) target_semaphore(%arg17 : memref<!tpu.dma_semaphore, #tpu.memory_space<semaphore_mem>>)
      %add3A_762 = arith.constant 2 : i32
      %add3A_763 = arith.addi %mul3A_104, %add3A_762 : i32
      %add3A_764 = arith.constant 2 : i32
      %add3A_765 = arith.addi %add3A_763, %add3A_764 : i32
      %lt3A_766 = arith.constant 24 : i32
      %lt3A_767 = arith.cmpi slt, %add3A_765, %lt3A_766 : i32
      %convert_element_type3A_768 = arith.extui %lt3A_767 : i1 to i32
      %cond3A_769 = arith.constant 0 : i32
      %cond3A_770 = arith.cmpi ne, %convert_element_type3A_768, %cond3A_769 : i32
      scf.if %cond3A_770 {
        %ge3A = arith.constant 4 : i32
        %ge3A_1426 = arith.cmpi sge, %add3A_765, %ge3A : i32
        %convert_element_type3A_1427 = arith.extui %ge3A_1426 : i1 to i32
        %cond3A_1428 = arith.constant 0 : i32
        %cond3A_1429 = arith.cmpi ne, %convert_element_type3A_1427, %cond3A_1428 : i32
        scf.if %cond3A_1429 {
          %sub3A_1481 = arith.constant 4 : i32
          %sub3A_1482 = arith.subi %add3A_765, %sub3A_1481 : i32
          %jit3A_1483 = arith.constant 8 : i32
          %div3A_1484 = arith.divsi %sub3A_1482, %jit3A_1483 : i32
          %sign3A_1485 = arith.constant 0 : i32
          %sign3A_1486 = arith.cmpi sgt, %sub3A_1482, %sign3A_1485 : i32
          %sign3A_1487 = arith.extui %sign3A_1486 : i1 to i32
          %sign3A_1488 = arith.constant 0 : i32
          %sign3A_1489 = arith.cmpi slt, %sub3A_1482, %sign3A_1488 : i32
          %sign3A_1490 = arith.extui %sign3A_1489 : i1 to i32
          %sign3A_1491 = arith.subi %sign3A_1487, %sign3A_1490 : i32
          %sign3A_1492 = arith.constant 0 : i32
          %sign3A_1493 = arith.cmpi sgt, %jit3A_1483, %sign3A_1492 : i32
          %sign3A_1494 = arith.extui %sign3A_1493 : i1 to i32
          %sign3A_1495 = arith.constant 0 : i32
          %sign3A_1496 = arith.cmpi slt, %jit3A_1483, %sign3A_1495 : i32
          %sign3A_1497 = arith.extui %sign3A_1496 : i1 to i32
          %sign3A_1498 = arith.subi %sign3A_1494, %sign3A_1497 : i32
          %ne3A_1499 = arith.cmpi ne, %sign3A_1491, %sign3A_1498 : i32
          %rem3A_1500 = arith.remsi %sub3A_1482, %jit3A_1483 : i32
          %ne3A_1501 = arith.constant 0 : i32
          %ne3A_1502 = arith.cmpi ne, %rem3A_1500, %ne3A_1501 : i32
          %and3A_1503 = arith.andi %ne3A_1499, %ne3A_1502 : i1
          %sub3A_1504 = arith.constant 1 : i32
          %sub3A_1505 = arith.subi %div3A_1484, %sub3A_1504 : i32
          %select_n3A_1506 = arith.select %and3A_1503, %sub3A_1505, %div3A_1484 : i32
          %mul3A_1507 = arith.constant 256 : i32
          %mul3A_1508 = arith.muli %select_n3A_30, %mul3A_1507 : i32
          %jit3A_1509 = arith.constant 8 : i32
          %eq3A_1510 = arith.constant 0 : i32
          %eq3A_1511 = arith.cmpi eq, %jit3A_1509, %eq3A_1510 : i32
          %jit3A_1512 = arith.constant 1 : i32
          %select_n3A_1513 = arith.select %eq3A_1511, %jit3A_1512, %jit3A_1509 : i32
          %rem3A_1514 = arith.remsi %sub3A_1482, %select_n3A_1513 : i32
          %ne3A_1515 = arith.constant 0 : i32
          %ne3A_1516 = arith.cmpi ne, %rem3A_1514, %ne3A_1515 : i32
          %lt3A_1517 = arith.constant 0 : i32
          %lt3A_1518 = arith.cmpi slt, %rem3A_1514, %lt3A_1517 : i32
          %lt3A_1519 = arith.constant 0 : i32
          %lt3A_1520 = arith.cmpi slt, %select_n3A_1513, %lt3A_1519 : i32
          %ne3A_1521 = arith.xori %lt3A_1518, %lt3A_1520 : i1
          %and3A_1522 = arith.andi %ne3A_1521, %ne3A_1516 : i1
          %add3A_1523 = arith.addi %rem3A_1514, %select_n3A_1513 : i32
          %select_n3A_1524 = arith.select %and3A_1522, %add3A_1523, %rem3A_1514 : i32
          %mul3A_1525 = arith.constant 32 : i32
          %mul3A_1526 = arith.muli %select_n3A_1524, %mul3A_1525 : i32
          %add3A_1527 = arith.addi %mul3A_1508, %mul3A_1526 : i32
          %dma_wait3A_1528 = arith.constant 0 : i32
          %dma_wait3A_1529 = tpu.memref_slice %arg5[%select_n3A, %select_n3A_1506, %add3A_1527, %dma_wait3A_1528] : memref<16x3x512x512xf32, #tpu.memory_space<hbm>> -> memref<1x1x32x512xf32, #tpu.memory_space<hbm>>
          %dma_wait3A_1530 = tpu.memref_squeeze %dma_wait3A_1529 : memref<1x1x32x512xf32, #tpu.memory_space<hbm>> -> memref<32x512xf32, #tpu.memory_space<hbm>>
          %dma_wait3A_1531 = arith.constant 0 : i32
          %dma_wait3A_1532 = tpu.memref_slice %arg5[%select_n3A, %select_n3A_1506, %add3A_1527, %dma_wait3A_1531] : memref<16x3x512x512xf32, #tpu.memory_space<hbm>> -> memref<1x1x32x512xf32, #tpu.memory_space<hbm>>
          %dma_wait3A_1533 = tpu.memref_squeeze %dma_wait3A_1532 : memref<1x1x32x512xf32, #tpu.memory_space<hbm>> -> memref<32x512xf32, #tpu.memory_space<hbm>>
          tpu.wait_dma2 semaphore(%arg16 : memref<!tpu.dma_semaphore, #tpu.memory_space<semaphore_mem>>) src(%arg6 : memref<32x512xf32, #tpu.memory_space<vmem>>) dst(%dma_wait3A_1533 : memref<32x512xf32, #tpu.memory_space<hbm>>)
        } else {
        }
        %jit3A_1430 = arith.constant 8 : i32
        %div3A_1431 = arith.divsi %add3A_765, %jit3A_1430 : i32
        %sign3A_1432 = arith.constant 0 : i32
        %sign3A_1433 = arith.cmpi sgt, %add3A_765, %sign3A_1432 : i32
        %sign3A_1434 = arith.extui %sign3A_1433 : i1 to i32
        %sign3A_1435 = arith.constant 0 : i32
        %sign3A_1436 = arith.cmpi slt, %add3A_765, %sign3A_1435 : i32
        %sign3A_1437 = arith.extui %sign3A_1436 : i1 to i32
        %sign3A_1438 = arith.subi %sign3A_1434, %sign3A_1437 : i32
        %sign3A_1439 = arith.constant 0 : i32
        %sign3A_1440 = arith.cmpi sgt, %jit3A_1430, %sign3A_1439 : i32
        %sign3A_1441 = arith.extui %sign3A_1440 : i1 to i32
        %sign3A_1442 = arith.constant 0 : i32
        %sign3A_1443 = arith.cmpi slt, %jit3A_1430, %sign3A_1442 : i32
        %sign3A_1444 = arith.extui %sign3A_1443 : i1 to i32
        %sign3A_1445 = arith.subi %sign3A_1441, %sign3A_1444 : i32
        %ne3A_1446 = arith.cmpi ne, %sign3A_1438, %sign3A_1445 : i32
        %rem3A_1447 = arith.remsi %add3A_765, %jit3A_1430 : i32
        %ne3A_1448 = arith.constant 0 : i32
        %ne3A_1449 = arith.cmpi ne, %rem3A_1447, %ne3A_1448 : i32
        %and3A_1450 = arith.andi %ne3A_1446, %ne3A_1449 : i1
        %sub3A_1451 = arith.constant 1 : i32
        %sub3A_1452 = arith.subi %div3A_1431, %sub3A_1451 : i32
        %select_n3A_1453 = arith.select %and3A_1450, %sub3A_1452, %div3A_1431 : i32
        %mul3A_1454 = arith.constant 256 : i32
        %mul3A_1455 = arith.muli %select_n3A_30, %mul3A_1454 : i32
        %jit3A_1456 = arith.constant 8 : i32
        %eq3A_1457 = arith.constant 0 : i32
        %eq3A_1458 = arith.cmpi eq, %jit3A_1456, %eq3A_1457 : i32
        %jit3A_1459 = arith.constant 1 : i32
        %select_n3A_1460 = arith.select %eq3A_1458, %jit3A_1459, %jit3A_1456 : i32
        %rem3A_1461 = arith.remsi %add3A_765, %select_n3A_1460 : i32
        %ne3A_1462 = arith.constant 0 : i32
        %ne3A_1463 = arith.cmpi ne, %rem3A_1461, %ne3A_1462 : i32
        %lt3A_1464 = arith.constant 0 : i32
        %lt3A_1465 = arith.cmpi slt, %rem3A_1461, %lt3A_1464 : i32
        %lt3A_1466 = arith.constant 0 : i32
        %lt3A_1467 = arith.cmpi slt, %select_n3A_1460, %lt3A_1466 : i32
        %ne3A_1468 = arith.xori %lt3A_1465, %lt3A_1467 : i1
        %and3A_1469 = arith.andi %ne3A_1468, %ne3A_1463 : i1
        %add3A_1470 = arith.addi %rem3A_1461, %select_n3A_1460 : i32
        %select_n3A_1471 = arith.select %and3A_1469, %add3A_1470, %rem3A_1461 : i32
        %mul3A_1472 = arith.constant 32 : i32
        %mul3A_1473 = arith.muli %select_n3A_1471, %mul3A_1472 : i32
        %add3A_1474 = arith.addi %mul3A_1455, %mul3A_1473 : i32
        %dma_start3A_1475 = arith.constant 0 : i32
        %dma_start3A_1476 = tpu.memref_slice %arg2[%select_n3A, %select_n3A_1453, %add3A_1474, %dma_start3A_1475] : memref<16x3x512x512xf32, #tpu.memory_space<hbm>> -> memref<1x1x32x512xf32, #tpu.memory_space<hbm>>
        %dma_start3A_1477 = tpu.memref_squeeze %dma_start3A_1476 : memref<1x1x32x512xf32, #tpu.memory_space<hbm>> -> memref<32x512xf32, #tpu.memory_space<hbm>>
        %dma_start3A_1478 = arith.constant 0 : i32
        %dma_start3A_1479 = tpu.memref_slice %arg2[%select_n3A, %select_n3A_1453, %add3A_1474, %dma_start3A_1478] : memref<16x3x512x512xf32, #tpu.memory_space<hbm>> -> memref<1x1x32x512xf32, #tpu.memory_space<hbm>>
        %dma_start3A_1480 = tpu.memref_squeeze %dma_start3A_1479 : memref<1x1x32x512xf32, #tpu.memory_space<hbm>> -> memref<32x512xf32, #tpu.memory_space<hbm>>
        tpu.enqueue_dma source(%dma_start3A_1480 : memref<32x512xf32, #tpu.memory_space<hbm>>) target(%arg6 : memref<32x512xf32, #tpu.memory_space<vmem>>) target_semaphore(%arg12 : memref<!tpu.dma_semaphore, #tpu.memory_space<semaphore_mem>>)
      } else {
      }
      %jit3A_771 = arith.constant 8 : i32
      %div3A_772 = arith.divsi %add3A_763, %jit3A_771 : i32
      %sign3A_773 = arith.constant 0 : i32
      %sign3A_774 = arith.cmpi sgt, %add3A_763, %sign3A_773 : i32
      %sign3A_775 = arith.extui %sign3A_774 : i1 to i32
      %sign3A_776 = arith.constant 0 : i32
      %sign3A_777 = arith.cmpi slt, %add3A_763, %sign3A_776 : i32
      %sign3A_778 = arith.extui %sign3A_777 : i1 to i32
      %sign3A_779 = arith.subi %sign3A_775, %sign3A_778 : i32
      %sign3A_780 = arith.constant 0 : i32
      %sign3A_781 = arith.cmpi sgt, %jit3A_771, %sign3A_780 : i32
      %sign3A_782 = arith.extui %sign3A_781 : i1 to i32
      %sign3A_783 = arith.constant 0 : i32
      %sign3A_784 = arith.cmpi slt, %jit3A_771, %sign3A_783 : i32
      %sign3A_785 = arith.extui %sign3A_784 : i1 to i32
      %sign3A_786 = arith.subi %sign3A_782, %sign3A_785 : i32
      %ne3A_787 = arith.cmpi ne, %sign3A_779, %sign3A_786 : i32
      %rem3A_788 = arith.remsi %add3A_763, %jit3A_771 : i32
      %ne3A_789 = arith.constant 0 : i32
      %ne3A_790 = arith.cmpi ne, %rem3A_788, %ne3A_789 : i32
      %and3A_791 = arith.andi %ne3A_787, %ne3A_790 : i1
      %sub3A_792 = arith.constant 1 : i32
      %sub3A_793 = arith.subi %div3A_772, %sub3A_792 : i32
      %select_n3A_794 = arith.select %and3A_791, %sub3A_793, %div3A_772 : i32
      %mul3A_795 = arith.constant 256 : i32
      %mul3A_796 = arith.muli %select_n3A_30, %mul3A_795 : i32
      %jit3A_797 = arith.constant 8 : i32
      %eq3A_798 = arith.constant 0 : i32
      %eq3A_799 = arith.cmpi eq, %jit3A_797, %eq3A_798 : i32
      %jit3A_800 = arith.constant 1 : i32
      %select_n3A_801 = arith.select %eq3A_799, %jit3A_800, %jit3A_797 : i32
      %rem3A_802 = arith.remsi %add3A_763, %select_n3A_801 : i32
      %ne3A_803 = arith.constant 0 : i32
      %ne3A_804 = arith.cmpi ne, %rem3A_802, %ne3A_803 : i32
      %lt3A_805 = arith.constant 0 : i32
      %lt3A_806 = arith.cmpi slt, %rem3A_802, %lt3A_805 : i32
      %lt3A_807 = arith.constant 0 : i32
      %lt3A_808 = arith.cmpi slt, %select_n3A_801, %lt3A_807 : i32
      %ne3A_809 = arith.xori %lt3A_806, %lt3A_808 : i1
      %and3A_810 = arith.andi %ne3A_809, %ne3A_804 : i1
      %add3A_811 = arith.addi %rem3A_802, %select_n3A_801 : i32
      %select_n3A_812 = arith.select %and3A_810, %add3A_811, %rem3A_802 : i32
      %mul3A_813 = arith.constant 32 : i32
      %mul3A_814 = arith.muli %select_n3A_812, %mul3A_813 : i32
      %add3A_815 = arith.addi %mul3A_796, %mul3A_814 : i32
      %dma_wait3A_816 = arith.constant 0 : i32
      %dma_wait3A_817 = tpu.memref_slice %arg2[%select_n3A, %select_n3A_794, %add3A_815, %dma_wait3A_816] : memref<16x3x512x512xf32, #tpu.memory_space<hbm>> -> memref<1x1x32x512xf32, #tpu.memory_space<hbm>>
      %dma_wait3A_818 = tpu.memref_squeeze %dma_wait3A_817 : memref<1x1x32x512xf32, #tpu.memory_space<hbm>> -> memref<32x512xf32, #tpu.memory_space<hbm>>
      %dma_wait3A_819 = arith.constant 0 : i32
      %dma_wait3A_820 = tpu.memref_slice %arg2[%select_n3A, %select_n3A_794, %add3A_815, %dma_wait3A_819] : memref<16x3x512x512xf32, #tpu.memory_space<hbm>> -> memref<1x1x32x512xf32, #tpu.memory_space<hbm>>
      %dma_wait3A_821 = tpu.memref_squeeze %dma_wait3A_820 : memref<1x1x32x512xf32, #tpu.memory_space<hbm>> -> memref<32x512xf32, #tpu.memory_space<hbm>>
      tpu.wait_dma2 semaphore(%arg14 : memref<!tpu.dma_semaphore, #tpu.memory_space<semaphore_mem>>) src(%dma_wait3A_821 : memref<32x512xf32, #tpu.memory_space<hbm>>) dst(%arg8 : memref<32x512xf32, #tpu.memory_space<vmem>>)
      %jit3A_822 = arith.constant 8 : i32
      %div3A_823 = arith.divsi %add3A_763, %jit3A_822 : i32
      %sign3A_824 = arith.constant 0 : i32
      %sign3A_825 = arith.cmpi sgt, %add3A_763, %sign3A_824 : i32
      %sign3A_826 = arith.extui %sign3A_825 : i1 to i32
      %sign3A_827 = arith.constant 0 : i32
      %sign3A_828 = arith.cmpi slt, %add3A_763, %sign3A_827 : i32
      %sign3A_829 = arith.extui %sign3A_828 : i1 to i32
      %sign3A_830 = arith.subi %sign3A_826, %sign3A_829 : i32
      %sign3A_831 = arith.constant 0 : i32
      %sign3A_832 = arith.cmpi sgt, %jit3A_822, %sign3A_831 : i32
      %sign3A_833 = arith.extui %sign3A_832 : i1 to i32
      %sign3A_834 = arith.constant 0 : i32
      %sign3A_835 = arith.cmpi slt, %jit3A_822, %sign3A_834 : i32
      %sign3A_836 = arith.extui %sign3A_835 : i1 to i32
      %sign3A_837 = arith.subi %sign3A_833, %sign3A_836 : i32
      %ne3A_838 = arith.cmpi ne, %sign3A_830, %sign3A_837 : i32
      %rem3A_839 = arith.remsi %add3A_763, %jit3A_822 : i32
      %ne3A_840 = arith.constant 0 : i32
      %ne3A_841 = arith.cmpi ne, %rem3A_839, %ne3A_840 : i32
      %and3A_842 = arith.andi %ne3A_838, %ne3A_841 : i1
      %sub3A_843 = arith.constant 1 : i32
      %sub3A_844 = arith.subi %div3A_823, %sub3A_843 : i32
      %select_n3A_845 = arith.select %and3A_842, %sub3A_844, %div3A_823 : i32
      %mul3A_846 = arith.constant 256 : i32
      %mul3A_847 = arith.muli %select_n3A_30, %mul3A_846 : i32
      %jit3A_848 = arith.constant 8 : i32
      %eq3A_849 = arith.constant 0 : i32
      %eq3A_850 = arith.cmpi eq, %jit3A_848, %eq3A_849 : i32
      %jit3A_851 = arith.constant 1 : i32
      %select_n3A_852 = arith.select %eq3A_850, %jit3A_851, %jit3A_848 : i32
      %rem3A_853 = arith.remsi %add3A_763, %select_n3A_852 : i32
      %ne3A_854 = arith.constant 0 : i32
      %ne3A_855 = arith.cmpi ne, %rem3A_853, %ne3A_854 : i32
      %lt3A_856 = arith.constant 0 : i32
      %lt3A_857 = arith.cmpi slt, %rem3A_853, %lt3A_856 : i32
      %lt3A_858 = arith.constant 0 : i32
      %lt3A_859 = arith.cmpi slt, %select_n3A_852, %lt3A_858 : i32
      %ne3A_860 = arith.xori %lt3A_857, %lt3A_859 : i1
      %and3A_861 = arith.andi %ne3A_860, %ne3A_855 : i1
      %add3A_862 = arith.addi %rem3A_853, %select_n3A_852 : i32
      %select_n3A_863 = arith.select %and3A_861, %add3A_862, %rem3A_853 : i32
      %mul3A_864 = arith.constant 32 : i32
      %mul3A_865 = arith.muli %select_n3A_863, %mul3A_864 : i32
      %add3A_866 = arith.addi %mul3A_847, %mul3A_865 : i32
      %slice3A_867 = vector.extract_strided_slice %get3A_53 {offsets = [0], sizes = [1], strides = [1]} : vector<16xi32> to vector<1xi32>
      %squeeze3A_868 = vector.extract %slice3A_867[0] : i32 from vector<1xi32>
      %slice3A_869 = vector.extract_strided_slice %get3A_53 {offsets = [8], sizes = [1], strides = [1]} : vector<16xi32> to vector<1xi32>
      %squeeze3A_870 = vector.extract %slice3A_869[0] : i32 from vector<1xi32>
      %max3A_871 = arith.maxsi %squeeze3A_868, %add3A_866 : i32
      %add3A_872 = arith.constant 64 : i32
      %add3A_873 = arith.addi %squeeze3A_868, %add3A_872 : i32
      %add3A_874 = arith.constant 32 : i32
      %add3A_875 = arith.addi %add3A_866, %add3A_874 : i32
      %min3A_876 = arith.minsi %add3A_873, %add3A_875 : i32
      %mul3A_877 = arith.constant 64 : i32
      %mul3A_878 = arith.muli %select_n3A_845, %mul3A_877 : i32
      %sub3A_879 = arith.subi %mul3A_878, %squeeze3A_868 : i32
      %while3A_880 = arith.constant 0 : i32
      %while3A_881 = arith.subi %min3A_876, %max3A_871 : i32
      %while3A_882 = arith.addi %max3A_871, %while3A_881 : i32
      %while3A_883 = arith.constant 1 : i32
      %while3A_884 = arith.divsi %while3A_881, %while3A_883 : i32
      %while3A_885 = arith.muli %while3A_884, %while3A_883 : i32
      %while3A_886 = arith.addi %max3A_871, %while3A_885 : i32
      %while3A_887 = arith.constant 1 : i32
      scf.for %while3A_1426 = %max3A_871 to %while3A_886 step %while3A_887  : i32 {
        %sub3A_1427 = arith.subi %while3A_1426, %add3A_866 : i32
        %broadcast_in_dim3A = vector.broadcast %sub3A_1427 : i32 to vector<16xi32>
        %add3A_1428 = arith.addi %sub3A_879, %while3A_1426 : i32
        %add3A_1429 = arith.constant 0 : i32
        %add3A_1430 = arith.addi %squeeze3A_870, %add3A_1429 : i32
        %add3A_1431 = vector.broadcast %add3A_1430 : i32 to vector<16xi32>
        %add3A_1432 = arith.addi %add3A_1431, %iota3A : vector<16xi32>
        %get3A_1433 = arith.index_cast %add3A_1428 : i32 to index
        %get3A_1434 = arith.constant 0 : index
        %get3A_1435 = tpu.vector_load %arg10[%get3A_1433, %get3A_1434] {strides = array<i32>} : memref<192x128xf32, #tpu.memory_space<vmem>>, vector<16xf32>,
        tpu.vector_store_idx %arg8[%broadcast_in_dim3A, %add3A_1432], %get3A_1435 : memref<32x512xf32, #tpu.memory_space<vmem>>[vector<16xi32>, vector<16xi32>], vector<16xf32>,
        %add3A_1436 = arith.constant 16 : i32
        %add3A_1437 = arith.addi %squeeze3A_870, %add3A_1436 : i32
        %add3A_1438 = vector.broadcast %add3A_1437 : i32 to vector<16xi32>
        %add3A_1439 = arith.addi %add3A_1438, %iota3A : vector<16xi32>
        %get3A_1440 = arith.index_cast %add3A_1428 : i32 to index
        %get3A_1441 = arith.constant 16 : index
        %get3A_1442 = tpu.vector_load %arg10[%get3A_1440, %get3A_1441] {strides = array<i32>} : memref<192x128xf32, #tpu.memory_space<vmem>>, vector<16xf32>,
        tpu.vector_store_idx %arg8[%broadcast_in_dim3A, %add3A_1439], %get3A_1442 : memref<32x512xf32, #tpu.memory_space<vmem>>[vector<16xi32>, vector<16xi32>], vector<16xf32>,
        %add3A_1443 = arith.constant 32 : i32
        %add3A_1444 = arith.addi %squeeze3A_870, %add3A_1443 : i32
        %add3A_1445 = vector.broadcast %add3A_1444 : i32 to vector<16xi32>
        %add3A_1446 = arith.addi %add3A_1445, %iota3A : vector<16xi32>
        %get3A_1447 = arith.index_cast %add3A_1428 : i32 to index
        %get3A_1448 = arith.constant 32 : index
        %get3A_1449 = tpu.vector_load %arg10[%get3A_1447, %get3A_1448] {strides = array<i32>} : memref<192x128xf32, #tpu.memory_space<vmem>>, vector<16xf32>,
        tpu.vector_store_idx %arg8[%broadcast_in_dim3A, %add3A_1446], %get3A_1449 : memref<32x512xf32, #tpu.memory_space<vmem>>[vector<16xi32>, vector<16xi32>], vector<16xf32>,
        %add3A_1450 = arith.constant 48 : i32
        %add3A_1451 = arith.addi %squeeze3A_870, %add3A_1450 : i32
        %add3A_1452 = vector.broadcast %add3A_1451 : i32 to vector<16xi32>
        %add3A_1453 = arith.addi %add3A_1452, %iota3A : vector<16xi32>
        %get3A_1454 = arith.index_cast %add3A_1428 : i32 to index
        %get3A_1455 = arith.constant 48 : index
        %get3A_1456 = tpu.vector_load %arg10[%get3A_1454, %get3A_1455] {strides = array<i32>} : memref<192x128xf32, #tpu.memory_space<vmem>>, vector<16xf32>,
        tpu.vector_store_idx %arg8[%broadcast_in_dim3A, %add3A_1453], %get3A_1456 : memref<32x512xf32, #tpu.memory_space<vmem>>[vector<16xi32>, vector<16xi32>], vector<16xf32>,
      }
      %while3A_888 = arith.constant 1 : i32
      scf.for %while3A_1426 = %while3A_886 to %while3A_882 step %while3A_888  : i32 {
        %sub3A_1427 = arith.subi %while3A_1426, %add3A_866 : i32
        %broadcast_in_dim3A = vector.broadcast %sub3A_1427 : i32 to vector<16xi32>
        %add3A_1428 = arith.addi %sub3A_879, %while3A_1426 : i32
        %add3A_1429 = arith.constant 0 : i32
        %add3A_1430 = arith.addi %squeeze3A_870, %add3A_1429 : i32
        %add3A_1431 = vector.broadcast %add3A_1430 : i32 to vector<16xi32>
        %add3A_1432 = arith.addi %add3A_1431, %iota3A : vector<16xi32>
        %get3A_1433 = arith.index_cast %add3A_1428 : i32 to index
        %get3A_1434 = arith.constant 0 : index
        %get3A_1435 = tpu.vector_load %arg10[%get3A_1433, %get3A_1434] {strides = array<i32>} : memref<192x128xf32, #tpu.memory_space<vmem>>, vector<16xf32>,
        tpu.vector_store_idx %arg8[%broadcast_in_dim3A, %add3A_1432], %get3A_1435 : memref<32x512xf32, #tpu.memory_space<vmem>>[vector<16xi32>, vector<16xi32>], vector<16xf32>,
        %add3A_1436 = arith.constant 16 : i32
        %add3A_1437 = arith.addi %squeeze3A_870, %add3A_1436 : i32
        %add3A_1438 = vector.broadcast %add3A_1437 : i32 to vector<16xi32>
        %add3A_1439 = arith.addi %add3A_1438, %iota3A : vector<16xi32>
        %get3A_1440 = arith.index_cast %add3A_1428 : i32 to index
        %get3A_1441 = arith.constant 16 : index
        %get3A_1442 = tpu.vector_load %arg10[%get3A_1440, %get3A_1441] {strides = array<i32>} : memref<192x128xf32, #tpu.memory_space<vmem>>, vector<16xf32>,
        tpu.vector_store_idx %arg8[%broadcast_in_dim3A, %add3A_1439], %get3A_1442 : memref<32x512xf32, #tpu.memory_space<vmem>>[vector<16xi32>, vector<16xi32>], vector<16xf32>,
        %add3A_1443 = arith.constant 32 : i32
        %add3A_1444 = arith.addi %squeeze3A_870, %add3A_1443 : i32
        %add3A_1445 = vector.broadcast %add3A_1444 : i32 to vector<16xi32>
        %add3A_1446 = arith.addi %add3A_1445, %iota3A : vector<16xi32>
        %get3A_1447 = arith.index_cast %add3A_1428 : i32 to index
        %get3A_1448 = arith.constant 32 : index
        %get3A_1449 = tpu.vector_load %arg10[%get3A_1447, %get3A_1448] {strides = array<i32>} : memref<192x128xf32, #tpu.memory_space<vmem>>, vector<16xf32>,
        tpu.vector_store_idx %arg8[%broadcast_in_dim3A, %add3A_1446], %get3A_1449 : memref<32x512xf32, #tpu.memory_space<vmem>>[vector<16xi32>, vector<16xi32>], vector<16xf32>,
        %add3A_1450 = arith.constant 48 : i32
        %add3A_1451 = arith.addi %squeeze3A_870, %add3A_1450 : i32
        %add3A_1452 = vector.broadcast %add3A_1451 : i32 to vector<16xi32>
        %add3A_1453 = arith.addi %add3A_1452, %iota3A : vector<16xi32>
        %get3A_1454 = arith.index_cast %add3A_1428 : i32 to index
        %get3A_1455 = arith.constant 48 : index
        %get3A_1456 = tpu.vector_load %arg10[%get3A_1454, %get3A_1455] {strides = array<i32>} : memref<192x128xf32, #tpu.memory_space<vmem>>, vector<16xf32>,
        tpu.vector_store_idx %arg8[%broadcast_in_dim3A, %add3A_1453], %get3A_1456 : memref<32x512xf32, #tpu.memory_space<vmem>>[vector<16xi32>, vector<16xi32>], vector<16xf32>,
      }
      %slice3A_889 = vector.extract_strided_slice %get3A_53 {offsets = [1], sizes = [1], strides = [1]} : vector<16xi32> to vector<1xi32>
      %squeeze3A_890 = vector.extract %slice3A_889[0] : i32 from vector<1xi32>
      %slice3A_891 = vector.extract_strided_slice %get3A_53 {offsets = [9], sizes = [1], strides = [1]} : vector<16xi32> to vector<1xi32>
      %squeeze3A_892 = vector.extract %slice3A_891[0] : i32 from vector<1xi32>
      %max3A_893 = arith.maxsi %squeeze3A_890, %add3A_866 : i32
      %add3A_894 = arith.constant 64 : i32
      %add3A_895 = arith.addi %squeeze3A_890, %add3A_894 : i32
      %add3A_896 = arith.constant 32 : i32
      %add3A_897 = arith.addi %add3A_866, %add3A_896 : i32
      %min3A_898 = arith.minsi %add3A_895, %add3A_897 : i32
      %mul3A_899 = arith.constant 64 : i32
      %mul3A_900 = arith.muli %select_n3A_845, %mul3A_899 : i32
      %sub3A_901 = arith.subi %mul3A_900, %squeeze3A_890 : i32
      %while3A_902 = arith.constant 0 : i32
      %while3A_903 = arith.subi %min3A_898, %max3A_893 : i32
      %while3A_904 = arith.addi %max3A_893, %while3A_903 : i32
      %while3A_905 = arith.constant 1 : i32
      %while3A_906 = arith.divsi %while3A_903, %while3A_905 : i32
      %while3A_907 = arith.muli %while3A_906, %while3A_905 : i32
      %while3A_908 = arith.addi %max3A_893, %while3A_907 : i32
      %while3A_909 = arith.constant 1 : i32
      scf.for %while3A_1426 = %max3A_893 to %while3A_908 step %while3A_909  : i32 {
        %sub3A_1427 = arith.subi %while3A_1426, %add3A_866 : i32
        %broadcast_in_dim3A = vector.broadcast %sub3A_1427 : i32 to vector<16xi32>
        %add3A_1428 = arith.addi %sub3A_901, %while3A_1426 : i32
        %add3A_1429 = arith.constant 0 : i32
        %add3A_1430 = arith.addi %squeeze3A_892, %add3A_1429 : i32
        %add3A_1431 = vector.broadcast %add3A_1430 : i32 to vector<16xi32>
        %add3A_1432 = arith.addi %add3A_1431, %iota3A : vector<16xi32>
        %get3A_1433 = arith.index_cast %add3A_1428 : i32 to index
        %get3A_1434 = arith.constant 0 : index
        %get3A_1435 = tpu.vector_load %arg10[%get3A_1433, %get3A_1434] {strides = array<i32>} : memref<192x128xf32, #tpu.memory_space<vmem>>, vector<16xf32>,
        tpu.vector_store_idx %arg8[%broadcast_in_dim3A, %add3A_1432], %get3A_1435 : memref<32x512xf32, #tpu.memory_space<vmem>>[vector<16xi32>, vector<16xi32>], vector<16xf32>,
        %add3A_1436 = arith.constant 16 : i32
        %add3A_1437 = arith.addi %squeeze3A_892, %add3A_1436 : i32
        %add3A_1438 = vector.broadcast %add3A_1437 : i32 to vector<16xi32>
        %add3A_1439 = arith.addi %add3A_1438, %iota3A : vector<16xi32>
        %get3A_1440 = arith.index_cast %add3A_1428 : i32 to index
        %get3A_1441 = arith.constant 16 : index
        %get3A_1442 = tpu.vector_load %arg10[%get3A_1440, %get3A_1441] {strides = array<i32>} : memref<192x128xf32, #tpu.memory_space<vmem>>, vector<16xf32>,
        tpu.vector_store_idx %arg8[%broadcast_in_dim3A, %add3A_1439], %get3A_1442 : memref<32x512xf32, #tpu.memory_space<vmem>>[vector<16xi32>, vector<16xi32>], vector<16xf32>,
        %add3A_1443 = arith.constant 32 : i32
        %add3A_1444 = arith.addi %squeeze3A_892, %add3A_1443 : i32
        %add3A_1445 = vector.broadcast %add3A_1444 : i32 to vector<16xi32>
        %add3A_1446 = arith.addi %add3A_1445, %iota3A : vector<16xi32>
        %get3A_1447 = arith.index_cast %add3A_1428 : i32 to index
        %get3A_1448 = arith.constant 32 : index
        %get3A_1449 = tpu.vector_load %arg10[%get3A_1447, %get3A_1448] {strides = array<i32>} : memref<192x128xf32, #tpu.memory_space<vmem>>, vector<16xf32>,
        tpu.vector_store_idx %arg8[%broadcast_in_dim3A, %add3A_1446], %get3A_1449 : memref<32x512xf32, #tpu.memory_space<vmem>>[vector<16xi32>, vector<16xi32>], vector<16xf32>,
        %add3A_1450 = arith.constant 48 : i32
        %add3A_1451 = arith.addi %squeeze3A_892, %add3A_1450 : i32
        %add3A_1452 = vector.broadcast %add3A_1451 : i32 to vector<16xi32>
        %add3A_1453 = arith.addi %add3A_1452, %iota3A : vector<16xi32>
        %get3A_1454 = arith.index_cast %add3A_1428 : i32 to index
        %get3A_1455 = arith.constant 48 : index
        %get3A_1456 = tpu.vector_load %arg10[%get3A_1454, %get3A_1455] {strides = array<i32>} : memref<192x128xf32, #tpu.memory_space<vmem>>, vector<16xf32>,
        tpu.vector_store_idx %arg8[%broadcast_in_dim3A, %add3A_1453], %get3A_1456 : memref<32x512xf32, #tpu.memory_space<vmem>>[vector<16xi32>, vector<16xi32>], vector<16xf32>,
      }
      %while3A_910 = arith.constant 1 : i32
      scf.for %while3A_1426 = %while3A_908 to %while3A_904 step %while3A_910  : i32 {
        %sub3A_1427 = arith.subi %while3A_1426, %add3A_866 : i32
        %broadcast_in_dim3A = vector.broadcast %sub3A_1427 : i32 to vector<16xi32>
        %add3A_1428 = arith.addi %sub3A_901, %while3A_1426 : i32
        %add3A_1429 = arith.constant 0 : i32
        %add3A_1430 = arith.addi %squeeze3A_892, %add3A_1429 : i32
        %add3A_1431 = vector.broadcast %add3A_1430 : i32 to vector<16xi32>
        %add3A_1432 = arith.addi %add3A_1431, %iota3A : vector<16xi32>
        %get3A_1433 = arith.index_cast %add3A_1428 : i32 to index
        %get3A_1434 = arith.constant 0 : index
        %get3A_1435 = tpu.vector_load %arg10[%get3A_1433, %get3A_1434] {strides = array<i32>} : memref<192x128xf32, #tpu.memory_space<vmem>>, vector<16xf32>,
        tpu.vector_store_idx %arg8[%broadcast_in_dim3A, %add3A_1432], %get3A_1435 : memref<32x512xf32, #tpu.memory_space<vmem>>[vector<16xi32>, vector<16xi32>], vector<16xf32>,
        %add3A_1436 = arith.constant 16 : i32
        %add3A_1437 = arith.addi %squeeze3A_892, %add3A_1436 : i32
        %add3A_1438 = vector.broadcast %add3A_1437 : i32 to vector<16xi32>
        %add3A_1439 = arith.addi %add3A_1438, %iota3A : vector<16xi32>
        %get3A_1440 = arith.index_cast %add3A_1428 : i32 to index
        %get3A_1441 = arith.constant 16 : index
        %get3A_1442 = tpu.vector_load %arg10[%get3A_1440, %get3A_1441] {strides = array<i32>} : memref<192x128xf32, #tpu.memory_space<vmem>>, vector<16xf32>,
        tpu.vector_store_idx %arg8[%broadcast_in_dim3A, %add3A_1439], %get3A_1442 : memref<32x512xf32, #tpu.memory_space<vmem>>[vector<16xi32>, vector<16xi32>], vector<16xf32>,
        %add3A_1443 = arith.constant 32 : i32
        %add3A_1444 = arith.addi %squeeze3A_892, %add3A_1443 : i32
        %add3A_1445 = vector.broadcast %add3A_1444 : i32 to vector<16xi32>
        %add3A_1446 = arith.addi %add3A_1445, %iota3A : vector<16xi32>
        %get3A_1447 = arith.index_cast %add3A_1428 : i32 to index
        %get3A_1448 = arith.constant 32 : index
        %get3A_1449 = tpu.vector_load %arg10[%get3A_1447, %get3A_1448] {strides = array<i32>} : memref<192x128xf32, #tpu.memory_space<vmem>>, vector<16xf32>,
        tpu.vector_store_idx %arg8[%broadcast_in_dim3A, %add3A_1446], %get3A_1449 : memref<32x512xf32, #tpu.memory_space<vmem>>[vector<16xi32>, vector<16xi32>], vector<16xf32>,
        %add3A_1450 = arith.constant 48 : i32
        %add3A_1451 = arith.addi %squeeze3A_892, %add3A_1450 : i32
        %add3A_1452 = vector.broadcast %add3A_1451 : i32 to vector<16xi32>
        %add3A_1453 = arith.addi %add3A_1452, %iota3A : vector<16xi32>
        %get3A_1454 = arith.index_cast %add3A_1428 : i32 to index
        %get3A_1455 = arith.constant 48 : index
        %get3A_1456 = tpu.vector_load %arg10[%get3A_1454, %get3A_1455] {strides = array<i32>} : memref<192x128xf32, #tpu.memory_space<vmem>>, vector<16xf32>,
        tpu.vector_store_idx %arg8[%broadcast_in_dim3A, %add3A_1453], %get3A_1456 : memref<32x512xf32, #tpu.memory_space<vmem>>[vector<16xi32>, vector<16xi32>], vector<16xf32>,
      }
      %slice3A_911 = vector.extract_strided_slice %get3A_53 {offsets = [2], sizes = [1], strides = [1]} : vector<16xi32> to vector<1xi32>
      %squeeze3A_912 = vector.extract %slice3A_911[0] : i32 from vector<1xi32>
      %slice3A_913 = vector.extract_strided_slice %get3A_53 {offsets = [10], sizes = [1], strides = [1]} : vector<16xi32> to vector<1xi32>
      %squeeze3A_914 = vector.extract %slice3A_913[0] : i32 from vector<1xi32>
      %max3A_915 = arith.maxsi %squeeze3A_912, %add3A_866 : i32
      %add3A_916 = arith.constant 64 : i32
      %add3A_917 = arith.addi %squeeze3A_912, %add3A_916 : i32
      %add3A_918 = arith.constant 32 : i32
      %add3A_919 = arith.addi %add3A_866, %add3A_918 : i32
      %min3A_920 = arith.minsi %add3A_917, %add3A_919 : i32
      %mul3A_921 = arith.constant 64 : i32
      %mul3A_922 = arith.muli %select_n3A_845, %mul3A_921 : i32
      %sub3A_923 = arith.subi %mul3A_922, %squeeze3A_912 : i32
      %while3A_924 = arith.constant 0 : i32
      %while3A_925 = arith.subi %min3A_920, %max3A_915 : i32
      %while3A_926 = arith.addi %max3A_915, %while3A_925 : i32
      %while3A_927 = arith.constant 1 : i32
      %while3A_928 = arith.divsi %while3A_925, %while3A_927 : i32
      %while3A_929 = arith.muli %while3A_928, %while3A_927 : i32
      %while3A_930 = arith.addi %max3A_915, %while3A_929 : i32
      %while3A_931 = arith.constant 1 : i32
      scf.for %while3A_1426 = %max3A_915 to %while3A_930 step %while3A_931  : i32 {
        %sub3A_1427 = arith.subi %while3A_1426, %add3A_866 : i32
        %broadcast_in_dim3A = vector.broadcast %sub3A_1427 : i32 to vector<16xi32>
        %add3A_1428 = arith.addi %sub3A_923, %while3A_1426 : i32
        %add3A_1429 = arith.constant 0 : i32
        %add3A_1430 = arith.addi %squeeze3A_914, %add3A_1429 : i32
        %add3A_1431 = vector.broadcast %add3A_1430 : i32 to vector<16xi32>
        %add3A_1432 = arith.addi %add3A_1431, %iota3A : vector<16xi32>
        %get3A_1433 = arith.index_cast %add3A_1428 : i32 to index
        %get3A_1434 = arith.constant 0 : index
        %get3A_1435 = tpu.vector_load %arg10[%get3A_1433, %get3A_1434] {strides = array<i32>} : memref<192x128xf32, #tpu.memory_space<vmem>>, vector<16xf32>,
        tpu.vector_store_idx %arg8[%broadcast_in_dim3A, %add3A_1432], %get3A_1435 : memref<32x512xf32, #tpu.memory_space<vmem>>[vector<16xi32>, vector<16xi32>], vector<16xf32>,
        %add3A_1436 = arith.constant 16 : i32
        %add3A_1437 = arith.addi %squeeze3A_914, %add3A_1436 : i32
        %add3A_1438 = vector.broadcast %add3A_1437 : i32 to vector<16xi32>
        %add3A_1439 = arith.addi %add3A_1438, %iota3A : vector<16xi32>
        %get3A_1440 = arith.index_cast %add3A_1428 : i32 to index
        %get3A_1441 = arith.constant 16 : index
        %get3A_1442 = tpu.vector_load %arg10[%get3A_1440, %get3A_1441] {strides = array<i32>} : memref<192x128xf32, #tpu.memory_space<vmem>>, vector<16xf32>,
        tpu.vector_store_idx %arg8[%broadcast_in_dim3A, %add3A_1439], %get3A_1442 : memref<32x512xf32, #tpu.memory_space<vmem>>[vector<16xi32>, vector<16xi32>], vector<16xf32>,
        %add3A_1443 = arith.constant 32 : i32
        %add3A_1444 = arith.addi %squeeze3A_914, %add3A_1443 : i32
        %add3A_1445 = vector.broadcast %add3A_1444 : i32 to vector<16xi32>
        %add3A_1446 = arith.addi %add3A_1445, %iota3A : vector<16xi32>
        %get3A_1447 = arith.index_cast %add3A_1428 : i32 to index
        %get3A_1448 = arith.constant 32 : index
        %get3A_1449 = tpu.vector_load %arg10[%get3A_1447, %get3A_1448] {strides = array<i32>} : memref<192x128xf32, #tpu.memory_space<vmem>>, vector<16xf32>,
        tpu.vector_store_idx %arg8[%broadcast_in_dim3A, %add3A_1446], %get3A_1449 : memref<32x512xf32, #tpu.memory_space<vmem>>[vector<16xi32>, vector<16xi32>], vector<16xf32>,
        %add3A_1450 = arith.constant 48 : i32
        %add3A_1451 = arith.addi %squeeze3A_914, %add3A_1450 : i32
        %add3A_1452 = vector.broadcast %add3A_1451 : i32 to vector<16xi32>
        %add3A_1453 = arith.addi %add3A_1452, %iota3A : vector<16xi32>
        %get3A_1454 = arith.index_cast %add3A_1428 : i32 to index
        %get3A_1455 = arith.constant 48 : index
        %get3A_1456 = tpu.vector_load %arg10[%get3A_1454, %get3A_1455] {strides = array<i32>} : memref<192x128xf32, #tpu.memory_space<vmem>>, vector<16xf32>,
        tpu.vector_store_idx %arg8[%broadcast_in_dim3A, %add3A_1453], %get3A_1456 : memref<32x512xf32, #tpu.memory_space<vmem>>[vector<16xi32>, vector<16xi32>], vector<16xf32>,
      }
      %while3A_932 = arith.constant 1 : i32
      scf.for %while3A_1426 = %while3A_930 to %while3A_926 step %while3A_932  : i32 {
        %sub3A_1427 = arith.subi %while3A_1426, %add3A_866 : i32
        %broadcast_in_dim3A = vector.broadcast %sub3A_1427 : i32 to vector<16xi32>
        %add3A_1428 = arith.addi %sub3A_923, %while3A_1426 : i32
        %add3A_1429 = arith.constant 0 : i32
        %add3A_1430 = arith.addi %squeeze3A_914, %add3A_1429 : i32
        %add3A_1431 = vector.broadcast %add3A_1430 : i32 to vector<16xi32>
        %add3A_1432 = arith.addi %add3A_1431, %iota3A : vector<16xi32>
        %get3A_1433 = arith.index_cast %add3A_1428 : i32 to index
        %get3A_1434 = arith.constant 0 : index
        %get3A_1435 = tpu.vector_load %arg10[%get3A_1433, %get3A_1434] {strides = array<i32>} : memref<192x128xf32, #tpu.memory_space<vmem>>, vector<16xf32>,
        tpu.vector_store_idx %arg8[%broadcast_in_dim3A, %add3A_1432], %get3A_1435 : memref<32x512xf32, #tpu.memory_space<vmem>>[vector<16xi32>, vector<16xi32>], vector<16xf32>,
        %add3A_1436 = arith.constant 16 : i32
        %add3A_1437 = arith.addi %squeeze3A_914, %add3A_1436 : i32
        %add3A_1438 = vector.broadcast %add3A_1437 : i32 to vector<16xi32>
        %add3A_1439 = arith.addi %add3A_1438, %iota3A : vector<16xi32>
        %get3A_1440 = arith.index_cast %add3A_1428 : i32 to index
        %get3A_1441 = arith.constant 16 : index
        %get3A_1442 = tpu.vector_load %arg10[%get3A_1440, %get3A_1441] {strides = array<i32>} : memref<192x128xf32, #tpu.memory_space<vmem>>, vector<16xf32>,
        tpu.vector_store_idx %arg8[%broadcast_in_dim3A, %add3A_1439], %get3A_1442 : memref<32x512xf32, #tpu.memory_space<vmem>>[vector<16xi32>, vector<16xi32>], vector<16xf32>,
        %add3A_1443 = arith.constant 32 : i32
        %add3A_1444 = arith.addi %squeeze3A_914, %add3A_1443 : i32
        %add3A_1445 = vector.broadcast %add3A_1444 : i32 to vector<16xi32>
        %add3A_1446 = arith.addi %add3A_1445, %iota3A : vector<16xi32>
        %get3A_1447 = arith.index_cast %add3A_1428 : i32 to index
        %get3A_1448 = arith.constant 32 : index
        %get3A_1449 = tpu.vector_load %arg10[%get3A_1447, %get3A_1448] {strides = array<i32>} : memref<192x128xf32, #tpu.memory_space<vmem>>, vector<16xf32>,
        tpu.vector_store_idx %arg8[%broadcast_in_dim3A, %add3A_1446], %get3A_1449 : memref<32x512xf32, #tpu.memory_space<vmem>>[vector<16xi32>, vector<16xi32>], vector<16xf32>,
        %add3A_1450 = arith.constant 48 : i32
        %add3A_1451 = arith.addi %squeeze3A_914, %add3A_1450 : i32
        %add3A_1452 = vector.broadcast %add3A_1451 : i32 to vector<16xi32>
        %add3A_1453 = arith.addi %add3A_1452, %iota3A : vector<16xi32>
        %get3A_1454 = arith.index_cast %add3A_1428 : i32 to index
        %get3A_1455 = arith.constant 48 : index
        %get3A_1456 = tpu.vector_load %arg10[%get3A_1454, %get3A_1455] {strides = array<i32>} : memref<192x128xf32, #tpu.memory_space<vmem>>, vector<16xf32>,
        tpu.vector_store_idx %arg8[%broadcast_in_dim3A, %add3A_1453], %get3A_1456 : memref<32x512xf32, #tpu.memory_space<vmem>>[vector<16xi32>, vector<16xi32>], vector<16xf32>,
      }
      %slice3A_933 = vector.extract_strided_slice %get3A_53 {offsets = [3], sizes = [1], strides = [1]} : vector<16xi32> to vector<1xi32>
      %squeeze3A_934 = vector.extract %slice3A_933[0] : i32 from vector<1xi32>
      %slice3A_935 = vector.extract_strided_slice %get3A_53 {offsets = [11], sizes = [1], strides = [1]} : vector<16xi32> to vector<1xi32>
      %squeeze3A_936 = vector.extract %slice3A_935[0] : i32 from vector<1xi32>
      %max3A_937 = arith.maxsi %squeeze3A_934, %add3A_866 : i32
      %add3A_938 = arith.constant 64 : i32
      %add3A_939 = arith.addi %squeeze3A_934, %add3A_938 : i32
      %add3A_940 = arith.constant 32 : i32
      %add3A_941 = arith.addi %add3A_866, %add3A_940 : i32
      %min3A_942 = arith.minsi %add3A_939, %add3A_941 : i32
      %mul3A_943 = arith.constant 64 : i32
      %mul3A_944 = arith.muli %select_n3A_845, %mul3A_943 : i32
      %sub3A_945 = arith.subi %mul3A_944, %squeeze3A_934 : i32
      %while3A_946 = arith.constant 0 : i32
      %while3A_947 = arith.subi %min3A_942, %max3A_937 : i32
      %while3A_948 = arith.addi %max3A_937, %while3A_947 : i32
      %while3A_949 = arith.constant 1 : i32
      %while3A_950 = arith.divsi %while3A_947, %while3A_949 : i32
      %while3A_951 = arith.muli %while3A_950, %while3A_949 : i32
      %while3A_952 = arith.addi %max3A_937, %while3A_951 : i32
      %while3A_953 = arith.constant 1 : i32
      scf.for %while3A_1426 = %max3A_937 to %while3A_952 step %while3A_953  : i32 {
        %sub3A_1427 = arith.subi %while3A_1426, %add3A_866 : i32
        %broadcast_in_dim3A = vector.broadcast %sub3A_1427 : i32 to vector<16xi32>
        %add3A_1428 = arith.addi %sub3A_945, %while3A_1426 : i32
        %add3A_1429 = arith.constant 0 : i32
        %add3A_1430 = arith.addi %squeeze3A_936, %add3A_1429 : i32
        %add3A_1431 = vector.broadcast %add3A_1430 : i32 to vector<16xi32>
        %add3A_1432 = arith.addi %add3A_1431, %iota3A : vector<16xi32>
        %get3A_1433 = arith.index_cast %add3A_1428 : i32 to index
        %get3A_1434 = arith.constant 0 : index
        %get3A_1435 = tpu.vector_load %arg10[%get3A_1433, %get3A_1434] {strides = array<i32>} : memref<192x128xf32, #tpu.memory_space<vmem>>, vector<16xf32>,
        tpu.vector_store_idx %arg8[%broadcast_in_dim3A, %add3A_1432], %get3A_1435 : memref<32x512xf32, #tpu.memory_space<vmem>>[vector<16xi32>, vector<16xi32>], vector<16xf32>,
        %add3A_1436 = arith.constant 16 : i32
        %add3A_1437 = arith.addi %squeeze3A_936, %add3A_1436 : i32
        %add3A_1438 = vector.broadcast %add3A_1437 : i32 to vector<16xi32>
        %add3A_1439 = arith.addi %add3A_1438, %iota3A : vector<16xi32>
        %get3A_1440 = arith.index_cast %add3A_1428 : i32 to index
        %get3A_1441 = arith.constant 16 : index
        %get3A_1442 = tpu.vector_load %arg10[%get3A_1440, %get3A_1441] {strides = array<i32>} : memref<192x128xf32, #tpu.memory_space<vmem>>, vector<16xf32>,
        tpu.vector_store_idx %arg8[%broadcast_in_dim3A, %add3A_1439], %get3A_1442 : memref<32x512xf32, #tpu.memory_space<vmem>>[vector<16xi32>, vector<16xi32>], vector<16xf32>,
        %add3A_1443 = arith.constant 32 : i32
        %add3A_1444 = arith.addi %squeeze3A_936, %add3A_1443 : i32
        %add3A_1445 = vector.broadcast %add3A_1444 : i32 to vector<16xi32>
        %add3A_1446 = arith.addi %add3A_1445, %iota3A : vector<16xi32>
        %get3A_1447 = arith.index_cast %add3A_1428 : i32 to index
        %get3A_1448 = arith.constant 32 : index
        %get3A_1449 = tpu.vector_load %arg10[%get3A_1447, %get3A_1448] {strides = array<i32>} : memref<192x128xf32, #tpu.memory_space<vmem>>, vector<16xf32>,
        tpu.vector_store_idx %arg8[%broadcast_in_dim3A, %add3A_1446], %get3A_1449 : memref<32x512xf32, #tpu.memory_space<vmem>>[vector<16xi32>, vector<16xi32>], vector<16xf32>,
        %add3A_1450 = arith.constant 48 : i32
        %add3A_1451 = arith.addi %squeeze3A_936, %add3A_1450 : i32
        %add3A_1452 = vector.broadcast %add3A_1451 : i32 to vector<16xi32>
        %add3A_1453 = arith.addi %add3A_1452, %iota3A : vector<16xi32>
        %get3A_1454 = arith.index_cast %add3A_1428 : i32 to index
        %get3A_1455 = arith.constant 48 : index
        %get3A_1456 = tpu.vector_load %arg10[%get3A_1454, %get3A_1455] {strides = array<i32>} : memref<192x128xf32, #tpu.memory_space<vmem>>, vector<16xf32>,
        tpu.vector_store_idx %arg8[%broadcast_in_dim3A, %add3A_1453], %get3A_1456 : memref<32x512xf32, #tpu.memory_space<vmem>>[vector<16xi32>, vector<16xi32>], vector<16xf32>,
      }
      %while3A_954 = arith.constant 1 : i32
      scf.for %while3A_1426 = %while3A_952 to %while3A_948 step %while3A_954  : i32 {
        %sub3A_1427 = arith.subi %while3A_1426, %add3A_866 : i32
        %broadcast_in_dim3A = vector.broadcast %sub3A_1427 : i32 to vector<16xi32>
        %add3A_1428 = arith.addi %sub3A_945, %while3A_1426 : i32
        %add3A_1429 = arith.constant 0 : i32
        %add3A_1430 = arith.addi %squeeze3A_936, %add3A_1429 : i32
        %add3A_1431 = vector.broadcast %add3A_1430 : i32 to vector<16xi32>
        %add3A_1432 = arith.addi %add3A_1431, %iota3A : vector<16xi32>
        %get3A_1433 = arith.index_cast %add3A_1428 : i32 to index
        %get3A_1434 = arith.constant 0 : index
        %get3A_1435 = tpu.vector_load %arg10[%get3A_1433, %get3A_1434] {strides = array<i32>} : memref<192x128xf32, #tpu.memory_space<vmem>>, vector<16xf32>,
        tpu.vector_store_idx %arg8[%broadcast_in_dim3A, %add3A_1432], %get3A_1435 : memref<32x512xf32, #tpu.memory_space<vmem>>[vector<16xi32>, vector<16xi32>], vector<16xf32>,
        %add3A_1436 = arith.constant 16 : i32
        %add3A_1437 = arith.addi %squeeze3A_936, %add3A_1436 : i32
        %add3A_1438 = vector.broadcast %add3A_1437 : i32 to vector<16xi32>
        %add3A_1439 = arith.addi %add3A_1438, %iota3A : vector<16xi32>
        %get3A_1440 = arith.index_cast %add3A_1428 : i32 to index
        %get3A_1441 = arith.constant 16 : index
        %get3A_1442 = tpu.vector_load %arg10[%get3A_1440, %get3A_1441] {strides = array<i32>} : memref<192x128xf32, #tpu.memory_space<vmem>>, vector<16xf32>,
        tpu.vector_store_idx %arg8[%broadcast_in_dim3A, %add3A_1439], %get3A_1442 : memref<32x512xf32, #tpu.memory_space<vmem>>[vector<16xi32>, vector<16xi32>], vector<16xf32>,
        %add3A_1443 = arith.constant 32 : i32
        %add3A_1444 = arith.addi %squeeze3A_936, %add3A_1443 : i32
        %add3A_1445 = vector.broadcast %add3A_1444 : i32 to vector<16xi32>
        %add3A_1446 = arith.addi %add3A_1445, %iota3A : vector<16xi32>
        %get3A_1447 = arith.index_cast %add3A_1428 : i32 to index
        %get3A_1448 = arith.constant 32 : index
        %get3A_1449 = tpu.vector_load %arg10[%get3A_1447, %get3A_1448] {strides = array<i32>} : memref<192x128xf32, #tpu.memory_space<vmem>>, vector<16xf32>,
        tpu.vector_store_idx %arg8[%broadcast_in_dim3A, %add3A_1446], %get3A_1449 : memref<32x512xf32, #tpu.memory_space<vmem>>[vector<16xi32>, vector<16xi32>], vector<16xf32>,
        %add3A_1450 = arith.constant 48 : i32
        %add3A_1451 = arith.addi %squeeze3A_936, %add3A_1450 : i32
        %add3A_1452 = vector.broadcast %add3A_1451 : i32 to vector<16xi32>
        %add3A_1453 = arith.addi %add3A_1452, %iota3A : vector<16xi32>
        %get3A_1454 = arith.index_cast %add3A_1428 : i32 to index
        %get3A_1455 = arith.constant 48 : index
        %get3A_1456 = tpu.vector_load %arg10[%get3A_1454, %get3A_1455] {strides = array<i32>} : memref<192x128xf32, #tpu.memory_space<vmem>>, vector<16xf32>,
        tpu.vector_store_idx %arg8[%broadcast_in_dim3A, %add3A_1453], %get3A_1456 : memref<32x512xf32, #tpu.memory_space<vmem>>[vector<16xi32>, vector<16xi32>], vector<16xf32>,
      }
      %slice3A_955 = vector.extract_strided_slice %get3A_53 {offsets = [4], sizes = [1], strides = [1]} : vector<16xi32> to vector<1xi32>
      %squeeze3A_956 = vector.extract %slice3A_955[0] : i32 from vector<1xi32>
      %slice3A_957 = vector.extract_strided_slice %get3A_53 {offsets = [12], sizes = [1], strides = [1]} : vector<16xi32> to vector<1xi32>
      %squeeze3A_958 = vector.extract %slice3A_957[0] : i32 from vector<1xi32>
      %max3A_959 = arith.maxsi %squeeze3A_956, %add3A_866 : i32
      %add3A_960 = arith.constant 64 : i32
      %add3A_961 = arith.addi %squeeze3A_956, %add3A_960 : i32
      %add3A_962 = arith.constant 32 : i32
      %add3A_963 = arith.addi %add3A_866, %add3A_962 : i32
      %min3A_964 = arith.minsi %add3A_961, %add3A_963 : i32
      %mul3A_965 = arith.constant 64 : i32
      %mul3A_966 = arith.muli %select_n3A_845, %mul3A_965 : i32
      %sub3A_967 = arith.subi %mul3A_966, %squeeze3A_956 : i32
      %while3A_968 = arith.constant 0 : i32
      %while3A_969 = arith.subi %min3A_964, %max3A_959 : i32
      %while3A_970 = arith.addi %max3A_959, %while3A_969 : i32
      %while3A_971 = arith.constant 1 : i32
      %while3A_972 = arith.divsi %while3A_969, %while3A_971 : i32
      %while3A_973 = arith.muli %while3A_972, %while3A_971 : i32
      %while3A_974 = arith.addi %max3A_959, %while3A_973 : i32
      %while3A_975 = arith.constant 1 : i32
      scf.for %while3A_1426 = %max3A_959 to %while3A_974 step %while3A_975  : i32 {
        %sub3A_1427 = arith.subi %while3A_1426, %add3A_866 : i32
        %broadcast_in_dim3A = vector.broadcast %sub3A_1427 : i32 to vector<16xi32>
        %add3A_1428 = arith.addi %sub3A_967, %while3A_1426 : i32
        %add3A_1429 = arith.constant 0 : i32
        %add3A_1430 = arith.addi %squeeze3A_958, %add3A_1429 : i32
        %add3A_1431 = vector.broadcast %add3A_1430 : i32 to vector<16xi32>
        %add3A_1432 = arith.addi %add3A_1431, %iota3A : vector<16xi32>
        %get3A_1433 = arith.index_cast %add3A_1428 : i32 to index
        %get3A_1434 = arith.constant 0 : index
        %get3A_1435 = tpu.vector_load %arg10[%get3A_1433, %get3A_1434] {strides = array<i32>} : memref<192x128xf32, #tpu.memory_space<vmem>>, vector<16xf32>,
        tpu.vector_store_idx %arg8[%broadcast_in_dim3A, %add3A_1432], %get3A_1435 : memref<32x512xf32, #tpu.memory_space<vmem>>[vector<16xi32>, vector<16xi32>], vector<16xf32>,
        %add3A_1436 = arith.constant 16 : i32
        %add3A_1437 = arith.addi %squeeze3A_958, %add3A_1436 : i32
        %add3A_1438 = vector.broadcast %add3A_1437 : i32 to vector<16xi32>
        %add3A_1439 = arith.addi %add3A_1438, %iota3A : vector<16xi32>
        %get3A_1440 = arith.index_cast %add3A_1428 : i32 to index
        %get3A_1441 = arith.constant 16 : index
        %get3A_1442 = tpu.vector_load %arg10[%get3A_1440, %get3A_1441] {strides = array<i32>} : memref<192x128xf32, #tpu.memory_space<vmem>>, vector<16xf32>,
        tpu.vector_store_idx %arg8[%broadcast_in_dim3A, %add3A_1439], %get3A_1442 : memref<32x512xf32, #tpu.memory_space<vmem>>[vector<16xi32>, vector<16xi32>], vector<16xf32>,
        %add3A_1443 = arith.constant 32 : i32
        %add3A_1444 = arith.addi %squeeze3A_958, %add3A_1443 : i32
        %add3A_1445 = vector.broadcast %add3A_1444 : i32 to vector<16xi32>
        %add3A_1446 = arith.addi %add3A_1445, %iota3A : vector<16xi32>
        %get3A_1447 = arith.index_cast %add3A_1428 : i32 to index
        %get3A_1448 = arith.constant 32 : index
        %get3A_1449 = tpu.vector_load %arg10[%get3A_1447, %get3A_1448] {strides = array<i32>} : memref<192x128xf32, #tpu.memory_space<vmem>>, vector<16xf32>,
        tpu.vector_store_idx %arg8[%broadcast_in_dim3A, %add3A_1446], %get3A_1449 : memref<32x512xf32, #tpu.memory_space<vmem>>[vector<16xi32>, vector<16xi32>], vector<16xf32>,
        %add3A_1450 = arith.constant 48 : i32
        %add3A_1451 = arith.addi %squeeze3A_958, %add3A_1450 : i32
        %add3A_1452 = vector.broadcast %add3A_1451 : i32 to vector<16xi32>
        %add3A_1453 = arith.addi %add3A_1452, %iota3A : vector<16xi32>
        %get3A_1454 = arith.index_cast %add3A_1428 : i32 to index
        %get3A_1455 = arith.constant 48 : index
        %get3A_1456 = tpu.vector_load %arg10[%get3A_1454, %get3A_1455] {strides = array<i32>} : memref<192x128xf32, #tpu.memory_space<vmem>>, vector<16xf32>,
        tpu.vector_store_idx %arg8[%broadcast_in_dim3A, %add3A_1453], %get3A_1456 : memref<32x512xf32, #tpu.memory_space<vmem>>[vector<16xi32>, vector<16xi32>], vector<16xf32>,
      }
      %while3A_976 = arith.constant 1 : i32
      scf.for %while3A_1426 = %while3A_974 to %while3A_970 step %while3A_976  : i32 {
        %sub3A_1427 = arith.subi %while3A_1426, %add3A_866 : i32
        %broadcast_in_dim3A = vector.broadcast %sub3A_1427 : i32 to vector<16xi32>
        %add3A_1428 = arith.addi %sub3A_967, %while3A_1426 : i32
        %add3A_1429 = arith.constant 0 : i32
        %add3A_1430 = arith.addi %squeeze3A_958, %add3A_1429 : i32
        %add3A_1431 = vector.broadcast %add3A_1430 : i32 to vector<16xi32>
        %add3A_1432 = arith.addi %add3A_1431, %iota3A : vector<16xi32>
        %get3A_1433 = arith.index_cast %add3A_1428 : i32 to index
        %get3A_1434 = arith.constant 0 : index
        %get3A_1435 = tpu.vector_load %arg10[%get3A_1433, %get3A_1434] {strides = array<i32>} : memref<192x128xf32, #tpu.memory_space<vmem>>, vector<16xf32>,
        tpu.vector_store_idx %arg8[%broadcast_in_dim3A, %add3A_1432], %get3A_1435 : memref<32x512xf32, #tpu.memory_space<vmem>>[vector<16xi32>, vector<16xi32>], vector<16xf32>,
        %add3A_1436 = arith.constant 16 : i32
        %add3A_1437 = arith.addi %squeeze3A_958, %add3A_1436 : i32
        %add3A_1438 = vector.broadcast %add3A_1437 : i32 to vector<16xi32>
        %add3A_1439 = arith.addi %add3A_1438, %iota3A : vector<16xi32>
        %get3A_1440 = arith.index_cast %add3A_1428 : i32 to index
        %get3A_1441 = arith.constant 16 : index
        %get3A_1442 = tpu.vector_load %arg10[%get3A_1440, %get3A_1441] {strides = array<i32>} : memref<192x128xf32, #tpu.memory_space<vmem>>, vector<16xf32>,
        tpu.vector_store_idx %arg8[%broadcast_in_dim3A, %add3A_1439], %get3A_1442 : memref<32x512xf32, #tpu.memory_space<vmem>>[vector<16xi32>, vector<16xi32>], vector<16xf32>,
        %add3A_1443 = arith.constant 32 : i32
        %add3A_1444 = arith.addi %squeeze3A_958, %add3A_1443 : i32
        %add3A_1445 = vector.broadcast %add3A_1444 : i32 to vector<16xi32>
        %add3A_1446 = arith.addi %add3A_1445, %iota3A : vector<16xi32>
        %get3A_1447 = arith.index_cast %add3A_1428 : i32 to index
        %get3A_1448 = arith.constant 32 : index
        %get3A_1449 = tpu.vector_load %arg10[%get3A_1447, %get3A_1448] {strides = array<i32>} : memref<192x128xf32, #tpu.memory_space<vmem>>, vector<16xf32>,
        tpu.vector_store_idx %arg8[%broadcast_in_dim3A, %add3A_1446], %get3A_1449 : memref<32x512xf32, #tpu.memory_space<vmem>>[vector<16xi32>, vector<16xi32>], vector<16xf32>,
        %add3A_1450 = arith.constant 48 : i32
        %add3A_1451 = arith.addi %squeeze3A_958, %add3A_1450 : i32
        %add3A_1452 = vector.broadcast %add3A_1451 : i32 to vector<16xi32>
        %add3A_1453 = arith.addi %add3A_1452, %iota3A : vector<16xi32>
        %get3A_1454 = arith.index_cast %add3A_1428 : i32 to index
        %get3A_1455 = arith.constant 48 : index
        %get3A_1456 = tpu.vector_load %arg10[%get3A_1454, %get3A_1455] {strides = array<i32>} : memref<192x128xf32, #tpu.memory_space<vmem>>, vector<16xf32>,
        tpu.vector_store_idx %arg8[%broadcast_in_dim3A, %add3A_1453], %get3A_1456 : memref<32x512xf32, #tpu.memory_space<vmem>>[vector<16xi32>, vector<16xi32>], vector<16xf32>,
      }
      %slice3A_977 = vector.extract_strided_slice %get3A_53 {offsets = [5], sizes = [1], strides = [1]} : vector<16xi32> to vector<1xi32>
      %squeeze3A_978 = vector.extract %slice3A_977[0] : i32 from vector<1xi32>
      %slice3A_979 = vector.extract_strided_slice %get3A_53 {offsets = [13], sizes = [1], strides = [1]} : vector<16xi32> to vector<1xi32>
      %squeeze3A_980 = vector.extract %slice3A_979[0] : i32 from vector<1xi32>
      %max3A_981 = arith.maxsi %squeeze3A_978, %add3A_866 : i32
      %add3A_982 = arith.constant 64 : i32
      %add3A_983 = arith.addi %squeeze3A_978, %add3A_982 : i32
      %add3A_984 = arith.constant 32 : i32
      %add3A_985 = arith.addi %add3A_866, %add3A_984 : i32
      %min3A_986 = arith.minsi %add3A_983, %add3A_985 : i32
      %mul3A_987 = arith.constant 64 : i32
      %mul3A_988 = arith.muli %select_n3A_845, %mul3A_987 : i32
      %sub3A_989 = arith.subi %mul3A_988, %squeeze3A_978 : i32
      %while3A_990 = arith.constant 0 : i32
      %while3A_991 = arith.subi %min3A_986, %max3A_981 : i32
      %while3A_992 = arith.addi %max3A_981, %while3A_991 : i32
      %while3A_993 = arith.constant 1 : i32
      %while3A_994 = arith.divsi %while3A_991, %while3A_993 : i32
      %while3A_995 = arith.muli %while3A_994, %while3A_993 : i32
      %while3A_996 = arith.addi %max3A_981, %while3A_995 : i32
      %while3A_997 = arith.constant 1 : i32
      scf.for %while3A_1426 = %max3A_981 to %while3A_996 step %while3A_997  : i32 {
        %sub3A_1427 = arith.subi %while3A_1426, %add3A_866 : i32
        %broadcast_in_dim3A = vector.broadcast %sub3A_1427 : i32 to vector<16xi32>
        %add3A_1428 = arith.addi %sub3A_989, %while3A_1426 : i32
        %add3A_1429 = arith.constant 0 : i32
        %add3A_1430 = arith.addi %squeeze3A_980, %add3A_1429 : i32
        %add3A_1431 = vector.broadcast %add3A_1430 : i32 to vector<16xi32>
        %add3A_1432 = arith.addi %add3A_1431, %iota3A : vector<16xi32>
        %get3A_1433 = arith.index_cast %add3A_1428 : i32 to index
        %get3A_1434 = arith.constant 0 : index
        %get3A_1435 = tpu.vector_load %arg10[%get3A_1433, %get3A_1434] {strides = array<i32>} : memref<192x128xf32, #tpu.memory_space<vmem>>, vector<16xf32>,
        tpu.vector_store_idx %arg8[%broadcast_in_dim3A, %add3A_1432], %get3A_1435 : memref<32x512xf32, #tpu.memory_space<vmem>>[vector<16xi32>, vector<16xi32>], vector<16xf32>,
        %add3A_1436 = arith.constant 16 : i32
        %add3A_1437 = arith.addi %squeeze3A_980, %add3A_1436 : i32
        %add3A_1438 = vector.broadcast %add3A_1437 : i32 to vector<16xi32>
        %add3A_1439 = arith.addi %add3A_1438, %iota3A : vector<16xi32>
        %get3A_1440 = arith.index_cast %add3A_1428 : i32 to index
        %get3A_1441 = arith.constant 16 : index
        %get3A_1442 = tpu.vector_load %arg10[%get3A_1440, %get3A_1441] {strides = array<i32>} : memref<192x128xf32, #tpu.memory_space<vmem>>, vector<16xf32>,
        tpu.vector_store_idx %arg8[%broadcast_in_dim3A, %add3A_1439], %get3A_1442 : memref<32x512xf32, #tpu.memory_space<vmem>>[vector<16xi32>, vector<16xi32>], vector<16xf32>,
        %add3A_1443 = arith.constant 32 : i32
        %add3A_1444 = arith.addi %squeeze3A_980, %add3A_1443 : i32
        %add3A_1445 = vector.broadcast %add3A_1444 : i32 to vector<16xi32>
        %add3A_1446 = arith.addi %add3A_1445, %iota3A : vector<16xi32>
        %get3A_1447 = arith.index_cast %add3A_1428 : i32 to index
        %get3A_1448 = arith.constant 32 : index
        %get3A_1449 = tpu.vector_load %arg10[%get3A_1447, %get3A_1448] {strides = array<i32>} : memref<192x128xf32, #tpu.memory_space<vmem>>, vector<16xf32>,
        tpu.vector_store_idx %arg8[%broadcast_in_dim3A, %add3A_1446], %get3A_1449 : memref<32x512xf32, #tpu.memory_space<vmem>>[vector<16xi32>, vector<16xi32>], vector<16xf32>,
        %add3A_1450 = arith.constant 48 : i32
        %add3A_1451 = arith.addi %squeeze3A_980, %add3A_1450 : i32
        %add3A_1452 = vector.broadcast %add3A_1451 : i32 to vector<16xi32>
        %add3A_1453 = arith.addi %add3A_1452, %iota3A : vector<16xi32>
        %get3A_1454 = arith.index_cast %add3A_1428 : i32 to index
        %get3A_1455 = arith.constant 48 : index
        %get3A_1456 = tpu.vector_load %arg10[%get3A_1454, %get3A_1455] {strides = array<i32>} : memref<192x128xf32, #tpu.memory_space<vmem>>, vector<16xf32>,
        tpu.vector_store_idx %arg8[%broadcast_in_dim3A, %add3A_1453], %get3A_1456 : memref<32x512xf32, #tpu.memory_space<vmem>>[vector<16xi32>, vector<16xi32>], vector<16xf32>,
      }
      %while3A_998 = arith.constant 1 : i32
      scf.for %while3A_1426 = %while3A_996 to %while3A_992 step %while3A_998  : i32 {
        %sub3A_1427 = arith.subi %while3A_1426, %add3A_866 : i32
        %broadcast_in_dim3A = vector.broadcast %sub3A_1427 : i32 to vector<16xi32>
        %add3A_1428 = arith.addi %sub3A_989, %while3A_1426 : i32
        %add3A_1429 = arith.constant 0 : i32
        %add3A_1430 = arith.addi %squeeze3A_980, %add3A_1429 : i32
        %add3A_1431 = vector.broadcast %add3A_1430 : i32 to vector<16xi32>
        %add3A_1432 = arith.addi %add3A_1431, %iota3A : vector<16xi32>
        %get3A_1433 = arith.index_cast %add3A_1428 : i32 to index
        %get3A_1434 = arith.constant 0 : index
        %get3A_1435 = tpu.vector_load %arg10[%get3A_1433, %get3A_1434] {strides = array<i32>} : memref<192x128xf32, #tpu.memory_space<vmem>>, vector<16xf32>,
        tpu.vector_store_idx %arg8[%broadcast_in_dim3A, %add3A_1432], %get3A_1435 : memref<32x512xf32, #tpu.memory_space<vmem>>[vector<16xi32>, vector<16xi32>], vector<16xf32>,
        %add3A_1436 = arith.constant 16 : i32
        %add3A_1437 = arith.addi %squeeze3A_980, %add3A_1436 : i32
        %add3A_1438 = vector.broadcast %add3A_1437 : i32 to vector<16xi32>
        %add3A_1439 = arith.addi %add3A_1438, %iota3A : vector<16xi32>
        %get3A_1440 = arith.index_cast %add3A_1428 : i32 to index
        %get3A_1441 = arith.constant 16 : index
        %get3A_1442 = tpu.vector_load %arg10[%get3A_1440, %get3A_1441] {strides = array<i32>} : memref<192x128xf32, #tpu.memory_space<vmem>>, vector<16xf32>,
        tpu.vector_store_idx %arg8[%broadcast_in_dim3A, %add3A_1439], %get3A_1442 : memref<32x512xf32, #tpu.memory_space<vmem>>[vector<16xi32>, vector<16xi32>], vector<16xf32>,
        %add3A_1443 = arith.constant 32 : i32
        %add3A_1444 = arith.addi %squeeze3A_980, %add3A_1443 : i32
        %add3A_1445 = vector.broadcast %add3A_1444 : i32 to vector<16xi32>
        %add3A_1446 = arith.addi %add3A_1445, %iota3A : vector<16xi32>
        %get3A_1447 = arith.index_cast %add3A_1428 : i32 to index
        %get3A_1448 = arith.constant 32 : index
        %get3A_1449 = tpu.vector_load %arg10[%get3A_1447, %get3A_1448] {strides = array<i32>} : memref<192x128xf32, #tpu.memory_space<vmem>>, vector<16xf32>,
        tpu.vector_store_idx %arg8[%broadcast_in_dim3A, %add3A_1446], %get3A_1449 : memref<32x512xf32, #tpu.memory_space<vmem>>[vector<16xi32>, vector<16xi32>], vector<16xf32>,
        %add3A_1450 = arith.constant 48 : i32
        %add3A_1451 = arith.addi %squeeze3A_980, %add3A_1450 : i32
        %add3A_1452 = vector.broadcast %add3A_1451 : i32 to vector<16xi32>
        %add3A_1453 = arith.addi %add3A_1452, %iota3A : vector<16xi32>
        %get3A_1454 = arith.index_cast %add3A_1428 : i32 to index
        %get3A_1455 = arith.constant 48 : index
        %get3A_1456 = tpu.vector_load %arg10[%get3A_1454, %get3A_1455] {strides = array<i32>} : memref<192x128xf32, #tpu.memory_space<vmem>>, vector<16xf32>,
        tpu.vector_store_idx %arg8[%broadcast_in_dim3A, %add3A_1453], %get3A_1456 : memref<32x512xf32, #tpu.memory_space<vmem>>[vector<16xi32>, vector<16xi32>], vector<16xf32>,
      }
      %slice3A_999 = vector.extract_strided_slice %get3A_53 {offsets = [6], sizes = [1], strides = [1]} : vector<16xi32> to vector<1xi32>
      %squeeze3A_1000 = vector.extract %slice3A_999[0] : i32 from vector<1xi32>
      %slice3A_1001 = vector.extract_strided_slice %get3A_53 {offsets = [14], sizes = [1], strides = [1]} : vector<16xi32> to vector<1xi32>
      %squeeze3A_1002 = vector.extract %slice3A_1001[0] : i32 from vector<1xi32>
      %max3A_1003 = arith.maxsi %squeeze3A_1000, %add3A_866 : i32
      %add3A_1004 = arith.constant 64 : i32
      %add3A_1005 = arith.addi %squeeze3A_1000, %add3A_1004 : i32
      %add3A_1006 = arith.constant 32 : i32
      %add3A_1007 = arith.addi %add3A_866, %add3A_1006 : i32
      %min3A_1008 = arith.minsi %add3A_1005, %add3A_1007 : i32
      %mul3A_1009 = arith.constant 64 : i32
      %mul3A_1010 = arith.muli %select_n3A_845, %mul3A_1009 : i32
      %sub3A_1011 = arith.subi %mul3A_1010, %squeeze3A_1000 : i32
      %while3A_1012 = arith.constant 0 : i32
      %while3A_1013 = arith.subi %min3A_1008, %max3A_1003 : i32
      %while3A_1014 = arith.addi %max3A_1003, %while3A_1013 : i32
      %while3A_1015 = arith.constant 1 : i32
      %while3A_1016 = arith.divsi %while3A_1013, %while3A_1015 : i32
      %while3A_1017 = arith.muli %while3A_1016, %while3A_1015 : i32
      %while3A_1018 = arith.addi %max3A_1003, %while3A_1017 : i32
      %while3A_1019 = arith.constant 1 : i32
      scf.for %while3A_1426 = %max3A_1003 to %while3A_1018 step %while3A_1019  : i32 {
        %sub3A_1427 = arith.subi %while3A_1426, %add3A_866 : i32
        %broadcast_in_dim3A = vector.broadcast %sub3A_1427 : i32 to vector<16xi32>
        %add3A_1428 = arith.addi %sub3A_1011, %while3A_1426 : i32
        %add3A_1429 = arith.constant 0 : i32
        %add3A_1430 = arith.addi %squeeze3A_1002, %add3A_1429 : i32
        %add3A_1431 = vector.broadcast %add3A_1430 : i32 to vector<16xi32>
        %add3A_1432 = arith.addi %add3A_1431, %iota3A : vector<16xi32>
        %get3A_1433 = arith.index_cast %add3A_1428 : i32 to index
        %get3A_1434 = arith.constant 0 : index
        %get3A_1435 = tpu.vector_load %arg10[%get3A_1433, %get3A_1434] {strides = array<i32>} : memref<192x128xf32, #tpu.memory_space<vmem>>, vector<16xf32>,
        tpu.vector_store_idx %arg8[%broadcast_in_dim3A, %add3A_1432], %get3A_1435 : memref<32x512xf32, #tpu.memory_space<vmem>>[vector<16xi32>, vector<16xi32>], vector<16xf32>,
        %add3A_1436 = arith.constant 16 : i32
        %add3A_1437 = arith.addi %squeeze3A_1002, %add3A_1436 : i32
        %add3A_1438 = vector.broadcast %add3A_1437 : i32 to vector<16xi32>
        %add3A_1439 = arith.addi %add3A_1438, %iota3A : vector<16xi32>
        %get3A_1440 = arith.index_cast %add3A_1428 : i32 to index
        %get3A_1441 = arith.constant 16 : index
        %get3A_1442 = tpu.vector_load %arg10[%get3A_1440, %get3A_1441] {strides = array<i32>} : memref<192x128xf32, #tpu.memory_space<vmem>>, vector<16xf32>,
        tpu.vector_store_idx %arg8[%broadcast_in_dim3A, %add3A_1439], %get3A_1442 : memref<32x512xf32, #tpu.memory_space<vmem>>[vector<16xi32>, vector<16xi32>], vector<16xf32>,
        %add3A_1443 = arith.constant 32 : i32
        %add3A_1444 = arith.addi %squeeze3A_1002, %add3A_1443 : i32
        %add3A_1445 = vector.broadcast %add3A_1444 : i32 to vector<16xi32>
        %add3A_1446 = arith.addi %add3A_1445, %iota3A : vector<16xi32>
        %get3A_1447 = arith.index_cast %add3A_1428 : i32 to index
        %get3A_1448 = arith.constant 32 : index
        %get3A_1449 = tpu.vector_load %arg10[%get3A_1447, %get3A_1448] {strides = array<i32>} : memref<192x128xf32, #tpu.memory_space<vmem>>, vector<16xf32>,
        tpu.vector_store_idx %arg8[%broadcast_in_dim3A, %add3A_1446], %get3A_1449 : memref<32x512xf32, #tpu.memory_space<vmem>>[vector<16xi32>, vector<16xi32>], vector<16xf32>,
        %add3A_1450 = arith.constant 48 : i32
        %add3A_1451 = arith.addi %squeeze3A_1002, %add3A_1450 : i32
        %add3A_1452 = vector.broadcast %add3A_1451 : i32 to vector<16xi32>
        %add3A_1453 = arith.addi %add3A_1452, %iota3A : vector<16xi32>
        %get3A_1454 = arith.index_cast %add3A_1428 : i32 to index
        %get3A_1455 = arith.constant 48 : index
        %get3A_1456 = tpu.vector_load %arg10[%get3A_1454, %get3A_1455] {strides = array<i32>} : memref<192x128xf32, #tpu.memory_space<vmem>>, vector<16xf32>,
        tpu.vector_store_idx %arg8[%broadcast_in_dim3A, %add3A_1453], %get3A_1456 : memref<32x512xf32, #tpu.memory_space<vmem>>[vector<16xi32>, vector<16xi32>], vector<16xf32>,
      }
      %while3A_1020 = arith.constant 1 : i32
      scf.for %while3A_1426 = %while3A_1018 to %while3A_1014 step %while3A_1020  : i32 {
        %sub3A_1427 = arith.subi %while3A_1426, %add3A_866 : i32
        %broadcast_in_dim3A = vector.broadcast %sub3A_1427 : i32 to vector<16xi32>
        %add3A_1428 = arith.addi %sub3A_1011, %while3A_1426 : i32
        %add3A_1429 = arith.constant 0 : i32
        %add3A_1430 = arith.addi %squeeze3A_1002, %add3A_1429 : i32
        %add3A_1431 = vector.broadcast %add3A_1430 : i32 to vector<16xi32>
        %add3A_1432 = arith.addi %add3A_1431, %iota3A : vector<16xi32>
        %get3A_1433 = arith.index_cast %add3A_1428 : i32 to index
        %get3A_1434 = arith.constant 0 : index
        %get3A_1435 = tpu.vector_load %arg10[%get3A_1433, %get3A_1434] {strides = array<i32>} : memref<192x128xf32, #tpu.memory_space<vmem>>, vector<16xf32>,
        tpu.vector_store_idx %arg8[%broadcast_in_dim3A, %add3A_1432], %get3A_1435 : memref<32x512xf32, #tpu.memory_space<vmem>>[vector<16xi32>, vector<16xi32>], vector<16xf32>,
        %add3A_1436 = arith.constant 16 : i32
        %add3A_1437 = arith.addi %squeeze3A_1002, %add3A_1436 : i32
        %add3A_1438 = vector.broadcast %add3A_1437 : i32 to vector<16xi32>
        %add3A_1439 = arith.addi %add3A_1438, %iota3A : vector<16xi32>
        %get3A_1440 = arith.index_cast %add3A_1428 : i32 to index
        %get3A_1441 = arith.constant 16 : index
        %get3A_1442 = tpu.vector_load %arg10[%get3A_1440, %get3A_1441] {strides = array<i32>} : memref<192x128xf32, #tpu.memory_space<vmem>>, vector<16xf32>,
        tpu.vector_store_idx %arg8[%broadcast_in_dim3A, %add3A_1439], %get3A_1442 : memref<32x512xf32, #tpu.memory_space<vmem>>[vector<16xi32>, vector<16xi32>], vector<16xf32>,
        %add3A_1443 = arith.constant 32 : i32
        %add3A_1444 = arith.addi %squeeze3A_1002, %add3A_1443 : i32
        %add3A_1445 = vector.broadcast %add3A_1444 : i32 to vector<16xi32>
        %add3A_1446 = arith.addi %add3A_1445, %iota3A : vector<16xi32>
        %get3A_1447 = arith.index_cast %add3A_1428 : i32 to index
        %get3A_1448 = arith.constant 32 : index
        %get3A_1449 = tpu.vector_load %arg10[%get3A_1447, %get3A_1448] {strides = array<i32>} : memref<192x128xf32, #tpu.memory_space<vmem>>, vector<16xf32>,
        tpu.vector_store_idx %arg8[%broadcast_in_dim3A, %add3A_1446], %get3A_1449 : memref<32x512xf32, #tpu.memory_space<vmem>>[vector<16xi32>, vector<16xi32>], vector<16xf32>,
        %add3A_1450 = arith.constant 48 : i32
        %add3A_1451 = arith.addi %squeeze3A_1002, %add3A_1450 : i32
        %add3A_1452 = vector.broadcast %add3A_1451 : i32 to vector<16xi32>
        %add3A_1453 = arith.addi %add3A_1452, %iota3A : vector<16xi32>
        %get3A_1454 = arith.index_cast %add3A_1428 : i32 to index
        %get3A_1455 = arith.constant 48 : index
        %get3A_1456 = tpu.vector_load %arg10[%get3A_1454, %get3A_1455] {strides = array<i32>} : memref<192x128xf32, #tpu.memory_space<vmem>>, vector<16xf32>,
        tpu.vector_store_idx %arg8[%broadcast_in_dim3A, %add3A_1453], %get3A_1456 : memref<32x512xf32, #tpu.memory_space<vmem>>[vector<16xi32>, vector<16xi32>], vector<16xf32>,
      }
      %slice3A_1021 = vector.extract_strided_slice %get3A_53 {offsets = [7], sizes = [1], strides = [1]} : vector<16xi32> to vector<1xi32>
      %squeeze3A_1022 = vector.extract %slice3A_1021[0] : i32 from vector<1xi32>
      %slice3A_1023 = vector.extract_strided_slice %get3A_53 {offsets = [15], sizes = [1], strides = [1]} : vector<16xi32> to vector<1xi32>
      %squeeze3A_1024 = vector.extract %slice3A_1023[0] : i32 from vector<1xi32>
      %max3A_1025 = arith.maxsi %squeeze3A_1022, %add3A_866 : i32
      %add3A_1026 = arith.constant 64 : i32
      %add3A_1027 = arith.addi %squeeze3A_1022, %add3A_1026 : i32
      %add3A_1028 = arith.constant 32 : i32
      %add3A_1029 = arith.addi %add3A_866, %add3A_1028 : i32
      %min3A_1030 = arith.minsi %add3A_1027, %add3A_1029 : i32
      %mul3A_1031 = arith.constant 64 : i32
      %mul3A_1032 = arith.muli %select_n3A_845, %mul3A_1031 : i32
      %sub3A_1033 = arith.subi %mul3A_1032, %squeeze3A_1022 : i32
      %while3A_1034 = arith.constant 0 : i32
      %while3A_1035 = arith.subi %min3A_1030, %max3A_1025 : i32
      %while3A_1036 = arith.addi %max3A_1025, %while3A_1035 : i32
      %while3A_1037 = arith.constant 1 : i32
      %while3A_1038 = arith.divsi %while3A_1035, %while3A_1037 : i32
      %while3A_1039 = arith.muli %while3A_1038, %while3A_1037 : i32
      %while3A_1040 = arith.addi %max3A_1025, %while3A_1039 : i32
      %while3A_1041 = arith.constant 1 : i32
      scf.for %while3A_1426 = %max3A_1025 to %while3A_1040 step %while3A_1041  : i32 {
        %sub3A_1427 = arith.subi %while3A_1426, %add3A_866 : i32
        %broadcast_in_dim3A = vector.broadcast %sub3A_1427 : i32 to vector<16xi32>
        %add3A_1428 = arith.addi %sub3A_1033, %while3A_1426 : i32
        %add3A_1429 = arith.constant 0 : i32
        %add3A_1430 = arith.addi %squeeze3A_1024, %add3A_1429 : i32
        %add3A_1431 = vector.broadcast %add3A_1430 : i32 to vector<16xi32>
        %add3A_1432 = arith.addi %add3A_1431, %iota3A : vector<16xi32>
        %get3A_1433 = arith.index_cast %add3A_1428 : i32 to index
        %get3A_1434 = arith.constant 0 : index
        %get3A_1435 = tpu.vector_load %arg10[%get3A_1433, %get3A_1434] {strides = array<i32>} : memref<192x128xf32, #tpu.memory_space<vmem>>, vector<16xf32>,
        tpu.vector_store_idx %arg8[%broadcast_in_dim3A, %add3A_1432], %get3A_1435 : memref<32x512xf32, #tpu.memory_space<vmem>>[vector<16xi32>, vector<16xi32>], vector<16xf32>,
        %add3A_1436 = arith.constant 16 : i32
        %add3A_1437 = arith.addi %squeeze3A_1024, %add3A_1436 : i32
        %add3A_1438 = vector.broadcast %add3A_1437 : i32 to vector<16xi32>
        %add3A_1439 = arith.addi %add3A_1438, %iota3A : vector<16xi32>
        %get3A_1440 = arith.index_cast %add3A_1428 : i32 to index
        %get3A_1441 = arith.constant 16 : index
        %get3A_1442 = tpu.vector_load %arg10[%get3A_1440, %get3A_1441] {strides = array<i32>} : memref<192x128xf32, #tpu.memory_space<vmem>>, vector<16xf32>,
        tpu.vector_store_idx %arg8[%broadcast_in_dim3A, %add3A_1439], %get3A_1442 : memref<32x512xf32, #tpu.memory_space<vmem>>[vector<16xi32>, vector<16xi32>], vector<16xf32>,
        %add3A_1443 = arith.constant 32 : i32
        %add3A_1444 = arith.addi %squeeze3A_1024, %add3A_1443 : i32
        %add3A_1445 = vector.broadcast %add3A_1444 : i32 to vector<16xi32>
        %add3A_1446 = arith.addi %add3A_1445, %iota3A : vector<16xi32>
        %get3A_1447 = arith.index_cast %add3A_1428 : i32 to index
        %get3A_1448 = arith.constant 32 : index
        %get3A_1449 = tpu.vector_load %arg10[%get3A_1447, %get3A_1448] {strides = array<i32>} : memref<192x128xf32, #tpu.memory_space<vmem>>, vector<16xf32>,
        tpu.vector_store_idx %arg8[%broadcast_in_dim3A, %add3A_1446], %get3A_1449 : memref<32x512xf32, #tpu.memory_space<vmem>>[vector<16xi32>, vector<16xi32>], vector<16xf32>,
        %add3A_1450 = arith.constant 48 : i32
        %add3A_1451 = arith.addi %squeeze3A_1024, %add3A_1450 : i32
        %add3A_1452 = vector.broadcast %add3A_1451 : i32 to vector<16xi32>
        %add3A_1453 = arith.addi %add3A_1452, %iota3A : vector<16xi32>
        %get3A_1454 = arith.index_cast %add3A_1428 : i32 to index
        %get3A_1455 = arith.constant 48 : index
        %get3A_1456 = tpu.vector_load %arg10[%get3A_1454, %get3A_1455] {strides = array<i32>} : memref<192x128xf32, #tpu.memory_space<vmem>>, vector<16xf32>,
        tpu.vector_store_idx %arg8[%broadcast_in_dim3A, %add3A_1453], %get3A_1456 : memref<32x512xf32, #tpu.memory_space<vmem>>[vector<16xi32>, vector<16xi32>], vector<16xf32>,
      }
      %while3A_1042 = arith.constant 1 : i32
      scf.for %while3A_1426 = %while3A_1040 to %while3A_1036 step %while3A_1042  : i32 {
        %sub3A_1427 = arith.subi %while3A_1426, %add3A_866 : i32
        %broadcast_in_dim3A = vector.broadcast %sub3A_1427 : i32 to vector<16xi32>
        %add3A_1428 = arith.addi %sub3A_1033, %while3A_1426 : i32
        %add3A_1429 = arith.constant 0 : i32
        %add3A_1430 = arith.addi %squeeze3A_1024, %add3A_1429 : i32
        %add3A_1431 = vector.broadcast %add3A_1430 : i32 to vector<16xi32>
        %add3A_1432 = arith.addi %add3A_1431, %iota3A : vector<16xi32>
        %get3A_1433 = arith.index_cast %add3A_1428 : i32 to index
        %get3A_1434 = arith.constant 0 : index
        %get3A_1435 = tpu.vector_load %arg10[%get3A_1433, %get3A_1434] {strides = array<i32>} : memref<192x128xf32, #tpu.memory_space<vmem>>, vector<16xf32>,
        tpu.vector_store_idx %arg8[%broadcast_in_dim3A, %add3A_1432], %get3A_1435 : memref<32x512xf32, #tpu.memory_space<vmem>>[vector<16xi32>, vector<16xi32>], vector<16xf32>,
        %add3A_1436 = arith.constant 16 : i32
        %add3A_1437 = arith.addi %squeeze3A_1024, %add3A_1436 : i32
        %add3A_1438 = vector.broadcast %add3A_1437 : i32 to vector<16xi32>
        %add3A_1439 = arith.addi %add3A_1438, %iota3A : vector<16xi32>
        %get3A_1440 = arith.index_cast %add3A_1428 : i32 to index
        %get3A_1441 = arith.constant 16 : index
        %get3A_1442 = tpu.vector_load %arg10[%get3A_1440, %get3A_1441] {strides = array<i32>} : memref<192x128xf32, #tpu.memory_space<vmem>>, vector<16xf32>,
        tpu.vector_store_idx %arg8[%broadcast_in_dim3A, %add3A_1439], %get3A_1442 : memref<32x512xf32, #tpu.memory_space<vmem>>[vector<16xi32>, vector<16xi32>], vector<16xf32>,
        %add3A_1443 = arith.constant 32 : i32
        %add3A_1444 = arith.addi %squeeze3A_1024, %add3A_1443 : i32
        %add3A_1445 = vector.broadcast %add3A_1444 : i32 to vector<16xi32>
        %add3A_1446 = arith.addi %add3A_1445, %iota3A : vector<16xi32>
        %get3A_1447 = arith.index_cast %add3A_1428 : i32 to index
        %get3A_1448 = arith.constant 32 : index
        %get3A_1449 = tpu.vector_load %arg10[%get3A_1447, %get3A_1448] {strides = array<i32>} : memref<192x128xf32, #tpu.memory_space<vmem>>, vector<16xf32>,
        tpu.vector_store_idx %arg8[%broadcast_in_dim3A, %add3A_1446], %get3A_1449 : memref<32x512xf32, #tpu.memory_space<vmem>>[vector<16xi32>, vector<16xi32>], vector<16xf32>,
        %add3A_1450 = arith.constant 48 : i32
        %add3A_1451 = arith.addi %squeeze3A_1024, %add3A_1450 : i32
        %add3A_1452 = vector.broadcast %add3A_1451 : i32 to vector<16xi32>
        %add3A_1453 = arith.addi %add3A_1452, %iota3A : vector<16xi32>
        %get3A_1454 = arith.index_cast %add3A_1428 : i32 to index
        %get3A_1455 = arith.constant 48 : index
        %get3A_1456 = tpu.vector_load %arg10[%get3A_1454, %get3A_1455] {strides = array<i32>} : memref<192x128xf32, #tpu.memory_space<vmem>>, vector<16xf32>,
        tpu.vector_store_idx %arg8[%broadcast_in_dim3A, %add3A_1453], %get3A_1456 : memref<32x512xf32, #tpu.memory_space<vmem>>[vector<16xi32>, vector<16xi32>], vector<16xf32>,
      }
      %jit3A_1043 = arith.constant 8 : i32
      %div3A_1044 = arith.divsi %add3A_763, %jit3A_1043 : i32
      %sign3A_1045 = arith.constant 0 : i32
      %sign3A_1046 = arith.cmpi sgt, %add3A_763, %sign3A_1045 : i32
      %sign3A_1047 = arith.extui %sign3A_1046 : i1 to i32
      %sign3A_1048 = arith.constant 0 : i32
      %sign3A_1049 = arith.cmpi slt, %add3A_763, %sign3A_1048 : i32
      %sign3A_1050 = arith.extui %sign3A_1049 : i1 to i32
      %sign3A_1051 = arith.subi %sign3A_1047, %sign3A_1050 : i32
      %sign3A_1052 = arith.constant 0 : i32
      %sign3A_1053 = arith.cmpi sgt, %jit3A_1043, %sign3A_1052 : i32
      %sign3A_1054 = arith.extui %sign3A_1053 : i1 to i32
      %sign3A_1055 = arith.constant 0 : i32
      %sign3A_1056 = arith.cmpi slt, %jit3A_1043, %sign3A_1055 : i32
      %sign3A_1057 = arith.extui %sign3A_1056 : i1 to i32
      %sign3A_1058 = arith.subi %sign3A_1054, %sign3A_1057 : i32
      %ne3A_1059 = arith.cmpi ne, %sign3A_1051, %sign3A_1058 : i32
      %rem3A_1060 = arith.remsi %add3A_763, %jit3A_1043 : i32
      %ne3A_1061 = arith.constant 0 : i32
      %ne3A_1062 = arith.cmpi ne, %rem3A_1060, %ne3A_1061 : i32
      %and3A_1063 = arith.andi %ne3A_1059, %ne3A_1062 : i1
      %sub3A_1064 = arith.constant 1 : i32
      %sub3A_1065 = arith.subi %div3A_1044, %sub3A_1064 : i32
      %select_n3A_1066 = arith.select %and3A_1063, %sub3A_1065, %div3A_1044 : i32
      %mul3A_1067 = arith.constant 256 : i32
      %mul3A_1068 = arith.muli %select_n3A_30, %mul3A_1067 : i32
      %jit3A_1069 = arith.constant 8 : i32
      %eq3A_1070 = arith.constant 0 : i32
      %eq3A_1071 = arith.cmpi eq, %jit3A_1069, %eq3A_1070 : i32
      %jit3A_1072 = arith.constant 1 : i32
      %select_n3A_1073 = arith.select %eq3A_1071, %jit3A_1072, %jit3A_1069 : i32
      %rem3A_1074 = arith.remsi %add3A_763, %select_n3A_1073 : i32
      %ne3A_1075 = arith.constant 0 : i32
      %ne3A_1076 = arith.cmpi ne, %rem3A_1074, %ne3A_1075 : i32
      %lt3A_1077 = arith.constant 0 : i32
      %lt3A_1078 = arith.cmpi slt, %rem3A_1074, %lt3A_1077 : i32
      %lt3A_1079 = arith.constant 0 : i32
      %lt3A_1080 = arith.cmpi slt, %select_n3A_1073, %lt3A_1079 : i32
      %ne3A_1081 = arith.xori %lt3A_1078, %lt3A_1080 : i1
      %and3A_1082 = arith.andi %ne3A_1081, %ne3A_1076 : i1
      %add3A_1083 = arith.addi %rem3A_1074, %select_n3A_1073 : i32
      %select_n3A_1084 = arith.select %and3A_1082, %add3A_1083, %rem3A_1074 : i32
      %mul3A_1085 = arith.constant 32 : i32
      %mul3A_1086 = arith.muli %select_n3A_1084, %mul3A_1085 : i32
      %add3A_1087 = arith.addi %mul3A_1068, %mul3A_1086 : i32
      %dma_start3A_1088 = arith.constant 0 : i32
      %dma_start3A_1089 = tpu.memref_slice %arg5[%select_n3A, %select_n3A_1066, %add3A_1087, %dma_start3A_1088] : memref<16x3x512x512xf32, #tpu.memory_space<hbm>> -> memref<1x1x32x512xf32, #tpu.memory_space<hbm>>
      %dma_start3A_1090 = tpu.memref_squeeze %dma_start3A_1089 : memref<1x1x32x512xf32, #tpu.memory_space<hbm>> -> memref<32x512xf32, #tpu.memory_space<hbm>>
      %dma_start3A_1091 = arith.constant 0 : i32
      %dma_start3A_1092 = tpu.memref_slice %arg5[%select_n3A, %select_n3A_1066, %add3A_1087, %dma_start3A_1091] : memref<16x3x512x512xf32, #tpu.memory_space<hbm>> -> memref<1x1x32x512xf32, #tpu.memory_space<hbm>>
      %dma_start3A_1093 = tpu.memref_squeeze %dma_start3A_1092 : memref<1x1x32x512xf32, #tpu.memory_space<hbm>> -> memref<32x512xf32, #tpu.memory_space<hbm>>
      tpu.enqueue_dma source(%arg8 : memref<32x512xf32, #tpu.memory_space<vmem>>) target(%dma_start3A_1093 : memref<32x512xf32, #tpu.memory_space<hbm>>) target_semaphore(%arg18 : memref<!tpu.dma_semaphore, #tpu.memory_space<semaphore_mem>>)
      %add3A_1094 = arith.constant 3 : i32
      %add3A_1095 = arith.addi %mul3A_104, %add3A_1094 : i32
      %add3A_1096 = arith.constant 2 : i32
      %add3A_1097 = arith.addi %add3A_1095, %add3A_1096 : i32
      %lt3A_1098 = arith.constant 24 : i32
      %lt3A_1099 = arith.cmpi slt, %add3A_1097, %lt3A_1098 : i32
      %convert_element_type3A_1100 = arith.extui %lt3A_1099 : i1 to i32
      %cond3A_1101 = arith.constant 0 : i32
      %cond3A_1102 = arith.cmpi ne, %convert_element_type3A_1100, %cond3A_1101 : i32
      scf.if %cond3A_1102 {
        %ge3A = arith.constant 4 : i32
        %ge3A_1426 = arith.cmpi sge, %add3A_1097, %ge3A : i32
        %convert_element_type3A_1427 = arith.extui %ge3A_1426 : i1 to i32
        %cond3A_1428 = arith.constant 0 : i32
        %cond3A_1429 = arith.cmpi ne, %convert_element_type3A_1427, %cond3A_1428 : i32
        scf.if %cond3A_1429 {
          %sub3A_1481 = arith.constant 4 : i32
          %sub3A_1482 = arith.subi %add3A_1097, %sub3A_1481 : i32
          %jit3A_1483 = arith.constant 8 : i32
          %div3A_1484 = arith.divsi %sub3A_1482, %jit3A_1483 : i32
          %sign3A_1485 = arith.constant 0 : i32
          %sign3A_1486 = arith.cmpi sgt, %sub3A_1482, %sign3A_1485 : i32
          %sign3A_1487 = arith.extui %sign3A_1486 : i1 to i32
          %sign3A_1488 = arith.constant 0 : i32
          %sign3A_1489 = arith.cmpi slt, %sub3A_1482, %sign3A_1488 : i32
          %sign3A_1490 = arith.extui %sign3A_1489 : i1 to i32
          %sign3A_1491 = arith.subi %sign3A_1487, %sign3A_1490 : i32
          %sign3A_1492 = arith.constant 0 : i32
          %sign3A_1493 = arith.cmpi sgt, %jit3A_1483, %sign3A_1492 : i32
          %sign3A_1494 = arith.extui %sign3A_1493 : i1 to i32
          %sign3A_1495 = arith.constant 0 : i32
          %sign3A_1496 = arith.cmpi slt, %jit3A_1483, %sign3A_1495 : i32
          %sign3A_1497 = arith.extui %sign3A_1496 : i1 to i32
          %sign3A_1498 = arith.subi %sign3A_1494, %sign3A_1497 : i32
          %ne3A_1499 = arith.cmpi ne, %sign3A_1491, %sign3A_1498 : i32
          %rem3A_1500 = arith.remsi %sub3A_1482, %jit3A_1483 : i32
          %ne3A_1501 = arith.constant 0 : i32
          %ne3A_1502 = arith.cmpi ne, %rem3A_1500, %ne3A_1501 : i32
          %and3A_1503 = arith.andi %ne3A_1499, %ne3A_1502 : i1
          %sub3A_1504 = arith.constant 1 : i32
          %sub3A_1505 = arith.subi %div3A_1484, %sub3A_1504 : i32
          %select_n3A_1506 = arith.select %and3A_1503, %sub3A_1505, %div3A_1484 : i32
          %mul3A_1507 = arith.constant 256 : i32
          %mul3A_1508 = arith.muli %select_n3A_30, %mul3A_1507 : i32
          %jit3A_1509 = arith.constant 8 : i32
          %eq3A_1510 = arith.constant 0 : i32
          %eq3A_1511 = arith.cmpi eq, %jit3A_1509, %eq3A_1510 : i32
          %jit3A_1512 = arith.constant 1 : i32
          %select_n3A_1513 = arith.select %eq3A_1511, %jit3A_1512, %jit3A_1509 : i32
          %rem3A_1514 = arith.remsi %sub3A_1482, %select_n3A_1513 : i32
          %ne3A_1515 = arith.constant 0 : i32
          %ne3A_1516 = arith.cmpi ne, %rem3A_1514, %ne3A_1515 : i32
          %lt3A_1517 = arith.constant 0 : i32
          %lt3A_1518 = arith.cmpi slt, %rem3A_1514, %lt3A_1517 : i32
          %lt3A_1519 = arith.constant 0 : i32
          %lt3A_1520 = arith.cmpi slt, %select_n3A_1513, %lt3A_1519 : i32
          %ne3A_1521 = arith.xori %lt3A_1518, %lt3A_1520 : i1
          %and3A_1522 = arith.andi %ne3A_1521, %ne3A_1516 : i1
          %add3A_1523 = arith.addi %rem3A_1514, %select_n3A_1513 : i32
          %select_n3A_1524 = arith.select %and3A_1522, %add3A_1523, %rem3A_1514 : i32
          %mul3A_1525 = arith.constant 32 : i32
          %mul3A_1526 = arith.muli %select_n3A_1524, %mul3A_1525 : i32
          %add3A_1527 = arith.addi %mul3A_1508, %mul3A_1526 : i32
          %dma_wait3A_1528 = arith.constant 0 : i32
          %dma_wait3A_1529 = tpu.memref_slice %arg5[%select_n3A, %select_n3A_1506, %add3A_1527, %dma_wait3A_1528] : memref<16x3x512x512xf32, #tpu.memory_space<hbm>> -> memref<1x1x32x512xf32, #tpu.memory_space<hbm>>
          %dma_wait3A_1530 = tpu.memref_squeeze %dma_wait3A_1529 : memref<1x1x32x512xf32, #tpu.memory_space<hbm>> -> memref<32x512xf32, #tpu.memory_space<hbm>>
          %dma_wait3A_1531 = arith.constant 0 : i32
          %dma_wait3A_1532 = tpu.memref_slice %arg5[%select_n3A, %select_n3A_1506, %add3A_1527, %dma_wait3A_1531] : memref<16x3x512x512xf32, #tpu.memory_space<hbm>> -> memref<1x1x32x512xf32, #tpu.memory_space<hbm>>
          %dma_wait3A_1533 = tpu.memref_squeeze %dma_wait3A_1532 : memref<1x1x32x512xf32, #tpu.memory_space<hbm>> -> memref<32x512xf32, #tpu.memory_space<hbm>>
          tpu.wait_dma2 semaphore(%arg17 : memref<!tpu.dma_semaphore, #tpu.memory_space<semaphore_mem>>) src(%arg7 : memref<32x512xf32, #tpu.memory_space<vmem>>) dst(%dma_wait3A_1533 : memref<32x512xf32, #tpu.memory_space<hbm>>)
        } else {
        }
        %jit3A_1430 = arith.constant 8 : i32
        %div3A_1431 = arith.divsi %add3A_1097, %jit3A_1430 : i32
        %sign3A_1432 = arith.constant 0 : i32
        %sign3A_1433 = arith.cmpi sgt, %add3A_1097, %sign3A_1432 : i32
        %sign3A_1434 = arith.extui %sign3A_1433 : i1 to i32
        %sign3A_1435 = arith.constant 0 : i32
        %sign3A_1436 = arith.cmpi slt, %add3A_1097, %sign3A_1435 : i32
        %sign3A_1437 = arith.extui %sign3A_1436 : i1 to i32
        %sign3A_1438 = arith.subi %sign3A_1434, %sign3A_1437 : i32
        %sign3A_1439 = arith.constant 0 : i32
        %sign3A_1440 = arith.cmpi sgt, %jit3A_1430, %sign3A_1439 : i32
        %sign3A_1441 = arith.extui %sign3A_1440 : i1 to i32
        %sign3A_1442 = arith.constant 0 : i32
        %sign3A_1443 = arith.cmpi slt, %jit3A_1430, %sign3A_1442 : i32
        %sign3A_1444 = arith.extui %sign3A_1443 : i1 to i32
        %sign3A_1445 = arith.subi %sign3A_1441, %sign3A_1444 : i32
        %ne3A_1446 = arith.cmpi ne, %sign3A_1438, %sign3A_1445 : i32
        %rem3A_1447 = arith.remsi %add3A_1097, %jit3A_1430 : i32
        %ne3A_1448 = arith.constant 0 : i32
        %ne3A_1449 = arith.cmpi ne, %rem3A_1447, %ne3A_1448 : i32
        %and3A_1450 = arith.andi %ne3A_1446, %ne3A_1449 : i1
        %sub3A_1451 = arith.constant 1 : i32
        %sub3A_1452 = arith.subi %div3A_1431, %sub3A_1451 : i32
        %select_n3A_1453 = arith.select %and3A_1450, %sub3A_1452, %div3A_1431 : i32
        %mul3A_1454 = arith.constant 256 : i32
        %mul3A_1455 = arith.muli %select_n3A_30, %mul3A_1454 : i32
        %jit3A_1456 = arith.constant 8 : i32
        %eq3A_1457 = arith.constant 0 : i32
        %eq3A_1458 = arith.cmpi eq, %jit3A_1456, %eq3A_1457 : i32
        %jit3A_1459 = arith.constant 1 : i32
        %select_n3A_1460 = arith.select %eq3A_1458, %jit3A_1459, %jit3A_1456 : i32
        %rem3A_1461 = arith.remsi %add3A_1097, %select_n3A_1460 : i32
        %ne3A_1462 = arith.constant 0 : i32
        %ne3A_1463 = arith.cmpi ne, %rem3A_1461, %ne3A_1462 : i32
        %lt3A_1464 = arith.constant 0 : i32
        %lt3A_1465 = arith.cmpi slt, %rem3A_1461, %lt3A_1464 : i32
        %lt3A_1466 = arith.constant 0 : i32
        %lt3A_1467 = arith.cmpi slt, %select_n3A_1460, %lt3A_1466 : i32
        %ne3A_1468 = arith.xori %lt3A_1465, %lt3A_1467 : i1
        %and3A_1469 = arith.andi %ne3A_1468, %ne3A_1463 : i1
        %add3A_1470 = arith.addi %rem3A_1461, %select_n3A_1460 : i32
        %select_n3A_1471 = arith.select %and3A_1469, %add3A_1470, %rem3A_1461 : i32
        %mul3A_1472 = arith.constant 32 : i32
        %mul3A_1473 = arith.muli %select_n3A_1471, %mul3A_1472 : i32
        %add3A_1474 = arith.addi %mul3A_1455, %mul3A_1473 : i32
        %dma_start3A_1475 = arith.constant 0 : i32
        %dma_start3A_1476 = tpu.memref_slice %arg2[%select_n3A, %select_n3A_1453, %add3A_1474, %dma_start3A_1475] : memref<16x3x512x512xf32, #tpu.memory_space<hbm>> -> memref<1x1x32x512xf32, #tpu.memory_space<hbm>>
        %dma_start3A_1477 = tpu.memref_squeeze %dma_start3A_1476 : memref<1x1x32x512xf32, #tpu.memory_space<hbm>> -> memref<32x512xf32, #tpu.memory_space<hbm>>
        %dma_start3A_1478 = arith.constant 0 : i32
        %dma_start3A_1479 = tpu.memref_slice %arg2[%select_n3A, %select_n3A_1453, %add3A_1474, %dma_start3A_1478] : memref<16x3x512x512xf32, #tpu.memory_space<hbm>> -> memref<1x1x32x512xf32, #tpu.memory_space<hbm>>
        %dma_start3A_1480 = tpu.memref_squeeze %dma_start3A_1479 : memref<1x1x32x512xf32, #tpu.memory_space<hbm>> -> memref<32x512xf32, #tpu.memory_space<hbm>>
        tpu.enqueue_dma source(%dma_start3A_1480 : memref<32x512xf32, #tpu.memory_space<hbm>>) target(%arg7 : memref<32x512xf32, #tpu.memory_space<vmem>>) target_semaphore(%arg13 : memref<!tpu.dma_semaphore, #tpu.memory_space<semaphore_mem>>)
      } else {
      }
      %jit3A_1103 = arith.constant 8 : i32
      %div3A_1104 = arith.divsi %add3A_1095, %jit3A_1103 : i32
      %sign3A_1105 = arith.constant 0 : i32
      %sign3A_1106 = arith.cmpi sgt, %add3A_1095, %sign3A_1105 : i32
      %sign3A_1107 = arith.extui %sign3A_1106 : i1 to i32
      %sign3A_1108 = arith.constant 0 : i32
      %sign3A_1109 = arith.cmpi slt, %add3A_1095, %sign3A_1108 : i32
      %sign3A_1110 = arith.extui %sign3A_1109 : i1 to i32
      %sign3A_1111 = arith.subi %sign3A_1107, %sign3A_1110 : i32
      %sign3A_1112 = arith.constant 0 : i32
      %sign3A_1113 = arith.cmpi sgt, %jit3A_1103, %sign3A_1112 : i32
      %sign3A_1114 = arith.extui %sign3A_1113 : i1 to i32
      %sign3A_1115 = arith.constant 0 : i32
      %sign3A_1116 = arith.cmpi slt, %jit3A_1103, %sign3A_1115 : i32
      %sign3A_1117 = arith.extui %sign3A_1116 : i1 to i32
      %sign3A_1118 = arith.subi %sign3A_1114, %sign3A_1117 : i32
      %ne3A_1119 = arith.cmpi ne, %sign3A_1111, %sign3A_1118 : i32
      %rem3A_1120 = arith.remsi %add3A_1095, %jit3A_1103 : i32
      %ne3A_1121 = arith.constant 0 : i32
      %ne3A_1122 = arith.cmpi ne, %rem3A_1120, %ne3A_1121 : i32
      %and3A_1123 = arith.andi %ne3A_1119, %ne3A_1122 : i1
      %sub3A_1124 = arith.constant 1 : i32
      %sub3A_1125 = arith.subi %div3A_1104, %sub3A_1124 : i32
      %select_n3A_1126 = arith.select %and3A_1123, %sub3A_1125, %div3A_1104 : i32
      %mul3A_1127 = arith.constant 256 : i32
      %mul3A_1128 = arith.muli %select_n3A_30, %mul3A_1127 : i32
      %jit3A_1129 = arith.constant 8 : i32
      %eq3A_1130 = arith.constant 0 : i32
      %eq3A_1131 = arith.cmpi eq, %jit3A_1129, %eq3A_1130 : i32
      %jit3A_1132 = arith.constant 1 : i32
      %select_n3A_1133 = arith.select %eq3A_1131, %jit3A_1132, %jit3A_1129 : i32
      %rem3A_1134 = arith.remsi %add3A_1095, %select_n3A_1133 : i32
      %ne3A_1135 = arith.constant 0 : i32
      %ne3A_1136 = arith.cmpi ne, %rem3A_1134, %ne3A_1135 : i32
      %lt3A_1137 = arith.constant 0 : i32
      %lt3A_1138 = arith.cmpi slt, %rem3A_1134, %lt3A_1137 : i32
      %lt3A_1139 = arith.constant 0 : i32
      %lt3A_1140 = arith.cmpi slt, %select_n3A_1133, %lt3A_1139 : i32
      %ne3A_1141 = arith.xori %lt3A_1138, %lt3A_1140 : i1
      %and3A_1142 = arith.andi %ne3A_1141, %ne3A_1136 : i1
      %add3A_1143 = arith.addi %rem3A_1134, %select_n3A_1133 : i32
      %select_n3A_1144 = arith.select %and3A_1142, %add3A_1143, %rem3A_1134 : i32
      %mul3A_1145 = arith.constant 32 : i32
      %mul3A_1146 = arith.muli %select_n3A_1144, %mul3A_1145 : i32
      %add3A_1147 = arith.addi %mul3A_1128, %mul3A_1146 : i32
      %dma_wait3A_1148 = arith.constant 0 : i32
      %dma_wait3A_1149 = tpu.memref_slice %arg2[%select_n3A, %select_n3A_1126, %add3A_1147, %dma_wait3A_1148] : memref<16x3x512x512xf32, #tpu.memory_space<hbm>> -> memref<1x1x32x512xf32, #tpu.memory_space<hbm>>
      %dma_wait3A_1150 = tpu.memref_squeeze %dma_wait3A_1149 : memref<1x1x32x512xf32, #tpu.memory_space<hbm>> -> memref<32x512xf32, #tpu.memory_space<hbm>>
      %dma_wait3A_1151 = arith.constant 0 : i32
      %dma_wait3A_1152 = tpu.memref_slice %arg2[%select_n3A, %select_n3A_1126, %add3A_1147, %dma_wait3A_1151] : memref<16x3x512x512xf32, #tpu.memory_space<hbm>> -> memref<1x1x32x512xf32, #tpu.memory_space<hbm>>
      %dma_wait3A_1153 = tpu.memref_squeeze %dma_wait3A_1152 : memref<1x1x32x512xf32, #tpu.memory_space<hbm>> -> memref<32x512xf32, #tpu.memory_space<hbm>>
      tpu.wait_dma2 semaphore(%arg15 : memref<!tpu.dma_semaphore, #tpu.memory_space<semaphore_mem>>) src(%dma_wait3A_1153 : memref<32x512xf32, #tpu.memory_space<hbm>>) dst(%arg9 : memref<32x512xf32, #tpu.memory_space<vmem>>)
      %jit3A_1154 = arith.constant 8 : i32
      %div3A_1155 = arith.divsi %add3A_1095, %jit3A_1154 : i32
      %sign3A_1156 = arith.constant 0 : i32
      %sign3A_1157 = arith.cmpi sgt, %add3A_1095, %sign3A_1156 : i32
      %sign3A_1158 = arith.extui %sign3A_1157 : i1 to i32
      %sign3A_1159 = arith.constant 0 : i32
      %sign3A_1160 = arith.cmpi slt, %add3A_1095, %sign3A_1159 : i32
      %sign3A_1161 = arith.extui %sign3A_1160 : i1 to i32
      %sign3A_1162 = arith.subi %sign3A_1158, %sign3A_1161 : i32
      %sign3A_1163 = arith.constant 0 : i32
      %sign3A_1164 = arith.cmpi sgt, %jit3A_1154, %sign3A_1163 : i32
      %sign3A_1165 = arith.extui %sign3A_1164 : i1 to i32
      %sign3A_1166 = arith.constant 0 : i32
      %sign3A_1167 = arith.cmpi slt, %jit3A_1154, %sign3A_1166 : i32
      %sign3A_1168 = arith.extui %sign3A_1167 : i1 to i32
      %sign3A_1169 = arith.subi %sign3A_1165, %sign3A_1168 : i32
      %ne3A_1170 = arith.cmpi ne, %sign3A_1162, %sign3A_1169 : i32
      %rem3A_1171 = arith.remsi %add3A_1095, %jit3A_1154 : i32
      %ne3A_1172 = arith.constant 0 : i32
      %ne3A_1173 = arith.cmpi ne, %rem3A_1171, %ne3A_1172 : i32
      %and3A_1174 = arith.andi %ne3A_1170, %ne3A_1173 : i1
      %sub3A_1175 = arith.constant 1 : i32
      %sub3A_1176 = arith.subi %div3A_1155, %sub3A_1175 : i32
      %select_n3A_1177 = arith.select %and3A_1174, %sub3A_1176, %div3A_1155 : i32
      %mul3A_1178 = arith.constant 256 : i32
      %mul3A_1179 = arith.muli %select_n3A_30, %mul3A_1178 : i32
      %jit3A_1180 = arith.constant 8 : i32
      %eq3A_1181 = arith.constant 0 : i32
      %eq3A_1182 = arith.cmpi eq, %jit3A_1180, %eq3A_1181 : i32
      %jit3A_1183 = arith.constant 1 : i32
      %select_n3A_1184 = arith.select %eq3A_1182, %jit3A_1183, %jit3A_1180 : i32
      %rem3A_1185 = arith.remsi %add3A_1095, %select_n3A_1184 : i32
      %ne3A_1186 = arith.constant 0 : i32
      %ne3A_1187 = arith.cmpi ne, %rem3A_1185, %ne3A_1186 : i32
      %lt3A_1188 = arith.constant 0 : i32
      %lt3A_1189 = arith.cmpi slt, %rem3A_1185, %lt3A_1188 : i32
      %lt3A_1190 = arith.constant 0 : i32
      %lt3A_1191 = arith.cmpi slt, %select_n3A_1184, %lt3A_1190 : i32
      %ne3A_1192 = arith.xori %lt3A_1189, %lt3A_1191 : i1
      %and3A_1193 = arith.andi %ne3A_1192, %ne3A_1187 : i1
      %add3A_1194 = arith.addi %rem3A_1185, %select_n3A_1184 : i32
      %select_n3A_1195 = arith.select %and3A_1193, %add3A_1194, %rem3A_1185 : i32
      %mul3A_1196 = arith.constant 32 : i32
      %mul3A_1197 = arith.muli %select_n3A_1195, %mul3A_1196 : i32
      %add3A_1198 = arith.addi %mul3A_1179, %mul3A_1197 : i32
      %slice3A_1199 = vector.extract_strided_slice %get3A_53 {offsets = [0], sizes = [1], strides = [1]} : vector<16xi32> to vector<1xi32>
      %squeeze3A_1200 = vector.extract %slice3A_1199[0] : i32 from vector<1xi32>
      %slice3A_1201 = vector.extract_strided_slice %get3A_53 {offsets = [8], sizes = [1], strides = [1]} : vector<16xi32> to vector<1xi32>
      %squeeze3A_1202 = vector.extract %slice3A_1201[0] : i32 from vector<1xi32>
      %max3A_1203 = arith.maxsi %squeeze3A_1200, %add3A_1198 : i32
      %add3A_1204 = arith.constant 64 : i32
      %add3A_1205 = arith.addi %squeeze3A_1200, %add3A_1204 : i32
      %add3A_1206 = arith.constant 32 : i32
      %add3A_1207 = arith.addi %add3A_1198, %add3A_1206 : i32
      %min3A_1208 = arith.minsi %add3A_1205, %add3A_1207 : i32
      %mul3A_1209 = arith.constant 64 : i32
      %mul3A_1210 = arith.muli %select_n3A_1177, %mul3A_1209 : i32
      %sub3A_1211 = arith.subi %mul3A_1210, %squeeze3A_1200 : i32
      %while3A_1212 = arith.constant 0 : i32
      %while3A_1213 = arith.subi %min3A_1208, %max3A_1203 : i32
      %while3A_1214 = arith.addi %max3A_1203, %while3A_1213 : i32
      %while3A_1215 = arith.constant 1 : i32
      %while3A_1216 = arith.divsi %while3A_1213, %while3A_1215 : i32
      %while3A_1217 = arith.muli %while3A_1216, %while3A_1215 : i32
      %while3A_1218 = arith.addi %max3A_1203, %while3A_1217 : i32
      %while3A_1219 = arith.constant 1 : i32
      scf.for %while3A_1426 = %max3A_1203 to %while3A_1218 step %while3A_1219  : i32 {
        %sub3A_1427 = arith.subi %while3A_1426, %add3A_1198 : i32
        %broadcast_in_dim3A = vector.broadcast %sub3A_1427 : i32 to vector<16xi32>
        %add3A_1428 = arith.addi %sub3A_1211, %while3A_1426 : i32
        %add3A_1429 = arith.constant 0 : i32
        %add3A_1430 = arith.addi %squeeze3A_1202, %add3A_1429 : i32
        %add3A_1431 = vector.broadcast %add3A_1430 : i32 to vector<16xi32>
        %add3A_1432 = arith.addi %add3A_1431, %iota3A : vector<16xi32>
        %get3A_1433 = arith.index_cast %add3A_1428 : i32 to index
        %get3A_1434 = arith.constant 0 : index
        %get3A_1435 = tpu.vector_load %arg10[%get3A_1433, %get3A_1434] {strides = array<i32>} : memref<192x128xf32, #tpu.memory_space<vmem>>, vector<16xf32>,
        tpu.vector_store_idx %arg9[%broadcast_in_dim3A, %add3A_1432], %get3A_1435 : memref<32x512xf32, #tpu.memory_space<vmem>>[vector<16xi32>, vector<16xi32>], vector<16xf32>,
        %add3A_1436 = arith.constant 16 : i32
        %add3A_1437 = arith.addi %squeeze3A_1202, %add3A_1436 : i32
        %add3A_1438 = vector.broadcast %add3A_1437 : i32 to vector<16xi32>
        %add3A_1439 = arith.addi %add3A_1438, %iota3A : vector<16xi32>
        %get3A_1440 = arith.index_cast %add3A_1428 : i32 to index
        %get3A_1441 = arith.constant 16 : index
        %get3A_1442 = tpu.vector_load %arg10[%get3A_1440, %get3A_1441] {strides = array<i32>} : memref<192x128xf32, #tpu.memory_space<vmem>>, vector<16xf32>,
        tpu.vector_store_idx %arg9[%broadcast_in_dim3A, %add3A_1439], %get3A_1442 : memref<32x512xf32, #tpu.memory_space<vmem>>[vector<16xi32>, vector<16xi32>], vector<16xf32>,
        %add3A_1443 = arith.constant 32 : i32
        %add3A_1444 = arith.addi %squeeze3A_1202, %add3A_1443 : i32
        %add3A_1445 = vector.broadcast %add3A_1444 : i32 to vector<16xi32>
        %add3A_1446 = arith.addi %add3A_1445, %iota3A : vector<16xi32>
        %get3A_1447 = arith.index_cast %add3A_1428 : i32 to index
        %get3A_1448 = arith.constant 32 : index
        %get3A_1449 = tpu.vector_load %arg10[%get3A_1447, %get3A_1448] {strides = array<i32>} : memref<192x128xf32, #tpu.memory_space<vmem>>, vector<16xf32>,
        tpu.vector_store_idx %arg9[%broadcast_in_dim3A, %add3A_1446], %get3A_1449 : memref<32x512xf32, #tpu.memory_space<vmem>>[vector<16xi32>, vector<16xi32>], vector<16xf32>,
        %add3A_1450 = arith.constant 48 : i32
        %add3A_1451 = arith.addi %squeeze3A_1202, %add3A_1450 : i32
        %add3A_1452 = vector.broadcast %add3A_1451 : i32 to vector<16xi32>
        %add3A_1453 = arith.addi %add3A_1452, %iota3A : vector<16xi32>
        %get3A_1454 = arith.index_cast %add3A_1428 : i32 to index
        %get3A_1455 = arith.constant 48 : index
        %get3A_1456 = tpu.vector_load %arg10[%get3A_1454, %get3A_1455] {strides = array<i32>} : memref<192x128xf32, #tpu.memory_space<vmem>>, vector<16xf32>,
        tpu.vector_store_idx %arg9[%broadcast_in_dim3A, %add3A_1453], %get3A_1456 : memref<32x512xf32, #tpu.memory_space<vmem>>[vector<16xi32>, vector<16xi32>], vector<16xf32>,
      }
      %while3A_1220 = arith.constant 1 : i32
      scf.for %while3A_1426 = %while3A_1218 to %while3A_1214 step %while3A_1220  : i32 {
        %sub3A_1427 = arith.subi %while3A_1426, %add3A_1198 : i32
        %broadcast_in_dim3A = vector.broadcast %sub3A_1427 : i32 to vector<16xi32>
        %add3A_1428 = arith.addi %sub3A_1211, %while3A_1426 : i32
        %add3A_1429 = arith.constant 0 : i32
        %add3A_1430 = arith.addi %squeeze3A_1202, %add3A_1429 : i32
        %add3A_1431 = vector.broadcast %add3A_1430 : i32 to vector<16xi32>
        %add3A_1432 = arith.addi %add3A_1431, %iota3A : vector<16xi32>
        %get3A_1433 = arith.index_cast %add3A_1428 : i32 to index
        %get3A_1434 = arith.constant 0 : index
        %get3A_1435 = tpu.vector_load %arg10[%get3A_1433, %get3A_1434] {strides = array<i32>} : memref<192x128xf32, #tpu.memory_space<vmem>>, vector<16xf32>,
        tpu.vector_store_idx %arg9[%broadcast_in_dim3A, %add3A_1432], %get3A_1435 : memref<32x512xf32, #tpu.memory_space<vmem>>[vector<16xi32>, vector<16xi32>], vector<16xf32>,
        %add3A_1436 = arith.constant 16 : i32
        %add3A_1437 = arith.addi %squeeze3A_1202, %add3A_1436 : i32
        %add3A_1438 = vector.broadcast %add3A_1437 : i32 to vector<16xi32>
        %add3A_1439 = arith.addi %add3A_1438, %iota3A : vector<16xi32>
        %get3A_1440 = arith.index_cast %add3A_1428 : i32 to index
        %get3A_1441 = arith.constant 16 : index
        %get3A_1442 = tpu.vector_load %arg10[%get3A_1440, %get3A_1441] {strides = array<i32>} : memref<192x128xf32, #tpu.memory_space<vmem>>, vector<16xf32>,
        tpu.vector_store_idx %arg9[%broadcast_in_dim3A, %add3A_1439], %get3A_1442 : memref<32x512xf32, #tpu.memory_space<vmem>>[vector<16xi32>, vector<16xi32>], vector<16xf32>,
        %add3A_1443 = arith.constant 32 : i32
        %add3A_1444 = arith.addi %squeeze3A_1202, %add3A_1443 : i32
        %add3A_1445 = vector.broadcast %add3A_1444 : i32 to vector<16xi32>
        %add3A_1446 = arith.addi %add3A_1445, %iota3A : vector<16xi32>
        %get3A_1447 = arith.index_cast %add3A_1428 : i32 to index
        %get3A_1448 = arith.constant 32 : index
        %get3A_1449 = tpu.vector_load %arg10[%get3A_1447, %get3A_1448] {strides = array<i32>} : memref<192x128xf32, #tpu.memory_space<vmem>>, vector<16xf32>,
        tpu.vector_store_idx %arg9[%broadcast_in_dim3A, %add3A_1446], %get3A_1449 : memref<32x512xf32, #tpu.memory_space<vmem>>[vector<16xi32>, vector<16xi32>], vector<16xf32>,
        %add3A_1450 = arith.constant 48 : i32
        %add3A_1451 = arith.addi %squeeze3A_1202, %add3A_1450 : i32
        %add3A_1452 = vector.broadcast %add3A_1451 : i32 to vector<16xi32>
        %add3A_1453 = arith.addi %add3A_1452, %iota3A : vector<16xi32>
        %get3A_1454 = arith.index_cast %add3A_1428 : i32 to index
        %get3A_1455 = arith.constant 48 : index
        %get3A_1456 = tpu.vector_load %arg10[%get3A_1454, %get3A_1455] {strides = array<i32>} : memref<192x128xf32, #tpu.memory_space<vmem>>, vector<16xf32>,
        tpu.vector_store_idx %arg9[%broadcast_in_dim3A, %add3A_1453], %get3A_1456 : memref<32x512xf32, #tpu.memory_space<vmem>>[vector<16xi32>, vector<16xi32>], vector<16xf32>,
      }
      %slice3A_1221 = vector.extract_strided_slice %get3A_53 {offsets = [1], sizes = [1], strides = [1]} : vector<16xi32> to vector<1xi32>
      %squeeze3A_1222 = vector.extract %slice3A_1221[0] : i32 from vector<1xi32>
      %slice3A_1223 = vector.extract_strided_slice %get3A_53 {offsets = [9], sizes = [1], strides = [1]} : vector<16xi32> to vector<1xi32>
      %squeeze3A_1224 = vector.extract %slice3A_1223[0] : i32 from vector<1xi32>
      %max3A_1225 = arith.maxsi %squeeze3A_1222, %add3A_1198 : i32
      %add3A_1226 = arith.constant 64 : i32
      %add3A_1227 = arith.addi %squeeze3A_1222, %add3A_1226 : i32
      %add3A_1228 = arith.constant 32 : i32
      %add3A_1229 = arith.addi %add3A_1198, %add3A_1228 : i32
      %min3A_1230 = arith.minsi %add3A_1227, %add3A_1229 : i32
      %mul3A_1231 = arith.constant 64 : i32
      %mul3A_1232 = arith.muli %select_n3A_1177, %mul3A_1231 : i32
      %sub3A_1233 = arith.subi %mul3A_1232, %squeeze3A_1222 : i32
      %while3A_1234 = arith.constant 0 : i32
      %while3A_1235 = arith.subi %min3A_1230, %max3A_1225 : i32
      %while3A_1236 = arith.addi %max3A_1225, %while3A_1235 : i32
      %while3A_1237 = arith.constant 1 : i32
      %while3A_1238 = arith.divsi %while3A_1235, %while3A_1237 : i32
      %while3A_1239 = arith.muli %while3A_1238, %while3A_1237 : i32
      %while3A_1240 = arith.addi %max3A_1225, %while3A_1239 : i32
      %while3A_1241 = arith.constant 1 : i32
      scf.for %while3A_1426 = %max3A_1225 to %while3A_1240 step %while3A_1241  : i32 {
        %sub3A_1427 = arith.subi %while3A_1426, %add3A_1198 : i32
        %broadcast_in_dim3A = vector.broadcast %sub3A_1427 : i32 to vector<16xi32>
        %add3A_1428 = arith.addi %sub3A_1233, %while3A_1426 : i32
        %add3A_1429 = arith.constant 0 : i32
        %add3A_1430 = arith.addi %squeeze3A_1224, %add3A_1429 : i32
        %add3A_1431 = vector.broadcast %add3A_1430 : i32 to vector<16xi32>
        %add3A_1432 = arith.addi %add3A_1431, %iota3A : vector<16xi32>
        %get3A_1433 = arith.index_cast %add3A_1428 : i32 to index
        %get3A_1434 = arith.constant 0 : index
        %get3A_1435 = tpu.vector_load %arg10[%get3A_1433, %get3A_1434] {strides = array<i32>} : memref<192x128xf32, #tpu.memory_space<vmem>>, vector<16xf32>,
        tpu.vector_store_idx %arg9[%broadcast_in_dim3A, %add3A_1432], %get3A_1435 : memref<32x512xf32, #tpu.memory_space<vmem>>[vector<16xi32>, vector<16xi32>], vector<16xf32>,
        %add3A_1436 = arith.constant 16 : i32
        %add3A_1437 = arith.addi %squeeze3A_1224, %add3A_1436 : i32
        %add3A_1438 = vector.broadcast %add3A_1437 : i32 to vector<16xi32>
        %add3A_1439 = arith.addi %add3A_1438, %iota3A : vector<16xi32>
        %get3A_1440 = arith.index_cast %add3A_1428 : i32 to index
        %get3A_1441 = arith.constant 16 : index
        %get3A_1442 = tpu.vector_load %arg10[%get3A_1440, %get3A_1441] {strides = array<i32>} : memref<192x128xf32, #tpu.memory_space<vmem>>, vector<16xf32>,
        tpu.vector_store_idx %arg9[%broadcast_in_dim3A, %add3A_1439], %get3A_1442 : memref<32x512xf32, #tpu.memory_space<vmem>>[vector<16xi32>, vector<16xi32>], vector<16xf32>,
        %add3A_1443 = arith.constant 32 : i32
        %add3A_1444 = arith.addi %squeeze3A_1224, %add3A_1443 : i32
        %add3A_1445 = vector.broadcast %add3A_1444 : i32 to vector<16xi32>
        %add3A_1446 = arith.addi %add3A_1445, %iota3A : vector<16xi32>
        %get3A_1447 = arith.index_cast %add3A_1428 : i32 to index
        %get3A_1448 = arith.constant 32 : index
        %get3A_1449 = tpu.vector_load %arg10[%get3A_1447, %get3A_1448] {strides = array<i32>} : memref<192x128xf32, #tpu.memory_space<vmem>>, vector<16xf32>,
        tpu.vector_store_idx %arg9[%broadcast_in_dim3A, %add3A_1446], %get3A_1449 : memref<32x512xf32, #tpu.memory_space<vmem>>[vector<16xi32>, vector<16xi32>], vector<16xf32>,
        %add3A_1450 = arith.constant 48 : i32
        %add3A_1451 = arith.addi %squeeze3A_1224, %add3A_1450 : i32
        %add3A_1452 = vector.broadcast %add3A_1451 : i32 to vector<16xi32>
        %add3A_1453 = arith.addi %add3A_1452, %iota3A : vector<16xi32>
        %get3A_1454 = arith.index_cast %add3A_1428 : i32 to index
        %get3A_1455 = arith.constant 48 : index
        %get3A_1456 = tpu.vector_load %arg10[%get3A_1454, %get3A_1455] {strides = array<i32>} : memref<192x128xf32, #tpu.memory_space<vmem>>, vector<16xf32>,
        tpu.vector_store_idx %arg9[%broadcast_in_dim3A, %add3A_1453], %get3A_1456 : memref<32x512xf32, #tpu.memory_space<vmem>>[vector<16xi32>, vector<16xi32>], vector<16xf32>,
      }
      %while3A_1242 = arith.constant 1 : i32
      scf.for %while3A_1426 = %while3A_1240 to %while3A_1236 step %while3A_1242  : i32 {
        %sub3A_1427 = arith.subi %while3A_1426, %add3A_1198 : i32
        %broadcast_in_dim3A = vector.broadcast %sub3A_1427 : i32 to vector<16xi32>
        %add3A_1428 = arith.addi %sub3A_1233, %while3A_1426 : i32
        %add3A_1429 = arith.constant 0 : i32
        %add3A_1430 = arith.addi %squeeze3A_1224, %add3A_1429 : i32
        %add3A_1431 = vector.broadcast %add3A_1430 : i32 to vector<16xi32>
        %add3A_1432 = arith.addi %add3A_1431, %iota3A : vector<16xi32>
        %get3A_1433 = arith.index_cast %add3A_1428 : i32 to index
        %get3A_1434 = arith.constant 0 : index
        %get3A_1435 = tpu.vector_load %arg10[%get3A_1433, %get3A_1434] {strides = array<i32>} : memref<192x128xf32, #tpu.memory_space<vmem>>, vector<16xf32>,
        tpu.vector_store_idx %arg9[%broadcast_in_dim3A, %add3A_1432], %get3A_1435 : memref<32x512xf32, #tpu.memory_space<vmem>>[vector<16xi32>, vector<16xi32>], vector<16xf32>,
        %add3A_1436 = arith.constant 16 : i32
        %add3A_1437 = arith.addi %squeeze3A_1224, %add3A_1436 : i32
        %add3A_1438 = vector.broadcast %add3A_1437 : i32 to vector<16xi32>
        %add3A_1439 = arith.addi %add3A_1438, %iota3A : vector<16xi32>
        %get3A_1440 = arith.index_cast %add3A_1428 : i32 to index
        %get3A_1441 = arith.constant 16 : index
        %get3A_1442 = tpu.vector_load %arg10[%get3A_1440, %get3A_1441] {strides = array<i32>} : memref<192x128xf32, #tpu.memory_space<vmem>>, vector<16xf32>,
        tpu.vector_store_idx %arg9[%broadcast_in_dim3A, %add3A_1439], %get3A_1442 : memref<32x512xf32, #tpu.memory_space<vmem>>[vector<16xi32>, vector<16xi32>], vector<16xf32>,
        %add3A_1443 = arith.constant 32 : i32
        %add3A_1444 = arith.addi %squeeze3A_1224, %add3A_1443 : i32
        %add3A_1445 = vector.broadcast %add3A_1444 : i32 to vector<16xi32>
        %add3A_1446 = arith.addi %add3A_1445, %iota3A : vector<16xi32>
        %get3A_1447 = arith.index_cast %add3A_1428 : i32 to index
        %get3A_1448 = arith.constant 32 : index
        %get3A_1449 = tpu.vector_load %arg10[%get3A_1447, %get3A_1448] {strides = array<i32>} : memref<192x128xf32, #tpu.memory_space<vmem>>, vector<16xf32>,
        tpu.vector_store_idx %arg9[%broadcast_in_dim3A, %add3A_1446], %get3A_1449 : memref<32x512xf32, #tpu.memory_space<vmem>>[vector<16xi32>, vector<16xi32>], vector<16xf32>,
        %add3A_1450 = arith.constant 48 : i32
        %add3A_1451 = arith.addi %squeeze3A_1224, %add3A_1450 : i32
        %add3A_1452 = vector.broadcast %add3A_1451 : i32 to vector<16xi32>
        %add3A_1453 = arith.addi %add3A_1452, %iota3A : vector<16xi32>
        %get3A_1454 = arith.index_cast %add3A_1428 : i32 to index
        %get3A_1455 = arith.constant 48 : index
        %get3A_1456 = tpu.vector_load %arg10[%get3A_1454, %get3A_1455] {strides = array<i32>} : memref<192x128xf32, #tpu.memory_space<vmem>>, vector<16xf32>,
        tpu.vector_store_idx %arg9[%broadcast_in_dim3A, %add3A_1453], %get3A_1456 : memref<32x512xf32, #tpu.memory_space<vmem>>[vector<16xi32>, vector<16xi32>], vector<16xf32>,
      }
      %slice3A_1243 = vector.extract_strided_slice %get3A_53 {offsets = [2], sizes = [1], strides = [1]} : vector<16xi32> to vector<1xi32>
      %squeeze3A_1244 = vector.extract %slice3A_1243[0] : i32 from vector<1xi32>
      %slice3A_1245 = vector.extract_strided_slice %get3A_53 {offsets = [10], sizes = [1], strides = [1]} : vector<16xi32> to vector<1xi32>
      %squeeze3A_1246 = vector.extract %slice3A_1245[0] : i32 from vector<1xi32>
      %max3A_1247 = arith.maxsi %squeeze3A_1244, %add3A_1198 : i32
      %add3A_1248 = arith.constant 64 : i32
      %add3A_1249 = arith.addi %squeeze3A_1244, %add3A_1248 : i32
      %add3A_1250 = arith.constant 32 : i32
      %add3A_1251 = arith.addi %add3A_1198, %add3A_1250 : i32
      %min3A_1252 = arith.minsi %add3A_1249, %add3A_1251 : i32
      %mul3A_1253 = arith.constant 64 : i32
      %mul3A_1254 = arith.muli %select_n3A_1177, %mul3A_1253 : i32
      %sub3A_1255 = arith.subi %mul3A_1254, %squeeze3A_1244 : i32
      %while3A_1256 = arith.constant 0 : i32
      %while3A_1257 = arith.subi %min3A_1252, %max3A_1247 : i32
      %while3A_1258 = arith.addi %max3A_1247, %while3A_1257 : i32
      %while3A_1259 = arith.constant 1 : i32
      %while3A_1260 = arith.divsi %while3A_1257, %while3A_1259 : i32
      %while3A_1261 = arith.muli %while3A_1260, %while3A_1259 : i32
      %while3A_1262 = arith.addi %max3A_1247, %while3A_1261 : i32
      %while3A_1263 = arith.constant 1 : i32
      scf.for %while3A_1426 = %max3A_1247 to %while3A_1262 step %while3A_1263  : i32 {
        %sub3A_1427 = arith.subi %while3A_1426, %add3A_1198 : i32
        %broadcast_in_dim3A = vector.broadcast %sub3A_1427 : i32 to vector<16xi32>
        %add3A_1428 = arith.addi %sub3A_1255, %while3A_1426 : i32
        %add3A_1429 = arith.constant 0 : i32
        %add3A_1430 = arith.addi %squeeze3A_1246, %add3A_1429 : i32
        %add3A_1431 = vector.broadcast %add3A_1430 : i32 to vector<16xi32>
        %add3A_1432 = arith.addi %add3A_1431, %iota3A : vector<16xi32>
        %get3A_1433 = arith.index_cast %add3A_1428 : i32 to index
        %get3A_1434 = arith.constant 0 : index
        %get3A_1435 = tpu.vector_load %arg10[%get3A_1433, %get3A_1434] {strides = array<i32>} : memref<192x128xf32, #tpu.memory_space<vmem>>, vector<16xf32>,
        tpu.vector_store_idx %arg9[%broadcast_in_dim3A, %add3A_1432], %get3A_1435 : memref<32x512xf32, #tpu.memory_space<vmem>>[vector<16xi32>, vector<16xi32>], vector<16xf32>,
        %add3A_1436 = arith.constant 16 : i32
        %add3A_1437 = arith.addi %squeeze3A_1246, %add3A_1436 : i32
        %add3A_1438 = vector.broadcast %add3A_1437 : i32 to vector<16xi32>
        %add3A_1439 = arith.addi %add3A_1438, %iota3A : vector<16xi32>
        %get3A_1440 = arith.index_cast %add3A_1428 : i32 to index
        %get3A_1441 = arith.constant 16 : index
        %get3A_1442 = tpu.vector_load %arg10[%get3A_1440, %get3A_1441] {strides = array<i32>} : memref<192x128xf32, #tpu.memory_space<vmem>>, vector<16xf32>,
        tpu.vector_store_idx %arg9[%broadcast_in_dim3A, %add3A_1439], %get3A_1442 : memref<32x512xf32, #tpu.memory_space<vmem>>[vector<16xi32>, vector<16xi32>], vector<16xf32>,
        %add3A_1443 = arith.constant 32 : i32
        %add3A_1444 = arith.addi %squeeze3A_1246, %add3A_1443 : i32
        %add3A_1445 = vector.broadcast %add3A_1444 : i32 to vector<16xi32>
        %add3A_1446 = arith.addi %add3A_1445, %iota3A : vector<16xi32>
        %get3A_1447 = arith.index_cast %add3A_1428 : i32 to index
        %get3A_1448 = arith.constant 32 : index
        %get3A_1449 = tpu.vector_load %arg10[%get3A_1447, %get3A_1448] {strides = array<i32>} : memref<192x128xf32, #tpu.memory_space<vmem>>, vector<16xf32>,
        tpu.vector_store_idx %arg9[%broadcast_in_dim3A, %add3A_1446], %get3A_1449 : memref<32x512xf32, #tpu.memory_space<vmem>>[vector<16xi32>, vector<16xi32>], vector<16xf32>,
        %add3A_1450 = arith.constant 48 : i32
        %add3A_1451 = arith.addi %squeeze3A_1246, %add3A_1450 : i32
        %add3A_1452 = vector.broadcast %add3A_1451 : i32 to vector<16xi32>
        %add3A_1453 = arith.addi %add3A_1452, %iota3A : vector<16xi32>
        %get3A_1454 = arith.index_cast %add3A_1428 : i32 to index
        %get3A_1455 = arith.constant 48 : index
        %get3A_1456 = tpu.vector_load %arg10[%get3A_1454, %get3A_1455] {strides = array<i32>} : memref<192x128xf32, #tpu.memory_space<vmem>>, vector<16xf32>,
        tpu.vector_store_idx %arg9[%broadcast_in_dim3A, %add3A_1453], %get3A_1456 : memref<32x512xf32, #tpu.memory_space<vmem>>[vector<16xi32>, vector<16xi32>], vector<16xf32>,
      }
      %while3A_1264 = arith.constant 1 : i32
      scf.for %while3A_1426 = %while3A_1262 to %while3A_1258 step %while3A_1264  : i32 {
        %sub3A_1427 = arith.subi %while3A_1426, %add3A_1198 : i32
        %broadcast_in_dim3A = vector.broadcast %sub3A_1427 : i32 to vector<16xi32>
        %add3A_1428 = arith.addi %sub3A_1255, %while3A_1426 : i32
        %add3A_1429 = arith.constant 0 : i32
        %add3A_1430 = arith.addi %squeeze3A_1246, %add3A_1429 : i32
        %add3A_1431 = vector.broadcast %add3A_1430 : i32 to vector<16xi32>
        %add3A_1432 = arith.addi %add3A_1431, %iota3A : vector<16xi32>
        %get3A_1433 = arith.index_cast %add3A_1428 : i32 to index
        %get3A_1434 = arith.constant 0 : index
        %get3A_1435 = tpu.vector_load %arg10[%get3A_1433, %get3A_1434] {strides = array<i32>} : memref<192x128xf32, #tpu.memory_space<vmem>>, vector<16xf32>,
        tpu.vector_store_idx %arg9[%broadcast_in_dim3A, %add3A_1432], %get3A_1435 : memref<32x512xf32, #tpu.memory_space<vmem>>[vector<16xi32>, vector<16xi32>], vector<16xf32>,
        %add3A_1436 = arith.constant 16 : i32
        %add3A_1437 = arith.addi %squeeze3A_1246, %add3A_1436 : i32
        %add3A_1438 = vector.broadcast %add3A_1437 : i32 to vector<16xi32>
        %add3A_1439 = arith.addi %add3A_1438, %iota3A : vector<16xi32>
        %get3A_1440 = arith.index_cast %add3A_1428 : i32 to index
        %get3A_1441 = arith.constant 16 : index
        %get3A_1442 = tpu.vector_load %arg10[%get3A_1440, %get3A_1441] {strides = array<i32>} : memref<192x128xf32, #tpu.memory_space<vmem>>, vector<16xf32>,
        tpu.vector_store_idx %arg9[%broadcast_in_dim3A, %add3A_1439], %get3A_1442 : memref<32x512xf32, #tpu.memory_space<vmem>>[vector<16xi32>, vector<16xi32>], vector<16xf32>,
        %add3A_1443 = arith.constant 32 : i32
        %add3A_1444 = arith.addi %squeeze3A_1246, %add3A_1443 : i32
        %add3A_1445 = vector.broadcast %add3A_1444 : i32 to vector<16xi32>
        %add3A_1446 = arith.addi %add3A_1445, %iota3A : vector<16xi32>
        %get3A_1447 = arith.index_cast %add3A_1428 : i32 to index
        %get3A_1448 = arith.constant 32 : index
        %get3A_1449 = tpu.vector_load %arg10[%get3A_1447, %get3A_1448] {strides = array<i32>} : memref<192x128xf32, #tpu.memory_space<vmem>>, vector<16xf32>,
        tpu.vector_store_idx %arg9[%broadcast_in_dim3A, %add3A_1446], %get3A_1449 : memref<32x512xf32, #tpu.memory_space<vmem>>[vector<16xi32>, vector<16xi32>], vector<16xf32>,
        %add3A_1450 = arith.constant 48 : i32
        %add3A_1451 = arith.addi %squeeze3A_1246, %add3A_1450 : i32
        %add3A_1452 = vector.broadcast %add3A_1451 : i32 to vector<16xi32>
        %add3A_1453 = arith.addi %add3A_1452, %iota3A : vector<16xi32>
        %get3A_1454 = arith.index_cast %add3A_1428 : i32 to index
        %get3A_1455 = arith.constant 48 : index
        %get3A_1456 = tpu.vector_load %arg10[%get3A_1454, %get3A_1455] {strides = array<i32>} : memref<192x128xf32, #tpu.memory_space<vmem>>, vector<16xf32>,
        tpu.vector_store_idx %arg9[%broadcast_in_dim3A, %add3A_1453], %get3A_1456 : memref<32x512xf32, #tpu.memory_space<vmem>>[vector<16xi32>, vector<16xi32>], vector<16xf32>,
      }
      %slice3A_1265 = vector.extract_strided_slice %get3A_53 {offsets = [3], sizes = [1], strides = [1]} : vector<16xi32> to vector<1xi32>
      %squeeze3A_1266 = vector.extract %slice3A_1265[0] : i32 from vector<1xi32>
      %slice3A_1267 = vector.extract_strided_slice %get3A_53 {offsets = [11], sizes = [1], strides = [1]} : vector<16xi32> to vector<1xi32>
      %squeeze3A_1268 = vector.extract %slice3A_1267[0] : i32 from vector<1xi32>
      %max3A_1269 = arith.maxsi %squeeze3A_1266, %add3A_1198 : i32
      %add3A_1270 = arith.constant 64 : i32
      %add3A_1271 = arith.addi %squeeze3A_1266, %add3A_1270 : i32
      %add3A_1272 = arith.constant 32 : i32
      %add3A_1273 = arith.addi %add3A_1198, %add3A_1272 : i32
      %min3A_1274 = arith.minsi %add3A_1271, %add3A_1273 : i32
      %mul3A_1275 = arith.constant 64 : i32
      %mul3A_1276 = arith.muli %select_n3A_1177, %mul3A_1275 : i32
      %sub3A_1277 = arith.subi %mul3A_1276, %squeeze3A_1266 : i32
      %while3A_1278 = arith.constant 0 : i32
      %while3A_1279 = arith.subi %min3A_1274, %max3A_1269 : i32
      %while3A_1280 = arith.addi %max3A_1269, %while3A_1279 : i32
      %while3A_1281 = arith.constant 1 : i32
      %while3A_1282 = arith.divsi %while3A_1279, %while3A_1281 : i32
      %while3A_1283 = arith.muli %while3A_1282, %while3A_1281 : i32
      %while3A_1284 = arith.addi %max3A_1269, %while3A_1283 : i32
      %while3A_1285 = arith.constant 1 : i32
      scf.for %while3A_1426 = %max3A_1269 to %while3A_1284 step %while3A_1285  : i32 {
        %sub3A_1427 = arith.subi %while3A_1426, %add3A_1198 : i32
        %broadcast_in_dim3A = vector.broadcast %sub3A_1427 : i32 to vector<16xi32>
        %add3A_1428 = arith.addi %sub3A_1277, %while3A_1426 : i32
        %add3A_1429 = arith.constant 0 : i32
        %add3A_1430 = arith.addi %squeeze3A_1268, %add3A_1429 : i32
        %add3A_1431 = vector.broadcast %add3A_1430 : i32 to vector<16xi32>
        %add3A_1432 = arith.addi %add3A_1431, %iota3A : vector<16xi32>
        %get3A_1433 = arith.index_cast %add3A_1428 : i32 to index
        %get3A_1434 = arith.constant 0 : index
        %get3A_1435 = tpu.vector_load %arg10[%get3A_1433, %get3A_1434] {strides = array<i32>} : memref<192x128xf32, #tpu.memory_space<vmem>>, vector<16xf32>,
        tpu.vector_store_idx %arg9[%broadcast_in_dim3A, %add3A_1432], %get3A_1435 : memref<32x512xf32, #tpu.memory_space<vmem>>[vector<16xi32>, vector<16xi32>], vector<16xf32>,
        %add3A_1436 = arith.constant 16 : i32
        %add3A_1437 = arith.addi %squeeze3A_1268, %add3A_1436 : i32
        %add3A_1438 = vector.broadcast %add3A_1437 : i32 to vector<16xi32>
        %add3A_1439 = arith.addi %add3A_1438, %iota3A : vector<16xi32>
        %get3A_1440 = arith.index_cast %add3A_1428 : i32 to index
        %get3A_1441 = arith.constant 16 : index
        %get3A_1442 = tpu.vector_load %arg10[%get3A_1440, %get3A_1441] {strides = array<i32>} : memref<192x128xf32, #tpu.memory_space<vmem>>, vector<16xf32>,
        tpu.vector_store_idx %arg9[%broadcast_in_dim3A, %add3A_1439], %get3A_1442 : memref<32x512xf32, #tpu.memory_space<vmem>>[vector<16xi32>, vector<16xi32>], vector<16xf32>,
        %add3A_1443 = arith.constant 32 : i32
        %add3A_1444 = arith.addi %squeeze3A_1268, %add3A_1443 : i32
        %add3A_1445 = vector.broadcast %add3A_1444 : i32 to vector<16xi32>
        %add3A_1446 = arith.addi %add3A_1445, %iota3A : vector<16xi32>
        %get3A_1447 = arith.index_cast %add3A_1428 : i32 to index
        %get3A_1448 = arith.constant 32 : index
        %get3A_1449 = tpu.vector_load %arg10[%get3A_1447, %get3A_1448] {strides = array<i32>} : memref<192x128xf32, #tpu.memory_space<vmem>>, vector<16xf32>,
        tpu.vector_store_idx %arg9[%broadcast_in_dim3A, %add3A_1446], %get3A_1449 : memref<32x512xf32, #tpu.memory_space<vmem>>[vector<16xi32>, vector<16xi32>], vector<16xf32>,
        %add3A_1450 = arith.constant 48 : i32
        %add3A_1451 = arith.addi %squeeze3A_1268, %add3A_1450 : i32
        %add3A_1452 = vector.broadcast %add3A_1451 : i32 to vector<16xi32>
        %add3A_1453 = arith.addi %add3A_1452, %iota3A : vector<16xi32>
        %get3A_1454 = arith.index_cast %add3A_1428 : i32 to index
        %get3A_1455 = arith.constant 48 : index
        %get3A_1456 = tpu.vector_load %arg10[%get3A_1454, %get3A_1455] {strides = array<i32>} : memref<192x128xf32, #tpu.memory_space<vmem>>, vector<16xf32>,
        tpu.vector_store_idx %arg9[%broadcast_in_dim3A, %add3A_1453], %get3A_1456 : memref<32x512xf32, #tpu.memory_space<vmem>>[vector<16xi32>, vector<16xi32>], vector<16xf32>,
      }
      %while3A_1286 = arith.constant 1 : i32
      scf.for %while3A_1426 = %while3A_1284 to %while3A_1280 step %while3A_1286  : i32 {
        %sub3A_1427 = arith.subi %while3A_1426, %add3A_1198 : i32
        %broadcast_in_dim3A = vector.broadcast %sub3A_1427 : i32 to vector<16xi32>
        %add3A_1428 = arith.addi %sub3A_1277, %while3A_1426 : i32
        %add3A_1429 = arith.constant 0 : i32
        %add3A_1430 = arith.addi %squeeze3A_1268, %add3A_1429 : i32
        %add3A_1431 = vector.broadcast %add3A_1430 : i32 to vector<16xi32>
        %add3A_1432 = arith.addi %add3A_1431, %iota3A : vector<16xi32>
        %get3A_1433 = arith.index_cast %add3A_1428 : i32 to index
        %get3A_1434 = arith.constant 0 : index
        %get3A_1435 = tpu.vector_load %arg10[%get3A_1433, %get3A_1434] {strides = array<i32>} : memref<192x128xf32, #tpu.memory_space<vmem>>, vector<16xf32>,
        tpu.vector_store_idx %arg9[%broadcast_in_dim3A, %add3A_1432], %get3A_1435 : memref<32x512xf32, #tpu.memory_space<vmem>>[vector<16xi32>, vector<16xi32>], vector<16xf32>,
        %add3A_1436 = arith.constant 16 : i32
        %add3A_1437 = arith.addi %squeeze3A_1268, %add3A_1436 : i32
        %add3A_1438 = vector.broadcast %add3A_1437 : i32 to vector<16xi32>
        %add3A_1439 = arith.addi %add3A_1438, %iota3A : vector<16xi32>
        %get3A_1440 = arith.index_cast %add3A_1428 : i32 to index
        %get3A_1441 = arith.constant 16 : index
        %get3A_1442 = tpu.vector_load %arg10[%get3A_1440, %get3A_1441] {strides = array<i32>} : memref<192x128xf32, #tpu.memory_space<vmem>>, vector<16xf32>,
        tpu.vector_store_idx %arg9[%broadcast_in_dim3A, %add3A_1439], %get3A_1442 : memref<32x512xf32, #tpu.memory_space<vmem>>[vector<16xi32>, vector<16xi32>], vector<16xf32>,
        %add3A_1443 = arith.constant 32 : i32
        %add3A_1444 = arith.addi %squeeze3A_1268, %add3A_1443 : i32
        %add3A_1445 = vector.broadcast %add3A_1444 : i32 to vector<16xi32>
        %add3A_1446 = arith.addi %add3A_1445, %iota3A : vector<16xi32>
        %get3A_1447 = arith.index_cast %add3A_1428 : i32 to index
        %get3A_1448 = arith.constant 32 : index
        %get3A_1449 = tpu.vector_load %arg10[%get3A_1447, %get3A_1448] {strides = array<i32>} : memref<192x128xf32, #tpu.memory_space<vmem>>, vector<16xf32>,
        tpu.vector_store_idx %arg9[%broadcast_in_dim3A, %add3A_1446], %get3A_1449 : memref<32x512xf32, #tpu.memory_space<vmem>>[vector<16xi32>, vector<16xi32>], vector<16xf32>,
        %add3A_1450 = arith.constant 48 : i32
        %add3A_1451 = arith.addi %squeeze3A_1268, %add3A_1450 : i32
        %add3A_1452 = vector.broadcast %add3A_1451 : i32 to vector<16xi32>
        %add3A_1453 = arith.addi %add3A_1452, %iota3A : vector<16xi32>
        %get3A_1454 = arith.index_cast %add3A_1428 : i32 to index
        %get3A_1455 = arith.constant 48 : index
        %get3A_1456 = tpu.vector_load %arg10[%get3A_1454, %get3A_1455] {strides = array<i32>} : memref<192x128xf32, #tpu.memory_space<vmem>>, vector<16xf32>,
        tpu.vector_store_idx %arg9[%broadcast_in_dim3A, %add3A_1453], %get3A_1456 : memref<32x512xf32, #tpu.memory_space<vmem>>[vector<16xi32>, vector<16xi32>], vector<16xf32>,
      }
      %slice3A_1287 = vector.extract_strided_slice %get3A_53 {offsets = [4], sizes = [1], strides = [1]} : vector<16xi32> to vector<1xi32>
      %squeeze3A_1288 = vector.extract %slice3A_1287[0] : i32 from vector<1xi32>
      %slice3A_1289 = vector.extract_strided_slice %get3A_53 {offsets = [12], sizes = [1], strides = [1]} : vector<16xi32> to vector<1xi32>
      %squeeze3A_1290 = vector.extract %slice3A_1289[0] : i32 from vector<1xi32>
      %max3A_1291 = arith.maxsi %squeeze3A_1288, %add3A_1198 : i32
      %add3A_1292 = arith.constant 64 : i32
      %add3A_1293 = arith.addi %squeeze3A_1288, %add3A_1292 : i32
      %add3A_1294 = arith.constant 32 : i32
      %add3A_1295 = arith.addi %add3A_1198, %add3A_1294 : i32
      %min3A_1296 = arith.minsi %add3A_1293, %add3A_1295 : i32
      %mul3A_1297 = arith.constant 64 : i32
      %mul3A_1298 = arith.muli %select_n3A_1177, %mul3A_1297 : i32
      %sub3A_1299 = arith.subi %mul3A_1298, %squeeze3A_1288 : i32
      %while3A_1300 = arith.constant 0 : i32
      %while3A_1301 = arith.subi %min3A_1296, %max3A_1291 : i32
      %while3A_1302 = arith.addi %max3A_1291, %while3A_1301 : i32
      %while3A_1303 = arith.constant 1 : i32
      %while3A_1304 = arith.divsi %while3A_1301, %while3A_1303 : i32
      %while3A_1305 = arith.muli %while3A_1304, %while3A_1303 : i32
      %while3A_1306 = arith.addi %max3A_1291, %while3A_1305 : i32
      %while3A_1307 = arith.constant 1 : i32
      scf.for %while3A_1426 = %max3A_1291 to %while3A_1306 step %while3A_1307  : i32 {
        %sub3A_1427 = arith.subi %while3A_1426, %add3A_1198 : i32
        %broadcast_in_dim3A = vector.broadcast %sub3A_1427 : i32 to vector<16xi32>
        %add3A_1428 = arith.addi %sub3A_1299, %while3A_1426 : i32
        %add3A_1429 = arith.constant 0 : i32
        %add3A_1430 = arith.addi %squeeze3A_1290, %add3A_1429 : i32
        %add3A_1431 = vector.broadcast %add3A_1430 : i32 to vector<16xi32>
        %add3A_1432 = arith.addi %add3A_1431, %iota3A : vector<16xi32>
        %get3A_1433 = arith.index_cast %add3A_1428 : i32 to index
        %get3A_1434 = arith.constant 0 : index
        %get3A_1435 = tpu.vector_load %arg10[%get3A_1433, %get3A_1434] {strides = array<i32>} : memref<192x128xf32, #tpu.memory_space<vmem>>, vector<16xf32>,
        tpu.vector_store_idx %arg9[%broadcast_in_dim3A, %add3A_1432], %get3A_1435 : memref<32x512xf32, #tpu.memory_space<vmem>>[vector<16xi32>, vector<16xi32>], vector<16xf32>,
        %add3A_1436 = arith.constant 16 : i32
        %add3A_1437 = arith.addi %squeeze3A_1290, %add3A_1436 : i32
        %add3A_1438 = vector.broadcast %add3A_1437 : i32 to vector<16xi32>
        %add3A_1439 = arith.addi %add3A_1438, %iota3A : vector<16xi32>
        %get3A_1440 = arith.index_cast %add3A_1428 : i32 to index
        %get3A_1441 = arith.constant 16 : index
        %get3A_1442 = tpu.vector_load %arg10[%get3A_1440, %get3A_1441] {strides = array<i32>} : memref<192x128xf32, #tpu.memory_space<vmem>>, vector<16xf32>,
        tpu.vector_store_idx %arg9[%broadcast_in_dim3A, %add3A_1439], %get3A_1442 : memref<32x512xf32, #tpu.memory_space<vmem>>[vector<16xi32>, vector<16xi32>], vector<16xf32>,
        %add3A_1443 = arith.constant 32 : i32
        %add3A_1444 = arith.addi %squeeze3A_1290, %add3A_1443 : i32
        %add3A_1445 = vector.broadcast %add3A_1444 : i32 to vector<16xi32>
        %add3A_1446 = arith.addi %add3A_1445, %iota3A : vector<16xi32>
        %get3A_1447 = arith.index_cast %add3A_1428 : i32 to index
        %get3A_1448 = arith.constant 32 : index
        %get3A_1449 = tpu.vector_load %arg10[%get3A_1447, %get3A_1448] {strides = array<i32>} : memref<192x128xf32, #tpu.memory_space<vmem>>, vector<16xf32>,
        tpu.vector_store_idx %arg9[%broadcast_in_dim3A, %add3A_1446], %get3A_1449 : memref<32x512xf32, #tpu.memory_space<vmem>>[vector<16xi32>, vector<16xi32>], vector<16xf32>,
        %add3A_1450 = arith.constant 48 : i32
        %add3A_1451 = arith.addi %squeeze3A_1290, %add3A_1450 : i32
        %add3A_1452 = vector.broadcast %add3A_1451 : i32 to vector<16xi32>
        %add3A_1453 = arith.addi %add3A_1452, %iota3A : vector<16xi32>
        %get3A_1454 = arith.index_cast %add3A_1428 : i32 to index
        %get3A_1455 = arith.constant 48 : index
        %get3A_1456 = tpu.vector_load %arg10[%get3A_1454, %get3A_1455] {strides = array<i32>} : memref<192x128xf32, #tpu.memory_space<vmem>>, vector<16xf32>,
        tpu.vector_store_idx %arg9[%broadcast_in_dim3A, %add3A_1453], %get3A_1456 : memref<32x512xf32, #tpu.memory_space<vmem>>[vector<16xi32>, vector<16xi32>], vector<16xf32>,
      }
      %while3A_1308 = arith.constant 1 : i32
      scf.for %while3A_1426 = %while3A_1306 to %while3A_1302 step %while3A_1308  : i32 {
        %sub3A_1427 = arith.subi %while3A_1426, %add3A_1198 : i32
        %broadcast_in_dim3A = vector.broadcast %sub3A_1427 : i32 to vector<16xi32>
        %add3A_1428 = arith.addi %sub3A_1299, %while3A_1426 : i32
        %add3A_1429 = arith.constant 0 : i32
        %add3A_1430 = arith.addi %squeeze3A_1290, %add3A_1429 : i32
        %add3A_1431 = vector.broadcast %add3A_1430 : i32 to vector<16xi32>
        %add3A_1432 = arith.addi %add3A_1431, %iota3A : vector<16xi32>
        %get3A_1433 = arith.index_cast %add3A_1428 : i32 to index
        %get3A_1434 = arith.constant 0 : index
        %get3A_1435 = tpu.vector_load %arg10[%get3A_1433, %get3A_1434] {strides = array<i32>} : memref<192x128xf32, #tpu.memory_space<vmem>>, vector<16xf32>,
        tpu.vector_store_idx %arg9[%broadcast_in_dim3A, %add3A_1432], %get3A_1435 : memref<32x512xf32, #tpu.memory_space<vmem>>[vector<16xi32>, vector<16xi32>], vector<16xf32>,
        %add3A_1436 = arith.constant 16 : i32
        %add3A_1437 = arith.addi %squeeze3A_1290, %add3A_1436 : i32
        %add3A_1438 = vector.broadcast %add3A_1437 : i32 to vector<16xi32>
        %add3A_1439 = arith.addi %add3A_1438, %iota3A : vector<16xi32>
        %get3A_1440 = arith.index_cast %add3A_1428 : i32 to index
        %get3A_1441 = arith.constant 16 : index
        %get3A_1442 = tpu.vector_load %arg10[%get3A_1440, %get3A_1441] {strides = array<i32>} : memref<192x128xf32, #tpu.memory_space<vmem>>, vector<16xf32>,
        tpu.vector_store_idx %arg9[%broadcast_in_dim3A, %add3A_1439], %get3A_1442 : memref<32x512xf32, #tpu.memory_space<vmem>>[vector<16xi32>, vector<16xi32>], vector<16xf32>,
        %add3A_1443 = arith.constant 32 : i32
        %add3A_1444 = arith.addi %squeeze3A_1290, %add3A_1443 : i32
        %add3A_1445 = vector.broadcast %add3A_1444 : i32 to vector<16xi32>
        %add3A_1446 = arith.addi %add3A_1445, %iota3A : vector<16xi32>
        %get3A_1447 = arith.index_cast %add3A_1428 : i32 to index
        %get3A_1448 = arith.constant 32 : index
        %get3A_1449 = tpu.vector_load %arg10[%get3A_1447, %get3A_1448] {strides = array<i32>} : memref<192x128xf32, #tpu.memory_space<vmem>>, vector<16xf32>,
        tpu.vector_store_idx %arg9[%broadcast_in_dim3A, %add3A_1446], %get3A_1449 : memref<32x512xf32, #tpu.memory_space<vmem>>[vector<16xi32>, vector<16xi32>], vector<16xf32>,
        %add3A_1450 = arith.constant 48 : i32
        %add3A_1451 = arith.addi %squeeze3A_1290, %add3A_1450 : i32
        %add3A_1452 = vector.broadcast %add3A_1451 : i32 to vector<16xi32>
        %add3A_1453 = arith.addi %add3A_1452, %iota3A : vector<16xi32>
        %get3A_1454 = arith.index_cast %add3A_1428 : i32 to index
        %get3A_1455 = arith.constant 48 : index
        %get3A_1456 = tpu.vector_load %arg10[%get3A_1454, %get3A_1455] {strides = array<i32>} : memref<192x128xf32, #tpu.memory_space<vmem>>, vector<16xf32>,
        tpu.vector_store_idx %arg9[%broadcast_in_dim3A, %add3A_1453], %get3A_1456 : memref<32x512xf32, #tpu.memory_space<vmem>>[vector<16xi32>, vector<16xi32>], vector<16xf32>,
      }
      %slice3A_1309 = vector.extract_strided_slice %get3A_53 {offsets = [5], sizes = [1], strides = [1]} : vector<16xi32> to vector<1xi32>
      %squeeze3A_1310 = vector.extract %slice3A_1309[0] : i32 from vector<1xi32>
      %slice3A_1311 = vector.extract_strided_slice %get3A_53 {offsets = [13], sizes = [1], strides = [1]} : vector<16xi32> to vector<1xi32>
      %squeeze3A_1312 = vector.extract %slice3A_1311[0] : i32 from vector<1xi32>
      %max3A_1313 = arith.maxsi %squeeze3A_1310, %add3A_1198 : i32
      %add3A_1314 = arith.constant 64 : i32
      %add3A_1315 = arith.addi %squeeze3A_1310, %add3A_1314 : i32
      %add3A_1316 = arith.constant 32 : i32
      %add3A_1317 = arith.addi %add3A_1198, %add3A_1316 : i32
      %min3A_1318 = arith.minsi %add3A_1315, %add3A_1317 : i32
      %mul3A_1319 = arith.constant 64 : i32
      %mul3A_1320 = arith.muli %select_n3A_1177, %mul3A_1319 : i32
      %sub3A_1321 = arith.subi %mul3A_1320, %squeeze3A_1310 : i32
      %while3A_1322 = arith.constant 0 : i32
      %while3A_1323 = arith.subi %min3A_1318, %max3A_1313 : i32
      %while3A_1324 = arith.addi %max3A_1313, %while3A_1323 : i32
      %while3A_1325 = arith.constant 1 : i32
      %while3A_1326 = arith.divsi %while3A_1323, %while3A_1325 : i32
      %while3A_1327 = arith.muli %while3A_1326, %while3A_1325 : i32
      %while3A_1328 = arith.addi %max3A_1313, %while3A_1327 : i32
      %while3A_1329 = arith.constant 1 : i32
      scf.for %while3A_1426 = %max3A_1313 to %while3A_1328 step %while3A_1329  : i32 {
        %sub3A_1427 = arith.subi %while3A_1426, %add3A_1198 : i32
        %broadcast_in_dim3A = vector.broadcast %sub3A_1427 : i32 to vector<16xi32>
        %add3A_1428 = arith.addi %sub3A_1321, %while3A_1426 : i32
        %add3A_1429 = arith.constant 0 : i32
        %add3A_1430 = arith.addi %squeeze3A_1312, %add3A_1429 : i32
        %add3A_1431 = vector.broadcast %add3A_1430 : i32 to vector<16xi32>
        %add3A_1432 = arith.addi %add3A_1431, %iota3A : vector<16xi32>
        %get3A_1433 = arith.index_cast %add3A_1428 : i32 to index
        %get3A_1434 = arith.constant 0 : index
        %get3A_1435 = tpu.vector_load %arg10[%get3A_1433, %get3A_1434] {strides = array<i32>} : memref<192x128xf32, #tpu.memory_space<vmem>>, vector<16xf32>,
        tpu.vector_store_idx %arg9[%broadcast_in_dim3A, %add3A_1432], %get3A_1435 : memref<32x512xf32, #tpu.memory_space<vmem>>[vector<16xi32>, vector<16xi32>], vector<16xf32>,
        %add3A_1436 = arith.constant 16 : i32
        %add3A_1437 = arith.addi %squeeze3A_1312, %add3A_1436 : i32
        %add3A_1438 = vector.broadcast %add3A_1437 : i32 to vector<16xi32>
        %add3A_1439 = arith.addi %add3A_1438, %iota3A : vector<16xi32>
        %get3A_1440 = arith.index_cast %add3A_1428 : i32 to index
        %get3A_1441 = arith.constant 16 : index
        %get3A_1442 = tpu.vector_load %arg10[%get3A_1440, %get3A_1441] {strides = array<i32>} : memref<192x128xf32, #tpu.memory_space<vmem>>, vector<16xf32>,
        tpu.vector_store_idx %arg9[%broadcast_in_dim3A, %add3A_1439], %get3A_1442 : memref<32x512xf32, #tpu.memory_space<vmem>>[vector<16xi32>, vector<16xi32>], vector<16xf32>,
        %add3A_1443 = arith.constant 32 : i32
        %add3A_1444 = arith.addi %squeeze3A_1312, %add3A_1443 : i32
        %add3A_1445 = vector.broadcast %add3A_1444 : i32 to vector<16xi32>
        %add3A_1446 = arith.addi %add3A_1445, %iota3A : vector<16xi32>
        %get3A_1447 = arith.index_cast %add3A_1428 : i32 to index
        %get3A_1448 = arith.constant 32 : index
        %get3A_1449 = tpu.vector_load %arg10[%get3A_1447, %get3A_1448] {strides = array<i32>} : memref<192x128xf32, #tpu.memory_space<vmem>>, vector<16xf32>,
        tpu.vector_store_idx %arg9[%broadcast_in_dim3A, %add3A_1446], %get3A_1449 : memref<32x512xf32, #tpu.memory_space<vmem>>[vector<16xi32>, vector<16xi32>], vector<16xf32>,
        %add3A_1450 = arith.constant 48 : i32
        %add3A_1451 = arith.addi %squeeze3A_1312, %add3A_1450 : i32
        %add3A_1452 = vector.broadcast %add3A_1451 : i32 to vector<16xi32>
        %add3A_1453 = arith.addi %add3A_1452, %iota3A : vector<16xi32>
        %get3A_1454 = arith.index_cast %add3A_1428 : i32 to index
        %get3A_1455 = arith.constant 48 : index
        %get3A_1456 = tpu.vector_load %arg10[%get3A_1454, %get3A_1455] {strides = array<i32>} : memref<192x128xf32, #tpu.memory_space<vmem>>, vector<16xf32>,
        tpu.vector_store_idx %arg9[%broadcast_in_dim3A, %add3A_1453], %get3A_1456 : memref<32x512xf32, #tpu.memory_space<vmem>>[vector<16xi32>, vector<16xi32>], vector<16xf32>,
      }
      %while3A_1330 = arith.constant 1 : i32
      scf.for %while3A_1426 = %while3A_1328 to %while3A_1324 step %while3A_1330  : i32 {
        %sub3A_1427 = arith.subi %while3A_1426, %add3A_1198 : i32
        %broadcast_in_dim3A = vector.broadcast %sub3A_1427 : i32 to vector<16xi32>
        %add3A_1428 = arith.addi %sub3A_1321, %while3A_1426 : i32
        %add3A_1429 = arith.constant 0 : i32
        %add3A_1430 = arith.addi %squeeze3A_1312, %add3A_1429 : i32
        %add3A_1431 = vector.broadcast %add3A_1430 : i32 to vector<16xi32>
        %add3A_1432 = arith.addi %add3A_1431, %iota3A : vector<16xi32>
        %get3A_1433 = arith.index_cast %add3A_1428 : i32 to index
        %get3A_1434 = arith.constant 0 : index
        %get3A_1435 = tpu.vector_load %arg10[%get3A_1433, %get3A_1434] {strides = array<i32>} : memref<192x128xf32, #tpu.memory_space<vmem>>, vector<16xf32>,
        tpu.vector_store_idx %arg9[%broadcast_in_dim3A, %add3A_1432], %get3A_1435 : memref<32x512xf32, #tpu.memory_space<vmem>>[vector<16xi32>, vector<16xi32>], vector<16xf32>,
        %add3A_1436 = arith.constant 16 : i32
        %add3A_1437 = arith.addi %squeeze3A_1312, %add3A_1436 : i32
        %add3A_1438 = vector.broadcast %add3A_1437 : i32 to vector<16xi32>
        %add3A_1439 = arith.addi %add3A_1438, %iota3A : vector<16xi32>
        %get3A_1440 = arith.index_cast %add3A_1428 : i32 to index
        %get3A_1441 = arith.constant 16 : index
        %get3A_1442 = tpu.vector_load %arg10[%get3A_1440, %get3A_1441] {strides = array<i32>} : memref<192x128xf32, #tpu.memory_space<vmem>>, vector<16xf32>,
        tpu.vector_store_idx %arg9[%broadcast_in_dim3A, %add3A_1439], %get3A_1442 : memref<32x512xf32, #tpu.memory_space<vmem>>[vector<16xi32>, vector<16xi32>], vector<16xf32>,
        %add3A_1443 = arith.constant 32 : i32
        %add3A_1444 = arith.addi %squeeze3A_1312, %add3A_1443 : i32
        %add3A_1445 = vector.broadcast %add3A_1444 : i32 to vector<16xi32>
        %add3A_1446 = arith.addi %add3A_1445, %iota3A : vector<16xi32>
        %get3A_1447 = arith.index_cast %add3A_1428 : i32 to index
        %get3A_1448 = arith.constant 32 : index
        %get3A_1449 = tpu.vector_load %arg10[%get3A_1447, %get3A_1448] {strides = array<i32>} : memref<192x128xf32, #tpu.memory_space<vmem>>, vector<16xf32>,
        tpu.vector_store_idx %arg9[%broadcast_in_dim3A, %add3A_1446], %get3A_1449 : memref<32x512xf32, #tpu.memory_space<vmem>>[vector<16xi32>, vector<16xi32>], vector<16xf32>,
        %add3A_1450 = arith.constant 48 : i32
        %add3A_1451 = arith.addi %squeeze3A_1312, %add3A_1450 : i32
        %add3A_1452 = vector.broadcast %add3A_1451 : i32 to vector<16xi32>
        %add3A_1453 = arith.addi %add3A_1452, %iota3A : vector<16xi32>
        %get3A_1454 = arith.index_cast %add3A_1428 : i32 to index
        %get3A_1455 = arith.constant 48 : index
        %get3A_1456 = tpu.vector_load %arg10[%get3A_1454, %get3A_1455] {strides = array<i32>} : memref<192x128xf32, #tpu.memory_space<vmem>>, vector<16xf32>,
        tpu.vector_store_idx %arg9[%broadcast_in_dim3A, %add3A_1453], %get3A_1456 : memref<32x512xf32, #tpu.memory_space<vmem>>[vector<16xi32>, vector<16xi32>], vector<16xf32>,
      }
      %slice3A_1331 = vector.extract_strided_slice %get3A_53 {offsets = [6], sizes = [1], strides = [1]} : vector<16xi32> to vector<1xi32>
      %squeeze3A_1332 = vector.extract %slice3A_1331[0] : i32 from vector<1xi32>
      %slice3A_1333 = vector.extract_strided_slice %get3A_53 {offsets = [14], sizes = [1], strides = [1]} : vector<16xi32> to vector<1xi32>
      %squeeze3A_1334 = vector.extract %slice3A_1333[0] : i32 from vector<1xi32>
      %max3A_1335 = arith.maxsi %squeeze3A_1332, %add3A_1198 : i32
      %add3A_1336 = arith.constant 64 : i32
      %add3A_1337 = arith.addi %squeeze3A_1332, %add3A_1336 : i32
      %add3A_1338 = arith.constant 32 : i32
      %add3A_1339 = arith.addi %add3A_1198, %add3A_1338 : i32
      %min3A_1340 = arith.minsi %add3A_1337, %add3A_1339 : i32
      %mul3A_1341 = arith.constant 64 : i32
      %mul3A_1342 = arith.muli %select_n3A_1177, %mul3A_1341 : i32
      %sub3A_1343 = arith.subi %mul3A_1342, %squeeze3A_1332 : i32
      %while3A_1344 = arith.constant 0 : i32
      %while3A_1345 = arith.subi %min3A_1340, %max3A_1335 : i32
      %while3A_1346 = arith.addi %max3A_1335, %while3A_1345 : i32
      %while3A_1347 = arith.constant 1 : i32
      %while3A_1348 = arith.divsi %while3A_1345, %while3A_1347 : i32
      %while3A_1349 = arith.muli %while3A_1348, %while3A_1347 : i32
      %while3A_1350 = arith.addi %max3A_1335, %while3A_1349 : i32
      %while3A_1351 = arith.constant 1 : i32
      scf.for %while3A_1426 = %max3A_1335 to %while3A_1350 step %while3A_1351  : i32 {
        %sub3A_1427 = arith.subi %while3A_1426, %add3A_1198 : i32
        %broadcast_in_dim3A = vector.broadcast %sub3A_1427 : i32 to vector<16xi32>
        %add3A_1428 = arith.addi %sub3A_1343, %while3A_1426 : i32
        %add3A_1429 = arith.constant 0 : i32
        %add3A_1430 = arith.addi %squeeze3A_1334, %add3A_1429 : i32
        %add3A_1431 = vector.broadcast %add3A_1430 : i32 to vector<16xi32>
        %add3A_1432 = arith.addi %add3A_1431, %iota3A : vector<16xi32>
        %get3A_1433 = arith.index_cast %add3A_1428 : i32 to index
        %get3A_1434 = arith.constant 0 : index
        %get3A_1435 = tpu.vector_load %arg10[%get3A_1433, %get3A_1434] {strides = array<i32>} : memref<192x128xf32, #tpu.memory_space<vmem>>, vector<16xf32>,
        tpu.vector_store_idx %arg9[%broadcast_in_dim3A, %add3A_1432], %get3A_1435 : memref<32x512xf32, #tpu.memory_space<vmem>>[vector<16xi32>, vector<16xi32>], vector<16xf32>,
        %add3A_1436 = arith.constant 16 : i32
        %add3A_1437 = arith.addi %squeeze3A_1334, %add3A_1436 : i32
        %add3A_1438 = vector.broadcast %add3A_1437 : i32 to vector<16xi32>
        %add3A_1439 = arith.addi %add3A_1438, %iota3A : vector<16xi32>
        %get3A_1440 = arith.index_cast %add3A_1428 : i32 to index
        %get3A_1441 = arith.constant 16 : index
        %get3A_1442 = tpu.vector_load %arg10[%get3A_1440, %get3A_1441] {strides = array<i32>} : memref<192x128xf32, #tpu.memory_space<vmem>>, vector<16xf32>,
        tpu.vector_store_idx %arg9[%broadcast_in_dim3A, %add3A_1439], %get3A_1442 : memref<32x512xf32, #tpu.memory_space<vmem>>[vector<16xi32>, vector<16xi32>], vector<16xf32>,
        %add3A_1443 = arith.constant 32 : i32
        %add3A_1444 = arith.addi %squeeze3A_1334, %add3A_1443 : i32
        %add3A_1445 = vector.broadcast %add3A_1444 : i32 to vector<16xi32>
        %add3A_1446 = arith.addi %add3A_1445, %iota3A : vector<16xi32>
        %get3A_1447 = arith.index_cast %add3A_1428 : i32 to index
        %get3A_1448 = arith.constant 32 : index
        %get3A_1449 = tpu.vector_load %arg10[%get3A_1447, %get3A_1448] {strides = array<i32>} : memref<192x128xf32, #tpu.memory_space<vmem>>, vector<16xf32>,
        tpu.vector_store_idx %arg9[%broadcast_in_dim3A, %add3A_1446], %get3A_1449 : memref<32x512xf32, #tpu.memory_space<vmem>>[vector<16xi32>, vector<16xi32>], vector<16xf32>,
        %add3A_1450 = arith.constant 48 : i32
        %add3A_1451 = arith.addi %squeeze3A_1334, %add3A_1450 : i32
        %add3A_1452 = vector.broadcast %add3A_1451 : i32 to vector<16xi32>
        %add3A_1453 = arith.addi %add3A_1452, %iota3A : vector<16xi32>
        %get3A_1454 = arith.index_cast %add3A_1428 : i32 to index
        %get3A_1455 = arith.constant 48 : index
        %get3A_1456 = tpu.vector_load %arg10[%get3A_1454, %get3A_1455] {strides = array<i32>} : memref<192x128xf32, #tpu.memory_space<vmem>>, vector<16xf32>,
        tpu.vector_store_idx %arg9[%broadcast_in_dim3A, %add3A_1453], %get3A_1456 : memref<32x512xf32, #tpu.memory_space<vmem>>[vector<16xi32>, vector<16xi32>], vector<16xf32>,
      }
      %while3A_1352 = arith.constant 1 : i32
      scf.for %while3A_1426 = %while3A_1350 to %while3A_1346 step %while3A_1352  : i32 {
        %sub3A_1427 = arith.subi %while3A_1426, %add3A_1198 : i32
        %broadcast_in_dim3A = vector.broadcast %sub3A_1427 : i32 to vector<16xi32>
        %add3A_1428 = arith.addi %sub3A_1343, %while3A_1426 : i32
        %add3A_1429 = arith.constant 0 : i32
        %add3A_1430 = arith.addi %squeeze3A_1334, %add3A_1429 : i32
        %add3A_1431 = vector.broadcast %add3A_1430 : i32 to vector<16xi32>
        %add3A_1432 = arith.addi %add3A_1431, %iota3A : vector<16xi32>
        %get3A_1433 = arith.index_cast %add3A_1428 : i32 to index
        %get3A_1434 = arith.constant 0 : index
        %get3A_1435 = tpu.vector_load %arg10[%get3A_1433, %get3A_1434] {strides = array<i32>} : memref<192x128xf32, #tpu.memory_space<vmem>>, vector<16xf32>,
        tpu.vector_store_idx %arg9[%broadcast_in_dim3A, %add3A_1432], %get3A_1435 : memref<32x512xf32, #tpu.memory_space<vmem>>[vector<16xi32>, vector<16xi32>], vector<16xf32>,
        %add3A_1436 = arith.constant 16 : i32
        %add3A_1437 = arith.addi %squeeze3A_1334, %add3A_1436 : i32
        %add3A_1438 = vector.broadcast %add3A_1437 : i32 to vector<16xi32>
        %add3A_1439 = arith.addi %add3A_1438, %iota3A : vector<16xi32>
        %get3A_1440 = arith.index_cast %add3A_1428 : i32 to index
        %get3A_1441 = arith.constant 16 : index
        %get3A_1442 = tpu.vector_load %arg10[%get3A_1440, %get3A_1441] {strides = array<i32>} : memref<192x128xf32, #tpu.memory_space<vmem>>, vector<16xf32>,
        tpu.vector_store_idx %arg9[%broadcast_in_dim3A, %add3A_1439], %get3A_1442 : memref<32x512xf32, #tpu.memory_space<vmem>>[vector<16xi32>, vector<16xi32>], vector<16xf32>,
        %add3A_1443 = arith.constant 32 : i32
        %add3A_1444 = arith.addi %squeeze3A_1334, %add3A_1443 : i32
        %add3A_1445 = vector.broadcast %add3A_1444 : i32 to vector<16xi32>
        %add3A_1446 = arith.addi %add3A_1445, %iota3A : vector<16xi32>
        %get3A_1447 = arith.index_cast %add3A_1428 : i32 to index
        %get3A_1448 = arith.constant 32 : index
        %get3A_1449 = tpu.vector_load %arg10[%get3A_1447, %get3A_1448] {strides = array<i32>} : memref<192x128xf32, #tpu.memory_space<vmem>>, vector<16xf32>,
        tpu.vector_store_idx %arg9[%broadcast_in_dim3A, %add3A_1446], %get3A_1449 : memref<32x512xf32, #tpu.memory_space<vmem>>[vector<16xi32>, vector<16xi32>], vector<16xf32>,
        %add3A_1450 = arith.constant 48 : i32
        %add3A_1451 = arith.addi %squeeze3A_1334, %add3A_1450 : i32
        %add3A_1452 = vector.broadcast %add3A_1451 : i32 to vector<16xi32>
        %add3A_1453 = arith.addi %add3A_1452, %iota3A : vector<16xi32>
        %get3A_1454 = arith.index_cast %add3A_1428 : i32 to index
        %get3A_1455 = arith.constant 48 : index
        %get3A_1456 = tpu.vector_load %arg10[%get3A_1454, %get3A_1455] {strides = array<i32>} : memref<192x128xf32, #tpu.memory_space<vmem>>, vector<16xf32>,
        tpu.vector_store_idx %arg9[%broadcast_in_dim3A, %add3A_1453], %get3A_1456 : memref<32x512xf32, #tpu.memory_space<vmem>>[vector<16xi32>, vector<16xi32>], vector<16xf32>,
      }
      %slice3A_1353 = vector.extract_strided_slice %get3A_53 {offsets = [7], sizes = [1], strides = [1]} : vector<16xi32> to vector<1xi32>
      %squeeze3A_1354 = vector.extract %slice3A_1353[0] : i32 from vector<1xi32>
      %slice3A_1355 = vector.extract_strided_slice %get3A_53 {offsets = [15], sizes = [1], strides = [1]} : vector<16xi32> to vector<1xi32>
      %squeeze3A_1356 = vector.extract %slice3A_1355[0] : i32 from vector<1xi32>
      %max3A_1357 = arith.maxsi %squeeze3A_1354, %add3A_1198 : i32
      %add3A_1358 = arith.constant 64 : i32
      %add3A_1359 = arith.addi %squeeze3A_1354, %add3A_1358 : i32
      %add3A_1360 = arith.constant 32 : i32
      %add3A_1361 = arith.addi %add3A_1198, %add3A_1360 : i32
      %min3A_1362 = arith.minsi %add3A_1359, %add3A_1361 : i32
      %mul3A_1363 = arith.constant 64 : i32
      %mul3A_1364 = arith.muli %select_n3A_1177, %mul3A_1363 : i32
      %sub3A_1365 = arith.subi %mul3A_1364, %squeeze3A_1354 : i32
      %while3A_1366 = arith.constant 0 : i32
      %while3A_1367 = arith.subi %min3A_1362, %max3A_1357 : i32
      %while3A_1368 = arith.addi %max3A_1357, %while3A_1367 : i32
      %while3A_1369 = arith.constant 1 : i32
      %while3A_1370 = arith.divsi %while3A_1367, %while3A_1369 : i32
      %while3A_1371 = arith.muli %while3A_1370, %while3A_1369 : i32
      %while3A_1372 = arith.addi %max3A_1357, %while3A_1371 : i32
      %while3A_1373 = arith.constant 1 : i32
      scf.for %while3A_1426 = %max3A_1357 to %while3A_1372 step %while3A_1373  : i32 {
        %sub3A_1427 = arith.subi %while3A_1426, %add3A_1198 : i32
        %broadcast_in_dim3A = vector.broadcast %sub3A_1427 : i32 to vector<16xi32>
        %add3A_1428 = arith.addi %sub3A_1365, %while3A_1426 : i32
        %add3A_1429 = arith.constant 0 : i32
        %add3A_1430 = arith.addi %squeeze3A_1356, %add3A_1429 : i32
        %add3A_1431 = vector.broadcast %add3A_1430 : i32 to vector<16xi32>
        %add3A_1432 = arith.addi %add3A_1431, %iota3A : vector<16xi32>
        %get3A_1433 = arith.index_cast %add3A_1428 : i32 to index
        %get3A_1434 = arith.constant 0 : index
        %get3A_1435 = tpu.vector_load %arg10[%get3A_1433, %get3A_1434] {strides = array<i32>} : memref<192x128xf32, #tpu.memory_space<vmem>>, vector<16xf32>,
        tpu.vector_store_idx %arg9[%broadcast_in_dim3A, %add3A_1432], %get3A_1435 : memref<32x512xf32, #tpu.memory_space<vmem>>[vector<16xi32>, vector<16xi32>], vector<16xf32>,
        %add3A_1436 = arith.constant 16 : i32
        %add3A_1437 = arith.addi %squeeze3A_1356, %add3A_1436 : i32
        %add3A_1438 = vector.broadcast %add3A_1437 : i32 to vector<16xi32>
        %add3A_1439 = arith.addi %add3A_1438, %iota3A : vector<16xi32>
        %get3A_1440 = arith.index_cast %add3A_1428 : i32 to index
        %get3A_1441 = arith.constant 16 : index
        %get3A_1442 = tpu.vector_load %arg10[%get3A_1440, %get3A_1441] {strides = array<i32>} : memref<192x128xf32, #tpu.memory_space<vmem>>, vector<16xf32>,
        tpu.vector_store_idx %arg9[%broadcast_in_dim3A, %add3A_1439], %get3A_1442 : memref<32x512xf32, #tpu.memory_space<vmem>>[vector<16xi32>, vector<16xi32>], vector<16xf32>,
        %add3A_1443 = arith.constant 32 : i32
        %add3A_1444 = arith.addi %squeeze3A_1356, %add3A_1443 : i32
        %add3A_1445 = vector.broadcast %add3A_1444 : i32 to vector<16xi32>
        %add3A_1446 = arith.addi %add3A_1445, %iota3A : vector<16xi32>
        %get3A_1447 = arith.index_cast %add3A_1428 : i32 to index
        %get3A_1448 = arith.constant 32 : index
        %get3A_1449 = tpu.vector_load %arg10[%get3A_1447, %get3A_1448] {strides = array<i32>} : memref<192x128xf32, #tpu.memory_space<vmem>>, vector<16xf32>,
        tpu.vector_store_idx %arg9[%broadcast_in_dim3A, %add3A_1446], %get3A_1449 : memref<32x512xf32, #tpu.memory_space<vmem>>[vector<16xi32>, vector<16xi32>], vector<16xf32>,
        %add3A_1450 = arith.constant 48 : i32
        %add3A_1451 = arith.addi %squeeze3A_1356, %add3A_1450 : i32
        %add3A_1452 = vector.broadcast %add3A_1451 : i32 to vector<16xi32>
        %add3A_1453 = arith.addi %add3A_1452, %iota3A : vector<16xi32>
        %get3A_1454 = arith.index_cast %add3A_1428 : i32 to index
        %get3A_1455 = arith.constant 48 : index
        %get3A_1456 = tpu.vector_load %arg10[%get3A_1454, %get3A_1455] {strides = array<i32>} : memref<192x128xf32, #tpu.memory_space<vmem>>, vector<16xf32>,
        tpu.vector_store_idx %arg9[%broadcast_in_dim3A, %add3A_1453], %get3A_1456 : memref<32x512xf32, #tpu.memory_space<vmem>>[vector<16xi32>, vector<16xi32>], vector<16xf32>,
      }
      %while3A_1374 = arith.constant 1 : i32
      scf.for %while3A_1426 = %while3A_1372 to %while3A_1368 step %while3A_1374  : i32 {
        %sub3A_1427 = arith.subi %while3A_1426, %add3A_1198 : i32
        %broadcast_in_dim3A = vector.broadcast %sub3A_1427 : i32 to vector<16xi32>
        %add3A_1428 = arith.addi %sub3A_1365, %while3A_1426 : i32
        %add3A_1429 = arith.constant 0 : i32
        %add3A_1430 = arith.addi %squeeze3A_1356, %add3A_1429 : i32
        %add3A_1431 = vector.broadcast %add3A_1430 : i32 to vector<16xi32>
        %add3A_1432 = arith.addi %add3A_1431, %iota3A : vector<16xi32>
        %get3A_1433 = arith.index_cast %add3A_1428 : i32 to index
        %get3A_1434 = arith.constant 0 : index
        %get3A_1435 = tpu.vector_load %arg10[%get3A_1433, %get3A_1434] {strides = array<i32>} : memref<192x128xf32, #tpu.memory_space<vmem>>, vector<16xf32>,
        tpu.vector_store_idx %arg9[%broadcast_in_dim3A, %add3A_1432], %get3A_1435 : memref<32x512xf32, #tpu.memory_space<vmem>>[vector<16xi32>, vector<16xi32>], vector<16xf32>,
        %add3A_1436 = arith.constant 16 : i32
        %add3A_1437 = arith.addi %squeeze3A_1356, %add3A_1436 : i32
        %add3A_1438 = vector.broadcast %add3A_1437 : i32 to vector<16xi32>
        %add3A_1439 = arith.addi %add3A_1438, %iota3A : vector<16xi32>
        %get3A_1440 = arith.index_cast %add3A_1428 : i32 to index
        %get3A_1441 = arith.constant 16 : index
        %get3A_1442 = tpu.vector_load %arg10[%get3A_1440, %get3A_1441] {strides = array<i32>} : memref<192x128xf32, #tpu.memory_space<vmem>>, vector<16xf32>,
        tpu.vector_store_idx %arg9[%broadcast_in_dim3A, %add3A_1439], %get3A_1442 : memref<32x512xf32, #tpu.memory_space<vmem>>[vector<16xi32>, vector<16xi32>], vector<16xf32>,
        %add3A_1443 = arith.constant 32 : i32
        %add3A_1444 = arith.addi %squeeze3A_1356, %add3A_1443 : i32
        %add3A_1445 = vector.broadcast %add3A_1444 : i32 to vector<16xi32>
        %add3A_1446 = arith.addi %add3A_1445, %iota3A : vector<16xi32>
        %get3A_1447 = arith.index_cast %add3A_1428 : i32 to index
        %get3A_1448 = arith.constant 32 : index
        %get3A_1449 = tpu.vector_load %arg10[%get3A_1447, %get3A_1448] {strides = array<i32>} : memref<192x128xf32, #tpu.memory_space<vmem>>, vector<16xf32>,
        tpu.vector_store_idx %arg9[%broadcast_in_dim3A, %add3A_1446], %get3A_1449 : memref<32x512xf32, #tpu.memory_space<vmem>>[vector<16xi32>, vector<16xi32>], vector<16xf32>,
        %add3A_1450 = arith.constant 48 : i32
        %add3A_1451 = arith.addi %squeeze3A_1356, %add3A_1450 : i32
        %add3A_1452 = vector.broadcast %add3A_1451 : i32 to vector<16xi32>
        %add3A_1453 = arith.addi %add3A_1452, %iota3A : vector<16xi32>
        %get3A_1454 = arith.index_cast %add3A_1428 : i32 to index
        %get3A_1455 = arith.constant 48 : index
        %get3A_1456 = tpu.vector_load %arg10[%get3A_1454, %get3A_1455] {strides = array<i32>} : memref<192x128xf32, #tpu.memory_space<vmem>>, vector<16xf32>,
        tpu.vector_store_idx %arg9[%broadcast_in_dim3A, %add3A_1453], %get3A_1456 : memref<32x512xf32, #tpu.memory_space<vmem>>[vector<16xi32>, vector<16xi32>], vector<16xf32>,
      }
      %jit3A_1375 = arith.constant 8 : i32
      %div3A_1376 = arith.divsi %add3A_1095, %jit3A_1375 : i32
      %sign3A_1377 = arith.constant 0 : i32
      %sign3A_1378 = arith.cmpi sgt, %add3A_1095, %sign3A_1377 : i32
      %sign3A_1379 = arith.extui %sign3A_1378 : i1 to i32
      %sign3A_1380 = arith.constant 0 : i32
      %sign3A_1381 = arith.cmpi slt, %add3A_1095, %sign3A_1380 : i32
      %sign3A_1382 = arith.extui %sign3A_1381 : i1 to i32
      %sign3A_1383 = arith.subi %sign3A_1379, %sign3A_1382 : i32
      %sign3A_1384 = arith.constant 0 : i32
      %sign3A_1385 = arith.cmpi sgt, %jit3A_1375, %sign3A_1384 : i32
      %sign3A_1386 = arith.extui %sign3A_1385 : i1 to i32
      %sign3A_1387 = arith.constant 0 : i32
      %sign3A_1388 = arith.cmpi slt, %jit3A_1375, %sign3A_1387 : i32
      %sign3A_1389 = arith.extui %sign3A_1388 : i1 to i32
      %sign3A_1390 = arith.subi %sign3A_1386, %sign3A_1389 : i32
      %ne3A_1391 = arith.cmpi ne, %sign3A_1383, %sign3A_1390 : i32
      %rem3A_1392 = arith.remsi %add3A_1095, %jit3A_1375 : i32
      %ne3A_1393 = arith.constant 0 : i32
      %ne3A_1394 = arith.cmpi ne, %rem3A_1392, %ne3A_1393 : i32
      %and3A_1395 = arith.andi %ne3A_1391, %ne3A_1394 : i1
      %sub3A_1396 = arith.constant 1 : i32
      %sub3A_1397 = arith.subi %div3A_1376, %sub3A_1396 : i32
      %select_n3A_1398 = arith.select %and3A_1395, %sub3A_1397, %div3A_1376 : i32
      %mul3A_1399 = arith.constant 256 : i32
      %mul3A_1400 = arith.muli %select_n3A_30, %mul3A_1399 : i32
      %jit3A_1401 = arith.constant 8 : i32
      %eq3A_1402 = arith.constant 0 : i32
      %eq3A_1403 = arith.cmpi eq, %jit3A_1401, %eq3A_1402 : i32
      %jit3A_1404 = arith.constant 1 : i32
      %select_n3A_1405 = arith.select %eq3A_1403, %jit3A_1404, %jit3A_1401 : i32
      %rem3A_1406 = arith.remsi %add3A_1095, %select_n3A_1405 : i32
      %ne3A_1407 = arith.constant 0 : i32
      %ne3A_1408 = arith.cmpi ne, %rem3A_1406, %ne3A_1407 : i32
      %lt3A_1409 = arith.constant 0 : i32
      %lt3A_1410 = arith.cmpi slt, %rem3A_1406, %lt3A_1409 : i32
      %lt3A_1411 = arith.constant 0 : i32
      %lt3A_1412 = arith.cmpi slt, %select_n3A_1405, %lt3A_1411 : i32
      %ne3A_1413 = arith.xori %lt3A_1410, %lt3A_1412 : i1
      %and3A_1414 = arith.andi %ne3A_1413, %ne3A_1408 : i1
      %add3A_1415 = arith.addi %rem3A_1406, %select_n3A_1405 : i32
      %select_n3A_1416 = arith.select %and3A_1414, %add3A_1415, %rem3A_1406 : i32
      %mul3A_1417 = arith.constant 32 : i32
      %mul3A_1418 = arith.muli %select_n3A_1416, %mul3A_1417 : i32
      %add3A_1419 = arith.addi %mul3A_1400, %mul3A_1418 : i32
      %dma_start3A_1420 = arith.constant 0 : i32
      %dma_start3A_1421 = tpu.memref_slice %arg5[%select_n3A, %select_n3A_1398, %add3A_1419, %dma_start3A_1420] : memref<16x3x512x512xf32, #tpu.memory_space<hbm>> -> memref<1x1x32x512xf32, #tpu.memory_space<hbm>>
      %dma_start3A_1422 = tpu.memref_squeeze %dma_start3A_1421 : memref<1x1x32x512xf32, #tpu.memory_space<hbm>> -> memref<32x512xf32, #tpu.memory_space<hbm>>
      %dma_start3A_1423 = arith.constant 0 : i32
      %dma_start3A_1424 = tpu.memref_slice %arg5[%select_n3A, %select_n3A_1398, %add3A_1419, %dma_start3A_1423] : memref<16x3x512x512xf32, #tpu.memory_space<hbm>> -> memref<1x1x32x512xf32, #tpu.memory_space<hbm>>
      %dma_start3A_1425 = tpu.memref_squeeze %dma_start3A_1424 : memref<1x1x32x512xf32, #tpu.memory_space<hbm>> -> memref<32x512xf32, #tpu.memory_space<hbm>>
      tpu.enqueue_dma source(%arg9 : memref<32x512xf32, #tpu.memory_space<vmem>>) target(%dma_start3A_1425 : memref<32x512xf32, #tpu.memory_space<hbm>>) target_semaphore(%arg19 : memref<!tpu.dma_semaphore, #tpu.memory_space<semaphore_mem>>)
    }
    %scan3A_58 = arith.constant 6 : i32
    %mul3A_59 = arith.constant 256 : i32
    %mul3A_60 = arith.muli %select_n3A_30, %mul3A_59 : i32
    %add3A_61 = arith.constant 128 : i32
    %add3A_62 = arith.addi %mul3A_60, %add3A_61 : i32
    %dma_wait3A = arith.constant 2 : i32
    %dma_wait3A_63 = arith.constant 0 : i32
    %dma_wait3A_64 = tpu.memref_slice %arg5[%select_n3A, %dma_wait3A, %add3A_62, %dma_wait3A_63] : memref<16x3x512x512xf32, #tpu.memory_space<hbm>> -> memref<1x1x32x512xf32, #tpu.memory_space<hbm>>
    %dma_wait3A_65 = tpu.memref_squeeze %dma_wait3A_64 : memref<1x1x32x512xf32, #tpu.memory_space<hbm>> -> memref<32x512xf32, #tpu.memory_space<hbm>>
    %dma_wait3A_66 = arith.constant 0 : i32
    %dma_wait3A_67 = tpu.memref_slice %arg5[%select_n3A, %dma_wait3A, %add3A_62, %dma_wait3A_66] : memref<16x3x512x512xf32, #tpu.memory_space<hbm>> -> memref<1x1x32x512xf32, #tpu.memory_space<hbm>>
    %dma_wait3A_68 = tpu.memref_squeeze %dma_wait3A_67 : memref<1x1x32x512xf32, #tpu.memory_space<hbm>> -> memref<32x512xf32, #tpu.memory_space<hbm>>
    tpu.wait_dma2 semaphore(%arg16 : memref<!tpu.dma_semaphore, #tpu.memory_space<semaphore_mem>>) src(%arg6 : memref<32x512xf32, #tpu.memory_space<vmem>>) dst(%dma_wait3A_68 : memref<32x512xf32, #tpu.memory_space<hbm>>)
    %mul3A_69 = arith.constant 256 : i32
    %mul3A_70 = arith.muli %select_n3A_30, %mul3A_69 : i32
    %add3A_71 = arith.constant 160 : i32
    %add3A_72 = arith.addi %mul3A_70, %add3A_71 : i32
    %dma_wait3A_73 = arith.constant 2 : i32
    %dma_wait3A_74 = arith.constant 0 : i32
    %dma_wait3A_75 = tpu.memref_slice %arg5[%select_n3A, %dma_wait3A_73, %add3A_72, %dma_wait3A_74] : memref<16x3x512x512xf32, #tpu.memory_space<hbm>> -> memref<1x1x32x512xf32, #tpu.memory_space<hbm>>
    %dma_wait3A_76 = tpu.memref_squeeze %dma_wait3A_75 : memref<1x1x32x512xf32, #tpu.memory_space<hbm>> -> memref<32x512xf32, #tpu.memory_space<hbm>>
    %dma_wait3A_77 = arith.constant 0 : i32
    %dma_wait3A_78 = tpu.memref_slice %arg5[%select_n3A, %dma_wait3A_73, %add3A_72, %dma_wait3A_77] : memref<16x3x512x512xf32, #tpu.memory_space<hbm>> -> memref<1x1x32x512xf32, #tpu.memory_space<hbm>>
    %dma_wait3A_79 = tpu.memref_squeeze %dma_wait3A_78 : memref<1x1x32x512xf32, #tpu.memory_space<hbm>> -> memref<32x512xf32, #tpu.memory_space<hbm>>
    tpu.wait_dma2 semaphore(%arg17 : memref<!tpu.dma_semaphore, #tpu.memory_space<semaphore_mem>>) src(%arg7 : memref<32x512xf32, #tpu.memory_space<vmem>>) dst(%dma_wait3A_79 : memref<32x512xf32, #tpu.memory_space<hbm>>)
    %mul3A_80 = arith.constant 256 : i32
    %mul3A_81 = arith.muli %select_n3A_30, %mul3A_80 : i32
    %add3A_82 = arith.constant 192 : i32
    %add3A_83 = arith.addi %mul3A_81, %add3A_82 : i32
    %dma_wait3A_84 = arith.constant 2 : i32
    %dma_wait3A_85 = arith.constant 0 : i32
    %dma_wait3A_86 = tpu.memref_slice %arg5[%select_n3A, %dma_wait3A_84, %add3A_83, %dma_wait3A_85] : memref<16x3x512x512xf32, #tpu.memory_space<hbm>> -> memref<1x1x32x512xf32, #tpu.memory_space<hbm>>
    %dma_wait3A_87 = tpu.memref_squeeze %dma_wait3A_86 : memref<1x1x32x512xf32, #tpu.memory_space<hbm>> -> memref<32x512xf32, #tpu.memory_space<hbm>>
    %dma_wait3A_88 = arith.constant 0 : i32
    %dma_wait3A_89 = tpu.memref_slice %arg5[%select_n3A, %dma_wait3A_84, %add3A_83, %dma_wait3A_88] : memref<16x3x512x512xf32, #tpu.memory_space<hbm>> -> memref<1x1x32x512xf32, #tpu.memory_space<hbm>>
    %dma_wait3A_90 = tpu.memref_squeeze %dma_wait3A_89 : memref<1x1x32x512xf32, #tpu.memory_space<hbm>> -> memref<32x512xf32, #tpu.memory_space<hbm>>
    tpu.wait_dma2 semaphore(%arg18 : memref<!tpu.dma_semaphore, #tpu.memory_space<semaphore_mem>>) src(%arg8 : memref<32x512xf32, #tpu.memory_space<vmem>>) dst(%dma_wait3A_90 : memref<32x512xf32, #tpu.memory_space<hbm>>)
    %mul3A_91 = arith.constant 256 : i32
    %mul3A_92 = arith.muli %select_n3A_30, %mul3A_91 : i32
    %add3A_93 = arith.constant 224 : i32
    %add3A_94 = arith.addi %mul3A_92, %add3A_93 : i32
    %dma_wait3A_95 = arith.constant 2 : i32
    %dma_wait3A_96 = arith.constant 0 : i32
    %dma_wait3A_97 = tpu.memref_slice %arg5[%select_n3A, %dma_wait3A_95, %add3A_94, %dma_wait3A_96] : memref<16x3x512x512xf32, #tpu.memory_space<hbm>> -> memref<1x1x32x512xf32, #tpu.memory_space<hbm>>
    %dma_wait3A_98 = tpu.memref_squeeze %dma_wait3A_97 : memref<1x1x32x512xf32, #tpu.memory_space<hbm>> -> memref<32x512xf32, #tpu.memory_space<hbm>>
    %dma_wait3A_99 = arith.constant 0 : i32
    %dma_wait3A_100 = tpu.memref_slice %arg5[%select_n3A, %dma_wait3A_95, %add3A_94, %dma_wait3A_99] : memref<16x3x512x512xf32, #tpu.memory_space<hbm>> -> memref<1x1x32x512xf32, #tpu.memory_space<hbm>>
    %dma_wait3A_101 = tpu.memref_squeeze %dma_wait3A_100 : memref<1x1x32x512xf32, #tpu.memory_space<hbm>> -> memref<32x512xf32, #tpu.memory_space<hbm>>
    tpu.wait_dma2 semaphore(%arg19 : memref<!tpu.dma_semaphore, #tpu.memory_space<semaphore_mem>>) src(%arg9 : memref<32x512xf32, #tpu.memory_space<vmem>>) dst(%dma_wait3A_101 : memref<32x512xf32, #tpu.memory_space<hbm>>)
    return
  }
}

module attributes {stable_mosaic.version = 14 : i64} {
  func.func @_resize_body(%arg0: memref<3x256x256xf32, #tpu.memory_space<vmem>>, %arg1: memref<64x256xf32, #tpu.memory_space<vmem>>, %arg2: memref<256x64xf32, #tpu.memory_space<vmem>>, %arg3: memref<3x64x128xf32, #tpu.memory_space<vmem>>) attributes {dimension_semantics = [], scalar_prefetch = 0 : i64, scratch_operands = 0 : i64, tpu.core_type = #tpu.core_type<tc>} {
    %broadcast_in_dim3A = arith.constant 0.000000e+00 : f32
    %broadcast_in_dim3A_0 = vector.broadcast %broadcast_in_dim3A : f32 to vector<64x64xf32>
    %get3A = arith.constant 0 : index
    %get3A_1 = arith.constant 0 : index
    %get3A_2 = arith.constant 0 : index
    %get3A_3 = vector.load %arg0[%get3A, %get3A_1, %get3A_2] : memref<3x256x256xf32, #tpu.memory_space<vmem>>, vector<1x256x256xf32>
    %get3A_4 = vector.shape_cast %get3A_3 : vector<1x256x256xf32> to vector<256x256xf32>
    %jit3A = arith.constant 0.000000e+00 : f32
    %jit3A_5 = arith.constant 1.000000e+00 : f32
    %max3A = vector.broadcast %jit3A : f32 to vector<256x256xf32>
    %max3A_6 = arith.maximumf %max3A, %get3A_4 : vector<256x256xf32>
    %min3A = vector.broadcast %jit3A_5 : f32 to vector<256x256xf32>
    %min3A_7 = arith.minimumf %min3A, %max3A_6 : vector<256x256xf32>
    %get3A_8 = arith.constant 0 : index
    %get3A_9 = arith.constant 0 : index
    %get3A_10 = vector.load %arg2[%get3A_8, %get3A_9] : memref<256x64xf32, #tpu.memory_space<vmem>>, vector<256x64xf32>
    %dot_general3A = arith.constant dense<0.000000e+00> : vector<256x64xf32>
    %dot_general3A_11 = tpu.matmul %min3A_7, %get3A_10, %dot_general3A {dimension_numbers = #tpu.dot_dimension_numbers<[1], [0], [0], [1], [0, 0, 1, 1], [], []>, transpose_lhs_hint = false} : vector<256x256xf32>, vector<256x64xf32>, vector<256x64xf32> -> vector<256x64xf32>
    %get3A_12 = arith.constant 0 : index
    %get3A_13 = arith.constant 0 : index
    %get3A_14 = vector.load %arg1[%get3A_12, %get3A_13] : memref<64x256xf32, #tpu.memory_space<vmem>>, vector<64x256xf32>
    %dot_general3A_15 = arith.constant dense<0.000000e+00> : vector<64x64xf32>
    %dot_general3A_16 = tpu.matmul %get3A_14, %dot_general3A_11, %dot_general3A_15 {dimension_numbers = #tpu.dot_dimension_numbers<[1], [0], [0], [1], [0, 0, 1, 1], [], []>, transpose_lhs_hint = false} : vector<64x256xf32>, vector<256x64xf32>, vector<64x64xf32> -> vector<64x64xf32>
    %concatenate3A = tpu.concatenate %dot_general3A_16, %broadcast_in_dim3A_0 in 1 : vector<64x64xf32>, vector<64x64xf32> -> vector<64x128xf32>
    %swap3A = arith.constant 0 : index
    %swap3A_17 = arith.constant 0 : index
    %swap3A_18 = arith.constant 0 : index
    %swap3A_19 = vector.load %arg3[%swap3A, %swap3A_17, %swap3A_18] : memref<3x64x128xf32, #tpu.memory_space<vmem>>, vector<1x64x128xf32>
    %swap3A_20 = vector.shape_cast %swap3A_19 : vector<1x64x128xf32> to vector<64x128xf32>
    %swap3A_21 = vector.shape_cast %concatenate3A : vector<64x128xf32> to vector<1x64x128xf32>
    tpu.vector_store %arg3[%swap3A, %swap3A_17, %swap3A_18], %swap3A_21 {strides = array<i32>} : memref<3x64x128xf32, #tpu.memory_space<vmem>>, vector<1x64x128xf32>,
    %get3A_22 = arith.constant 1 : index
    %get3A_23 = arith.constant 0 : index
    %get3A_24 = arith.constant 0 : index
    %get3A_25 = vector.load %arg0[%get3A_22, %get3A_23, %get3A_24] : memref<3x256x256xf32, #tpu.memory_space<vmem>>, vector<1x256x256xf32>
    %get3A_26 = vector.shape_cast %get3A_25 : vector<1x256x256xf32> to vector<256x256xf32>
    %jit3A_27 = arith.constant 0.000000e+00 : f32
    %jit3A_28 = arith.constant 1.000000e+00 : f32
    %max3A_29 = vector.broadcast %jit3A_27 : f32 to vector<256x256xf32>
    %max3A_30 = arith.maximumf %max3A_29, %get3A_26 : vector<256x256xf32>
    %min3A_31 = vector.broadcast %jit3A_28 : f32 to vector<256x256xf32>
    %min3A_32 = arith.minimumf %min3A_31, %max3A_30 : vector<256x256xf32>
    %get3A_33 = arith.constant 0 : index
    %get3A_34 = arith.constant 0 : index
    %get3A_35 = vector.load %arg2[%get3A_33, %get3A_34] : memref<256x64xf32, #tpu.memory_space<vmem>>, vector<256x64xf32>
    %dot_general3A_36 = arith.constant dense<0.000000e+00> : vector<256x64xf32>
    %dot_general3A_37 = tpu.matmul %min3A_32, %get3A_35, %dot_general3A_36 {dimension_numbers = #tpu.dot_dimension_numbers<[1], [0], [0], [1], [0, 0, 1, 1], [], []>, transpose_lhs_hint = false} : vector<256x256xf32>, vector<256x64xf32>, vector<256x64xf32> -> vector<256x64xf32>
    %get3A_38 = arith.constant 0 : index
    %get3A_39 = arith.constant 0 : index
    %get3A_40 = vector.load %arg1[%get3A_38, %get3A_39] : memref<64x256xf32, #tpu.memory_space<vmem>>, vector<64x256xf32>
    %dot_general3A_41 = arith.constant dense<0.000000e+00> : vector<64x64xf32>
    %dot_general3A_42 = tpu.matmul %get3A_40, %dot_general3A_37, %dot_general3A_41 {dimension_numbers = #tpu.dot_dimension_numbers<[1], [0], [0], [1], [0, 0, 1, 1], [], []>, transpose_lhs_hint = false} : vector<64x256xf32>, vector<256x64xf32>, vector<64x64xf32> -> vector<64x64xf32>
    %concatenate3A_43 = tpu.concatenate %dot_general3A_42, %broadcast_in_dim3A_0 in 1 : vector<64x64xf32>, vector<64x64xf32> -> vector<64x128xf32>
    %swap3A_44 = arith.constant 1 : index
    %swap3A_45 = arith.constant 0 : index
    %swap3A_46 = arith.constant 0 : index
    %swap3A_47 = vector.load %arg3[%swap3A_44, %swap3A_45, %swap3A_46] : memref<3x64x128xf32, #tpu.memory_space<vmem>>, vector<1x64x128xf32>
    %swap3A_48 = vector.shape_cast %swap3A_47 : vector<1x64x128xf32> to vector<64x128xf32>
    %swap3A_49 = vector.shape_cast %concatenate3A_43 : vector<64x128xf32> to vector<1x64x128xf32>
    tpu.vector_store %arg3[%swap3A_44, %swap3A_45, %swap3A_46], %swap3A_49 {strides = array<i32>} : memref<3x64x128xf32, #tpu.memory_space<vmem>>, vector<1x64x128xf32>,
    %get3A_50 = arith.constant 2 : index
    %get3A_51 = arith.constant 0 : index
    %get3A_52 = arith.constant 0 : index
    %get3A_53 = vector.load %arg0[%get3A_50, %get3A_51, %get3A_52] : memref<3x256x256xf32, #tpu.memory_space<vmem>>, vector<1x256x256xf32>
    %get3A_54 = vector.shape_cast %get3A_53 : vector<1x256x256xf32> to vector<256x256xf32>
    %jit3A_55 = arith.constant 0.000000e+00 : f32
    %jit3A_56 = arith.constant 1.000000e+00 : f32
    %max3A_57 = vector.broadcast %jit3A_55 : f32 to vector<256x256xf32>
    %max3A_58 = arith.maximumf %max3A_57, %get3A_54 : vector<256x256xf32>
    %min3A_59 = vector.broadcast %jit3A_56 : f32 to vector<256x256xf32>
    %min3A_60 = arith.minimumf %min3A_59, %max3A_58 : vector<256x256xf32>
    %get3A_61 = arith.constant 0 : index
    %get3A_62 = arith.constant 0 : index
    %get3A_63 = vector.load %arg2[%get3A_61, %get3A_62] : memref<256x64xf32, #tpu.memory_space<vmem>>, vector<256x64xf32>
    %dot_general3A_64 = arith.constant dense<0.000000e+00> : vector<256x64xf32>
    %dot_general3A_65 = tpu.matmul %min3A_60, %get3A_63, %dot_general3A_64 {dimension_numbers = #tpu.dot_dimension_numbers<[1], [0], [0], [1], [0, 0, 1, 1], [], []>, transpose_lhs_hint = false} : vector<256x256xf32>, vector<256x64xf32>, vector<256x64xf32> -> vector<256x64xf32>
    %get3A_66 = arith.constant 0 : index
    %get3A_67 = arith.constant 0 : index
    %get3A_68 = vector.load %arg1[%get3A_66, %get3A_67] : memref<64x256xf32, #tpu.memory_space<vmem>>, vector<64x256xf32>
    %dot_general3A_69 = arith.constant dense<0.000000e+00> : vector<64x64xf32>
    %dot_general3A_70 = tpu.matmul %get3A_68, %dot_general3A_65, %dot_general3A_69 {dimension_numbers = #tpu.dot_dimension_numbers<[1], [0], [0], [1], [0, 0, 1, 1], [], []>, transpose_lhs_hint = false} : vector<64x256xf32>, vector<256x64xf32>, vector<64x64xf32> -> vector<64x64xf32>
    %concatenate3A_71 = tpu.concatenate %dot_general3A_70, %broadcast_in_dim3A_0 in 1 : vector<64x64xf32>, vector<64x64xf32> -> vector<64x128xf32>
    %swap3A_72 = arith.constant 2 : index
    %swap3A_73 = arith.constant 0 : index
    %swap3A_74 = arith.constant 0 : index
    %swap3A_75 = vector.load %arg3[%swap3A_72, %swap3A_73, %swap3A_74] : memref<3x64x128xf32, #tpu.memory_space<vmem>>, vector<1x64x128xf32>
    %swap3A_76 = vector.shape_cast %swap3A_75 : vector<1x64x128xf32> to vector<64x128xf32>
    %swap3A_77 = vector.shape_cast %concatenate3A_71 : vector<64x128xf32> to vector<1x64x128xf32>
    tpu.vector_store %arg3[%swap3A_72, %swap3A_73, %swap3A_74], %swap3A_77 {strides = array<i32>} : memref<3x64x128xf32, #tpu.memory_space<vmem>>, vector<1x64x128xf32>,
    return
  }
}

</mosaic_0001>

<sc_bundles>
// kernel: kernel.4.cloned.1.call-start
scs
__scs_entry_jumppad:
0x0: {  	(pc) =	sbr.rel $0x88, $3  }
0x1: {  	(tag) =	ssettag $0x0;
	lr =	simm.s32 $0x1  }
0x2: {  	[smem:$0x3F9E] =	sst lr;
	_ =	strace $0xD0000000  }
0x3: {  	_ = 	snop  }
0x4: {  	_ = 	snop  }
0x5: {  	_ = 	snop  }
0x6: {  	_ = 	snop  }
0x7: {  	_ = 	snop  }
__scs_overlays_trampoline_lowered:
0x8: {  	[smem:$0x3FAD] =	sst s0  }
0x9: {  	[smem:$0x3FAE] =	sst s1  }
0xa: {  	[smem:$0x3FAF] =	sst s2  }
0xb: {  	[smem:$0x3FB0] =	sst s3  }
0xc: {  	[smem:$0x3FB1] =	sst s4  }
0xd: {  	[smem:$0x3FB2] =	sst s5  }
0xe: {  	[smem:$0x3FB3] =	sst s6  }
0xf: {  	[smem:$0x3FB4] =	sst s7  }
0x10: {  	[smem:$0x3FB5] =	sst s8  }
0x11: {  	[smem:$0x3FB6] =	sst s9;
	s0 =	simm.s32 @!p0 $0x0  }
0x12: {  	s1 =	sld [smem:$0x3F9C];
	s0 =	simm.s32 @p0 $0x1  }
0x13: {  	[smem:$0x3FB7] =	sst s0;
	s0 =	simm.s32 @!p1 $0x0  }
0x14: {  	s2 =	sld [smem:$0x3F9B];
	s0 =	simm.s32 @p1 $0x1  }
0x15: {  	[smem:$0x3FB8] =	sst s0;
	s0 =	simm.s32 @!p2 $0x0  }
0x16: {  	s3 =	sld [smem:$0x3FDB];
	s0 =	simm.s32 @p2 $0x1  }
0x17: {  	s4 =	simm.s32 $0x1BF5;
	[smem:$0x3FBA] =	sst s0  }
0x18: {  	s0 =	sld [smem:$0x3F9D];
	_ =	swait.ge [sflag:s4], $0x0  }
0x19: {  	s7 =	sld [smem:$0x3F9E]  }
0x1a: {  	s8 =	sadd.s32 $0xFFFFE003, lr  }
0x1b: {  	s9 =	sadd.s32 $0xFFFFFEF7, lr;
	s5 =	simm.s32 $0xFFFFFFFF;
	p2 =	slt.u32 s8, $0xFFFFF086  }
0x1c: {  	p1 =	slt.u32 s9, $0xF7A;
	s5 =	simm.s32 @!p2 $0x0  }
0x1d: {  	s5 =	simm.s32 @p1 $0x1;
	p0 =	seq.s32 s7, s2  }
0x1e: {  	s7 =	smul.u32 @!p0 $0xF7A, s2;
	p2 =	seq.s32 @!p0 s5, $0x0  }
0x1f: {  	s9 =	smul.u32 $0xF7A, s1;
	s8 =	simm.s32 @!p0 $0x1BF5;
	p2 =	por !p2, p0  }
0x20: {  	[sflag:s8] =	ssyncset.s32 @!p0 $0xFFFFF086;
	s6 =	sadd.s32 @!p0 s3, s7;
	s7 =	simm.s32 @!p0 $0x108  }
0x21: {  	s3 =	sadd.s32 s3, s9;
	s6 =	sadd.s32 @!p0 $0x88, s6;
	s7 =	simm.s32 @p2 $0x1082  }
0x22: {  	[simem:s7], [sflag:s8] =	dma.local @!p0 [hbm:s6], $0xF7A  }
0x23: {  	s9 =	sor.u32 $0xD0000000, s2;
	s6 =	simm.s32 $0x108;
	_ =	swait.ge @!p0 [sflag:s8], $0x0  }
0x24: {  	s3 =	sadd.s32 $0x88, s3;
	s6 =	simm.s32 @!p1 $0x1082;
	[sflag:s4] =	ssyncset.s32 $0xFFFFF086  }
0x25: {  	[simem:s6], [sflag:s4] =	dma.local [hbm:s3], $0xF7A  }
0x26: {  	[smem:$0x3F9E] =	sst s1;
	(tag) =	ssettag s2;
	_ =	strace s9  }
0x27: {  	s1 =	sld [smem:$0x3FAE]  }
0x28: {  	s2 =	sld [smem:$0x3FAF]  }
0x29: {  	s4 =	sld [smem:$0x3FB1]  }
0x2a: {  	p0 =	seq.s32 s5, $0x0;
	s5 =	sld [smem:$0x3FB2]  }
0x2b: {  	s6 =	sld [smem:$0x3FB3]  }
0x2c: {  	s7 =	sld [smem:$0x3FB4]  }
0x2d: {  	s3 =	simm.s32 $0x108;
	s8 =	sld [smem:$0x3FB5]  }
0x2e: {  	s3 =	simm.s32 @!p0 $0x1082;
	s9 =	sld [smem:$0x3FB6]  }
0x2f: {  	lr =	sadd.s32 s0, s3;
	s0 =	sld [smem:$0x3FAD]  }
0x30: {  	s3 =	sld [smem:$0x3FB0]  }
0x31: {  	[smem:$0x3FB9] =	sst s10  }
0x32: {  	s10 =	sld [smem:$0x3FB7];
	_ =	sdelay $0x3  }
0x33: {  	p0 =	seq.s32 s10, $0x1;
	s10 =	sld [smem:$0x3FB9];
	_ =	sdelay $0x3  }
0x34: {  	[smem:$0x3FB9] =	sst s10  }
0x35: {  	s10 =	sld [smem:$0x3FB8];
	_ =	sdelay $0x3  }
0x36: {  	p1 =	seq.s32 s10, $0x1;
	s10 =	sld [smem:$0x3FB9];
	_ =	sdelay $0x3  }
0x37: {  	[smem:$0x3FB9] =	sst s10  }
0x38: {  	s10 =	sld [smem:$0x3FBA]  }
0x39: {  	_ = 	snop;
	(pc) =	sbr.ind lr, $3  }
0x3a: {  	_ = 	snop  }
0x3b: {  	_ = 	snop  }
0x3c: {  	p2 =	seq.s32 s10, $0x1;
	s10 =	sld [smem:$0x3FB9]  }
0x3d: {  	_ =	shalt  }
0x3e: {  	_ =	shalt  }
0x3f: {  	_ =	shalt  }
0x40: {  	_ =	shalt  }
0x41: {  	_ =	shalt  }
0x42: {  	_ =	shalt  }
0x43: {  	_ =	shalt  }
0x44: {  	_ =	shalt  }
0x45: {  	_ =	shalt  }
0x46: {  	_ =	shalt  }
0x47: {  	_ =	shalt  }
0x48: {  	_ =	shalt  }
0x49: {  	_ =	shalt  }
0x4a: {  	_ =	shalt  }
0x4b: {  	_ =	shalt  }
0x4c: {  	_ =	shalt  }
0x4d: {  	_ =	shalt  }
0x4e: {  	_ =	shalt  }
0x4f: {  	_ =	shalt  }
0x50: {  	_ =	shalt  }
0x51: {  	_ =	shalt  }
0x52: {  	_ =	shalt  }
0x53: {  	_ =	shalt  }
0x54: {  	_ =	shalt  }
0x55: {  	_ =	shalt  }
0x56: {  	_ =	shalt  }
0x57: {  	_ =	shalt  }
0x58: {  	_ =	shalt  }
0x59: {  	_ =	shalt  }
0x5a: {  	_ =	shalt  }
0x5b: {  	_ =	shalt  }
0x5c: {  	_ =	shalt  }
0x5d: {  	_ =	shalt  }
0x5e: {  	_ =	shalt  }
0x5f: {  	_ =	shalt  }
0x60: {  	_ =	shalt  }
0x61: {  	_ =	shalt  }
0x62: {  	_ =	shalt  }
0x63: {  	_ =	shalt  }
0x64: {  	_ =	shalt  }
0x65: {  	_ =	shalt  }
0x66: {  	_ =	shalt  }
0x67: {  	_ =	shalt  }
0x68: {  	_ =	shalt  }
0x69: {  	_ =	shalt  }
0x6a: {  	_ =	shalt  }
0x6b: {  	_ =	shalt  }
0x6c: {  	_ =	shalt  }
0x6d: {  	_ =	shalt  }
0x6e: {  	_ =	shalt  }
0x6f: {  	_ =	shalt  }
0x70: {  	_ =	shalt  }
0x71: {  	_ =	shalt  }
0x72: {  	_ =	shalt  }
0x73: {  	_ =	shalt  }
0x74: {  	_ =	shalt  }
0x75: {  	_ =	shalt  }
0x76: {  	_ =	shalt  }
0x77: {  	_ =	shalt  }
0x78: {  	_ =	shalt  }
0x79: {  	_ =	shalt  }
0x7a: {  	_ =	shalt  }
0x7b: {  	_ =	shalt  }
0x7c: {  	_ =	shalt  }
0x7d: {  	_ =	shalt  }
0x7e: {  	_ =	shalt  }
0x7f: {  	_ =	shalt  }
0x80: {  	_ =	shalt  }
0x81: {  	_ =	shalt  }
0x82: {  	_ =	shalt  }
0x83: {  	_ =	shalt  }
0x84: {  	_ =	shalt  }
0x85: {  	_ =	shalt  }
0x86: {  	_ =	shalt  }
0x87: {  	_ =	shalt  }
.Lfunc_end0:
.L_simem_size_0:
called_computation_lowered:
.L_overlay_start_0:
0x88: {  	s2 =	sld [smem:$0x3FD9]  }
0x89: {  	s3 =	sld [smem:$0x3FFE];
	_ =	sdelay $0x1  }
0x8a: {  	s1 =	srdreg.scid  }
0x8b: {  	s0 =	sand.u32 $0x1, s1  }
0x8c: {  	s17 =	sshll.u32 s0, $0xA;
	s2 =	sadd.s32 s3, s2  }
0x8d: {  	s2 =	sadd.s32 s2, s17  }
0x8e: {  	[smem:$0x3FC5] =	sst s2  }
0x8f: {  	_ = 	snop  }
0x90: {  	s2 =	sld [smem:$0x3FC9]  }
0x91: {  	s18 =	sld [smem:$0x3FD0];
	(tm) =	ssettm $0x1  }
0x92: {  	s4 =	sld [smem:$0x3FFB];
	_ =	sdelay $0x3  }
0x93: {  	_ =	strace s4  }
0x94: {  	s4 =	sld [smem:$0x3FFC];
	_ =	sdelay $0x3  }
0x95: {  	_ =	strace s4  }
0x96: {  	s4 =	sld [smem:$0x3FFD];
	_ =	sdelay $0x3  }
0x97: {  	_ =	strace s4  }
0x98: {  	_ =	strace $0x8FFFFFFF  }
0x99: {  	s19 =	sld [smem:$0x3FDB];
	_ =	sdelay $0x1  }
0x9a: {  	s5 =	simm.s32 $_scs_section_size  }
0x9b: {  	s6 =	simm.s32 $_size__tile_overlayer_lowered;
	s7 =	simm.s32 $_tile_overlayer_lowered  }
0x9c: {  	s22 =	simm.s32 $0x1BFF;
	s21 =	sshll.u32 s7, $0x1;
	s4 =	sadd.s32 s5, s19  }
0x9d: {  	s8 =	simm.s32 $0x0;
	s20 =	sshll.u32 s6, $0x1;
	s6 =	sadd.s32 s21, s4  }
0x9e: {  	[timem:s8], [sflag:s22] =	dma.local [hbm:s6], s20  }
0x9f: {  	_ =	swait.ge [sflag:s22], s20  }
0xa0: {  	s5 =	ssub.s32 $0x0, s20;
	[sflag:s22] =	ssyncset.done $0x0  }
0xa1: {  	[sflag:s22] =	ssyncadd.s32 s5;
	_ =	sdelay $0x1  }
0xa2: {  	s23 =	simm.s32 $0x1B8B  }
0xa3: {  	_ =	swait.ge [sflag:s23], $0x1  }
0xa4: {  	[sflag:s23] =	ssyncset.done $0x0  }
0xa5: {  	s25 =	simm.s32 $0x1B8E;
	s24 =	sld [smem:$0x3FFE];
	[sflag:s23] =	ssyncadd.s32 $0xFFFFFFFF  }
0xa6: {  	s26 =	simm.s32 $execute0_lowered;
	[smem:$0x3FD2] =	sst s25  }
0xa7: {  	s6 =	sshll.u32 s26, $0x1;
	_ =	strace $0x80000046;
	[dreg:$0x1] =	wrdreg $0xFFFFFFFF  }
0xa8: {  	s28 =	simm.s32 $_size_execute0_lowered;
	s4 =	sadd.s32 s4, s6;
	[dreg:$0x0] =	wrdreg $0x0  }
0xa9: {  	s6 =	sshll.u32 s28, $0x1;
	[dreg:$0x2] =	wrdreg s4  }
0xaa: {  	[dreg:$0x3] =	wrdreg s6  }
0xab: {  	[dreg:$0x4] =	wrdreg $0xC0  }
0xac: {  	_ =	task [dreg:s8], $0x5FFFF  }
0xad: {  	[dreg:$0x1] =	wrdreg $0xFFFFFFFF  }
0xae: {  	[dreg:$0x0] =	wrdreg $0x60  }
0xaf: {  	[dreg:$0x2] =	wrdreg s2  }
0xb0: {  	[dreg:$0x3] =	wrdreg s24  }
0xb1: {  	[dreg:$0x4] =	wrdreg s18  }
0xb2: {  	[dreg:$0x5] =	wrdreg $0x9  }
0xb3: {  	_ =	task.clear_ibuf [dreg:s8], $0x6FFFF;
	_ =	strace $0x90000046  }
0xb4: {  	s29 =	simm.s32 $0x9;
	_ =	strace $0x80000048  }
0xb5: {  	_ =	swait.ge [sflag:s29], $0x1  }
0xb6: {  	[sflag:s29] =	ssyncadd.s32 $0xFFFFFFFF  }
0xb7: {  	_ =	strace $0x90000048  }
0xb8: {  	_ =	sfence  }
0xb9: {  	s30 =	sld [smem:$0x0];
	_ =	sdelay $0x2  }
0xba: {  	s31 =	sshll.u32 s1, $0xD;
	s1 =	sshrl.u32 s1, $0x2  }
0xbb: {  	s3 =	sand.u32 $0x4000, s31;
	s1 =	sadd.s32 s1, s30  }
0xbc: {  	s0 =	sor.u32 s3, s0;
	s1 =	sshll.u32 s1, $0x11  }
0xbd: {  	s0 =	sor.u32 s1, s0  }
0xbe: {  	s0 =	sadd.s32 $0x8F2B, s0  }
0xbf: {  	[sflag:s0] =	ssyncadd.remote.s32 $0x1  }
0xc0: {  	_ =	sfence.sel $0xFFFF  }
0xc1: {  	[dreg:$0x0] =	wrdreg $0xFFFFFFFF;
	(pc) =	sbr.abs _section_cstart, $3  }
0xc2: {  	[dreg:$0x1] =	wrdreg $0xFFFFFFFF  }
0xc3: {  	_ =	task.clear_ibuf [dreg:s8], $0x2FFFF;
	_ =	strace $0x9FFFFFFF  }
0xc4: {  	(tm) =	ssettm $0x7FFFFFFF  }
0xc5: {  	_ =	shalt  }
tec
execute0_lowered:
.L_overlay_start_1:
0x0: {  	(tag) =	ssettag $0x1  }
0x1: {  	s0 =	srdreg.scid;
	s7 =	rddreg [dreg:$0x0]  }
0x2: {  	s3 =	stileid.u32;
	s2 =	rddreg [dreg:$0x1];
	s4 =	simm.s32 $0x0  }
0x3: {  	s0 =	sand.u32 $0x1, s0;
	[smem:$0x7FF] =	sst s4;
	s17 =	sadd.s32 $0xE00, s2  }
0x4: {  	s2 =	sadd.s32 $0x1000, s2;
	s1 =	sor.u32 s0, s3;
	p1 =	seq.s32 s0, $0x1  }
0x5: {  	_ =	strace $0x80000047;
	s5 =	ssub.s32 $0x2, s0;
	[dreg:$0x5] =	wrdreg s17  }
0x6: {  	[dreg:$0x6] =	wrdreg s2;
	s20 =	sshll.u32 s0, $0x8;
	p0 =	seq.s32 s1, $0x0  }
0x7: {  	s1 =	simm.s32 $0x1;
	s24 =	ssub.s32 $0x0, s20;
	[dreg:$0x8] =	wrdreg s20  }
0x8: {  	s18 =	sshrl.u32 s5, $0x1;
	s25 =	sxor.u32 $0xFFFFFFE0, s20;
	[dreg:$0xb] =	wrdreg s24  }
0x9: {  	s26 =	sor.u32 $0x20, s20;
	s28 =	sxor.u32 $0xFFFFFFC0, s20;
	[dreg:$0xc] =	wrdreg s25  }
0xa: {  	s29 =	sor.u32 $0x40, s20;
	p0 =	por !p0, !p1;
	[dreg:$0xd] =	wrdreg s26  }
0xb: {  	s30 =	sxor.u32 $0xFFFFFFA0, s20;
	[dreg:$0xe] =	wrdreg s28;
	p0 =	por !p0, !p0  }
0xc: {  	s31 =	sor.u32 $0x60, s20;
	[dreg:$0xf] =	wrdreg s29;
	s1 =	simm.s32 @!p0 $0x0  }
0xd: {  	s19 =	ssub.s32 s5, s18;
	[dreg:$0x10] =	wrdreg s30;
	s1 =	ssub.s32 s3, s1  }
0xe: {  	[dreg:$0x11] =	wrdreg s31;
	s23 =	smax.u32 s19, $0x1;
	s6 =	smul.u32 $0xC0000, s1  }
0xf: {  	s16 =	sshll.u32 s0, $0x11;
	[dreg:$0xa] =	wrdreg s23  }
.Ltmp0:
0x10: {  	s22 =	sshll.u32 s1, $0x9;
	s3 =	sor.u32 s16, s6;
	(pc) =	sbr.rel .LBB2_1-.Ltmp0, $4  }
0x11: {  	s0 =	sshra.s32 s22, $0x2;
	[dreg:$0x4] =	wrdreg s6;
	s3 =	sshrl.u32 s3, $0x3  }
0x12: {  	s2 =	simm.s32 $0x0;
	[dreg:$0x12] =	wrdreg s0;
	s3 =	sadd.s32 s7, s3  }
0x13: {  	s20 =	simm.s32 $0x4000;
	[dreg:$0x7] =	wrdreg s3;
	s21 =	sadd.s32 $0x800, s3  }
0x14: {  	v0 =	vlaneseq.u32;
	s25 =	simm.s32 $0x8000;
	s26 =	simm.s32 $0xC000;
	[dreg:$0x9] =	wrdreg s21  }
.LBB2_131:
0x15: {  	s0 =	simm.s32 $0x5  }
0x16: {  	_ =	swait.ge [sflag:s0], $0x4000  }
0x17: {  	[sflag:s0] =	ssyncset.done $0x0  }
0x18: {  	s29 =	simm.s32 $0x6;
	[sflag:s0] =	ssyncadd.s32 $0xFFFFC000  }
0x19: {  	_ =	swait.ge [sflag:s29], $0x4000  }
0x1a: {  	[sflag:s29] =	ssyncset.done $0x0  }
0x1b: {  	s30 =	simm.s32 $0x7;
	[sflag:s29] =	ssyncadd.s32 $0xFFFFC000  }
0x1c: {  	_ =	swait.ge [sflag:s30], $0x4000  }
0x1d: {  	[sflag:s30] =	ssyncset.done $0x0  }
0x1e: {  	s1 =	simm.s32 $0x8;
	[sflag:s30] =	ssyncadd.s32 $0xFFFFC000  }
0x1f: {  	_ =	swait.ge [sflag:s1], $0x4000  }
0x20: {  	s2 =	rddreg [dreg:$0x13]  }
0x21: {  	s31 =	rddreg [dreg:$0xa];
	s2 =	sadd.s32 $0x1, s2  }
0x22: {  	p0 =	sne.s32 s2, s31  }
.Ltmp1:
0x23: {  	_ = 	snop;
	(pc) =	sbr.rel @!p0 .LBB2_132-.Ltmp1, $3  }
0x24: {  	_ =	sdelay $0x1  }
0x25: {  	[sflag:s1] =	ssyncset.done $0x0  }
0x26: {  	[sflag:s1] =	ssyncadd.s32 $0xFFFFC000  }
.LBB2_1:
0x27: {  	[dreg:$0x13] =	wrdreg s2  }
0x28: {  	s0 =	rddreg [dreg:$0x7]  }
0x29: {  	[tilespmem:s4], [sflag:$0x1] =	stream.linear.gather [hbm4b:s0+s4], $0x4000, $0x38;
	[tilespmem:$0x16800] =	vst v63  }
0x2a: {  	s17 =	rddreg [dreg:$0x9]  }
0x2b: {  	[tilespmem:s20], [sflag:$0x2] =	stream.linear.gather [hbm4b:s17+s4], $0x4000, $0x38;
	[tilespmem:$0x16800] =	vst v63  }
0x2c: {  	s18 =	rddreg [dreg:$0x6];
	s1 =	simm.s32 $0x10000;
	s19 =	simm.s32 $0x9  }
0x2d: {  	[tilespmem:s1], [sflag:$0x9] =	stream.linear.gather [hbm4b:s18+s4], $0x6000, $0x38;
	[tilespmem:$0x16800] =	vst v63  }
0x2e: {  	_ =	swait.ge [sflag:s19], $0x6000  }
0x2f: {  	[sflag:s19] =	ssyncset.done $0x0  }
0x30: {  	s22 =	simm.s32 $0x16000;
	s21 =	rddreg [dreg:$0x5];
	[sflag:s19] =	ssyncadd.s32 $0xFFFFA000  }
0x31: {  	[tilespmem:s22], [sflag:$0x9] =	stream.linear.gather [hbm4b:s21+s4], $0x800, $0x38;
	[tilespmem:$0x16800] =	vst v63  }
0x32: {  	_ =	swait.ge [sflag:s19], $0x800  }
0x33: {  	[sflag:s19] =	ssyncset.done $0x0  }
0x34: {  	s23 =	rddreg [dreg:$0x12];
	[sflag:s19] =	ssyncadd.s32 $0xFFFFF800  }
0x35: {  	v27 =	vld [tilespmem:s23+$0x16000];
	_ =	sdelay $0x4  }
0x36: {  	(v2sf) =	vpush v27, $0x0  }
0x37: {  	(v2sf) =	vpush v27, $0x8;
	_ =	sdelay $0x2  }
0x38: {  	(v2sf) =	vpush v27, $0x1;
	_ =	sdelay $0x2  }
0x39: {  	(v2sf) =	vpush v27, $0x9;
	_ =	sdelay $0x6  }
0x3a: {  	v1 =	vbroadcast v27, $0x8  }
0x3b: {  	s6 =	spop (v2sf)  }
0x3c: {  	v10 =	vbroadcast v27, $0xA;
	v1 =	vadd.s32 v0, v1;
	(v2sf) =	vpush v27, $0x2;
	s24 =	spop (v2sf)  }
0x3d: {  	v14 =	vbroadcast v27, $0xB;
	v2 =	vshll.u32 v1, $0x3;
	(v2sf) =	vpush v27, $0xA;
	s28 =	sadd.s32 $0x10, s24  }
0x3e: {  	v1 =	vand.u32 $0x7F, v1;
	v2 =	vand.u32 $0xFFFFFC00, v2;
	s29 =	sadd.s32 $0x20, s24;
	v3 =	vadd.s32 s28, v0  }
0x3f: {  	s7 =	spop (v2sf);
	(v2sf) =	vpush v27, $0x3;
	v5 =	vadd.s32 s29, v0;
	v4 =	vshll.u32 v3, $0x3  }
0x40: {  	(v2sf) =	vpush v27, $0xB;
	v3 =	vand.u32 $0x7F, v3;
	v4 =	vand.u32 $0xFFFFFC00, v4  }
0x41: {  	v1 =	vor.u32 v1, v2;
	v2 =	vor.u32 v3, v4;
	v3 =	vshll.u32 v5, $0x3  }
0x42: {  	s0 =	sadd.s32 $0x30, s24;
	s30 =	spop (v2sf);
	v4 =	vand.u32 $0x7F, v5;
	v5 =	vbroadcast v27, $0x9;
	v3 =	vand.u32 $0xFFFFFC00, v3  }
0x43: {  	v10 =	vadd.s32 v0, v10;
	s2 =	sadd.s32 $0x10, s30;
	v3 =	vor.u32 v4, v3;
	v4 =	vadd.s32 s0, v0  }
0x44: {  	v8 =	vadd.s32 s2, v0;
	v5 =	vadd.s32 v0, v5;
	v6 =	vshll.u32 v4, $0x3  }
0x45: {  	s0 =	sadd.s32 $0x30, s30;
	v4 =	vand.u32 $0x7F, v4;
	v7 =	vshll.u32 v5, $0x3;
	v5 =	vand.u32 $0x7F, v5  }
0x46: {  	v9 =	vadd.s32 s0, v0;
	v6 =	vand.u32 $0xFFFFFC00, v6;
	v7 =	vand.u32 $0xFFFFFC00, v7  }
0x47: {  	s3 =	sadd.s32 $0x20, s30;
	v4 =	vor.u32 v4, v6;
	v5 =	vor.u32 v5, v7;
	v6 =	vshll.u32 v8, $0x3  }
0x48: {  	v7 =	vand.u32 $0x7F, v8;
	v8 =	vadd.s32 s3, v0;
	v6 =	vand.u32 $0xFFFFFC00, v6  }
0x49: {  	v6 =	vor.u32 v7, v6;
	v7 =	vand.u32 $0x7F, v8;
	v8 =	vshll.u32 v8, $0x3  }
0x4a: {  	v11 =	vand.u32 $0x7F, v9;
	v9 =	vshll.u32 v9, $0x3;
	v8 =	vand.u32 $0xFFFFFC00, v8  }
0x4b: {  	v9 =	vand.u32 $0xFFFFFC00, v9;
	s11 =	spop (v2sf);
	(v2sf) =	vpush v27, $0x4;
	v7 =	vor.u32 v7, v8  }
0x4c: {  	v8 =	vor.u32 v11, v9;
	v9 =	vshll.u32 v10, $0x3;
	s5 =	spop (v2sf);
	(v2sf) =	vpush v27, $0xC  }
0x4d: {  	v23 =	vbroadcast v27, $0xD;
	v10 =	vand.u32 $0x7F, v10;
	v9 =	vand.u32 $0xFFFFFC00, v9;
	s8 =	sadd.s32 $0x10, s5  }
0x4e: {  	v14 =	vadd.s32 v0, v14;
	s9 =	sadd.s32 $0x20, s5;
	v9 =	vor.u32 v10, v9;
	s12 =	spop (v2sf);
	v11 =	vadd.s32 s8, v0  }
0x4f: {  	(v2sf) =	vpush v27, $0x5;
	v12 =	vadd.s32 s9, v0;
	s10 =	spop (v2sf);
	v10 =	vshll.u32 v11, $0x3  }
0x50: {  	(v2sf) =	vpush v27, $0xD;
	v11 =	vand.u32 $0x7F, v11;
	s13 =	sadd.s32 $0x10, s10;
	v10 =	vand.u32 $0xFFFFFC00, v10  }
0x51: {  	s0 =	sadd.s32 $0x30, s5;
	v13 =	vshll.u32 v12, $0x3;
	v15 =	vadd.s32 s13, v0;
	v10 =	vor.u32 v11, v10  }
0x52: {  	s14 =	sadd.s32 $0x20, s10;
	v11 =	vand.u32 $0x7F, v12;
	v12 =	vand.u32 $0xFFFFFC00, v13;
	v13 =	vadd.s32 s0, v0  }
0x53: {  	v17 =	vadd.s32 s14, v0;
	v11 =	vor.u32 v11, v12;
	v12 =	vshll.u32 v13, $0x3  }
0x54: {  	v16 =	vshll.u32 v15, $0x3;
	v13 =	vand.u32 $0x7F, v13;
	v12 =	vand.u32 $0xFFFFFC00, v12  }
0x55: {  	v15 =	vand.u32 $0x7F, v15;
	v12 =	vor.u32 v13, v12;
	v13 =	vshll.u32 v14, $0x3  }
0x56: {  	v16 =	vand.u32 $0xFFFFFC00, v16;
	v14 =	vand.u32 $0x7F, v14;
	v13 =	vand.u32 $0xFFFFFC00, v13  }
0x57: {  	v13 =	vor.u32 v14, v13;
	v14 =	vor.u32 v15, v16;
	v16 =	vshll.u32 v17, $0x3  }
0x58: {  	s0 =	sadd.s32 $0x30, s10;
	v15 =	vand.u32 $0x7F, v17;
	v17 =	vbroadcast v27, $0xC;
	v16 =	vand.u32 $0xFFFFFC00, v16  }
0x59: {  	(v2sf) =	vpush v27, $0x6;
	v18 =	vadd.s32 s0, v0;
	v15 =	vor.u32 v15, v16  }
0x5a: {  	v16 =	vshll.u32 v18, $0x3;
	v17 =	vadd.s32 v0, v17;
	s24 =	spop (v2sf);
	(v2sf) =	vpush v27, $0xE  }
0x5b: {  	v18 =	vand.u32 $0x7F, v18;
	v16 =	vand.u32 $0xFFFFFC00, v16;
	v19 =	vshll.u32 v17, $0x3;
	s15 =	spop (v2sf)  }
0x5c: {  	v17 =	vand.u32 $0x7F, v17;
	v19 =	vand.u32 $0xFFFFFC00, v19;
	v16 =	vor.u32 v18, v16;
	s16 =	sadd.s32 $0x10, s15  }
0x5d: {  	v17 =	vor.u32 v17, v19;
	(v2sf) =	vpush v27, $0x7;
	s0 =	sadd.s32 $0x30, s15;
	v20 =	vadd.s32 s16, v0  }
0x5e: {  	s17 =	sadd.s32 $0x20, s15;
	s8 =	spop (v2sf);
	(v2sf) =	vpush v27, $0xF;
	v21 =	vadd.s32 s0, v0;
	v18 =	vshll.u32 v20, $0x3  }
0x5f: {  	v19 =	vand.u32 $0x7F, v20;
	v20 =	vadd.s32 s17, v0;
	v18 =	vand.u32 $0xFFFFFC00, v18  }
0x60: {  	v18 =	vor.u32 v19, v18;
	v19 =	vand.u32 $0x7F, v20;
	v20 =	vshll.u32 v20, $0x3  }
0x61: {  	v28 =	vbroadcast v27, $0xE;
	s18 =	spop (v2sf);
	v22 =	vshll.u32 v21, $0x3;
	v20 =	vand.u32 $0xFFFFFC00, v20  }
0x62: {  	s0 =	sadd.s32 $0x30, s18;
	v19 =	vor.u32 v19, v20;
	v20 =	vand.u32 $0x7F, v21;
	v21 =	vand.u32 $0xFFFFFC00, v22  }
0x63: {  	s19 =	sadd.s32 $0x10, s18;
	v25 =	vadd.s32 s0, v0;
	v20 =	vor.u32 v20, v21;
	v21 =	vadd.s32 v0, v23  }
0x64: {  	v22 =	vadd.s32 s19, v0;
	v23 =	vand.u32 $0x7F, v21;
	v21 =	vshll.u32 v21, $0x3  }
0x65: {  	s21 =	sadd.s32 $0x20, s18;
	v24 =	vshll.u32 v22, $0x3;
	v22 =	vand.u32 $0x7F, v22;
	v21 =	vand.u32 $0xFFFFFC00, v21  }
0x66: {  	v24 =	vand.u32 $0xFFFFFC00, v24;
	v21 =	vor.u32 v23, v21;
	v23 =	vadd.s32 s21, v0  }
0x67: {  	v22 =	vor.u32 v22, v24;
	v24 =	vand.u32 $0x7F, v23;
	v23 =	vshll.u32 v23, $0x3  }
0x68: {  	v27 =	vbroadcast v27, $0xF;
	s31 =	spop (v2sf);
	v26 =	vshll.u32 v25, $0x3;
	v23 =	vand.u32 $0xFFFFFC00, v23  }
0x69: {  	s22 =	spop (v2sf);
	v23 =	vor.u32 v24, v23;
	v24 =	vand.u32 $0x7F, v25;
	v25 =	vand.u32 $0xFFFFFC00, v26  }
0x6a: {  	s23 =	sadd.s32 $0x10, s22;
	v24 =	vor.u32 v24, v25;
	v25 =	vadd.s32 v0, v28  }
0x6b: {  	s30 =	sadd.s32 $0x40, s6;
	v32 =	vadd.s32 v0, v27;
	s0 =	sadd.s32 $0x30, s22;
	v26 =	vadd.s32 s23, v0;
	v28 =	vand.u32 $0x7F, v25  }
0x6c: {  	[dreg:$0x14] =	wrdreg s30;
	s3 =	sadd.s32 $0x40, s7;
	s2 =	spop (v2sf);
	v25 =	vshll.u32 v25, $0x3;
	v30 =	vadd.s32 s0, v0;
	v29 =	vshll.u32 v26, $0x3  }
0x6d: {  	[dreg:$0x15] =	wrdreg s3;
	s29 =	spop (v2sf);
	v25 =	vand.u32 $0xFFFFFC00, v25;
	v26 =	vand.u32 $0x7F, v26;
	v31 =	vshll.u32 v30, $0x3  }
0x6e: {  	s10 =	ssub.s32 $0x0, s6;
	s28 =	sadd.s32 $0x20, s22;
	v30 =	vand.u32 $0x7F, v30;
	s9 =	sadd.s32 $0x20, s29;
	v29 =	vand.u32 $0xFFFFFC00, v29;
	v25 =	vor.u32 v28, v25  }
0x6f: {  	[dreg:$0x16] =	wrdreg s10;
	s17 =	ssub.s32 $0x0, s7;
	s0 =	sadd.s32 $0x30, s29;
	v28 =	vadd.s32 s28, v0;
	v31 =	vand.u32 $0xFFFFFC00, v31;
	v63 =	vadd.s32 s9, v0  }
0x70: {  	s18 =	ssub.s32 $0x0, s11;
	[dreg:$0x17] =	wrdreg s17;
	v33 =	vadd.s32 s0, v0;
	v26 =	vor.u32 v26, v29;
	v29 =	vshll.u32 v28, $0x3  }
0x71: {  	p0 =	por $0x0, $0x0;
	[dreg:$0x18] =	wrdreg s18;
	s19 =	ssub.s32 $0x0, s12;
	v28 =	vand.u32 $0x7F, v28;
	v34 =	vand.u32 $0x7F, v63;
	v29 =	vand.u32 $0xFFFFFC00, v29  }
0x72: {  	s3 =	simm.s32 $0x0;
	s13 =	sadd.s32 $0x40, s24;
	[dreg:$0x19] =	wrdreg s19;
	v35 =	vshll.u32 v33, $0x3;
	v33 =	vand.u32 $0x7F, v33;
	v27 =	vor.u32 v28, v29  }
.Ltmp2:
0x73: {  	s21 =	ssub.s32 $0x0, s24;
	s5 =	sadd.s32 $0x10, s29;
	v28 =	vor.u32 v30, v31;
	v29 =	vshll.u32 v32, $0x3;
	v30 =	vand.u32 $0x7F, v32;
	(pc) =	sbr.rel .LBB2_2-.Ltmp2, $4  }
0x74: {  	s14 =	sadd.s32 $0x40, s8;
	[dreg:$0x1a] =	wrdreg s21;
	s30 =	ssub.s32 $0x0, s2;
	v31 =	vadd.s32 s5, v0;
	v32 =	vshll.u32 v63, $0x3;
	v29 =	vand.u32 $0xFFFFFC00, v29  }
0x75: {  	s15 =	sadd.s32 $0x40, s31;
	s29 =	ssub.s32 $0x0, s31;
	[dreg:$0x1d] =	wrdreg s30;
	v29 =	vor.u32 v30, v29;
	v30 =	vand.u32 $0x7F, v31;
	v31 =	vshll.u32 v31, $0x3  }
0x76: {  	s22 =	sadd.s32 $0x40, s11;
	s28 =	ssub.s32 $0x0, s8;
	[dreg:$0x1c] =	wrdreg s29;
	v35 =	vand.u32 $0xFFFFFC00, v35;
	v32 =	vand.u32 $0xFFFFFC00, v32;
	v31 =	vand.u32 $0xFFFFFC00, v31  }
0x77: {  	s23 =	sadd.s32 $0x40, s12;
	s16 =	sadd.s32 $0x40, s2;
	[dreg:$0x1b] =	wrdreg s28;
	v30 =	vor.u32 v30, v31;
	v31 =	vor.u32 v34, v32;
	v32 =	vor.u32 v33, v35  }
.LBB2_129:
0x78: {  	_ =	sdelay $0x3  }
0x79: {  	[tilespmem:v34+s26+$0x0] =	vst.idx.msk $0xffff, v33  }
.LBB2_130:
0x7a: {  	s1 =	sld [smem:$0x7FD];
	s3 =	sadd.s32 $0x1, s3  }
0x7b: {  	p1 =	sne.s32 s3, $0x6  }
.Ltmp3:
0x7c: {  	s0 =	rddreg [dreg:$0x1e];
	(pc) =	sbr.rel @!p1 .LBB2_131-.Ltmp3, $4  }
0x7d: {  	s0 =	sor.u32 s0, s1  }
0x7e: {  	s30 =	rddreg [dreg:$0x2];
	s0 =	sshrl.u32 s0, $0x3  }
0x7f: {  	p0 =	por !p0, !p0;
	s0 =	sadd.s32 s30, s0  }
0x80: {  	[hbm4b:s0+s4] =	stream.linear.scatter [tilespmem:s26], [sflag:$0x8], $0x4000, $0x38;
	[tilespmem:$0x16800] =	vst v63  }
.LBB2_2:
0x81: {  	s0 =	sshll.u32 s3, $0x7;
	s1 =	sshll.u32 s3, $0x11;
	s30 =	rddreg [dreg:$0x8]  }
0x82: {  	p1 =	seq.s32 s3, $0x0;
	s5 =	rddreg [dreg:$0x4];
	s0 =	sand.u32 $0x80, s0  }
0x83: {  	s21 =	sand.u32 $0xC0000, s1;
	s1 =	simm.s32 @!p1 $0x7;
	s18 =	sor.u32 s0, s30  }
0x84: {  	s10 =	sadd.s32 s5, s21;
	_ =	swait.ge @!p1 [sflag:s1], $0x4000;
	s29 =	sor.u32 $0x40, s18  }
0x85: {  	[sflag:s1] =	ssyncset.done @!p1 $0x0;
	p2 =	sgt.s32 s6, s18;
	s9 =	sshll.u32 s29, $0x9  }
0x86: {  	[sflag:s1] =	ssyncadd.s32 @!p1 $0xFFFFC000;
	[dreg:$0x1f] =	wrdreg s9;
	s0 =	sor.u32 s10, s9  }
0x87: {  	s9 =	simm.s32 $0x1;
	s1 =	rddreg [dreg:$0x0];
	s0 =	sshrl.u32 s0, $0x3  }
0x88: {  	s5 =	sor.u32 $0x20, s18;
	s9 =	simm.s32 @!p0 $0x0;
	s0 =	sadd.s32 s1, s0  }
0x89: {  	[tilespmem:s25], [sflag:$0x3] =	stream.linear.gather [hbm4b:s0+s4], $0x4000, $0x38;
	[tilespmem:$0x16800] =	vst v63  }
0x8a: {  	s19 =	sshll.u32 s9, $0x7;
	s9 =	rddreg [dreg:$0x14];
	s0 =	smov.u32 s18  }
0x8b: {  	s28 =	smov.u32 s5;
	s0 =	smov.u32 @p2 s6;
	p2 =	slt.s32 s9, s5  }
0x8c: {  	s28 =	smov.u32 @p2 s9  }
0x8d: {  	p2 =	sge.s32 s0, s28  }
.Ltmp4:
0x8e: {  	_ = 	snop;
	(pc) =	sbr.rel @p2 .LBB2_6-.Ltmp4, $4  }
0x8f: {  	s21 =	simm.s32 $0x1  }
0x90: {  	s17 =	sshll.u32 s3, $0x5;
	_ =	swait.ge [sflag:s21], $0x4000  }
0x91: {  	s17 =	sand.u32 $0xFFFFFFC0, s17;
	[sflag:s21] =	ssyncset.done $0x0;
	s9 =	rddreg [dreg:$0xb]  }
0x92: {  	s1 =	ssub.s32 s9, s19;
	s9 =	sadd.s32 s19, s30;
	[sflag:s21] =	ssyncadd.s32 $0xFFFFC000  }
0x93: {  	p2 =	sgt.s32 s6, s9;
	s30 =	smov.u32 s9  }
0x94: {  	s21 =	rddreg [dreg:$0x16];
	s30 =	smov.u32 @p2 s6  }
0x95: {  	s30 =	sadd.s32 s30, s21;
	s21 =	sadd.s32 s0, s1  }
0x96: {  	s30 =	sadd.s32 s17, s30;
	v33 =	vmov s21  }
0x97: {  	s21 =	sshll.u32 s30, $0x9;
	v34 =	vshll.u32 v33, $0x9  }
0x98: {  	v33 =	vshll.u32 v33, $0x7;
	s21 =	sshra.s32 s21, $0x2;
	v34 =	vand.u32 $0xFFFFF000, v34  }
0x99: {  	v35 =	vand.u32 $0x380, v33;
	s30 =	sadd.s32 $0x10020, s21;
	v61 =	vadd.s32 v1, v34  }
0x9a: {  	v36 =	vld [tilespmem:s30+$0xFFFFFFE0];
	v33 =	vor.u32 v35, v61;
	_ =	sdelay $0x4  }
0x9b: {  	v62 =	vadd.s32 v2, v34;
	[tilespmem:v33+s4+$0x0] =	vst.idx.msk $0xffff, v36  }
0x9c: {  	v33 =	vor.u32 v35, v62;
	v36 =	vld [tilespmem:s30+$0xFFFFFFF0];
	_ =	sdelay $0x4  }
0x9d: {  	v63 =	vadd.s32 v3, v34;
	[tilespmem:v33+s4+$0x0] =	vst.idx.msk $0xffff, v36  }
0x9e: {  	s0 =	sadd.s32 $0x1, s0;
	v33 =	vor.u32 v35, v63;
	v36 =	vld [tilespmem:s30+$0x0]  }
0x9f: {  	p2 =	slt.s32 s0, s28  }
.Ltmp5:
0xa0: {  	_ = 	snop;
	(pc) =	sbr.rel @!p2 .LBB2_5-.Ltmp5, $3  }
0xa1: {  	_ =	sdelay $0x1  }
0xa2: {  	v34 =	vadd.s32 v4, v34;
	[tilespmem:v33+s4+$0x0] =	vst.idx.msk $0xffff, v36  }
0xa3: {  	v34 =	vor.u32 v35, v34;
	v33 =	vld [tilespmem:s30+$0x10]  }
.LBB2_4:
0xa4: {  	s21 =	sadd.s32 s0, s1;
	s0 =	sadd.s32 $0x1, s0  }
0xa5: {  	v35 =	vmov s21;
	p2 =	slt.s32 s0, s28  }
0xa6: {  	v36 =	vshll.u32 v35, $0x9  }
0xa7: {  	v35 =	vshll.u32 v35, $0x7;
	v36 =	vand.u32 $0xFFFFF000, v36  }
0xa8: {  	s30 =	sadd.s32 $0x80, s30;
	v35 =	vand.u32 $0x380, v35;
	v37 =	vadd.s32 v1, v36;
	[tilespmem:v34+s4+$0x0] =	vst.idx.msk $0xffff, v33  }
0xa9: {  	v33 =	vld [tilespmem:s30+$0xFFFFFFE0];
	v34 =	vor.u32 v35, v37;
	_ =	sdelay $0x4  }
0xaa: {  	[tilespmem:v34+s4+$0x0] =	vst.idx.msk $0xffff, v33;
	v33 =	vadd.s32 v2, v36  }
0xab: {  	v34 =	vld [tilespmem:s30+$0xFFFFFFF0];
	v33 =	vor.u32 v35, v33;
	_ =	sdelay $0x4  }
0xac: {  	[tilespmem:v33+s4+$0x0] =	vst.idx.msk $0xffff, v34;
	v33 =	vadd.s32 v3, v36  }
0xad: {  	v34 =	vld [tilespmem:s30+$0x0];
	v33 =	vor.u32 v35, v33;
	_ =	sdelay $0x1  }
.Ltmp6:
0xae: {  	(pc) =	sbr.rel @p2 .LBB2_4-.Ltmp6, $3  }
0xaf: {  	_ =	sdelay $0x1  }
0xb0: {  	[tilespmem:v33+s4+$0x0] =	vst.idx.msk $0xffff, v34;
	v34 =	vadd.s32 v4, v36  }
0xb1: {  	v33 =	vld [tilespmem:s30+$0x10];
	v34 =	vor.u32 v35, v34  }
.LBB2_5:
0xb2: {  	_ =	sdelay $0x3  }
0xb3: {  	[tilespmem:v34+s4+$0x0] =	vst.idx.msk $0xffff, v33  }
.LBB2_6:
0xb4: {  	p2 =	sgt.s32 s7, s18;
	s21 =	rddreg [dreg:$0x15]  }
0xb5: {  	s0 =	smov.u32 s18;
	s28 =	smov.u32 s5;
	p3 =	slt.s32 s21, s5  }
0xb6: {  	s0 =	smov.u32 @p2 s7;
	s28 =	smov.u32 @p3 s21  }
0xb7: {  	p2 =	sge.s32 s0, s28  }
.Ltmp7:
0xb8: {  	_ = 	snop;
	(pc) =	sbr.rel @p2 .LBB2_10-.Ltmp7, $1  }
0xb9: {  	_ =	sdelay $0x3  }
0xba: {  	p2 =	sgt.s32 s7, s9;
	s21 =	smov.u32 s9  }
0xbb: {  	s30 =	rddreg [dreg:$0x17];
	s21 =	smov.u32 @p2 s7  }
0xbc: {  	s21 =	sadd.s32 s21, s30;
	s30 =	sadd.s32 s0, s1  }
0xbd: {  	s21 =	sadd.s32 s17, s21;
	v33 =	vmov s30  }
0xbe: {  	s21 =	sshll.u32 s21, $0x9;
	v34 =	vshll.u32 v33, $0x9  }
0xbf: {  	v33 =	vshll.u32 v33, $0x7;
	s21 =	sshra.s32 s21, $0x2;
	v34 =	vand.u32 $0xFFFFF000, v34  }
0xc0: {  	v35 =	vand.u32 $0x380, v33;
	s30 =	sadd.s32 $0x10020, s21;
	v61 =	vadd.s32 v5, v34  }
0xc1: {  	v36 =	vld [tilespmem:s30+$0xFFFFFFE0];
	v33 =	vor.u32 v35, v61;
	_ =	sdelay $0x4  }
0xc2: {  	v62 =	vadd.s32 v6, v34;
	[tilespmem:v33+s4+$0x0] =	vst.idx.msk $0xffff, v36  }
0xc3: {  	v33 =	vor.u32 v35, v62;
	v36 =	vld [tilespmem:s30+$0xFFFFFFF0];
	_ =	sdelay $0x4  }
0xc4: {  	v63 =	vadd.s32 v7, v34;
	[tilespmem:v33+s4+$0x0] =	vst.idx.msk $0xffff, v36  }
0xc5: {  	s0 =	sadd.s32 $0x1, s0;
	v33 =	vor.u32 v35, v63;
	v36 =	vld [tilespmem:s30+$0x0]  }
0xc6: {  	p2 =	slt.s32 s0, s28  }
.Ltmp8:
0xc7: {  	_ = 	snop;
	(pc) =	sbr.rel @!p2 .LBB2_9-.Ltmp8, $3  }
0xc8: {  	_ =	sdelay $0x1  }
0xc9: {  	v34 =	vadd.s32 v8, v34;
	[tilespmem:v33+s4+$0x0] =	vst.idx.msk $0xffff, v36  }
0xca: {  	v34 =	vor.u32 v35, v34;
	v33 =	vld [tilespmem:s30+$0x10]  }
.LBB2_8:
0xcb: {  	s21 =	sadd.s32 s0, s1;
	s0 =	sadd.s32 $0x1, s0  }
0xcc: {  	v35 =	vmov s21;
	p2 =	slt.s32 s0, s28  }
0xcd: {  	v36 =	vshll.u32 v35, $0x9  }
0xce: {  	v35 =	vshll.u32 v35, $0x7;
	v36 =	vand.u32 $0xFFFFF000, v36  }
0xcf: {  	s30 =	sadd.s32 $0x80, s30;
	v35 =	vand.u32 $0x380, v35;
	v37 =	vadd.s32 v5, v36;
	[tilespmem:v34+s4+$0x0] =	vst.idx.msk $0xffff, v33  }
0xd0: {  	v33 =	vld [tilespmem:s30+$0xFFFFFFE0];
	v34 =	vor.u32 v35, v37;
	_ =	sdelay $0x4  }
0xd1: {  	[tilespmem:v34+s4+$0x0] =	vst.idx.msk $0xffff, v33;
	v33 =	vadd.s32 v6, v36  }
0xd2: {  	v34 =	vld [tilespmem:s30+$0xFFFFFFF0];
	v33 =	vor.u32 v35, v33;
	_ =	sdelay $0x4  }
0xd3: {  	[tilespmem:v33+s4+$0x0] =	vst.idx.msk $0xffff, v34;
	v33 =	vadd.s32 v7, v36  }
0xd4: {  	v34 =	vld [tilespmem:s30+$0x0];
	v33 =	vor.u32 v35, v33;
	_ =	sdelay $0x1  }
.Ltmp9:
0xd5: {  	(pc) =	sbr.rel @p2 .LBB2_8-.Ltmp9, $3  }
0xd6: {  	_ =	sdelay $0x1  }
0xd7: {  	[tilespmem:v33+s4+$0x0] =	vst.idx.msk $0xffff, v34;
	v34 =	vadd.s32 v8, v36  }
0xd8: {  	v33 =	vld [tilespmem:s30+$0x10];
	v34 =	vor.u32 v35, v34  }
.LBB2_9:
0xd9: {  	_ =	sdelay $0x3  }
0xda: {  	[tilespmem:v34+s4+$0x0] =	vst.idx.msk $0xffff, v33  }
.LBB2_10:
0xdb: {  	p2 =	sgt.s32 s11, s18  }
0xdc: {  	s0 =	smov.u32 s18;
	p3 =	slt.s32 s22, s5;
	s28 =	smov.u32 s5  }
0xdd: {  	s0 =	smov.u32 @p2 s11;
	s28 =	smov.u32 @p3 s22  }
0xde: {  	p2 =	sge.s32 s0, s28  }
.Ltmp10:
0xdf: {  	_ = 	snop;
	(pc) =	sbr.rel @p2 .LBB2_14-.Ltmp10, $1  }
0xe0: {  	_ =	sdelay $0x3  }
0xe1: {  	p2 =	sgt.s32 s11, s9;
	s21 =	smov.u32 s9  }
0xe2: {  	s30 =	rddreg [dreg:$0x18];
	s21 =	smov.u32 @p2 s11  }
0xe3: {  	s21 =	sadd.s32 s21, s30;
	s30 =	sadd.s32 s0, s1  }
0xe4: {  	s21 =	sadd.s32 s17, s21;
	v33 =	vmov s30  }
0xe5: {  	s21 =	sshll.u32 s21, $0x9;
	v34 =	vshll.u32 v33, $0x9  }
0xe6: {  	v33 =	vshll.u32 v33, $0x7;
	s21 =	sshra.s32 s21, $0x2;
	v34 =	vand.u32 $0xFFFFF000, v34  }
0xe7: {  	v35 =	vand.u32 $0x380, v33;
	s30 =	sadd.s32 $0x10020, s21;
	v61 =	vadd.s32 v9, v34  }
0xe8: {  	v36 =	vld [tilespmem:s30+$0xFFFFFFE0];
	v33 =	vor.u32 v35, v61;
	_ =	sdelay $0x4  }
0xe9: {  	v62 =	vadd.s32 v10, v34;
	[tilespmem:v33+s4+$0x0] =	vst.idx.msk $0xffff, v36  }
0xea: {  	v33 =	vor.u32 v35, v62;
	v36 =	vld [tilespmem:s30+$0xFFFFFFF0];
	_ =	sdelay $0x4  }
0xeb: {  	v63 =	vadd.s32 v11, v34;
	[tilespmem:v33+s4+$0x0] =	vst.idx.msk $0xffff, v36  }
0xec: {  	s0 =	sadd.s32 $0x1, s0;
	v33 =	vor.u32 v35, v63;
	v36 =	vld [tilespmem:s30+$0x0]  }
0xed: {  	p2 =	slt.s32 s0, s28  }
.Ltmp11:
0xee: {  	_ = 	snop;
	(pc) =	sbr.rel @!p2 .LBB2_13-.Ltmp11, $3  }
0xef: {  	_ =	sdelay $0x1  }
0xf0: {  	v34 =	vadd.s32 v12, v34;
	[tilespmem:v33+s4+$0x0] =	vst.idx.msk $0xffff, v36  }
0xf1: {  	v34 =	vor.u32 v35, v34;
	v33 =	vld [tilespmem:s30+$0x10]  }
.LBB2_12:
0xf2: {  	s21 =	sadd.s32 s0, s1;
	s0 =	sadd.s32 $0x1, s0  }
0xf3: {  	v35 =	vmov s21;
	p2 =	slt.s32 s0, s28  }
0xf4: {  	v36 =	vshll.u32 v35, $0x9  }
0xf5: {  	v35 =	vshll.u32 v35, $0x7;
	v36 =	vand.u32 $0xFFFFF000, v36  }
0xf6: {  	s30 =	sadd.s32 $0x80, s30;
	v35 =	vand.u32 $0x380, v35;
	v37 =	vadd.s32 v9, v36;
	[tilespmem:v34+s4+$0x0] =	vst.idx.msk $0xffff, v33  }
0xf7: {  	v33 =	vld [tilespmem:s30+$0xFFFFFFE0];
	v34 =	vor.u32 v35, v37;
	_ =	sdelay $0x4  }
0xf8: {  	[tilespmem:v34+s4+$0x0] =	vst.idx.msk $0xffff, v33;
	v33 =	vadd.s32 v10, v36  }
0xf9: {  	v34 =	vld [tilespmem:s30+$0xFFFFFFF0];
	v33 =	vor.u32 v35, v33;
	_ =	sdelay $0x4  }
0xfa: {  	[tilespmem:v33+s4+$0x0] =	vst.idx.msk $0xffff, v34;
	v33 =	vadd.s32 v11, v36  }
0xfb: {  	v34 =	vld [tilespmem:s30+$0x0];
	v33 =	vor.u32 v35, v33;
	_ =	sdelay $0x1  }
.Ltmp12:
0xfc: {  	(pc) =	sbr.rel @p2 .LBB2_12-.Ltmp12, $3  }
0xfd: {  	_ =	sdelay $0x1  }
0xfe: {  	[tilespmem:v33+s4+$0x0] =	vst.idx.msk $0xffff, v34;
	v34 =	vadd.s32 v12, v36  }
0xff: {  	v33 =	vld [tilespmem:s30+$0x10];
	v34 =	vor.u32 v35, v34  }
.LBB2_13:
0x100: {  	_ =	sdelay $0x3  }
0x101: {  	[tilespmem:v34+s4+$0x0] =	vst.idx.msk $0xffff, v33  }
.LBB2_14:
0x102: {  	p2 =	sgt.s32 s12, s18  }
0x103: {  	s0 =	smov.u32 s18;
	p3 =	slt.s32 s23, s5;
	s28 =	smov.u32 s5  }
0x104: {  	s0 =	smov.u32 @p2 s12;
	s28 =	smov.u32 @p3 s23  }
0x105: {  	p2 =	sge.s32 s0, s28  }
.Ltmp13:
0x106: {  	_ = 	snop;
	(pc) =	sbr.rel @p2 .LBB2_18-.Ltmp13, $1  }
0x107: {  	_ =	sdelay $0x3  }
0x108: {  	p2 =	sgt.s32 s12, s9;
	s21 =	smov.u32 s9  }
0x109: {  	s30 =	rddreg [dreg:$0x19];
	s21 =	smov.u32 @p2 s12  }
0x10a: {  	s21 =	sadd.s32 s21, s30;
	s30 =	sadd.s32 s0, s1  }
0x10b: {  	s21 =	sadd.s32 s17, s21;
	v33 =	vmov s30  }
0x10c: {  	s21 =	sshll.u32 s21, $0x9;
	v34 =	vshll.u32 v33, $0x9  }
0x10d: {  	v33 =	vshll.u32 v33, $0x7;
	s21 =	sshra.s32 s21, $0x2;
	v34 =	vand.u32 $0xFFFFF000, v34  }
0x10e: {  	v35 =	vand.u32 $0x380, v33;
	s30 =	sadd.s32 $0x10020, s21;
	v61 =	vadd.s32 v13, v34  }
0x10f: {  	v36 =	vld [tilespmem:s30+$0xFFFFFFE0];
	v33 =	vor.u32 v35, v61;
	_ =	sdelay $0x4  }
0x110: {  	v62 =	vadd.s32 v14, v34;
	[tilespmem:v33+s4+$0x0] =	vst.idx.msk $0xffff, v36  }
0x111: {  	v33 =	vor.u32 v35, v62;
	v36 =	vld [tilespmem:s30+$0xFFFFFFF0];
	_ =	sdelay $0x4  }
0x112: {  	v63 =	vadd.s32 v15, v34;
	[tilespmem:v33+s4+$0x0] =	vst.idx.msk $0xffff, v36  }
0x113: {  	s0 =	sadd.s32 $0x1, s0;
	v33 =	vor.u32 v35, v63;
	v36 =	vld [tilespmem:s30+$0x0]  }
0x114: {  	p2 =	slt.s32 s0, s28  }
.Ltmp14:
0x115: {  	_ = 	snop;
	(pc) =	sbr.rel @!p2 .LBB2_17-.Ltmp14, $3  }
0x116: {  	_ =	sdelay $0x1  }
0x117: {  	v34 =	vadd.s32 v16, v34;
	[tilespmem:v33+s4+$0x0] =	vst.idx.msk $0xffff, v36  }
0x118: {  	v34 =	vor.u32 v35, v34;
	v33 =	vld [tilespmem:s30+$0x10]  }
.LBB2_16:
0x119: {  	s21 =	sadd.s32 s0, s1;
	s0 =	sadd.s32 $0x1, s0  }
0x11a: {  	v35 =	vmov s21;
	p2 =	slt.s32 s0, s28  }
0x11b: {  	v36 =	vshll.u32 v35, $0x9  }
0x11c: {  	v35 =	vshll.u32 v35, $0x7;
	v36 =	vand.u32 $0xFFFFF000, v36  }
0x11d: {  	s30 =	sadd.s32 $0x80, s30;
	v35 =	vand.u32 $0x380, v35;
	v37 =	vadd.s32 v13, v36;
	[tilespmem:v34+s4+$0x0] =	vst.idx.msk $0xffff, v33  }
0x11e: {  	v33 =	vld [tilespmem:s30+$0xFFFFFFE0];
	v34 =	vor.u32 v35, v37;
	_ =	sdelay $0x4  }
0x11f: {  	[tilespmem:v34+s4+$0x0] =	vst.idx.msk $0xffff, v33;
	v33 =	vadd.s32 v14, v36  }
0x120: {  	v34 =	vld [tilespmem:s30+$0xFFFFFFF0];
	v33 =	vor.u32 v35, v33;
	_ =	sdelay $0x4  }
0x121: {  	[tilespmem:v33+s4+$0x0] =	vst.idx.msk $0xffff, v34;
	v33 =	vadd.s32 v15, v36  }
0x122: {  	v34 =	vld [tilespmem:s30+$0x0];
	v33 =	vor.u32 v35, v33;
	_ =	sdelay $0x1  }
.Ltmp15:
0x123: {  	(pc) =	sbr.rel @p2 .LBB2_16-.Ltmp15, $3  }
0x124: {  	_ =	sdelay $0x1  }
0x125: {  	[tilespmem:v33+s4+$0x0] =	vst.idx.msk $0xffff, v34;
	v34 =	vadd.s32 v16, v36  }
0x126: {  	v33 =	vld [tilespmem:s30+$0x10];
	v34 =	vor.u32 v35, v34  }
.LBB2_17:
0x127: {  	_ =	sdelay $0x3  }
0x128: {  	[tilespmem:v34+s4+$0x0] =	vst.idx.msk $0xffff, v33  }
.LBB2_18:
0x129: {  	p2 =	sgt.s32 s24, s18  }
0x12a: {  	s0 =	smov.u32 s18;
	p3 =	slt.s32 s13, s5;
	s28 =	smov.u32 s5  }
0x12b: {  	s0 =	smov.u32 @p2 s24;
	s28 =	smov.u32 @p3 s13  }
0x12c: {  	p2 =	sge.s32 s0, s28  }
.Ltmp16:
0x12d: {  	_ = 	snop;
	(pc) =	sbr.rel @p2 .LBB2_22-.Ltmp16, $1  }
0x12e: {  	_ =	sdelay $0x3  }
0x12f: {  	p2 =	sgt.s32 s24, s9;
	s21 =	smov.u32 s9  }
0x130: {  	s30 =	rddreg [dreg:$0x1a];
	s21 =	smov.u32 @p2 s24  }
0x131: {  	s21 =	sadd.s32 s21, s30;
	s30 =	sadd.s32 s0, s1  }
0x132: {  	s21 =	sadd.s32 s17, s21;
	v33 =	vmov s30  }
0x133: {  	s21 =	sshll.u32 s21, $0x9;
	v34 =	vshll.u32 v33, $0x9  }
0x134: {  	v33 =	vshll.u32 v33, $0x7;
	s21 =	sshra.s32 s21, $0x2;
	v34 =	vand.u32 $0xFFFFF000, v34  }
0x135: {  	v35 =	vand.u32 $0x380, v33;
	s30 =	sadd.s32 $0x10020, s21;
	v61 =	vadd.s32 v17, v34  }
0x136: {  	v36 =	vld [tilespmem:s30+$0xFFFFFFE0];
	v33 =	vor.u32 v35, v61;
	_ =	sdelay $0x4  }
0x137: {  	v62 =	vadd.s32 v18, v34;
	[tilespmem:v33+s4+$0x0] =	vst.idx.msk $0xffff, v36  }
0x138: {  	v33 =	vor.u32 v35, v62;
	v36 =	vld [tilespmem:s30+$0xFFFFFFF0];
	_ =	sdelay $0x4  }
0x139: {  	v63 =	vadd.s32 v19, v34;
	[tilespmem:v33+s4+$0x0] =	vst.idx.msk $0xffff, v36  }
0x13a: {  	s0 =	sadd.s32 $0x1, s0;
	v33 =	vor.u32 v35, v63;
	v36 =	vld [tilespmem:s30+$0x0]  }
0x13b: {  	p2 =	slt.s32 s0, s28  }
.Ltmp17:
0x13c: {  	_ = 	snop;
	(pc) =	sbr.rel @!p2 .LBB2_21-.Ltmp17, $3  }
0x13d: {  	_ =	sdelay $0x1  }
0x13e: {  	v34 =	vadd.s32 v20, v34;
	[tilespmem:v33+s4+$0x0] =	vst.idx.msk $0xffff, v36  }
0x13f: {  	v34 =	vor.u32 v35, v34;
	v33 =	vld [tilespmem:s30+$0x10]  }
.LBB2_20:
0x140: {  	s21 =	sadd.s32 s0, s1;
	s0 =	sadd.s32 $0x1, s0  }
0x141: {  	v35 =	vmov s21;
	p2 =	slt.s32 s0, s28  }
0x142: {  	v36 =	vshll.u32 v35, $0x9  }
0x143: {  	v35 =	vshll.u32 v35, $0x7;
	v36 =	vand.u32 $0xFFFFF000, v36  }
0x144: {  	s30 =	sadd.s32 $0x80, s30;
	v35 =	vand.u32 $0x380, v35;
	v37 =	vadd.s32 v17, v36;
	[tilespmem:v34+s4+$0x0] =	vst.idx.msk $0xffff, v33  }
0x145: {  	v33 =	vld [tilespmem:s30+$0xFFFFFFE0];
	v34 =	vor.u32 v35, v37;
	_ =	sdelay $0x4  }
0x146: {  	[tilespmem:v34+s4+$0x0] =	vst.idx.msk $0xffff, v33;
	v33 =	vadd.s32 v18, v36  }
0x147: {  	v34 =	vld [tilespmem:s30+$0xFFFFFFF0];
	v33 =	vor.u32 v35, v33;
	_ =	sdelay $0x4  }
0x148: {  	[tilespmem:v33+s4+$0x0] =	vst.idx.msk $0xffff, v34;
	v33 =	vadd.s32 v19, v36  }
0x149: {  	v34 =	vld [tilespmem:s30+$0x0];
	v33 =	vor.u32 v35, v33;
	_ =	sdelay $0x1  }
.Ltmp18:
0x14a: {  	(pc) =	sbr.rel @p2 .LBB2_20-.Ltmp18, $3  }
0x14b: {  	_ =	sdelay $0x1  }
0x14c: {  	[tilespmem:v33+s4+$0x0] =	vst.idx.msk $0xffff, v34;
	v34 =	vadd.s32 v20, v36  }
0x14d: {  	v33 =	vld [tilespmem:s30+$0x10];
	v34 =	vor.u32 v35, v34  }
.LBB2_21:
0x14e: {  	_ =	sdelay $0x3  }
0x14f: {  	[tilespmem:v34+s4+$0x0] =	vst.idx.msk $0xffff, v33  }
.LBB2_22:
0x150: {  	p2 =	sgt.s32 s8, s18  }
0x151: {  	s0 =	smov.u32 s18;
	p3 =	slt.s32 s14, s5;
	s28 =	smov.u32 s5  }
0x152: {  	s0 =	smov.u32 @p2 s8;
	s28 =	smov.u32 @p3 s14  }
0x153: {  	p2 =	sge.s32 s0, s28  }
.Ltmp19:
0x154: {  	_ = 	snop;
	(pc) =	sbr.rel @p2 .LBB2_26-.Ltmp19, $1  }
0x155: {  	_ =	sdelay $0x3  }
0x156: {  	p2 =	sgt.s32 s8, s9;
	s21 =	smov.u32 s9  }
0x157: {  	s30 =	rddreg [dreg:$0x1b];
	s21 =	smov.u32 @p2 s8  }
0x158: {  	s21 =	sadd.s32 s21, s30;
	s30 =	sadd.s32 s0, s1  }
0x159: {  	s21 =	sadd.s32 s17, s21;
	v33 =	vmov s30  }
0x15a: {  	s21 =	sshll.u32 s21, $0x9;
	v34 =	vshll.u32 v33, $0x9  }
0x15b: {  	v33 =	vshll.u32 v33, $0x7;
	s21 =	sshra.s32 s21, $0x2;
	v34 =	vand.u32 $0xFFFFF000, v34  }
0x15c: {  	v35 =	vand.u32 $0x380, v33;
	s30 =	sadd.s32 $0x10020, s21;
	v61 =	vadd.s32 v21, v34  }
0x15d: {  	v36 =	vld [tilespmem:s30+$0xFFFFFFE0];
	v33 =	vor.u32 v35, v61;
	_ =	sdelay $0x4  }
0x15e: {  	v62 =	vadd.s32 v22, v34;
	[tilespmem:v33+s4+$0x0] =	vst.idx.msk $0xffff, v36  }
0x15f: {  	v33 =	vor.u32 v35, v62;
	v36 =	vld [tilespmem:s30+$0xFFFFFFF0];
	_ =	sdelay $0x4  }
0x160: {  	v63 =	vadd.s32 v23, v34;
	[tilespmem:v33+s4+$0x0] =	vst.idx.msk $0xffff, v36  }
0x161: {  	s0 =	sadd.s32 $0x1, s0;
	v33 =	vor.u32 v35, v63;
	v36 =	vld [tilespmem:s30+$0x0]  }
0x162: {  	p2 =	slt.s32 s0, s28  }
.Ltmp20:
0x163: {  	_ = 	snop;
	(pc) =	sbr.rel @!p2 .LBB2_25-.Ltmp20, $3  }
0x164: {  	_ =	sdelay $0x1  }
0x165: {  	v34 =	vadd.s32 v24, v34;
	[tilespmem:v33+s4+$0x0] =	vst.idx.msk $0xffff, v36  }
0x166: {  	v34 =	vor.u32 v35, v34;
	v33 =	vld [tilespmem:s30+$0x10]  }
.LBB2_24:
0x167: {  	s21 =	sadd.s32 s0, s1;
	s0 =	sadd.s32 $0x1, s0  }
0x168: {  	v35 =	vmov s21;
	p2 =	slt.s32 s0, s28  }
0x169: {  	v36 =	vshll.u32 v35, $0x9  }
0x16a: {  	v35 =	vshll.u32 v35, $0x7;
	v36 =	vand.u32 $0xFFFFF000, v36  }
0x16b: {  	s30 =	sadd.s32 $0x80, s30;
	v35 =	vand.u32 $0x380, v35;
	v37 =	vadd.s32 v21, v36;
	[tilespmem:v34+s4+$0x0] =	vst.idx.msk $0xffff, v33  }
0x16c: {  	v33 =	vld [tilespmem:s30+$0xFFFFFFE0];
	v34 =	vor.u32 v35, v37;
	_ =	sdelay $0x4  }
0x16d: {  	[tilespmem:v34+s4+$0x0] =	vst.idx.msk $0xffff, v33;
	v33 =	vadd.s32 v22, v36  }
0x16e: {  	v34 =	vld [tilespmem:s30+$0xFFFFFFF0];
	v33 =	vor.u32 v35, v33;
	_ =	sdelay $0x4  }
0x16f: {  	[tilespmem:v33+s4+$0x0] =	vst.idx.msk $0xffff, v34;
	v33 =	vadd.s32 v23, v36  }
0x170: {  	v34 =	vld [tilespmem:s30+$0x0];
	v33 =	vor.u32 v35, v33;
	_ =	sdelay $0x1  }
.Ltmp21:
0x171: {  	(pc) =	sbr.rel @p2 .LBB2_24-.Ltmp21, $3  }
0x172: {  	_ =	sdelay $0x1  }
0x173: {  	[tilespmem:v33+s4+$0x0] =	vst.idx.msk $0xffff, v34;
	v34 =	vadd.s32 v24, v36  }
0x174: {  	v33 =	vld [tilespmem:s30+$0x10];
	v34 =	vor.u32 v35, v34  }
.LBB2_25:
0x175: {  	_ =	sdelay $0x3  }
0x176: {  	[tilespmem:v34+s4+$0x0] =	vst.idx.msk $0xffff, v33  }
.LBB2_26:
0x177: {  	p2 =	sgt.s32 s31, s18  }
0x178: {  	s0 =	smov.u32 s18;
	p3 =	slt.s32 s15, s5;
	s28 =	smov.u32 s5  }
0x179: {  	s0 =	smov.u32 @p2 s31;
	s28 =	smov.u32 @p3 s15  }
0x17a: {  	p2 =	sge.s32 s0, s28  }
.Ltmp22:
0x17b: {  	_ = 	snop;
	(pc) =	sbr.rel @p2 .LBB2_30-.Ltmp22, $1  }
0x17c: {  	_ =	sdelay $0x3  }
0x17d: {  	p2 =	sgt.s32 s31, s9;
	s21 =	smov.u32 s9  }
0x17e: {  	s30 =	rddreg [dreg:$0x1c];
	s21 =	smov.u32 @p2 s31  }
0x17f: {  	s21 =	sadd.s32 s21, s30;
	s30 =	sadd.s32 s0, s1  }
0x180: {  	s21 =	sadd.s32 s17, s21;
	v33 =	vmov s30  }
0x181: {  	s21 =	sshll.u32 s21, $0x9;
	v34 =	vshll.u32 v33, $0x9  }
0x182: {  	v33 =	vshll.u32 v33, $0x7;
	s21 =	sshra.s32 s21, $0x2;
	v34 =	vand.u32 $0xFFFFF000, v34  }
0x183: {  	v35 =	vand.u32 $0x380, v33;
	s30 =	sadd.s32 $0x10020, s21;
	v61 =	vadd.s32 v25, v34  }
0x184: {  	v36 =	vld [tilespmem:s30+$0xFFFFFFE0];
	v33 =	vor.u32 v35, v61;
	_ =	sdelay $0x4  }
0x185: {  	v62 =	vadd.s32 v26, v34;
	[tilespmem:v33+s4+$0x0] =	vst.idx.msk $0xffff, v36  }
0x186: {  	v33 =	vor.u32 v35, v62;
	v36 =	vld [tilespmem:s30+$0xFFFFFFF0];
	_ =	sdelay $0x4  }
0x187: {  	v63 =	vadd.s32 v27, v34;
	[tilespmem:v33+s4+$0x0] =	vst.idx.msk $0xffff, v36  }
0x188: {  	s0 =	sadd.s32 $0x1, s0;
	v33 =	vor.u32 v35, v63;
	v36 =	vld [tilespmem:s30+$0x0]  }
0x189: {  	p2 =	slt.s32 s0, s28  }
.Ltmp23:
0x18a: {  	_ = 	snop;
	(pc) =	sbr.rel @!p2 .LBB2_29-.Ltmp23, $3  }
0x18b: {  	_ =	sdelay $0x1  }
0x18c: {  	v34 =	vadd.s32 v28, v34;
	[tilespmem:v33+s4+$0x0] =	vst.idx.msk $0xffff, v36  }
0x18d: {  	v34 =	vor.u32 v35, v34;
	v33 =	vld [tilespmem:s30+$0x10]  }
.LBB2_28:
0x18e: {  	s21 =	sadd.s32 s0, s1;
	s0 =	sadd.s32 $0x1, s0  }
0x18f: {  	v35 =	vmov s21;
	p2 =	slt.s32 s0, s28  }
0x190: {  	v36 =	vshll.u32 v35, $0x9  }
0x191: {  	v35 =	vshll.u32 v35, $0x7;
	v36 =	vand.u32 $0xFFFFF000, v36  }
0x192: {  	s30 =	sadd.s32 $0x80, s30;
	v35 =	vand.u32 $0x380, v35;
	v37 =	vadd.s32 v25, v36;
	[tilespmem:v34+s4+$0x0] =	vst.idx.msk $0xffff, v33  }
0x193: {  	v33 =	vld [tilespmem:s30+$0xFFFFFFE0];
	v34 =	vor.u32 v35, v37;
	_ =	sdelay $0x4  }
0x194: {  	[tilespmem:v34+s4+$0x0] =	vst.idx.msk $0xffff, v33;
	v33 =	vadd.s32 v26, v36  }
0x195: {  	v34 =	vld [tilespmem:s30+$0xFFFFFFF0];
	v33 =	vor.u32 v35, v33;
	_ =	sdelay $0x4  }
0x196: {  	[tilespmem:v33+s4+$0x0] =	vst.idx.msk $0xffff, v34;
	v33 =	vadd.s32 v27, v36  }
0x197: {  	v34 =	vld [tilespmem:s30+$0x0];
	v33 =	vor.u32 v35, v33;
	_ =	sdelay $0x1  }
.Ltmp24:
0x198: {  	(pc) =	sbr.rel @p2 .LBB2_28-.Ltmp24, $3  }
0x199: {  	_ =	sdelay $0x1  }
0x19a: {  	[tilespmem:v33+s4+$0x0] =	vst.idx.msk $0xffff, v34;
	v34 =	vadd.s32 v28, v36  }
0x19b: {  	v33 =	vld [tilespmem:s30+$0x10];
	v34 =	vor.u32 v35, v34  }
.LBB2_29:
0x19c: {  	_ =	sdelay $0x3  }
0x19d: {  	[tilespmem:v34+s4+$0x0] =	vst.idx.msk $0xffff, v33  }
.LBB2_30:
0x19e: {  	p2 =	sgt.s32 s2, s18  }
0x19f: {  	s0 =	smov.u32 s18;
	p3 =	slt.s32 s16, s5;
	s28 =	smov.u32 s5  }
0x1a0: {  	s0 =	smov.u32 @p2 s2;
	s28 =	smov.u32 @p3 s16  }
0x1a1: {  	p2 =	sge.s32 s0, s28  }
.Ltmp25:
0x1a2: {  	_ = 	snop;
	(pc) =	sbr.rel @p2 .LBB2_34-.Ltmp25, $1  }
0x1a3: {  	_ =	sdelay $0x3  }
0x1a4: {  	p2 =	sgt.s32 s2, s9  }
0x1a5: {  	s21 =	rddreg [dreg:$0x1d];
	s9 =	smov.u32 @p2 s2  }
0x1a6: {  	s30 =	sadd.s32 s0, s1;
	s9 =	sadd.s32 s9, s21  }
0x1a7: {  	v33 =	vmov s30;
	s9 =	sadd.s32 s17, s9  }
0x1a8: {  	v34 =	vshll.u32 v33, $0x9;
	s9 =	sshll.u32 s9, $0x9  }
0x1a9: {  	v33 =	vshll.u32 v33, $0x7;
	v34 =	vand.u32 $0xFFFFF000, v34;
	s9 =	sshra.s32 s9, $0x2  }
0x1aa: {  	v35 =	vand.u32 $0x380, v33;
	v61 =	vadd.s32 v29, v34;
	s9 =	sadd.s32 $0x10020, s9  }
0x1ab: {  	v33 =	vor.u32 v35, v61;
	v36 =	vld [tilespmem:s9+$0xFFFFFFE0];
	_ =	sdelay $0x4  }
0x1ac: {  	v62 =	vadd.s32 v30, v34;
	[tilespmem:v33+s4+$0x0] =	vst.idx.msk $0xffff, v36  }
0x1ad: {  	v33 =	vor.u32 v35, v62;
	v36 =	vld [tilespmem:s9+$0xFFFFFFF0];
	_ =	sdelay $0x4  }
0x1ae: {  	v63 =	vadd.s32 v31, v34;
	[tilespmem:v33+s4+$0x0] =	vst.idx.msk $0xffff, v36  }
0x1af: {  	s0 =	sadd.s32 $0x1, s0;
	v33 =	vor.u32 v35, v63;
	v36 =	vld [tilespmem:s9+$0x0]  }
0x1b0: {  	p2 =	slt.s32 s0, s28  }
.Ltmp26:
0x1b1: {  	_ = 	snop;
	(pc) =	sbr.rel @!p2 .LBB2_33-.Ltmp26, $3  }
0x1b2: {  	_ =	sdelay $0x1  }
0x1b3: {  	v34 =	vadd.s32 v32, v34;
	[tilespmem:v33+s4+$0x0] =	vst.idx.msk $0xffff, v36  }
0x1b4: {  	v34 =	vor.u32 v35, v34;
	v33 =	vld [tilespmem:s9+$0x10]  }
.LBB2_32:
0x1b5: {  	s21 =	sadd.s32 s0, s1;
	s0 =	sadd.s32 $0x1, s0  }
0x1b6: {  	v35 =	vmov s21;
	p2 =	slt.s32 s0, s28  }
0x1b7: {  	v36 =	vshll.u32 v35, $0x9  }
0x1b8: {  	v35 =	vshll.u32 v35, $0x7;
	v36 =	vand.u32 $0xFFFFF000, v36  }
0x1b9: {  	s9 =	sadd.s32 $0x80, s9;
	v35 =	vand.u32 $0x380, v35;
	v37 =	vadd.s32 v29, v36;
	[tilespmem:v34+s4+$0x0] =	vst.idx.msk $0xffff, v33  }
0x1ba: {  	v33 =	vld [tilespmem:s9+$0xFFFFFFE0];
	v34 =	vor.u32 v35, v37;
	_ =	sdelay $0x4  }
0x1bb: {  	[tilespmem:v34+s4+$0x0] =	vst.idx.msk $0xffff, v33;
	v33 =	vadd.s32 v30, v36  }
0x1bc: {  	v34 =	vld [tilespmem:s9+$0xFFFFFFF0];
	v33 =	vor.u32 v35, v33;
	_ =	sdelay $0x4  }
0x1bd: {  	[tilespmem:v33+s4+$0x0] =	vst.idx.msk $0xffff, v34;
	v33 =	vadd.s32 v31, v36  }
0x1be: {  	v34 =	vld [tilespmem:s9+$0x0];
	v33 =	vor.u32 v35, v33;
	_ =	sdelay $0x1  }
.Ltmp27:
0x1bf: {  	(pc) =	sbr.rel @p2 .LBB2_32-.Ltmp27, $3  }
0x1c0: {  	_ =	sdelay $0x1  }
0x1c1: {  	[tilespmem:v33+s4+$0x0] =	vst.idx.msk $0xffff, v34;
	v34 =	vadd.s32 v32, v36  }
0x1c2: {  	v33 =	vld [tilespmem:s9+$0x10];
	v34 =	vor.u32 v35, v34  }
.LBB2_33:
0x1c3: {  	_ =	sdelay $0x3  }
0x1c4: {  	[tilespmem:v34+s4+$0x0] =	vst.idx.msk $0xffff, v33  }
.LBB2_34:
0x1c5: {  	s0 =	sshrl.u32 s3, $0x1  }
0x1c6: {  	s1 =	rddreg [dreg:$0x4];
	s0 =	sshll.u32 s0, $0x12  }
0x1c7: {  	s21 =	sshll.u32 s18, $0x9;
	s1 =	sadd.s32 s1, s0  }
0x1c8: {  	s0 =	sor.u32 s1, s21  }
0x1c9: {  	s9 =	rddreg [dreg:$0x2];
	s0 =	sshrl.u32 s0, $0x3  }
0x1ca: {  	s0 =	sadd.s32 s9, s0  }
0x1cb: {  	[hbm4b:s0+s4] =	stream.linear.scatter [tilespmem:s4], [sflag:$0x5], $0x4000, $0x38;
	[tilespmem:$0x16800] =	vst v63  }
0x1cc: {  	[dreg:$0x1e] =	wrdreg s1;
	s0 =	simm.s32 @!p1 $0x8  }
0x1cd: {  	s1 =	sor.u32 $0x60, s18;
	_ =	swait.ge @!p1 [sflag:s0], $0x4000  }
0x1ce: {  	s9 =	sshll.u32 s1, $0x9;
	[sflag:s0] =	ssyncset.done @!p1 $0x0  }
0x1cf: {  	[smem:$0x7FD] =	sst s9;
	s9 =	sor.u32 s10, s9;
	[sflag:s0] =	ssyncadd.s32 @!p1 $0xFFFFC000  }
0x1d0: {  	s9 =	sshrl.u32 s9, $0x3;
	s0 =	rddreg [dreg:$0x0]  }
0x1d1: {  	s30 =	smov.u32 s29;
	s0 =	sadd.s32 s0, s9;
	s9 =	rddreg [dreg:$0x14]  }
0x1d2: {  	[tilespmem:s26], [sflag:$0x4] =	stream.linear.gather [hbm4b:s0+s4], $0x4000, $0x38;
	[tilespmem:$0x16800] =	vst v63  }
0x1d3: {  	p1 =	sgt.s32 s6, s5;
	s0 =	smov.u32 s5;
	p2 =	slt.s32 s9, s29  }
0x1d4: {  	s0 =	smov.u32 @p1 s6;
	s30 =	smov.u32 @p2 s9  }
0x1d5: {  	p1 =	sge.s32 s0, s30  }
.Ltmp28:
0x1d6: {  	s21 =	simm.s32 $0x2;
	(pc) =	sbr.rel @p1 .LBB2_38-.Ltmp28, $4  }
0x1d7: {  	_ =	swait.ge [sflag:s21], $0x4000  }
0x1d8: {  	s10 =	rddreg [dreg:$0xc]  }
0x1d9: {  	[sflag:s21] =	ssyncset.done $0x0;
	s9 =	rddreg [dreg:$0xd]  }
0x1da: {  	s10 =	ssub.s32 s10, s19;
	s28 =	sadd.s32 s19, s9;
	[sflag:s21] =	ssyncadd.s32 $0xFFFFC000  }
0x1db: {  	p1 =	sgt.s32 s6, s28;
	s9 =	smov.u32 s28  }
0x1dc: {  	s21 =	rddreg [dreg:$0x16];
	s9 =	smov.u32 @p1 s6  }
0x1dd: {  	s9 =	sadd.s32 s9, s21;
	s21 =	sadd.s32 s0, s10  }
0x1de: {  	s9 =	sadd.s32 s17, s9;
	v33 =	vmov s21  }
0x1df: {  	s9 =	sshll.u32 s9, $0x9;
	v34 =	vshll.u32 v33, $0x9  }
0x1e0: {  	v33 =	vshll.u32 v33, $0x7;
	s9 =	sshra.s32 s9, $0x2;
	v34 =	vand.u32 $0xFFFFF000, v34  }
0x1e1: {  	v35 =	vand.u32 $0x380, v33;
	s9 =	sadd.s32 $0x10020, s9;
	v61 =	vadd.s32 v1, v34  }
0x1e2: {  	v36 =	vld [tilespmem:s9+$0xFFFFFFE0];
	v33 =	vor.u32 v35, v61;
	_ =	sdelay $0x4  }
0x1e3: {  	v62 =	vadd.s32 v2, v34;
	[tilespmem:v33+s20+$0x0] =	vst.idx.msk $0xffff, v36  }
0x1e4: {  	v33 =	vor.u32 v35, v62;
	v36 =	vld [tilespmem:s9+$0xFFFFFFF0];
	_ =	sdelay $0x4  }
0x1e5: {  	v63 =	vadd.s32 v3, v34;
	[tilespmem:v33+s20+$0x0] =	vst.idx.msk $0xffff, v36  }
0x1e6: {  	s0 =	sadd.s32 $0x1, s0;
	v33 =	vor.u32 v35, v63;
	v36 =	vld [tilespmem:s9+$0x0]  }
0x1e7: {  	p1 =	slt.s32 s0, s30  }
.Ltmp29:
0x1e8: {  	_ = 	snop;
	(pc) =	sbr.rel @!p1 .LBB2_37-.Ltmp29, $3  }
0x1e9: {  	_ =	sdelay $0x1  }
0x1ea: {  	v34 =	vadd.s32 v4, v34;
	[tilespmem:v33+s20+$0x0] =	vst.idx.msk $0xffff, v36  }
0x1eb: {  	v34 =	vor.u32 v35, v34;
	v33 =	vld [tilespmem:s9+$0x10]  }
.LBB2_36:
0x1ec: {  	s21 =	sadd.s32 s0, s10;
	s0 =	sadd.s32 $0x1, s0  }
0x1ed: {  	v35 =	vmov s21;
	p1 =	slt.s32 s0, s30  }
0x1ee: {  	v36 =	vshll.u32 v35, $0x9  }
0x1ef: {  	v35 =	vshll.u32 v35, $0x7;
	v36 =	vand.u32 $0xFFFFF000, v36  }
0x1f0: {  	s9 =	sadd.s32 $0x80, s9;
	v35 =	vand.u32 $0x380, v35;
	v37 =	vadd.s32 v1, v36;
	[tilespmem:v34+s20+$0x0] =	vst.idx.msk $0xffff, v33  }
0x1f1: {  	v33 =	vld [tilespmem:s9+$0xFFFFFFE0];
	v34 =	vor.u32 v35, v37;
	_ =	sdelay $0x4  }
0x1f2: {  	[tilespmem:v34+s20+$0x0] =	vst.idx.msk $0xffff, v33;
	v33 =	vadd.s32 v2, v36  }
0x1f3: {  	v34 =	vld [tilespmem:s9+$0xFFFFFFF0];
	v33 =	vor.u32 v35, v33;
	_ =	sdelay $0x4  }
0x1f4: {  	[tilespmem:v33+s20+$0x0] =	vst.idx.msk $0xffff, v34;
	v33 =	vadd.s32 v3, v36  }
0x1f5: {  	v34 =	vld [tilespmem:s9+$0x0];
	v33 =	vor.u32 v35, v33;
	_ =	sdelay $0x1  }
.Ltmp30:
0x1f6: {  	(pc) =	sbr.rel @p1 .LBB2_36-.Ltmp30, $3  }
0x1f7: {  	_ =	sdelay $0x1  }
0x1f8: {  	[tilespmem:v33+s20+$0x0] =	vst.idx.msk $0xffff, v34;
	v34 =	vadd.s32 v4, v36  }
0x1f9: {  	v33 =	vld [tilespmem:s9+$0x10];
	v34 =	vor.u32 v35, v34  }
.LBB2_37:
0x1fa: {  	_ =	sdelay $0x3  }
0x1fb: {  	[tilespmem:v34+s20+$0x0] =	vst.idx.msk $0xffff, v33  }
.LBB2_38:
0x1fc: {  	p1 =	sgt.s32 s7, s5;
	s9 =	rddreg [dreg:$0x15]  }
0x1fd: {  	s0 =	smov.u32 s5;
	s30 =	smov.u32 s29;
	p2 =	slt.s32 s9, s29  }
0x1fe: {  	s0 =	smov.u32 @p1 s7;
	s30 =	smov.u32 @p2 s9  }
0x1ff: {  	p1 =	sge.s32 s0, s30  }
.Ltmp31:
0x200: {  	_ = 	snop;
	(pc) =	sbr.rel @p1 .LBB2_42-.Ltmp31, $1  }
0x201: {  	_ =	sdelay $0x3  }
0x202: {  	p1 =	sgt.s32 s7, s28;
	s9 =	smov.u32 s28  }
0x203: {  	s21 =	rddreg [dreg:$0x17];
	s9 =	smov.u32 @p1 s7  }
0x204: {  	s9 =	sadd.s32 s9, s21;
	s21 =	sadd.s32 s0, s10  }
0x205: {  	s9 =	sadd.s32 s17, s9;
	v33 =	vmov s21  }
0x206: {  	s9 =	sshll.u32 s9, $0x9;
	v34 =	vshll.u32 v33, $0x9  }
0x207: {  	v33 =	vshll.u32 v33, $0x7;
	s9 =	sshra.s32 s9, $0x2;
	v34 =	vand.u32 $0xFFFFF000, v34  }
0x208: {  	v35 =	vand.u32 $0x380, v33;
	s9 =	sadd.s32 $0x10020, s9;
	v61 =	vadd.s32 v5, v34  }
0x209: {  	v36 =	vld [tilespmem:s9+$0xFFFFFFE0];
	v33 =	vor.u32 v35, v61;
	_ =	sdelay $0x4  }
0x20a: {  	v62 =	vadd.s32 v6, v34;
	[tilespmem:v33+s20+$0x0] =	vst.idx.msk $0xffff, v36  }
0x20b: {  	v33 =	vor.u32 v35, v62;
	v36 =	vld [tilespmem:s9+$0xFFFFFFF0];
	_ =	sdelay $0x4  }
0x20c: {  	v63 =	vadd.s32 v7, v34;
	[tilespmem:v33+s20+$0x0] =	vst.idx.msk $0xffff, v36  }
0x20d: {  	s0 =	sadd.s32 $0x1, s0;
	v33 =	vor.u32 v35, v63;
	v36 =	vld [tilespmem:s9+$0x0]  }
0x20e: {  	p1 =	slt.s32 s0, s30  }
.Ltmp32:
0x20f: {  	_ = 	snop;
	(pc) =	sbr.rel @!p1 .LBB2_41-.Ltmp32, $3  }
0x210: {  	_ =	sdelay $0x1  }
0x211: {  	v34 =	vadd.s32 v8, v34;
	[tilespmem:v33+s20+$0x0] =	vst.idx.msk $0xffff, v36  }
0x212: {  	v34 =	vor.u32 v35, v34;
	v33 =	vld [tilespmem:s9+$0x10]  }
.LBB2_40:
0x213: {  	s21 =	sadd.s32 s0, s10;
	s0 =	sadd.s32 $0x1, s0  }
0x214: {  	v35 =	vmov s21;
	p1 =	slt.s32 s0, s30  }
0x215: {  	v36 =	vshll.u32 v35, $0x9  }
0x216: {  	v35 =	vshll.u32 v35, $0x7;
	v36 =	vand.u32 $0xFFFFF000, v36  }
0x217: {  	s9 =	sadd.s32 $0x80, s9;
	v35 =	vand.u32 $0x380, v35;
	v37 =	vadd.s32 v5, v36;
	[tilespmem:v34+s20+$0x0] =	vst.idx.msk $0xffff, v33  }
0x218: {  	v33 =	vld [tilespmem:s9+$0xFFFFFFE0];
	v34 =	vor.u32 v35, v37;
	_ =	sdelay $0x4  }
0x219: {  	[tilespmem:v34+s20+$0x0] =	vst.idx.msk $0xffff, v33;
	v33 =	vadd.s32 v6, v36  }
0x21a: {  	v34 =	vld [tilespmem:s9+$0xFFFFFFF0];
	v33 =	vor.u32 v35, v33;
	_ =	sdelay $0x4  }
0x21b: {  	[tilespmem:v33+s20+$0x0] =	vst.idx.msk $0xffff, v34;
	v33 =	vadd.s32 v7, v36  }
0x21c: {  	v34 =	vld [tilespmem:s9+$0x0];
	v33 =	vor.u32 v35, v33;
	_ =	sdelay $0x1  }
.Ltmp33:
0x21d: {  	(pc) =	sbr.rel @p1 .LBB2_40-.Ltmp33, $3  }
0x21e: {  	_ =	sdelay $0x1  }
0x21f: {  	[tilespmem:v33+s20+$0x0] =	vst.idx.msk $0xffff, v34;
	v34 =	vadd.s32 v8, v36  }
0x220: {  	v33 =	vld [tilespmem:s9+$0x10];
	v34 =	vor.u32 v35, v34  }
.LBB2_41:
0x221: {  	_ =	sdelay $0x3  }
0x222: {  	[tilespmem:v34+s20+$0x0] =	vst.idx.msk $0xffff, v33  }
.LBB2_42:
0x223: {  	p1 =	sgt.s32 s11, s5  }
0x224: {  	s0 =	smov.u32 s5;
	p2 =	slt.s32 s22, s29;
	s30 =	smov.u32 s29  }
0x225: {  	s0 =	smov.u32 @p1 s11;
	s30 =	smov.u32 @p2 s22  }
0x226: {  	p1 =	sge.s32 s0, s30  }
.Ltmp34:
0x227: {  	_ = 	snop;
	(pc) =	sbr.rel @p1 .LBB2_46-.Ltmp34, $1  }
0x228: {  	_ =	sdelay $0x3  }
0x229: {  	p1 =	sgt.s32 s11, s28;
	s9 =	smov.u32 s28  }
0x22a: {  	s21 =	rddreg [dreg:$0x18];
	s9 =	smov.u32 @p1 s11  }
0x22b: {  	s9 =	sadd.s32 s9, s21;
	s21 =	sadd.s32 s0, s10  }
0x22c: {  	s9 =	sadd.s32 s17, s9;
	v33 =	vmov s21  }
0x22d: {  	s9 =	sshll.u32 s9, $0x9;
	v34 =	vshll.u32 v33, $0x9  }
0x22e: {  	v33 =	vshll.u32 v33, $0x7;
	s9 =	sshra.s32 s9, $0x2;
	v34 =	vand.u32 $0xFFFFF000, v34  }
0x22f: {  	v35 =	vand.u32 $0x380, v33;
	s9 =	sadd.s32 $0x10020, s9;
	v61 =	vadd.s32 v9, v34  }
0x230: {  	v36 =	vld [tilespmem:s9+$0xFFFFFFE0];
	v33 =	vor.u32 v35, v61;
	_ =	sdelay $0x4  }
0x231: {  	v62 =	vadd.s32 v10, v34;
	[tilespmem:v33+s20+$0x0] =	vst.idx.msk $0xffff, v36  }
0x232: {  	v33 =	vor.u32 v35, v62;
	v36 =	vld [tilespmem:s9+$0xFFFFFFF0];
	_ =	sdelay $0x4  }
0x233: {  	v63 =	vadd.s32 v11, v34;
	[tilespmem:v33+s20+$0x0] =	vst.idx.msk $0xffff, v36  }
0x234: {  	s0 =	sadd.s32 $0x1, s0;
	v33 =	vor.u32 v35, v63;
	v36 =	vld [tilespmem:s9+$0x0]  }
0x235: {  	p1 =	slt.s32 s0, s30  }
.Ltmp35:
0x236: {  	_ = 	snop;
	(pc) =	sbr.rel @!p1 .LBB2_45-.Ltmp35, $3  }
0x237: {  	_ =	sdelay $0x1  }
0x238: {  	v34 =	vadd.s32 v12, v34;
	[tilespmem:v33+s20+$0x0] =	vst.idx.msk $0xffff, v36  }
0x239: {  	v34 =	vor.u32 v35, v34;
	v33 =	vld [tilespmem:s9+$0x10]  }
.LBB2_44:
0x23a: {  	s21 =	sadd.s32 s0, s10;
	s0 =	sadd.s32 $0x1, s0  }
0x23b: {  	v35 =	vmov s21;
	p1 =	slt.s32 s0, s30  }
0x23c: {  	v36 =	vshll.u32 v35, $0x9  }
0x23d: {  	v35 =	vshll.u32 v35, $0x7;
	v36 =	vand.u32 $0xFFFFF000, v36  }
0x23e: {  	s9 =	sadd.s32 $0x80, s9;
	v35 =	vand.u32 $0x380, v35;
	v37 =	vadd.s32 v9, v36;
	[tilespmem:v34+s20+$0x0] =	vst.idx.msk $0xffff, v33  }
0x23f: {  	v33 =	vld [tilespmem:s9+$0xFFFFFFE0];
	v34 =	vor.u32 v35, v37;
	_ =	sdelay $0x4  }
0x240: {  	[tilespmem:v34+s20+$0x0] =	vst.idx.msk $0xffff, v33;
	v33 =	vadd.s32 v10, v36  }
0x241: {  	v34 =	vld [tilespmem:s9+$0xFFFFFFF0];
	v33 =	vor.u32 v35, v33;
	_ =	sdelay $0x4  }
0x242: {  	[tilespmem:v33+s20+$0x0] =	vst.idx.msk $0xffff, v34;
	v33 =	vadd.s32 v11, v36  }
0x243: {  	v34 =	vld [tilespmem:s9+$0x0];
	v33 =	vor.u32 v35, v33;
	_ =	sdelay $0x1  }
.Ltmp36:
0x244: {  	(pc) =	sbr.rel @p1 .LBB2_44-.Ltmp36, $3  }
0x245: {  	_ =	sdelay $0x1  }
0x246: {  	[tilespmem:v33+s20+$0x0] =	vst.idx.msk $0xffff, v34;
	v34 =	vadd.s32 v12, v36  }
0x247: {  	v33 =	vld [tilespmem:s9+$0x10];
	v34 =	vor.u32 v35, v34  }
.LBB2_45:
0x248: {  	_ =	sdelay $0x3  }
0x249: {  	[tilespmem:v34+s20+$0x0] =	vst.idx.msk $0xffff, v33  }
.LBB2_46:
0x24a: {  	p1 =	sgt.s32 s12, s5  }
0x24b: {  	s0 =	smov.u32 s5;
	p2 =	slt.s32 s23, s29;
	s30 =	smov.u32 s29  }
0x24c: {  	s0 =	smov.u32 @p1 s12;
	s30 =	smov.u32 @p2 s23  }
0x24d: {  	p1 =	sge.s32 s0, s30  }
.Ltmp37:
0x24e: {  	_ = 	snop;
	(pc) =	sbr.rel @p1 .LBB2_50-.Ltmp37, $1  }
0x24f: {  	_ =	sdelay $0x3  }
0x250: {  	p1 =	sgt.s32 s12, s28;
	s9 =	smov.u32 s28  }
0x251: {  	s21 =	rddreg [dreg:$0x19];
	s9 =	smov.u32 @p1 s12  }
0x252: {  	s9 =	sadd.s32 s9, s21;
	s21 =	sadd.s32 s0, s10  }
0x253: {  	s9 =	sadd.s32 s17, s9;
	v33 =	vmov s21  }
0x254: {  	s9 =	sshll.u32 s9, $0x9;
	v34 =	vshll.u32 v33, $0x9  }
0x255: {  	v33 =	vshll.u32 v33, $0x7;
	s9 =	sshra.s32 s9, $0x2;
	v34 =	vand.u32 $0xFFFFF000, v34  }
0x256: {  	v35 =	vand.u32 $0x380, v33;
	s9 =	sadd.s32 $0x10020, s9;
	v61 =	vadd.s32 v13, v34  }
0x257: {  	v36 =	vld [tilespmem:s9+$0xFFFFFFE0];
	v33 =	vor.u32 v35, v61;
	_ =	sdelay $0x4  }
0x258: {  	v62 =	vadd.s32 v14, v34;
	[tilespmem:v33+s20+$0x0] =	vst.idx.msk $0xffff, v36  }
0x259: {  	v33 =	vor.u32 v35, v62;
	v36 =	vld [tilespmem:s9+$0xFFFFFFF0];
	_ =	sdelay $0x4  }
0x25a: {  	v63 =	vadd.s32 v15, v34;
	[tilespmem:v33+s20+$0x0] =	vst.idx.msk $0xffff, v36  }
0x25b: {  	s0 =	sadd.s32 $0x1, s0;
	v33 =	vor.u32 v35, v63;
	v36 =	vld [tilespmem:s9+$0x0]  }
0x25c: {  	p1 =	slt.s32 s0, s30  }
.Ltmp38:
0x25d: {  	_ = 	snop;
	(pc) =	sbr.rel @!p1 .LBB2_49-.Ltmp38, $3  }
0x25e: {  	_ =	sdelay $0x1  }
0x25f: {  	v34 =	vadd.s32 v16, v34;
	[tilespmem:v33+s20+$0x0] =	vst.idx.msk $0xffff, v36  }
0x260: {  	v34 =	vor.u32 v35, v34;
	v33 =	vld [tilespmem:s9+$0x10]  }
.LBB2_48:
0x261: {  	s21 =	sadd.s32 s0, s10;
	s0 =	sadd.s32 $0x1, s0  }
0x262: {  	v35 =	vmov s21;
	p1 =	slt.s32 s0, s30  }
0x263: {  	v36 =	vshll.u32 v35, $0x9  }
0x264: {  	v35 =	vshll.u32 v35, $0x7;
	v36 =	vand.u32 $0xFFFFF000, v36  }
0x265: {  	s9 =	sadd.s32 $0x80, s9;
	v35 =	vand.u32 $0x380, v35;
	v37 =	vadd.s32 v13, v36;
	[tilespmem:v34+s20+$0x0] =	vst.idx.msk $0xffff, v33  }
0x266: {  	v33 =	vld [tilespmem:s9+$0xFFFFFFE0];
	v34 =	vor.u32 v35, v37;
	_ =	sdelay $0x4  }
0x267: {  	[tilespmem:v34+s20+$0x0] =	vst.idx.msk $0xffff, v33;
	v33 =	vadd.s32 v14, v36  }
0x268: {  	v34 =	vld [tilespmem:s9+$0xFFFFFFF0];
	v33 =	vor.u32 v35, v33;
	_ =	sdelay $0x4  }
0x269: {  	[tilespmem:v33+s20+$0x0] =	vst.idx.msk $0xffff, v34;
	v33 =	vadd.s32 v15, v36  }
0x26a: {  	v34 =	vld [tilespmem:s9+$0x0];
	v33 =	vor.u32 v35, v33;
	_ =	sdelay $0x1  }
.Ltmp39:
0x26b: {  	(pc) =	sbr.rel @p1 .LBB2_48-.Ltmp39, $3  }
0x26c: {  	_ =	sdelay $0x1  }
0x26d: {  	[tilespmem:v33+s20+$0x0] =	vst.idx.msk $0xffff, v34;
	v34 =	vadd.s32 v16, v36  }
0x26e: {  	v33 =	vld [tilespmem:s9+$0x10];
	v34 =	vor.u32 v35, v34  }
.LBB2_49:
0x26f: {  	_ =	sdelay $0x3  }
0x270: {  	[tilespmem:v34+s20+$0x0] =	vst.idx.msk $0xffff, v33  }
.LBB2_50:
0x271: {  	p1 =	sgt.s32 s24, s5  }
0x272: {  	s0 =	smov.u32 s5;
	p2 =	slt.s32 s13, s29;
	s30 =	smov.u32 s29  }
0x273: {  	s0 =	smov.u32 @p1 s24;
	s30 =	smov.u32 @p2 s13  }
0x274: {  	p1 =	sge.s32 s0, s30  }
.Ltmp40:
0x275: {  	_ = 	snop;
	(pc) =	sbr.rel @p1 .LBB2_54-.Ltmp40, $1  }
0x276: {  	_ =	sdelay $0x3  }
0x277: {  	p1 =	sgt.s32 s24, s28;
	s9 =	smov.u32 s28  }
0x278: {  	s21 =	rddreg [dreg:$0x1a];
	s9 =	smov.u32 @p1 s24  }
0x279: {  	s9 =	sadd.s32 s9, s21;
	s21 =	sadd.s32 s0, s10  }
0x27a: {  	s9 =	sadd.s32 s17, s9;
	v33 =	vmov s21  }
0x27b: {  	s9 =	sshll.u32 s9, $0x9;
	v34 =	vshll.u32 v33, $0x9  }
0x27c: {  	v33 =	vshll.u32 v33, $0x7;
	s9 =	sshra.s32 s9, $0x2;
	v34 =	vand.u32 $0xFFFFF000, v34  }
0x27d: {  	v35 =	vand.u32 $0x380, v33;
	s9 =	sadd.s32 $0x10020, s9;
	v61 =	vadd.s32 v17, v34  }
0x27e: {  	v36 =	vld [tilespmem:s9+$0xFFFFFFE0];
	v33 =	vor.u32 v35, v61;
	_ =	sdelay $0x4  }
0x27f: {  	v62 =	vadd.s32 v18, v34;
	[tilespmem:v33+s20+$0x0] =	vst.idx.msk $0xffff, v36  }
0x280: {  	v33 =	vor.u32 v35, v62;
	v36 =	vld [tilespmem:s9+$0xFFFFFFF0];
	_ =	sdelay $0x4  }
0x281: {  	v63 =	vadd.s32 v19, v34;
	[tilespmem:v33+s20+$0x0] =	vst.idx.msk $0xffff, v36  }
0x282: {  	s0 =	sadd.s32 $0x1, s0;
	v33 =	vor.u32 v35, v63;
	v36 =	vld [tilespmem:s9+$0x0]  }
0x283: {  	p1 =	slt.s32 s0, s30  }
.Ltmp41:
0x284: {  	_ = 	snop;
	(pc) =	sbr.rel @!p1 .LBB2_53-.Ltmp41, $3  }
0x285: {  	_ =	sdelay $0x1  }
0x286: {  	v34 =	vadd.s32 v20, v34;
	[tilespmem:v33+s20+$0x0] =	vst.idx.msk $0xffff, v36  }
0x287: {  	v34 =	vor.u32 v35, v34;
	v33 =	vld [tilespmem:s9+$0x10]  }
.LBB2_52:
0x288: {  	s21 =	sadd.s32 s0, s10;
	s0 =	sadd.s32 $0x1, s0  }
0x289: {  	v35 =	vmov s21;
	p1 =	slt.s32 s0, s30  }
0x28a: {  	v36 =	vshll.u32 v35, $0x9  }
0x28b: {  	v35 =	vshll.u32 v35, $0x7;
	v36 =	vand.u32 $0xFFFFF000, v36  }
0x28c: {  	s9 =	sadd.s32 $0x80, s9;
	v35 =	vand.u32 $0x380, v35;
	v37 =	vadd.s32 v17, v36;
	[tilespmem:v34+s20+$0x0] =	vst.idx.msk $0xffff, v33  }
0x28d: {  	v33 =	vld [tilespmem:s9+$0xFFFFFFE0];
	v34 =	vor.u32 v35, v37;
	_ =	sdelay $0x4  }
0x28e: {  	[tilespmem:v34+s20+$0x0] =	vst.idx.msk $0xffff, v33;
	v33 =	vadd.s32 v18, v36  }
0x28f: {  	v34 =	vld [tilespmem:s9+$0xFFFFFFF0];
	v33 =	vor.u32 v35, v33;
	_ =	sdelay $0x4  }
0x290: {  	[tilespmem:v33+s20+$0x0] =	vst.idx.msk $0xffff, v34;
	v33 =	vadd.s32 v19, v36  }
0x291: {  	v34 =	vld [tilespmem:s9+$0x0];
	v33 =	vor.u32 v35, v33;
	_ =	sdelay $0x1  }
.Ltmp42:
0x292: {  	(pc) =	sbr.rel @p1 .LBB2_52-.Ltmp42, $3  }
0x293: {  	_ =	sdelay $0x1  }
0x294: {  	[tilespmem:v33+s20+$0x0] =	vst.idx.msk $0xffff, v34;
	v34 =	vadd.s32 v20, v36  }
0x295: {  	v33 =	vld [tilespmem:s9+$0x10];
	v34 =	vor.u32 v35, v34  }
.LBB2_53:
0x296: {  	_ =	sdelay $0x3  }
0x297: {  	[tilespmem:v34+s20+$0x0] =	vst.idx.msk $0xffff, v33  }
.LBB2_54:
0x298: {  	p1 =	sgt.s32 s8, s5  }
0x299: {  	s0 =	smov.u32 s5;
	p2 =	slt.s32 s14, s29;
	s30 =	smov.u32 s29  }
0x29a: {  	s0 =	smov.u32 @p1 s8;
	s30 =	smov.u32 @p2 s14  }
0x29b: {  	p1 =	sge.s32 s0, s30  }
.Ltmp43:
0x29c: {  	_ = 	snop;
	(pc) =	sbr.rel @p1 .LBB2_58-.Ltmp43, $1  }
0x29d: {  	_ =	sdelay $0x3  }
0x29e: {  	p1 =	sgt.s32 s8, s28;
	s9 =	smov.u32 s28  }
0x29f: {  	s21 =	rddreg [dreg:$0x1b];
	s9 =	smov.u32 @p1 s8  }
0x2a0: {  	s9 =	sadd.s32 s9, s21;
	s21 =	sadd.s32 s0, s10  }
0x2a1: {  	s9 =	sadd.s32 s17, s9;
	v33 =	vmov s21  }
0x2a2: {  	s9 =	sshll.u32 s9, $0x9;
	v34 =	vshll.u32 v33, $0x9  }
0x2a3: {  	v33 =	vshll.u32 v33, $0x7;
	s9 =	sshra.s32 s9, $0x2;
	v34 =	vand.u32 $0xFFFFF000, v34  }
0x2a4: {  	v35 =	vand.u32 $0x380, v33;
	s9 =	sadd.s32 $0x10020, s9;
	v61 =	vadd.s32 v21, v34  }
0x2a5: {  	v36 =	vld [tilespmem:s9+$0xFFFFFFE0];
	v33 =	vor.u32 v35, v61;
	_ =	sdelay $0x4  }
0x2a6: {  	v62 =	vadd.s32 v22, v34;
	[tilespmem:v33+s20+$0x0] =	vst.idx.msk $0xffff, v36  }
0x2a7: {  	v33 =	vor.u32 v35, v62;
	v36 =	vld [tilespmem:s9+$0xFFFFFFF0];
	_ =	sdelay $0x4  }
0x2a8: {  	v63 =	vadd.s32 v23, v34;
	[tilespmem:v33+s20+$0x0] =	vst.idx.msk $0xffff, v36  }
0x2a9: {  	s0 =	sadd.s32 $0x1, s0;
	v33 =	vor.u32 v35, v63;
	v36 =	vld [tilespmem:s9+$0x0]  }
0x2aa: {  	p1 =	slt.s32 s0, s30  }
.Ltmp44:
0x2ab: {  	_ = 	snop;
	(pc) =	sbr.rel @!p1 .LBB2_57-.Ltmp44, $3  }
0x2ac: {  	_ =	sdelay $0x1  }
0x2ad: {  	v34 =	vadd.s32 v24, v34;
	[tilespmem:v33+s20+$0x0] =	vst.idx.msk $0xffff, v36  }
0x2ae: {  	v34 =	vor.u32 v35, v34;
	v33 =	vld [tilespmem:s9+$0x10]  }
.LBB2_56:
0x2af: {  	s21 =	sadd.s32 s0, s10;
	s0 =	sadd.s32 $0x1, s0  }
0x2b0: {  	v35 =	vmov s21;
	p1 =	slt.s32 s0, s30  }
0x2b1: {  	v36 =	vshll.u32 v35, $0x9  }
0x2b2: {  	v35 =	vshll.u32 v35, $0x7;
	v36 =	vand.u32 $0xFFFFF000, v36  }
0x2b3: {  	s9 =	sadd.s32 $0x80, s9;
	v35 =	vand.u32 $0x380, v35;
	v37 =	vadd.s32 v21, v36;
	[tilespmem:v34+s20+$0x0] =	vst.idx.msk $0xffff, v33  }
0x2b4: {  	v33 =	vld [tilespmem:s9+$0xFFFFFFE0];
	v34 =	vor.u32 v35, v37;
	_ =	sdelay $0x4  }
0x2b5: {  	[tilespmem:v34+s20+$0x0] =	vst.idx.msk $0xffff, v33;
	v33 =	vadd.s32 v22, v36  }
0x2b6: {  	v34 =	vld [tilespmem:s9+$0xFFFFFFF0];
	v33 =	vor.u32 v35, v33;
	_ =	sdelay $0x4  }
0x2b7: {  	[tilespmem:v33+s20+$0x0] =	vst.idx.msk $0xffff, v34;
	v33 =	vadd.s32 v23, v36  }
0x2b8: {  	v34 =	vld [tilespmem:s9+$0x0];
	v33 =	vor.u32 v35, v33;
	_ =	sdelay $0x1  }
.Ltmp45:
0x2b9: {  	(pc) =	sbr.rel @p1 .LBB2_56-.Ltmp45, $3  }
0x2ba: {  	_ =	sdelay $0x1  }
0x2bb: {  	[tilespmem:v33+s20+$0x0] =	vst.idx.msk $0xffff, v34;
	v34 =	vadd.s32 v24, v36  }
0x2bc: {  	v33 =	vld [tilespmem:s9+$0x10];
	v34 =	vor.u32 v35, v34  }
.LBB2_57:
0x2bd: {  	_ =	sdelay $0x3  }
0x2be: {  	[tilespmem:v34+s20+$0x0] =	vst.idx.msk $0xffff, v33  }
.LBB2_58:
0x2bf: {  	p1 =	sgt.s32 s31, s5  }
0x2c0: {  	s0 =	smov.u32 s5;
	p2 =	slt.s32 s15, s29;
	s30 =	smov.u32 s29  }
0x2c1: {  	s0 =	smov.u32 @p1 s31;
	s30 =	smov.u32 @p2 s15  }
0x2c2: {  	p1 =	sge.s32 s0, s30  }
.Ltmp46:
0x2c3: {  	_ = 	snop;
	(pc) =	sbr.rel @p1 .LBB2_62-.Ltmp46, $1  }
0x2c4: {  	_ =	sdelay $0x3  }
0x2c5: {  	p1 =	sgt.s32 s31, s28;
	s9 =	smov.u32 s28  }
0x2c6: {  	s21 =	rddreg [dreg:$0x1c];
	s9 =	smov.u32 @p1 s31  }
0x2c7: {  	s9 =	sadd.s32 s9, s21;
	s21 =	sadd.s32 s0, s10  }
0x2c8: {  	s9 =	sadd.s32 s17, s9;
	v33 =	vmov s21  }
0x2c9: {  	s9 =	sshll.u32 s9, $0x9;
	v34 =	vshll.u32 v33, $0x9  }
0x2ca: {  	v33 =	vshll.u32 v33, $0x7;
	s9 =	sshra.s32 s9, $0x2;
	v34 =	vand.u32 $0xFFFFF000, v34  }
0x2cb: {  	v35 =	vand.u32 $0x380, v33;
	s9 =	sadd.s32 $0x10020, s9;
	v61 =	vadd.s32 v25, v34  }
0x2cc: {  	v36 =	vld [tilespmem:s9+$0xFFFFFFE0];
	v33 =	vor.u32 v35, v61;
	_ =	sdelay $0x4  }
0x2cd: {  	v62 =	vadd.s32 v26, v34;
	[tilespmem:v33+s20+$0x0] =	vst.idx.msk $0xffff, v36  }
0x2ce: {  	v33 =	vor.u32 v35, v62;
	v36 =	vld [tilespmem:s9+$0xFFFFFFF0];
	_ =	sdelay $0x4  }
0x2cf: {  	v63 =	vadd.s32 v27, v34;
	[tilespmem:v33+s20+$0x0] =	vst.idx.msk $0xffff, v36  }
0x2d0: {  	s0 =	sadd.s32 $0x1, s0;
	v33 =	vor.u32 v35, v63;
	v36 =	vld [tilespmem:s9+$0x0]  }
0x2d1: {  	p1 =	slt.s32 s0, s30  }
.Ltmp47:
0x2d2: {  	_ = 	snop;
	(pc) =	sbr.rel @!p1 .LBB2_61-.Ltmp47, $3  }
0x2d3: {  	_ =	sdelay $0x1  }
0x2d4: {  	v34 =	vadd.s32 v28, v34;
	[tilespmem:v33+s20+$0x0] =	vst.idx.msk $0xffff, v36  }
0x2d5: {  	v34 =	vor.u32 v35, v34;
	v33 =	vld [tilespmem:s9+$0x10]  }
.LBB2_60:
0x2d6: {  	s21 =	sadd.s32 s0, s10;
	s0 =	sadd.s32 $0x1, s0  }
0x2d7: {  	v35 =	vmov s21;
	p1 =	slt.s32 s0, s30  }
0x2d8: {  	v36 =	vshll.u32 v35, $0x9  }
0x2d9: {  	v35 =	vshll.u32 v35, $0x7;
	v36 =	vand.u32 $0xFFFFF000, v36  }
0x2da: {  	s9 =	sadd.s32 $0x80, s9;
	v35 =	vand.u32 $0x380, v35;
	v37 =	vadd.s32 v25, v36;
	[tilespmem:v34+s20+$0x0] =	vst.idx.msk $0xffff, v33  }
0x2db: {  	v33 =	vld [tilespmem:s9+$0xFFFFFFE0];
	v34 =	vor.u32 v35, v37;
	_ =	sdelay $0x4  }
0x2dc: {  	[tilespmem:v34+s20+$0x0] =	vst.idx.msk $0xffff, v33;
	v33 =	vadd.s32 v26, v36  }
0x2dd: {  	v34 =	vld [tilespmem:s9+$0xFFFFFFF0];
	v33 =	vor.u32 v35, v33;
	_ =	sdelay $0x4  }
0x2de: {  	[tilespmem:v33+s20+$0x0] =	vst.idx.msk $0xffff, v34;
	v33 =	vadd.s32 v27, v36  }
0x2df: {  	v34 =	vld [tilespmem:s9+$0x0];
	v33 =	vor.u32 v35, v33;
	_ =	sdelay $0x1  }
.Ltmp48:
0x2e0: {  	(pc) =	sbr.rel @p1 .LBB2_60-.Ltmp48, $3  }
0x2e1: {  	_ =	sdelay $0x1  }
0x2e2: {  	[tilespmem:v33+s20+$0x0] =	vst.idx.msk $0xffff, v34;
	v34 =	vadd.s32 v28, v36  }
0x2e3: {  	v33 =	vld [tilespmem:s9+$0x10];
	v34 =	vor.u32 v35, v34  }
.LBB2_61:
0x2e4: {  	_ =	sdelay $0x3  }
0x2e5: {  	[tilespmem:v34+s20+$0x0] =	vst.idx.msk $0xffff, v33  }
.LBB2_62:
0x2e6: {  	p1 =	sgt.s32 s2, s5  }
0x2e7: {  	s0 =	smov.u32 s5;
	p2 =	slt.s32 s16, s29;
	s30 =	smov.u32 s29  }
0x2e8: {  	s0 =	smov.u32 @p1 s2;
	s30 =	smov.u32 @p2 s16  }
0x2e9: {  	p1 =	sge.s32 s0, s30  }
.Ltmp49:
0x2ea: {  	_ = 	snop;
	(pc) =	sbr.rel @p1 .LBB2_66-.Ltmp49, $1  }
0x2eb: {  	_ =	sdelay $0x3  }
0x2ec: {  	p1 =	sgt.s32 s2, s28  }
0x2ed: {  	s9 =	rddreg [dreg:$0x1d];
	s28 =	smov.u32 @p1 s2  }
0x2ee: {  	s21 =	sadd.s32 s0, s10;
	s9 =	sadd.s32 s28, s9  }
0x2ef: {  	v33 =	vmov s21;
	s9 =	sadd.s32 s17, s9  }
0x2f0: {  	v34 =	vshll.u32 v33, $0x9;
	s9 =	sshll.u32 s9, $0x9  }
0x2f1: {  	v33 =	vshll.u32 v33, $0x7;
	v34 =	vand.u32 $0xFFFFF000, v34;
	s9 =	sshra.s32 s9, $0x2  }
0x2f2: {  	v35 =	vand.u32 $0x380, v33;
	v61 =	vadd.s32 v29, v34;
	s9 =	sadd.s32 $0x10020, s9  }
0x2f3: {  	v33 =	vor.u32 v35, v61;
	v36 =	vld [tilespmem:s9+$0xFFFFFFE0];
	_ =	sdelay $0x4  }
0x2f4: {  	v62 =	vadd.s32 v30, v34;
	[tilespmem:v33+s20+$0x0] =	vst.idx.msk $0xffff, v36  }
0x2f5: {  	v33 =	vor.u32 v35, v62;
	v36 =	vld [tilespmem:s9+$0xFFFFFFF0];
	_ =	sdelay $0x4  }
0x2f6: {  	v63 =	vadd.s32 v31, v34;
	[tilespmem:v33+s20+$0x0] =	vst.idx.msk $0xffff, v36  }
0x2f7: {  	s0 =	sadd.s32 $0x1, s0;
	v33 =	vor.u32 v35, v63;
	v36 =	vld [tilespmem:s9+$0x0]  }
0x2f8: {  	p1 =	slt.s32 s0, s30  }
.Ltmp50:
0x2f9: {  	_ = 	snop;
	(pc) =	sbr.rel @!p1 .LBB2_65-.Ltmp50, $3  }
0x2fa: {  	_ =	sdelay $0x1  }
0x2fb: {  	v34 =	vadd.s32 v32, v34;
	[tilespmem:v33+s20+$0x0] =	vst.idx.msk $0xffff, v36  }
0x2fc: {  	v34 =	vor.u32 v35, v34;
	v33 =	vld [tilespmem:s9+$0x10]  }
.LBB2_64:
0x2fd: {  	s21 =	sadd.s32 s0, s10;
	s0 =	sadd.s32 $0x1, s0  }
0x2fe: {  	v35 =	vmov s21;
	p1 =	slt.s32 s0, s30  }
0x2ff: {  	v36 =	vshll.u32 v35, $0x9  }
0x300: {  	v35 =	vshll.u32 v35, $0x7;
	v36 =	vand.u32 $0xFFFFF000, v36  }
0x301: {  	s9 =	sadd.s32 $0x80, s9;
	v35 =	vand.u32 $0x380, v35;
	v37 =	vadd.s32 v29, v36;
	[tilespmem:v34+s20+$0x0] =	vst.idx.msk $0xffff, v33  }
0x302: {  	v33 =	vld [tilespmem:s9+$0xFFFFFFE0];
	v34 =	vor.u32 v35, v37;
	_ =	sdelay $0x4  }
0x303: {  	[tilespmem:v34+s20+$0x0] =	vst.idx.msk $0xffff, v33;
	v33 =	vadd.s32 v30, v36  }
0x304: {  	v34 =	vld [tilespmem:s9+$0xFFFFFFF0];
	v33 =	vor.u32 v35, v33;
	_ =	sdelay $0x4  }
0x305: {  	[tilespmem:v33+s20+$0x0] =	vst.idx.msk $0xffff, v34;
	v33 =	vadd.s32 v31, v36  }
0x306: {  	v34 =	vld [tilespmem:s9+$0x0];
	v33 =	vor.u32 v35, v33;
	_ =	sdelay $0x1  }
.Ltmp51:
0x307: {  	(pc) =	sbr.rel @p1 .LBB2_64-.Ltmp51, $3  }
0x308: {  	_ =	sdelay $0x1  }
0x309: {  	[tilespmem:v33+s20+$0x0] =	vst.idx.msk $0xffff, v34;
	v34 =	vadd.s32 v32, v36  }
0x30a: {  	v33 =	vld [tilespmem:s9+$0x10];
	v34 =	vor.u32 v35, v34  }
.LBB2_65:
0x30b: {  	_ =	sdelay $0x3  }
0x30c: {  	[tilespmem:v34+s20+$0x0] =	vst.idx.msk $0xffff, v33  }
.LBB2_66:
0x30d: {  	s0 =	sshll.u32 s5, $0x9;
	s21 =	rddreg [dreg:$0x1e]  }
0x30e: {  	s0 =	sor.u32 s21, s0  }
0x30f: {  	s9 =	rddreg [dreg:$0x2];
	s0 =	sshrl.u32 s0, $0x3  }
0x310: {  	s5 =	sshll.u32 s3, $0x2;
	p1 =	seq.s32 s3, $0x5;
	s0 =	sadd.s32 s9, s0  }
0x311: {  	[hbm4b:s0+s4] =	stream.linear.scatter [tilespmem:s20], [sflag:$0x6], $0x4000, $0x38;
	[tilespmem:$0x16800] =	vst v63  }
0x312: {  	s0 =	sadd.s32 @!p1 $0x4, s5  }
0x313: {  	s9 =	sshll.u32 @!p1 s0, $0x5  }
0x314: {  	s10 =	rddreg [dreg:$0x8];
	s9 =	sand.u32 @!p1 $0x80, s9  }
0x315: {  	s0 =	sshll.u32 @!p1 s0, $0xF;
	s9 =	sor.u32 @!p1 s10, s9;
	s10 =	simm.s32 @!p1 $0x5  }
0x316: {  	s21 =	rddreg [dreg:$0x4];
	s0 =	sand.u32 @!p1 $0x1C0000, s0;
	_ =	swait.ge @!p1 [sflag:s10], $0x4000  }
0x317: {  	s0 =	sadd.s32 @!p1 s21, s0;
	s9 =	sshll.u32 @!p1 s9, $0x9;
	[sflag:s10] =	ssyncset.done @!p1 $0x0  }
0x318: {  	s0 =	sor.u32 @!p1 s0, s9;
	[sflag:s10] =	ssyncadd.s32 @!p1 $0xFFFFC000  }
0x319: {  	s0 =	sshrl.u32 @!p1 s0, $0x3;
	s9 =	rddreg [dreg:$0x0]  }
0x31a: {  	s0 =	sadd.s32 @!p1 s9, s0;
	s9 =	simm.s32 @!p1 $0x0  }
0x31b: {  	[tilespmem:s9], [sflag:$0x1] =	stream.linear.gather @!p1 [hbm4b:s0+s9], $0x4000, $0x38;
	[tilespmem:$0x16800] =	vst v63  }
0x31c: {  	p2 =	sgt.s32 s6, s29;
	s9 =	rddreg [dreg:$0x14]  }
0x31d: {  	s30 =	smov.u32 s1;
	s0 =	smov.u32 s29;
	p3 =	slt.s32 s9, s1  }
0x31e: {  	s0 =	smov.u32 @p2 s6;
	s30 =	smov.u32 @p3 s9  }
0x31f: {  	p2 =	sge.s32 s0, s30  }
.Ltmp52:
0x320: {  	s21 =	simm.s32 $0x3;
	(pc) =	sbr.rel @p2 .LBB2_70-.Ltmp52, $4  }
0x321: {  	_ =	swait.ge [sflag:s21], $0x4000  }
0x322: {  	s10 =	rddreg [dreg:$0xe]  }
0x323: {  	[sflag:s21] =	ssyncset.done $0x0;
	s9 =	rddreg [dreg:$0xf]  }
0x324: {  	s10 =	ssub.s32 s10, s19;
	s28 =	sadd.s32 s19, s9;
	[sflag:s21] =	ssyncadd.s32 $0xFFFFC000  }
0x325: {  	p2 =	sgt.s32 s6, s28;
	s9 =	smov.u32 s28  }
0x326: {  	s21 =	rddreg [dreg:$0x16];
	s9 =	smov.u32 @p2 s6  }
0x327: {  	s9 =	sadd.s32 s9, s21;
	s21 =	sadd.s32 s0, s10  }
0x328: {  	s9 =	sadd.s32 s17, s9;
	v33 =	vmov s21  }
0x329: {  	s9 =	sshll.u32 s9, $0x9;
	v34 =	vshll.u32 v33, $0x9  }
0x32a: {  	v33 =	vshll.u32 v33, $0x7;
	s9 =	sshra.s32 s9, $0x2;
	v34 =	vand.u32 $0xFFFFF000, v34  }
0x32b: {  	v35 =	vand.u32 $0x380, v33;
	s9 =	sadd.s32 $0x10020, s9;
	v61 =	vadd.s32 v1, v34  }
0x32c: {  	v36 =	vld [tilespmem:s9+$0xFFFFFFE0];
	v33 =	vor.u32 v35, v61;
	_ =	sdelay $0x4  }
0x32d: {  	v62 =	vadd.s32 v2, v34;
	[tilespmem:v33+s25+$0x0] =	vst.idx.msk $0xffff, v36  }
0x32e: {  	v33 =	vor.u32 v35, v62;
	v36 =	vld [tilespmem:s9+$0xFFFFFFF0];
	_ =	sdelay $0x4  }
0x32f: {  	v63 =	vadd.s32 v3, v34;
	[tilespmem:v33+s25+$0x0] =	vst.idx.msk $0xffff, v36  }
0x330: {  	s0 =	sadd.s32 $0x1, s0;
	v33 =	vor.u32 v35, v63;
	v36 =	vld [tilespmem:s9+$0x0]  }
0x331: {  	p2 =	slt.s32 s0, s30  }
.Ltmp53:
0x332: {  	_ = 	snop;
	(pc) =	sbr.rel @!p2 .LBB2_69-.Ltmp53, $3  }
0x333: {  	_ =	sdelay $0x1  }
0x334: {  	v34 =	vadd.s32 v4, v34;
	[tilespmem:v33+s25+$0x0] =	vst.idx.msk $0xffff, v36  }
0x335: {  	v34 =	vor.u32 v35, v34;
	v33 =	vld [tilespmem:s9+$0x10]  }
.LBB2_68:
0x336: {  	s21 =	sadd.s32 s0, s10;
	s0 =	sadd.s32 $0x1, s0  }
0x337: {  	v35 =	vmov s21;
	p2 =	slt.s32 s0, s30  }
0x338: {  	v36 =	vshll.u32 v35, $0x9  }
0x339: {  	v35 =	vshll.u32 v35, $0x7;
	v36 =	vand.u32 $0xFFFFF000, v36  }
0x33a: {  	s9 =	sadd.s32 $0x80, s9;
	v35 =	vand.u32 $0x380, v35;
	v37 =	vadd.s32 v1, v36;
	[tilespmem:v34+s25+$0x0] =	vst.idx.msk $0xffff, v33  }
0x33b: {  	v33 =	vld [tilespmem:s9+$0xFFFFFFE0];
	v34 =	vor.u32 v35, v37;
	_ =	sdelay $0x4  }
0x33c: {  	[tilespmem:v34+s25+$0x0] =	vst.idx.msk $0xffff, v33;
	v33 =	vadd.s32 v2, v36  }
0x33d: {  	v34 =	vld [tilespmem:s9+$0xFFFFFFF0];
	v33 =	vor.u32 v35, v33;
	_ =	sdelay $0x4  }
0x33e: {  	[tilespmem:v33+s25+$0x0] =	vst.idx.msk $0xffff, v34;
	v33 =	vadd.s32 v3, v36  }
0x33f: {  	v34 =	vld [tilespmem:s9+$0x0];
	v33 =	vor.u32 v35, v33;
	_ =	sdelay $0x1  }
.Ltmp54:
0x340: {  	(pc) =	sbr.rel @p2 .LBB2_68-.Ltmp54, $3  }
0x341: {  	_ =	sdelay $0x1  }
0x342: {  	[tilespmem:v33+s25+$0x0] =	vst.idx.msk $0xffff, v34;
	v34 =	vadd.s32 v4, v36  }
0x343: {  	v33 =	vld [tilespmem:s9+$0x10];
	v34 =	vor.u32 v35, v34  }
.LBB2_69:
0x344: {  	_ =	sdelay $0x3  }
0x345: {  	[tilespmem:v34+s25+$0x0] =	vst.idx.msk $0xffff, v33  }
.LBB2_70:
0x346: {  	p2 =	sgt.s32 s7, s29;
	s9 =	rddreg [dreg:$0x15]  }
0x347: {  	s0 =	smov.u32 s29;
	s30 =	smov.u32 s1;
	p3 =	slt.s32 s9, s1  }
0x348: {  	s0 =	smov.u32 @p2 s7;
	s30 =	smov.u32 @p3 s9  }
0x349: {  	p2 =	sge.s32 s0, s30  }
.Ltmp55:
0x34a: {  	_ = 	snop;
	(pc) =	sbr.rel @p2 .LBB2_74-.Ltmp55, $1  }
0x34b: {  	_ =	sdelay $0x3  }
0x34c: {  	p2 =	sgt.s32 s7, s28;
	s9 =	smov.u32 s28  }
0x34d: {  	s21 =	rddreg [dreg:$0x17];
	s9 =	smov.u32 @p2 s7  }
0x34e: {  	s9 =	sadd.s32 s9, s21;
	s21 =	sadd.s32 s0, s10  }
0x34f: {  	s9 =	sadd.s32 s17, s9;
	v33 =	vmov s21  }
0x350: {  	s9 =	sshll.u32 s9, $0x9;
	v34 =	vshll.u32 v33, $0x9  }
0x351: {  	v33 =	vshll.u32 v33, $0x7;
	s9 =	sshra.s32 s9, $0x2;
	v34 =	vand.u32 $0xFFFFF000, v34  }
0x352: {  	v35 =	vand.u32 $0x380, v33;
	s9 =	sadd.s32 $0x10020, s9;
	v61 =	vadd.s32 v5, v34  }
0x353: {  	v36 =	vld [tilespmem:s9+$0xFFFFFFE0];
	v33 =	vor.u32 v35, v61;
	_ =	sdelay $0x4  }
0x354: {  	v62 =	vadd.s32 v6, v34;
	[tilespmem:v33+s25+$0x0] =	vst.idx.msk $0xffff, v36  }
0x355: {  	v33 =	vor.u32 v35, v62;
	v36 =	vld [tilespmem:s9+$0xFFFFFFF0];
	_ =	sdelay $0x4  }
0x356: {  	v63 =	vadd.s32 v7, v34;
	[tilespmem:v33+s25+$0x0] =	vst.idx.msk $0xffff, v36  }
0x357: {  	s0 =	sadd.s32 $0x1, s0;
	v33 =	vor.u32 v35, v63;
	v36 =	vld [tilespmem:s9+$0x0]  }
0x358: {  	p2 =	slt.s32 s0, s30  }
.Ltmp56:
0x359: {  	_ = 	snop;
	(pc) =	sbr.rel @!p2 .LBB2_73-.Ltmp56, $3  }
0x35a: {  	_ =	sdelay $0x1  }
0x35b: {  	v34 =	vadd.s32 v8, v34;
	[tilespmem:v33+s25+$0x0] =	vst.idx.msk $0xffff, v36  }
0x35c: {  	v34 =	vor.u32 v35, v34;
	v33 =	vld [tilespmem:s9+$0x10]  }
.LBB2_72:
0x35d: {  	s21 =	sadd.s32 s0, s10;
	s0 =	sadd.s32 $0x1, s0  }
0x35e: {  	v35 =	vmov s21;
	p2 =	slt.s32 s0, s30  }
0x35f: {  	v36 =	vshll.u32 v35, $0x9  }
0x360: {  	v35 =	vshll.u32 v35, $0x7;
	v36 =	vand.u32 $0xFFFFF000, v36  }
0x361: {  	s9 =	sadd.s32 $0x80, s9;
	v35 =	vand.u32 $0x380, v35;
	v37 =	vadd.s32 v5, v36;
	[tilespmem:v34+s25+$0x0] =	vst.idx.msk $0xffff, v33  }
0x362: {  	v33 =	vld [tilespmem:s9+$0xFFFFFFE0];
	v34 =	vor.u32 v35, v37;
	_ =	sdelay $0x4  }
0x363: {  	[tilespmem:v34+s25+$0x0] =	vst.idx.msk $0xffff, v33;
	v33 =	vadd.s32 v6, v36  }
0x364: {  	v34 =	vld [tilespmem:s9+$0xFFFFFFF0];
	v33 =	vor.u32 v35, v33;
	_ =	sdelay $0x4  }
0x365: {  	[tilespmem:v33+s25+$0x0] =	vst.idx.msk $0xffff, v34;
	v33 =	vadd.s32 v7, v36  }
0x366: {  	v34 =	vld [tilespmem:s9+$0x0];
	v33 =	vor.u32 v35, v33;
	_ =	sdelay $0x1  }
.Ltmp57:
0x367: {  	(pc) =	sbr.rel @p2 .LBB2_72-.Ltmp57, $3  }
0x368: {  	_ =	sdelay $0x1  }
0x369: {  	[tilespmem:v33+s25+$0x0] =	vst.idx.msk $0xffff, v34;
	v34 =	vadd.s32 v8, v36  }
0x36a: {  	v33 =	vld [tilespmem:s9+$0x10];
	v34 =	vor.u32 v35, v34  }
.LBB2_73:
0x36b: {  	_ =	sdelay $0x3  }
0x36c: {  	[tilespmem:v34+s25+$0x0] =	vst.idx.msk $0xffff, v33  }
.LBB2_74:
0x36d: {  	p2 =	sgt.s32 s11, s29  }
0x36e: {  	s0 =	smov.u32 s29;
	p3 =	slt.s32 s22, s1;
	s30 =	smov.u32 s1  }
0x36f: {  	s0 =	smov.u32 @p2 s11;
	s30 =	smov.u32 @p3 s22  }
0x370: {  	p2 =	sge.s32 s0, s30  }
.Ltmp58:
0x371: {  	_ = 	snop;
	(pc) =	sbr.rel @p2 .LBB2_78-.Ltmp58, $1  }
0x372: {  	_ =	sdelay $0x3  }
0x373: {  	p2 =	sgt.s32 s11, s28;
	s9 =	smov.u32 s28  }
0x374: {  	s21 =	rddreg [dreg:$0x18];
	s9 =	smov.u32 @p2 s11  }
0x375: {  	s9 =	sadd.s32 s9, s21;
	s21 =	sadd.s32 s0, s10  }
0x376: {  	s9 =	sadd.s32 s17, s9;
	v33 =	vmov s21  }
0x377: {  	s9 =	sshll.u32 s9, $0x9;
	v34 =	vshll.u32 v33, $0x9  }
0x378: {  	v33 =	vshll.u32 v33, $0x7;
	s9 =	sshra.s32 s9, $0x2;
	v34 =	vand.u32 $0xFFFFF000, v34  }
0x379: {  	v35 =	vand.u32 $0x380, v33;
	s9 =	sadd.s32 $0x10020, s9;
	v61 =	vadd.s32 v9, v34  }
0x37a: {  	v36 =	vld [tilespmem:s9+$0xFFFFFFE0];
	v33 =	vor.u32 v35, v61;
	_ =	sdelay $0x4  }
0x37b: {  	v62 =	vadd.s32 v10, v34;
	[tilespmem:v33+s25+$0x0] =	vst.idx.msk $0xffff, v36  }
0x37c: {  	v33 =	vor.u32 v35, v62;
	v36 =	vld [tilespmem:s9+$0xFFFFFFF0];
	_ =	sdelay $0x4  }
0x37d: {  	v63 =	vadd.s32 v11, v34;
	[tilespmem:v33+s25+$0x0] =	vst.idx.msk $0xffff, v36  }
0x37e: {  	s0 =	sadd.s32 $0x1, s0;
	v33 =	vor.u32 v35, v63;
	v36 =	vld [tilespmem:s9+$0x0]  }
0x37f: {  	p2 =	slt.s32 s0, s30  }
.Ltmp59:
0x380: {  	_ = 	snop;
	(pc) =	sbr.rel @!p2 .LBB2_77-.Ltmp59, $3  }
0x381: {  	_ =	sdelay $0x1  }
0x382: {  	v34 =	vadd.s32 v12, v34;
	[tilespmem:v33+s25+$0x0] =	vst.idx.msk $0xffff, v36  }
0x383: {  	v34 =	vor.u32 v35, v34;
	v33 =	vld [tilespmem:s9+$0x10]  }
.LBB2_76:
0x384: {  	s21 =	sadd.s32 s0, s10;
	s0 =	sadd.s32 $0x1, s0  }
0x385: {  	v35 =	vmov s21;
	p2 =	slt.s32 s0, s30  }
0x386: {  	v36 =	vshll.u32 v35, $0x9  }
0x387: {  	v35 =	vshll.u32 v35, $0x7;
	v36 =	vand.u32 $0xFFFFF000, v36  }
0x388: {  	s9 =	sadd.s32 $0x80, s9;
	v35 =	vand.u32 $0x380, v35;
	v37 =	vadd.s32 v9, v36;
	[tilespmem:v34+s25+$0x0] =	vst.idx.msk $0xffff, v33  }
0x389: {  	v33 =	vld [tilespmem:s9+$0xFFFFFFE0];
	v34 =	vor.u32 v35, v37;
	_ =	sdelay $0x4  }
0x38a: {  	[tilespmem:v34+s25+$0x0] =	vst.idx.msk $0xffff, v33;
	v33 =	vadd.s32 v10, v36  }
0x38b: {  	v34 =	vld [tilespmem:s9+$0xFFFFFFF0];
	v33 =	vor.u32 v35, v33;
	_ =	sdelay $0x4  }
0x38c: {  	[tilespmem:v33+s25+$0x0] =	vst.idx.msk $0xffff, v34;
	v33 =	vadd.s32 v11, v36  }
0x38d: {  	v34 =	vld [tilespmem:s9+$0x0];
	v33 =	vor.u32 v35, v33;
	_ =	sdelay $0x1  }
.Ltmp60:
0x38e: {  	(pc) =	sbr.rel @p2 .LBB2_76-.Ltmp60, $3  }
0x38f: {  	_ =	sdelay $0x1  }
0x390: {  	[tilespmem:v33+s25+$0x0] =	vst.idx.msk $0xffff, v34;
	v34 =	vadd.s32 v12, v36  }
0x391: {  	v33 =	vld [tilespmem:s9+$0x10];
	v34 =	vor.u32 v35, v34  }
.LBB2_77:
0x392: {  	_ =	sdelay $0x3  }
0x393: {  	[tilespmem:v34+s25+$0x0] =	vst.idx.msk $0xffff, v33  }
.LBB2_78:
0x394: {  	p2 =	sgt.s32 s12, s29  }
0x395: {  	s0 =	smov.u32 s29;
	p3 =	slt.s32 s23, s1;
	s30 =	smov.u32 s1  }
0x396: {  	s0 =	smov.u32 @p2 s12;
	s30 =	smov.u32 @p3 s23  }
0x397: {  	p2 =	sge.s32 s0, s30  }
.Ltmp61:
0x398: {  	_ = 	snop;
	(pc) =	sbr.rel @p2 .LBB2_82-.Ltmp61, $1  }
0x399: {  	_ =	sdelay $0x3  }
0x39a: {  	p2 =	sgt.s32 s12, s28;
	s9 =	smov.u32 s28  }
0x39b: {  	s21 =	rddreg [dreg:$0x19];
	s9 =	smov.u32 @p2 s12  }
0x39c: {  	s9 =	sadd.s32 s9, s21;
	s21 =	sadd.s32 s0, s10  }
0x39d: {  	s9 =	sadd.s32 s17, s9;
	v33 =	vmov s21  }
0x39e: {  	s9 =	sshll.u32 s9, $0x9;
	v34 =	vshll.u32 v33, $0x9  }
0x39f: {  	v33 =	vshll.u32 v33, $0x7;
	s9 =	sshra.s32 s9, $0x2;
	v34 =	vand.u32 $0xFFFFF000, v34  }
0x3a0: {  	v35 =	vand.u32 $0x380, v33;
	s9 =	sadd.s32 $0x10020, s9;
	v61 =	vadd.s32 v13, v34  }
0x3a1: {  	v36 =	vld [tilespmem:s9+$0xFFFFFFE0];
	v33 =	vor.u32 v35, v61;
	_ =	sdelay $0x4  }
0x3a2: {  	v62 =	vadd.s32 v14, v34;
	[tilespmem:v33+s25+$0x0] =	vst.idx.msk $0xffff, v36  }
0x3a3: {  	v33 =	vor.u32 v35, v62;
	v36 =	vld [tilespmem:s9+$0xFFFFFFF0];
	_ =	sdelay $0x4  }
0x3a4: {  	v63 =	vadd.s32 v15, v34;
	[tilespmem:v33+s25+$0x0] =	vst.idx.msk $0xffff, v36  }
0x3a5: {  	s0 =	sadd.s32 $0x1, s0;
	v33 =	vor.u32 v35, v63;
	v36 =	vld [tilespmem:s9+$0x0]  }
0x3a6: {  	p2 =	slt.s32 s0, s30  }
.Ltmp62:
0x3a7: {  	_ = 	snop;
	(pc) =	sbr.rel @!p2 .LBB2_81-.Ltmp62, $3  }
0x3a8: {  	_ =	sdelay $0x1  }
0x3a9: {  	v34 =	vadd.s32 v16, v34;
	[tilespmem:v33+s25+$0x0] =	vst.idx.msk $0xffff, v36  }
0x3aa: {  	v34 =	vor.u32 v35, v34;
	v33 =	vld [tilespmem:s9+$0x10]  }
.LBB2_80:
0x3ab: {  	s21 =	sadd.s32 s0, s10;
	s0 =	sadd.s32 $0x1, s0  }
0x3ac: {  	v35 =	vmov s21;
	p2 =	slt.s32 s0, s30  }
0x3ad: {  	v36 =	vshll.u32 v35, $0x9  }
0x3ae: {  	v35 =	vshll.u32 v35, $0x7;
	v36 =	vand.u32 $0xFFFFF000, v36  }
0x3af: {  	s9 =	sadd.s32 $0x80, s9;
	v35 =	vand.u32 $0x380, v35;
	v37 =	vadd.s32 v13, v36;
	[tilespmem:v34+s25+$0x0] =	vst.idx.msk $0xffff, v33  }
0x3b0: {  	v33 =	vld [tilespmem:s9+$0xFFFFFFE0];
	v34 =	vor.u32 v35, v37;
	_ =	sdelay $0x4  }
0x3b1: {  	[tilespmem:v34+s25+$0x0] =	vst.idx.msk $0xffff, v33;
	v33 =	vadd.s32 v14, v36  }
0x3b2: {  	v34 =	vld [tilespmem:s9+$0xFFFFFFF0];
	v33 =	vor.u32 v35, v33;
	_ =	sdelay $0x4  }
0x3b3: {  	[tilespmem:v33+s25+$0x0] =	vst.idx.msk $0xffff, v34;
	v33 =	vadd.s32 v15, v36  }
0x3b4: {  	v34 =	vld [tilespmem:s9+$0x0];
	v33 =	vor.u32 v35, v33;
	_ =	sdelay $0x1  }
.Ltmp63:
0x3b5: {  	(pc) =	sbr.rel @p2 .LBB2_80-.Ltmp63, $3  }
0x3b6: {  	_ =	sdelay $0x1  }
0x3b7: {  	[tilespmem:v33+s25+$0x0] =	vst.idx.msk $0xffff, v34;
	v34 =	vadd.s32 v16, v36  }
0x3b8: {  	v33 =	vld [tilespmem:s9+$0x10];
	v34 =	vor.u32 v35, v34  }
.LBB2_81:
0x3b9: {  	_ =	sdelay $0x3  }
0x3ba: {  	[tilespmem:v34+s25+$0x0] =	vst.idx.msk $0xffff, v33  }
.LBB2_82:
0x3bb: {  	p2 =	sgt.s32 s24, s29  }
0x3bc: {  	s0 =	smov.u32 s29;
	p3 =	slt.s32 s13, s1;
	s30 =	smov.u32 s1  }
0x3bd: {  	s0 =	smov.u32 @p2 s24;
	s30 =	smov.u32 @p3 s13  }
0x3be: {  	p2 =	sge.s32 s0, s30  }
.Ltmp64:
0x3bf: {  	_ = 	snop;
	(pc) =	sbr.rel @p2 .LBB2_86-.Ltmp64, $1  }
0x3c0: {  	_ =	sdelay $0x3  }
0x3c1: {  	p2 =	sgt.s32 s24, s28;
	s9 =	smov.u32 s28  }
0x3c2: {  	s21 =	rddreg [dreg:$0x1a];
	s9 =	smov.u32 @p2 s24  }
0x3c3: {  	s9 =	sadd.s32 s9, s21;
	s21 =	sadd.s32 s0, s10  }
0x3c4: {  	s9 =	sadd.s32 s17, s9;
	v33 =	vmov s21  }
0x3c5: {  	s9 =	sshll.u32 s9, $0x9;
	v34 =	vshll.u32 v33, $0x9  }
0x3c6: {  	v33 =	vshll.u32 v33, $0x7;
	s9 =	sshra.s32 s9, $0x2;
	v34 =	vand.u32 $0xFFFFF000, v34  }
0x3c7: {  	v35 =	vand.u32 $0x380, v33;
	s9 =	sadd.s32 $0x10020, s9;
	v61 =	vadd.s32 v17, v34  }
0x3c8: {  	v36 =	vld [tilespmem:s9+$0xFFFFFFE0];
	v33 =	vor.u32 v35, v61;
	_ =	sdelay $0x4  }
0x3c9: {  	v62 =	vadd.s32 v18, v34;
	[tilespmem:v33+s25+$0x0] =	vst.idx.msk $0xffff, v36  }
0x3ca: {  	v33 =	vor.u32 v35, v62;
	v36 =	vld [tilespmem:s9+$0xFFFFFFF0];
	_ =	sdelay $0x4  }
0x3cb: {  	v63 =	vadd.s32 v19, v34;
	[tilespmem:v33+s25+$0x0] =	vst.idx.msk $0xffff, v36  }
0x3cc: {  	s0 =	sadd.s32 $0x1, s0;
	v33 =	vor.u32 v35, v63;
	v36 =	vld [tilespmem:s9+$0x0]  }
0x3cd: {  	p2 =	slt.s32 s0, s30  }
.Ltmp65:
0x3ce: {  	_ = 	snop;
	(pc) =	sbr.rel @!p2 .LBB2_85-.Ltmp65, $3  }
0x3cf: {  	_ =	sdelay $0x1  }
0x3d0: {  	v34 =	vadd.s32 v20, v34;
	[tilespmem:v33+s25+$0x0] =	vst.idx.msk $0xffff, v36  }
0x3d1: {  	v34 =	vor.u32 v35, v34;
	v33 =	vld [tilespmem:s9+$0x10]  }
.LBB2_84:
0x3d2: {  	s21 =	sadd.s32 s0, s10;
	s0 =	sadd.s32 $0x1, s0  }
0x3d3: {  	v35 =	vmov s21;
	p2 =	slt.s32 s0, s30  }
0x3d4: {  	v36 =	vshll.u32 v35, $0x9  }
0x3d5: {  	v35 =	vshll.u32 v35, $0x7;
	v36 =	vand.u32 $0xFFFFF000, v36  }
0x3d6: {  	s9 =	sadd.s32 $0x80, s9;
	v35 =	vand.u32 $0x380, v35;
	v37 =	vadd.s32 v17, v36;
	[tilespmem:v34+s25+$0x0] =	vst.idx.msk $0xffff, v33  }
0x3d7: {  	v33 =	vld [tilespmem:s9+$0xFFFFFFE0];
	v34 =	vor.u32 v35, v37;
	_ =	sdelay $0x4  }
0x3d8: {  	[tilespmem:v34+s25+$0x0] =	vst.idx.msk $0xffff, v33;
	v33 =	vadd.s32 v18, v36  }
0x3d9: {  	v34 =	vld [tilespmem:s9+$0xFFFFFFF0];
	v33 =	vor.u32 v35, v33;
	_ =	sdelay $0x4  }
0x3da: {  	[tilespmem:v33+s25+$0x0] =	vst.idx.msk $0xffff, v34;
	v33 =	vadd.s32 v19, v36  }
0x3db: {  	v34 =	vld [tilespmem:s9+$0x0];
	v33 =	vor.u32 v35, v33;
	_ =	sdelay $0x1  }
.Ltmp66:
0x3dc: {  	(pc) =	sbr.rel @p2 .LBB2_84-.Ltmp66, $3  }
0x3dd: {  	_ =	sdelay $0x1  }
0x3de: {  	[tilespmem:v33+s25+$0x0] =	vst.idx.msk $0xffff, v34;
	v34 =	vadd.s32 v20, v36  }
0x3df: {  	v33 =	vld [tilespmem:s9+$0x10];
	v34 =	vor.u32 v35, v34  }
.LBB2_85:
0x3e0: {  	_ =	sdelay $0x3  }
0x3e1: {  	[tilespmem:v34+s25+$0x0] =	vst.idx.msk $0xffff, v33  }
.LBB2_86:
0x3e2: {  	p2 =	sgt.s32 s8, s29  }
0x3e3: {  	s0 =	smov.u32 s29;
	p3 =	slt.s32 s14, s1;
	s30 =	smov.u32 s1  }
0x3e4: {  	s0 =	smov.u32 @p2 s8;
	s30 =	smov.u32 @p3 s14  }
0x3e5: {  	p2 =	sge.s32 s0, s30  }
.Ltmp67:
0x3e6: {  	_ = 	snop;
	(pc) =	sbr.rel @p2 .LBB2_90-.Ltmp67, $1  }
0x3e7: {  	_ =	sdelay $0x3  }
0x3e8: {  	p2 =	sgt.s32 s8, s28;
	s9 =	smov.u32 s28  }
0x3e9: {  	s21 =	rddreg [dreg:$0x1b];
	s9 =	smov.u32 @p2 s8  }
0x3ea: {  	s9 =	sadd.s32 s9, s21;
	s21 =	sadd.s32 s0, s10  }
0x3eb: {  	s9 =	sadd.s32 s17, s9;
	v33 =	vmov s21  }
0x3ec: {  	s9 =	sshll.u32 s9, $0x9;
	v34 =	vshll.u32 v33, $0x9  }
0x3ed: {  	v33 =	vshll.u32 v33, $0x7;
	s9 =	sshra.s32 s9, $0x2;
	v34 =	vand.u32 $0xFFFFF000, v34  }
0x3ee: {  	v35 =	vand.u32 $0x380, v33;
	s9 =	sadd.s32 $0x10020, s9;
	v61 =	vadd.s32 v21, v34  }
0x3ef: {  	v36 =	vld [tilespmem:s9+$0xFFFFFFE0];
	v33 =	vor.u32 v35, v61;
	_ =	sdelay $0x4  }
0x3f0: {  	v62 =	vadd.s32 v22, v34;
	[tilespmem:v33+s25+$0x0] =	vst.idx.msk $0xffff, v36  }
0x3f1: {  	v33 =	vor.u32 v35, v62;
	v36 =	vld [tilespmem:s9+$0xFFFFFFF0];
	_ =	sdelay $0x4  }
0x3f2: {  	v63 =	vadd.s32 v23, v34;
	[tilespmem:v33+s25+$0x0] =	vst.idx.msk $0xffff, v36  }
0x3f3: {  	s0 =	sadd.s32 $0x1, s0;
	v33 =	vor.u32 v35, v63;
	v36 =	vld [tilespmem:s9+$0x0]  }
0x3f4: {  	p2 =	slt.s32 s0, s30  }
.Ltmp68:
0x3f5: {  	_ = 	snop;
	(pc) =	sbr.rel @!p2 .LBB2_89-.Ltmp68, $3  }
0x3f6: {  	_ =	sdelay $0x1  }
0x3f7: {  	v34 =	vadd.s32 v24, v34;
	[tilespmem:v33+s25+$0x0] =	vst.idx.msk $0xffff, v36  }
0x3f8: {  	v34 =	vor.u32 v35, v34;
	v33 =	vld [tilespmem:s9+$0x10]  }
.LBB2_88:
0x3f9: {  	s21 =	sadd.s32 s0, s10;
	s0 =	sadd.s32 $0x1, s0  }
0x3fa: {  	v35 =	vmov s21;
	p2 =	slt.s32 s0, s30  }
0x3fb: {  	v36 =	vshll.u32 v35, $0x9  }
0x3fc: {  	v35 =	vshll.u32 v35, $0x7;
	v36 =	vand.u32 $0xFFFFF000, v36  }
0x3fd: {  	s9 =	sadd.s32 $0x80, s9;
	v35 =	vand.u32 $0x380, v35;
	v37 =	vadd.s32 v21, v36;
	[tilespmem:v34+s25+$0x0] =	vst.idx.msk $0xffff, v33  }
0x3fe: {  	v33 =	vld [tilespmem:s9+$0xFFFFFFE0];
	v34 =	vor.u32 v35, v37;
	_ =	sdelay $0x4  }
0x3ff: {  	[tilespmem:v34+s25+$0x0] =	vst.idx.msk $0xffff, v33;
	v33 =	vadd.s32 v22, v36  }
0x400: {  	v34 =	vld [tilespmem:s9+$0xFFFFFFF0];
	v33 =	vor.u32 v35, v33;
	_ =	sdelay $0x4  }
0x401: {  	[tilespmem:v33+s25+$0x0] =	vst.idx.msk $0xffff, v34;
	v33 =	vadd.s32 v23, v36  }
0x402: {  	v34 =	vld [tilespmem:s9+$0x0];
	v33 =	vor.u32 v35, v33;
	_ =	sdelay $0x1  }
.Ltmp69:
0x403: {  	(pc) =	sbr.rel @p2 .LBB2_88-.Ltmp69, $3  }
0x404: {  	_ =	sdelay $0x1  }
0x405: {  	[tilespmem:v33+s25+$0x0] =	vst.idx.msk $0xffff, v34;
	v34 =	vadd.s32 v24, v36  }
0x406: {  	v33 =	vld [tilespmem:s9+$0x10];
	v34 =	vor.u32 v35, v34  }
.LBB2_89:
0x407: {  	_ =	sdelay $0x3  }
0x408: {  	[tilespmem:v34+s25+$0x0] =	vst.idx.msk $0xffff, v33  }
.LBB2_90:
0x409: {  	p2 =	sgt.s32 s31, s29  }
0x40a: {  	s0 =	smov.u32 s29;
	p3 =	slt.s32 s15, s1;
	s30 =	smov.u32 s1  }
0x40b: {  	s0 =	smov.u32 @p2 s31;
	s30 =	smov.u32 @p3 s15  }
0x40c: {  	p2 =	sge.s32 s0, s30  }
.Ltmp70:
0x40d: {  	_ = 	snop;
	(pc) =	sbr.rel @p2 .LBB2_94-.Ltmp70, $1  }
0x40e: {  	_ =	sdelay $0x3  }
0x40f: {  	p2 =	sgt.s32 s31, s28;
	s9 =	smov.u32 s28  }
0x410: {  	s21 =	rddreg [dreg:$0x1c];
	s9 =	smov.u32 @p2 s31  }
0x411: {  	s9 =	sadd.s32 s9, s21;
	s21 =	sadd.s32 s0, s10  }
0x412: {  	s9 =	sadd.s32 s17, s9;
	v33 =	vmov s21  }
0x413: {  	s9 =	sshll.u32 s9, $0x9;
	v34 =	vshll.u32 v33, $0x9  }
0x414: {  	v33 =	vshll.u32 v33, $0x7;
	s9 =	sshra.s32 s9, $0x2;
	v34 =	vand.u32 $0xFFFFF000, v34  }
0x415: {  	v35 =	vand.u32 $0x380, v33;
	s9 =	sadd.s32 $0x10020, s9;
	v61 =	vadd.s32 v25, v34  }
0x416: {  	v36 =	vld [tilespmem:s9+$0xFFFFFFE0];
	v33 =	vor.u32 v35, v61;
	_ =	sdelay $0x4  }
0x417: {  	v62 =	vadd.s32 v26, v34;
	[tilespmem:v33+s25+$0x0] =	vst.idx.msk $0xffff, v36  }
0x418: {  	v33 =	vor.u32 v35, v62;
	v36 =	vld [tilespmem:s9+$0xFFFFFFF0];
	_ =	sdelay $0x4  }
0x419: {  	v63 =	vadd.s32 v27, v34;
	[tilespmem:v33+s25+$0x0] =	vst.idx.msk $0xffff, v36  }
0x41a: {  	s0 =	sadd.s32 $0x1, s0;
	v33 =	vor.u32 v35, v63;
	v36 =	vld [tilespmem:s9+$0x0]  }
0x41b: {  	p2 =	slt.s32 s0, s30  }
.Ltmp71:
0x41c: {  	_ = 	snop;
	(pc) =	sbr.rel @!p2 .LBB2_93-.Ltmp71, $3  }
0x41d: {  	_ =	sdelay $0x1  }
0x41e: {  	v34 =	vadd.s32 v28, v34;
	[tilespmem:v33+s25+$0x0] =	vst.idx.msk $0xffff, v36  }
0x41f: {  	v34 =	vor.u32 v35, v34;
	v33 =	vld [tilespmem:s9+$0x10]  }
.LBB2_92:
0x420: {  	s21 =	sadd.s32 s0, s10;
	s0 =	sadd.s32 $0x1, s0  }
0x421: {  	v35 =	vmov s21;
	p2 =	slt.s32 s0, s30  }
0x422: {  	v36 =	vshll.u32 v35, $0x9  }
0x423: {  	v35 =	vshll.u32 v35, $0x7;
	v36 =	vand.u32 $0xFFFFF000, v36  }
0x424: {  	s9 =	sadd.s32 $0x80, s9;
	v35 =	vand.u32 $0x380, v35;
	v37 =	vadd.s32 v25, v36;
	[tilespmem:v34+s25+$0x0] =	vst.idx.msk $0xffff, v33  }
0x425: {  	v33 =	vld [tilespmem:s9+$0xFFFFFFE0];
	v34 =	vor.u32 v35, v37;
	_ =	sdelay $0x4  }
0x426: {  	[tilespmem:v34+s25+$0x0] =	vst.idx.msk $0xffff, v33;
	v33 =	vadd.s32 v26, v36  }
0x427: {  	v34 =	vld [tilespmem:s9+$0xFFFFFFF0];
	v33 =	vor.u32 v35, v33;
	_ =	sdelay $0x4  }
0x428: {  	[tilespmem:v33+s25+$0x0] =	vst.idx.msk $0xffff, v34;
	v33 =	vadd.s32 v27, v36  }
0x429: {  	v34 =	vld [tilespmem:s9+$0x0];
	v33 =	vor.u32 v35, v33;
	_ =	sdelay $0x1  }
.Ltmp72:
0x42a: {  	(pc) =	sbr.rel @p2 .LBB2_92-.Ltmp72, $3  }
0x42b: {  	_ =	sdelay $0x1  }
0x42c: {  	[tilespmem:v33+s25+$0x0] =	vst.idx.msk $0xffff, v34;
	v34 =	vadd.s32 v28, v36  }
0x42d: {  	v33 =	vld [tilespmem:s9+$0x10];
	v34 =	vor.u32 v35, v34  }
.LBB2_93:
0x42e: {  	_ =	sdelay $0x3  }
0x42f: {  	[tilespmem:v34+s25+$0x0] =	vst.idx.msk $0xffff, v33  }
.LBB2_94:
0x430: {  	p2 =	sgt.s32 s2, s29;
	p3 =	slt.s32 s16, s1;
	s30 =	smov.u32 s1  }
0x431: {  	s29 =	smov.u32 @p2 s2;
	s30 =	smov.u32 @p3 s16  }
0x432: {  	p2 =	sge.s32 s29, s30  }
.Ltmp73:
0x433: {  	_ = 	snop;
	(pc) =	sbr.rel @p2 .LBB2_98-.Ltmp73, $1  }
0x434: {  	_ =	sdelay $0x3  }
0x435: {  	p2 =	sgt.s32 s2, s28  }
0x436: {  	s0 =	rddreg [dreg:$0x1d];
	s28 =	smov.u32 @p2 s2  }
0x437: {  	s9 =	sadd.s32 s29, s10;
	s0 =	sadd.s32 s28, s0  }
0x438: {  	v33 =	vmov s9;
	s0 =	sadd.s32 s17, s0  }
0x439: {  	v34 =	vshll.u32 v33, $0x9;
	s0 =	sshll.u32 s0, $0x9  }
0x43a: {  	v33 =	vshll.u32 v33, $0x7;
	v34 =	vand.u32 $0xFFFFF000, v34;
	s0 =	sshra.s32 s0, $0x2  }
0x43b: {  	v35 =	vand.u32 $0x380, v33;
	v61 =	vadd.s32 v29, v34;
	s9 =	sadd.s32 $0x10020, s0  }
0x43c: {  	v33 =	vor.u32 v35, v61;
	v36 =	vld [tilespmem:s9+$0xFFFFFFE0];
	_ =	sdelay $0x4  }
0x43d: {  	v62 =	vadd.s32 v30, v34;
	[tilespmem:v33+s25+$0x0] =	vst.idx.msk $0xffff, v36  }
0x43e: {  	v33 =	vor.u32 v35, v62;
	v36 =	vld [tilespmem:s9+$0xFFFFFFF0];
	_ =	sdelay $0x4  }
0x43f: {  	v63 =	vadd.s32 v31, v34;
	[tilespmem:v33+s25+$0x0] =	vst.idx.msk $0xffff, v36  }
0x440: {  	s0 =	sadd.s32 $0x1, s29;
	v33 =	vor.u32 v35, v63;
	v36 =	vld [tilespmem:s9+$0x0]  }
0x441: {  	p2 =	slt.s32 s0, s30  }
.Ltmp74:
0x442: {  	_ = 	snop;
	(pc) =	sbr.rel @!p2 .LBB2_97-.Ltmp74, $3  }
0x443: {  	_ =	sdelay $0x1  }
0x444: {  	v34 =	vadd.s32 v32, v34;
	[tilespmem:v33+s25+$0x0] =	vst.idx.msk $0xffff, v36  }
0x445: {  	v34 =	vor.u32 v35, v34;
	v33 =	vld [tilespmem:s9+$0x10]  }
.LBB2_96:
0x446: {  	s21 =	sadd.s32 s0, s10;
	s0 =	sadd.s32 $0x1, s0  }
0x447: {  	v35 =	vmov s21;
	p2 =	slt.s32 s0, s30  }
0x448: {  	v36 =	vshll.u32 v35, $0x9  }
0x449: {  	v35 =	vshll.u32 v35, $0x7;
	v36 =	vand.u32 $0xFFFFF000, v36  }
0x44a: {  	s9 =	sadd.s32 $0x80, s9;
	v35 =	vand.u32 $0x380, v35;
	v37 =	vadd.s32 v29, v36;
	[tilespmem:v34+s25+$0x0] =	vst.idx.msk $0xffff, v33  }
0x44b: {  	v33 =	vld [tilespmem:s9+$0xFFFFFFE0];
	v34 =	vor.u32 v35, v37;
	_ =	sdelay $0x4  }
0x44c: {  	[tilespmem:v34+s25+$0x0] =	vst.idx.msk $0xffff, v33;
	v33 =	vadd.s32 v30, v36  }
0x44d: {  	v34 =	vld [tilespmem:s9+$0xFFFFFFF0];
	v33 =	vor.u32 v35, v33;
	_ =	sdelay $0x4  }
0x44e: {  	[tilespmem:v33+s25+$0x0] =	vst.idx.msk $0xffff, v34;
	v33 =	vadd.s32 v31, v36  }
0x44f: {  	v34 =	vld [tilespmem:s9+$0x0];
	v33 =	vor.u32 v35, v33;
	_ =	sdelay $0x1  }
.Ltmp75:
0x450: {  	(pc) =	sbr.rel @p2 .LBB2_96-.Ltmp75, $3  }
0x451: {  	_ =	sdelay $0x1  }
0x452: {  	[tilespmem:v33+s25+$0x0] =	vst.idx.msk $0xffff, v34;
	v34 =	vadd.s32 v32, v36  }
0x453: {  	v33 =	vld [tilespmem:s9+$0x10];
	v34 =	vor.u32 v35, v34  }
.LBB2_97:
0x454: {  	_ =	sdelay $0x3  }
0x455: {  	[tilespmem:v34+s25+$0x0] =	vst.idx.msk $0xffff, v33  }
.LBB2_98:
0x456: {  	s0 =	rddreg [dreg:$0x1e]  }
0x457: {  	s9 =	rddreg [dreg:$0x1f]  }
0x458: {  	s0 =	sor.u32 s0, s9  }
0x459: {  	s21 =	rddreg [dreg:$0x2];
	s0 =	sshrl.u32 s0, $0x3  }
0x45a: {  	s0 =	sadd.s32 s21, s0  }
0x45b: {  	[hbm4b:s0+s4] =	stream.linear.scatter [tilespmem:s25], [sflag:$0x7], $0x4000, $0x38;
	[tilespmem:$0x16800] =	vst v63  }
0x45c: {  	s0 =	sadd.s32 @!p1 $0x5, s5  }
0x45d: {  	s10 =	rddreg [dreg:$0x8];
	s9 =	simm.s32 @!p1 $0x6;
	s5 =	sshll.u32 @!p1 s0, $0x5  }
0x45e: {  	s0 =	sshll.u32 @!p1 s0, $0xF;
	_ =	swait.ge @!p1 [sflag:s9], $0x4000;
	s5 =	sand.u32 @!p1 $0xA0, s5  }
0x45f: {  	s0 =	sand.u32 @!p1 $0x1C0000, s0;
	s5 =	sor.u32 @!p1 s10, s5;
	s10 =	rddreg [dreg:$0x4]  }
0x460: {  	[sflag:s9] =	ssyncset.done @!p1 $0x0;
	s0 =	sadd.s32 @!p1 s10, s0;
	s5 =	sshll.u32 @!p1 s5, $0x9  }
0x461: {  	[sflag:s9] =	ssyncadd.s32 @!p1 $0xFFFFC000;
	s0 =	sor.u32 @!p1 s0, s5  }
0x462: {  	s5 =	rddreg [dreg:$0x0];
	s0 =	sshrl.u32 @!p1 s0, $0x3  }
0x463: {  	s9 =	simm.s32 @!p1 $0x4000;
	s0 =	sadd.s32 @!p1 s5, s0;
	s5 =	simm.s32 @!p1 $0x0  }
0x464: {  	[tilespmem:s9], [sflag:$0x2] =	stream.linear.gather @!p1 [hbm4b:s0+s5], $0x4000, $0x38;
	[tilespmem:$0x16800] =	vst v63  }
0x465: {  	s5 =	sadd.s32 $0x80, s18;
	p1 =	sgt.s32 s6, s1;
	s9 =	rddreg [dreg:$0x14]  }
0x466: {  	s0 =	smov.u32 s1;
	p2 =	slt.s32 s9, s5;
	s28 =	smov.u32 s5  }
0x467: {  	s0 =	smov.u32 @p1 s6;
	s28 =	smov.u32 @p2 s9  }
0x468: {  	p1 =	sge.s32 s0, s28  }
.Ltmp76:
0x469: {  	s21 =	simm.s32 $0x4;
	(pc) =	sbr.rel @p1 .LBB2_102-.Ltmp76, $4  }
0x46a: {  	_ =	swait.ge [sflag:s21], $0x4000  }
0x46b: {  	s29 =	rddreg [dreg:$0x10]  }
0x46c: {  	[sflag:s21] =	ssyncset.done $0x0;
	s30 =	rddreg [dreg:$0x11]  }
0x46d: {  	s10 =	ssub.s32 s29, s19;
	s18 =	sadd.s32 s19, s30;
	[sflag:s21] =	ssyncadd.s32 $0xFFFFC000  }
0x46e: {  	p1 =	sgt.s32 s6, s18;
	s9 =	smov.u32 s18  }
0x46f: {  	s19 =	rddreg [dreg:$0x16];
	s9 =	smov.u32 @p1 s6  }
0x470: {  	s30 =	sadd.s32 s0, s10;
	s9 =	sadd.s32 s9, s19  }
0x471: {  	v33 =	vmov s30;
	s9 =	sadd.s32 s17, s9  }
0x472: {  	v34 =	vshll.u32 v33, $0x9;
	s9 =	sshll.u32 s9, $0x9  }
0x473: {  	v33 =	vshll.u32 v33, $0x7;
	v34 =	vand.u32 $0xFFFFF000, v34;
	s9 =	sshra.s32 s9, $0x2  }
0x474: {  	v35 =	vand.u32 $0x380, v33;
	v61 =	vadd.s32 v1, v34;
	s9 =	sadd.s32 $0x10020, s9  }
0x475: {  	v33 =	vor.u32 v35, v61;
	v36 =	vld [tilespmem:s9+$0xFFFFFFE0];
	_ =	sdelay $0x4  }
0x476: {  	v62 =	vadd.s32 v2, v34;
	[tilespmem:v33+s26+$0x0] =	vst.idx.msk $0xffff, v36  }
0x477: {  	v33 =	vor.u32 v35, v62;
	v36 =	vld [tilespmem:s9+$0xFFFFFFF0];
	_ =	sdelay $0x4  }
0x478: {  	v63 =	vadd.s32 v3, v34;
	[tilespmem:v33+s26+$0x0] =	vst.idx.msk $0xffff, v36  }
0x479: {  	s0 =	sadd.s32 $0x1, s0;
	v33 =	vor.u32 v35, v63;
	v36 =	vld [tilespmem:s9+$0x0]  }
0x47a: {  	p1 =	slt.s32 s0, s28  }
.Ltmp77:
0x47b: {  	_ = 	snop;
	(pc) =	sbr.rel @!p1 .LBB2_101-.Ltmp77, $3  }
0x47c: {  	_ =	sdelay $0x1  }
0x47d: {  	v34 =	vadd.s32 v4, v34;
	[tilespmem:v33+s26+$0x0] =	vst.idx.msk $0xffff, v36  }
0x47e: {  	v34 =	vor.u32 v35, v34;
	v33 =	vld [tilespmem:s9+$0x10]  }
.LBB2_100:
0x47f: {  	s19 =	sadd.s32 s0, s10;
	s0 =	sadd.s32 $0x1, s0  }
0x480: {  	v35 =	vmov s19;
	p1 =	slt.s32 s0, s28  }
0x481: {  	v36 =	vshll.u32 v35, $0x9  }
0x482: {  	v35 =	vshll.u32 v35, $0x7;
	v36 =	vand.u32 $0xFFFFF000, v36  }
0x483: {  	s9 =	sadd.s32 $0x80, s9;
	v35 =	vand.u32 $0x380, v35;
	v37 =	vadd.s32 v1, v36;
	[tilespmem:v34+s26+$0x0] =	vst.idx.msk $0xffff, v33  }
0x484: {  	v33 =	vld [tilespmem:s9+$0xFFFFFFE0];
	v34 =	vor.u32 v35, v37;
	_ =	sdelay $0x4  }
0x485: {  	[tilespmem:v34+s26+$0x0] =	vst.idx.msk $0xffff, v33;
	v33 =	vadd.s32 v2, v36  }
0x486: {  	v34 =	vld [tilespmem:s9+$0xFFFFFFF0];
	v33 =	vor.u32 v35, v33;
	_ =	sdelay $0x4  }
0x487: {  	[tilespmem:v33+s26+$0x0] =	vst.idx.msk $0xffff, v34;
	v33 =	vadd.s32 v3, v36  }
0x488: {  	v34 =	vld [tilespmem:s9+$0x0];
	v33 =	vor.u32 v35, v33;
	_ =	sdelay $0x1  }
.Ltmp78:
0x489: {  	(pc) =	sbr.rel @p1 .LBB2_100-.Ltmp78, $3  }
0x48a: {  	_ =	sdelay $0x1  }
0x48b: {  	[tilespmem:v33+s26+$0x0] =	vst.idx.msk $0xffff, v34;
	v34 =	vadd.s32 v4, v36  }
0x48c: {  	v33 =	vld [tilespmem:s9+$0x10];
	v34 =	vor.u32 v35, v34  }
.LBB2_101:
0x48d: {  	_ =	sdelay $0x3  }
0x48e: {  	[tilespmem:v34+s26+$0x0] =	vst.idx.msk $0xffff, v33  }
.LBB2_102:
0x48f: {  	p1 =	sgt.s32 s7, s1;
	s9 =	rddreg [dreg:$0x15]  }
0x490: {  	s0 =	smov.u32 s1;
	s19 =	smov.u32 s5;
	p2 =	slt.s32 s9, s5  }
0x491: {  	s0 =	smov.u32 @p1 s7;
	s19 =	smov.u32 @p2 s9  }
0x492: {  	p1 =	sge.s32 s0, s19  }
.Ltmp79:
0x493: {  	_ = 	snop;
	(pc) =	sbr.rel @p1 .LBB2_106-.Ltmp79, $1  }
0x494: {  	_ =	sdelay $0x3  }
0x495: {  	p1 =	sgt.s32 s7, s18;
	s9 =	smov.u32 s18  }
0x496: {  	s21 =	rddreg [dreg:$0x17];
	s9 =	smov.u32 @p1 s7  }
0x497: {  	s30 =	sadd.s32 s0, s10;
	s9 =	sadd.s32 s9, s21  }
0x498: {  	v33 =	vmov s30;
	s9 =	sadd.s32 s17, s9  }
0x499: {  	v34 =	vshll.u32 v33, $0x9;
	s9 =	sshll.u32 s9, $0x9  }
0x49a: {  	v33 =	vshll.u32 v33, $0x7;
	v34 =	vand.u32 $0xFFFFF000, v34;
	s9 =	sshra.s32 s9, $0x2  }
0x49b: {  	v35 =	vand.u32 $0x380, v33;
	v61 =	vadd.s32 v5, v34;
	s9 =	sadd.s32 $0x10020, s9  }
0x49c: {  	v33 =	vor.u32 v35, v61;
	v36 =	vld [tilespmem:s9+$0xFFFFFFE0];
	_ =	sdelay $0x4  }
0x49d: {  	v62 =	vadd.s32 v6, v34;
	[tilespmem:v33+s26+$0x0] =	vst.idx.msk $0xffff, v36  }
0x49e: {  	v33 =	vor.u32 v35, v62;
	v36 =	vld [tilespmem:s9+$0xFFFFFFF0];
	_ =	sdelay $0x4  }
0x49f: {  	v63 =	vadd.s32 v7, v34;
	[tilespmem:v33+s26+$0x0] =	vst.idx.msk $0xffff, v36  }
0x4a0: {  	s0 =	sadd.s32 $0x1, s0;
	v33 =	vor.u32 v35, v63;
	v36 =	vld [tilespmem:s9+$0x0]  }
0x4a1: {  	p1 =	slt.s32 s0, s19  }
.Ltmp80:
0x4a2: {  	_ = 	snop;
	(pc) =	sbr.rel @!p1 .LBB2_105-.Ltmp80, $3  }
0x4a3: {  	_ =	sdelay $0x1  }
0x4a4: {  	v34 =	vadd.s32 v8, v34;
	[tilespmem:v33+s26+$0x0] =	vst.idx.msk $0xffff, v36  }
0x4a5: {  	v34 =	vor.u32 v35, v34;
	v33 =	vld [tilespmem:s9+$0x10]  }
.LBB2_104:
0x4a6: {  	s21 =	sadd.s32 s0, s10;
	s0 =	sadd.s32 $0x1, s0  }
0x4a7: {  	v35 =	vmov s21;
	p1 =	slt.s32 s0, s19  }
0x4a8: {  	v36 =	vshll.u32 v35, $0x9  }
0x4a9: {  	v35 =	vshll.u32 v35, $0x7;
	v36 =	vand.u32 $0xFFFFF000, v36  }
0x4aa: {  	s9 =	sadd.s32 $0x80, s9;
	v35 =	vand.u32 $0x380, v35;
	v37 =	vadd.s32 v5, v36;
	[tilespmem:v34+s26+$0x0] =	vst.idx.msk $0xffff, v33  }
0x4ab: {  	v33 =	vld [tilespmem:s9+$0xFFFFFFE0];
	v34 =	vor.u32 v35, v37;
	_ =	sdelay $0x4  }
0x4ac: {  	[tilespmem:v34+s26+$0x0] =	vst.idx.msk $0xffff, v33;
	v33 =	vadd.s32 v6, v36  }
0x4ad: {  	v34 =	vld [tilespmem:s9+$0xFFFFFFF0];
	v33 =	vor.u32 v35, v33;
	_ =	sdelay $0x4  }
0x4ae: {  	[tilespmem:v33+s26+$0x0] =	vst.idx.msk $0xffff, v34;
	v33 =	vadd.s32 v7, v36  }
0x4af: {  	v34 =	vld [tilespmem:s9+$0x0];
	v33 =	vor.u32 v35, v33;
	_ =	sdelay $0x1  }
.Ltmp81:
0x4b0: {  	(pc) =	sbr.rel @p1 .LBB2_104-.Ltmp81, $3  }
0x4b1: {  	_ =	sdelay $0x1  }
0x4b2: {  	[tilespmem:v33+s26+$0x0] =	vst.idx.msk $0xffff, v34;
	v34 =	vadd.s32 v8, v36  }
0x4b3: {  	v33 =	vld [tilespmem:s9+$0x10];
	v34 =	vor.u32 v35, v34  }
.LBB2_105:
0x4b4: {  	_ =	sdelay $0x3  }
0x4b5: {  	[tilespmem:v34+s26+$0x0] =	vst.idx.msk $0xffff, v33  }
.LBB2_106:
0x4b6: {  	p1 =	sgt.s32 s11, s1  }
0x4b7: {  	s0 =	smov.u32 s1;
	p2 =	slt.s32 s22, s5;
	s19 =	smov.u32 s5  }
0x4b8: {  	s0 =	smov.u32 @p1 s11;
	s19 =	smov.u32 @p2 s22  }
0x4b9: {  	p1 =	sge.s32 s0, s19  }
.Ltmp82:
0x4ba: {  	_ = 	snop;
	(pc) =	sbr.rel @p1 .LBB2_110-.Ltmp82, $1  }
0x4bb: {  	_ =	sdelay $0x3  }
0x4bc: {  	p1 =	sgt.s32 s11, s18;
	s9 =	smov.u32 s18  }
0x4bd: {  	s21 =	rddreg [dreg:$0x18];
	s9 =	smov.u32 @p1 s11  }
0x4be: {  	s30 =	sadd.s32 s0, s10;
	s9 =	sadd.s32 s9, s21  }
0x4bf: {  	v33 =	vmov s30;
	s9 =	sadd.s32 s17, s9  }
0x4c0: {  	v34 =	vshll.u32 v33, $0x9;
	s9 =	sshll.u32 s9, $0x9  }
0x4c1: {  	v33 =	vshll.u32 v33, $0x7;
	v34 =	vand.u32 $0xFFFFF000, v34;
	s9 =	sshra.s32 s9, $0x2  }
0x4c2: {  	v35 =	vand.u32 $0x380, v33;
	v61 =	vadd.s32 v9, v34;
	s9 =	sadd.s32 $0x10020, s9  }
0x4c3: {  	v33 =	vor.u32 v35, v61;
	v36 =	vld [tilespmem:s9+$0xFFFFFFE0];
	_ =	sdelay $0x4  }
0x4c4: {  	v62 =	vadd.s32 v10, v34;
	[tilespmem:v33+s26+$0x0] =	vst.idx.msk $0xffff, v36  }
0x4c5: {  	v33 =	vor.u32 v35, v62;
	v36 =	vld [tilespmem:s9+$0xFFFFFFF0];
	_ =	sdelay $0x4  }
0x4c6: {  	v63 =	vadd.s32 v11, v34;
	[tilespmem:v33+s26+$0x0] =	vst.idx.msk $0xffff, v36  }
0x4c7: {  	s0 =	sadd.s32 $0x1, s0;
	v33 =	vor.u32 v35, v63;
	v36 =	vld [tilespmem:s9+$0x0]  }
0x4c8: {  	p1 =	slt.s32 s0, s19  }
.Ltmp83:
0x4c9: {  	_ = 	snop;
	(pc) =	sbr.rel @!p1 .LBB2_109-.Ltmp83, $3  }
0x4ca: {  	_ =	sdelay $0x1  }
0x4cb: {  	v34 =	vadd.s32 v12, v34;
	[tilespmem:v33+s26+$0x0] =	vst.idx.msk $0xffff, v36  }
0x4cc: {  	v34 =	vor.u32 v35, v34;
	v33 =	vld [tilespmem:s9+$0x10]  }
.LBB2_108:
0x4cd: {  	s21 =	sadd.s32 s0, s10;
	s0 =	sadd.s32 $0x1, s0  }
0x4ce: {  	v35 =	vmov s21;
	p1 =	slt.s32 s0, s19  }
0x4cf: {  	v36 =	vshll.u32 v35, $0x9  }
0x4d0: {  	v35 =	vshll.u32 v35, $0x7;
	v36 =	vand.u32 $0xFFFFF000, v36  }
0x4d1: {  	s9 =	sadd.s32 $0x80, s9;
	v35 =	vand.u32 $0x380, v35;
	v37 =	vadd.s32 v9, v36;
	[tilespmem:v34+s26+$0x0] =	vst.idx.msk $0xffff, v33  }
0x4d2: {  	v33 =	vld [tilespmem:s9+$0xFFFFFFE0];
	v34 =	vor.u32 v35, v37;
	_ =	sdelay $0x4  }
0x4d3: {  	[tilespmem:v34+s26+$0x0] =	vst.idx.msk $0xffff, v33;
	v33 =	vadd.s32 v10, v36  }
0x4d4: {  	v34 =	vld [tilespmem:s9+$0xFFFFFFF0];
	v33 =	vor.u32 v35, v33;
	_ =	sdelay $0x4  }
0x4d5: {  	[tilespmem:v33+s26+$0x0] =	vst.idx.msk $0xffff, v34;
	v33 =	vadd.s32 v11, v36  }
0x4d6: {  	v34 =	vld [tilespmem:s9+$0x0];
	v33 =	vor.u32 v35, v33;
	_ =	sdelay $0x1  }
.Ltmp84:
0x4d7: {  	(pc) =	sbr.rel @p1 .LBB2_108-.Ltmp84, $3  }
0x4d8: {  	_ =	sdelay $0x1  }
0x4d9: {  	[tilespmem:v33+s26+$0x0] =	vst.idx.msk $0xffff, v34;
	v34 =	vadd.s32 v12, v36  }
0x4da: {  	v33 =	vld [tilespmem:s9+$0x10];
	v34 =	vor.u32 v35, v34  }
.LBB2_109:
0x4db: {  	_ =	sdelay $0x3  }
0x4dc: {  	[tilespmem:v34+s26+$0x0] =	vst.idx.msk $0xffff, v33  }
.LBB2_110:
0x4dd: {  	p1 =	sgt.s32 s12, s1  }
0x4de: {  	s0 =	smov.u32 s1;
	p2 =	slt.s32 s23, s5;
	s19 =	smov.u32 s5  }
0x4df: {  	s0 =	smov.u32 @p1 s12;
	s19 =	smov.u32 @p2 s23  }
0x4e0: {  	p1 =	sge.s32 s0, s19  }
.Ltmp85:
0x4e1: {  	_ = 	snop;
	(pc) =	sbr.rel @p1 .LBB2_114-.Ltmp85, $1  }
0x4e2: {  	_ =	sdelay $0x3  }
0x4e3: {  	p1 =	sgt.s32 s12, s18;
	s9 =	smov.u32 s18  }
0x4e4: {  	s21 =	rddreg [dreg:$0x19];
	s9 =	smov.u32 @p1 s12  }
0x4e5: {  	s30 =	sadd.s32 s0, s10;
	s9 =	sadd.s32 s9, s21  }
0x4e6: {  	v33 =	vmov s30;
	s9 =	sadd.s32 s17, s9  }
0x4e7: {  	v34 =	vshll.u32 v33, $0x9;
	s9 =	sshll.u32 s9, $0x9  }
0x4e8: {  	v33 =	vshll.u32 v33, $0x7;
	v34 =	vand.u32 $0xFFFFF000, v34;
	s9 =	sshra.s32 s9, $0x2  }
0x4e9: {  	v35 =	vand.u32 $0x380, v33;
	v61 =	vadd.s32 v13, v34;
	s9 =	sadd.s32 $0x10020, s9  }
0x4ea: {  	v33 =	vor.u32 v35, v61;
	v36 =	vld [tilespmem:s9+$0xFFFFFFE0];
	_ =	sdelay $0x4  }
0x4eb: {  	v62 =	vadd.s32 v14, v34;
	[tilespmem:v33+s26+$0x0] =	vst.idx.msk $0xffff, v36  }
0x4ec: {  	v33 =	vor.u32 v35, v62;
	v36 =	vld [tilespmem:s9+$0xFFFFFFF0];
	_ =	sdelay $0x4  }
0x4ed: {  	v63 =	vadd.s32 v15, v34;
	[tilespmem:v33+s26+$0x0] =	vst.idx.msk $0xffff, v36  }
0x4ee: {  	s0 =	sadd.s32 $0x1, s0;
	v33 =	vor.u32 v35, v63;
	v36 =	vld [tilespmem:s9+$0x0]  }
0x4ef: {  	p1 =	slt.s32 s0, s19  }
.Ltmp86:
0x4f0: {  	_ = 	snop;
	(pc) =	sbr.rel @!p1 .LBB2_113-.Ltmp86, $3  }
0x4f1: {  	_ =	sdelay $0x1  }
0x4f2: {  	v34 =	vadd.s32 v16, v34;
	[tilespmem:v33+s26+$0x0] =	vst.idx.msk $0xffff, v36  }
0x4f3: {  	v34 =	vor.u32 v35, v34;
	v33 =	vld [tilespmem:s9+$0x10]  }
.LBB2_112:
0x4f4: {  	s21 =	sadd.s32 s0, s10;
	s0 =	sadd.s32 $0x1, s0  }
0x4f5: {  	v35 =	vmov s21;
	p1 =	slt.s32 s0, s19  }
0x4f6: {  	v36 =	vshll.u32 v35, $0x9  }
0x4f7: {  	v35 =	vshll.u32 v35, $0x7;
	v36 =	vand.u32 $0xFFFFF000, v36  }
0x4f8: {  	s9 =	sadd.s32 $0x80, s9;
	v35 =	vand.u32 $0x380, v35;
	v37 =	vadd.s32 v13, v36;
	[tilespmem:v34+s26+$0x0] =	vst.idx.msk $0xffff, v33  }
0x4f9: {  	v33 =	vld [tilespmem:s9+$0xFFFFFFE0];
	v34 =	vor.u32 v35, v37;
	_ =	sdelay $0x4  }
0x4fa: {  	[tilespmem:v34+s26+$0x0] =	vst.idx.msk $0xffff, v33;
	v33 =	vadd.s32 v14, v36  }
0x4fb: {  	v34 =	vld [tilespmem:s9+$0xFFFFFFF0];
	v33 =	vor.u32 v35, v33;
	_ =	sdelay $0x4  }
0x4fc: {  	[tilespmem:v33+s26+$0x0] =	vst.idx.msk $0xffff, v34;
	v33 =	vadd.s32 v15, v36  }
0x4fd: {  	v34 =	vld [tilespmem:s9+$0x0];
	v33 =	vor.u32 v35, v33;
	_ =	sdelay $0x1  }
.Ltmp87:
0x4fe: {  	(pc) =	sbr.rel @p1 .LBB2_112-.Ltmp87, $3  }
0x4ff: {  	_ =	sdelay $0x1  }
0x500: {  	[tilespmem:v33+s26+$0x0] =	vst.idx.msk $0xffff, v34;
	v34 =	vadd.s32 v16, v36  }
0x501: {  	v33 =	vld [tilespmem:s9+$0x10];
	v34 =	vor.u32 v35, v34  }
.LBB2_113:
0x502: {  	_ =	sdelay $0x3  }
0x503: {  	[tilespmem:v34+s26+$0x0] =	vst.idx.msk $0xffff, v33  }
.LBB2_114:
0x504: {  	p1 =	sgt.s32 s24, s1  }
0x505: {  	s0 =	smov.u32 s1;
	p2 =	slt.s32 s13, s5;
	s19 =	smov.u32 s5  }
0x506: {  	s0 =	smov.u32 @p1 s24;
	s19 =	smov.u32 @p2 s13  }
0x507: {  	p1 =	sge.s32 s0, s19  }
.Ltmp88:
0x508: {  	_ = 	snop;
	(pc) =	sbr.rel @p1 .LBB2_118-.Ltmp88, $1  }
0x509: {  	_ =	sdelay $0x3  }
0x50a: {  	p1 =	sgt.s32 s24, s18;
	s9 =	smov.u32 s18  }
0x50b: {  	s21 =	rddreg [dreg:$0x1a];
	s9 =	smov.u32 @p1 s24  }
0x50c: {  	s30 =	sadd.s32 s0, s10;
	s9 =	sadd.s32 s9, s21  }
0x50d: {  	v33 =	vmov s30;
	s9 =	sadd.s32 s17, s9  }
0x50e: {  	v34 =	vshll.u32 v33, $0x9;
	s9 =	sshll.u32 s9, $0x9  }
0x50f: {  	v33 =	vshll.u32 v33, $0x7;
	v34 =	vand.u32 $0xFFFFF000, v34;
	s9 =	sshra.s32 s9, $0x2  }
0x510: {  	v35 =	vand.u32 $0x380, v33;
	v61 =	vadd.s32 v17, v34;
	s9 =	sadd.s32 $0x10020, s9  }
0x511: {  	v33 =	vor.u32 v35, v61;
	v36 =	vld [tilespmem:s9+$0xFFFFFFE0];
	_ =	sdelay $0x4  }
0x512: {  	v62 =	vadd.s32 v18, v34;
	[tilespmem:v33+s26+$0x0] =	vst.idx.msk $0xffff, v36  }
0x513: {  	v33 =	vor.u32 v35, v62;
	v36 =	vld [tilespmem:s9+$0xFFFFFFF0];
	_ =	sdelay $0x4  }
0x514: {  	v63 =	vadd.s32 v19, v34;
	[tilespmem:v33+s26+$0x0] =	vst.idx.msk $0xffff, v36  }
0x515: {  	s0 =	sadd.s32 $0x1, s0;
	v33 =	vor.u32 v35, v63;
	v36 =	vld [tilespmem:s9+$0x0]  }
0x516: {  	p1 =	slt.s32 s0, s19  }
.Ltmp89:
0x517: {  	_ = 	snop;
	(pc) =	sbr.rel @!p1 .LBB2_117-.Ltmp89, $3  }
0x518: {  	_ =	sdelay $0x1  }
0x519: {  	v34 =	vadd.s32 v20, v34;
	[tilespmem:v33+s26+$0x0] =	vst.idx.msk $0xffff, v36  }
0x51a: {  	v34 =	vor.u32 v35, v34;
	v33 =	vld [tilespmem:s9+$0x10]  }
.LBB2_116:
0x51b: {  	s21 =	sadd.s32 s0, s10;
	s0 =	sadd.s32 $0x1, s0  }
0x51c: {  	v35 =	vmov s21;
	p1 =	slt.s32 s0, s19  }
0x51d: {  	v36 =	vshll.u32 v35, $0x9  }
0x51e: {  	v35 =	vshll.u32 v35, $0x7;
	v36 =	vand.u32 $0xFFFFF000, v36  }
0x51f: {  	s9 =	sadd.s32 $0x80, s9;
	v35 =	vand.u32 $0x380, v35;
	v37 =	vadd.s32 v17, v36;
	[tilespmem:v34+s26+$0x0] =	vst.idx.msk $0xffff, v33  }
0x520: {  	v33 =	vld [tilespmem:s9+$0xFFFFFFE0];
	v34 =	vor.u32 v35, v37;
	_ =	sdelay $0x4  }
0x521: {  	[tilespmem:v34+s26+$0x0] =	vst.idx.msk $0xffff, v33;
	v33 =	vadd.s32 v18, v36  }
0x522: {  	v34 =	vld [tilespmem:s9+$0xFFFFFFF0];
	v33 =	vor.u32 v35, v33;
	_ =	sdelay $0x4  }
0x523: {  	[tilespmem:v33+s26+$0x0] =	vst.idx.msk $0xffff, v34;
	v33 =	vadd.s32 v19, v36  }
0x524: {  	v34 =	vld [tilespmem:s9+$0x0];
	v33 =	vor.u32 v35, v33;
	_ =	sdelay $0x1  }
.Ltmp90:
0x525: {  	(pc) =	sbr.rel @p1 .LBB2_116-.Ltmp90, $3  }
0x526: {  	_ =	sdelay $0x1  }
0x527: {  	[tilespmem:v33+s26+$0x0] =	vst.idx.msk $0xffff, v34;
	v34 =	vadd.s32 v20, v36  }
0x528: {  	v33 =	vld [tilespmem:s9+$0x10];
	v34 =	vor.u32 v35, v34  }
.LBB2_117:
0x529: {  	_ =	sdelay $0x3  }
0x52a: {  	[tilespmem:v34+s26+$0x0] =	vst.idx.msk $0xffff, v33  }
.LBB2_118:
0x52b: {  	p1 =	sgt.s32 s8, s1  }
0x52c: {  	s0 =	smov.u32 s1;
	p2 =	slt.s32 s14, s5;
	s19 =	smov.u32 s5  }
0x52d: {  	s0 =	smov.u32 @p1 s8;
	s19 =	smov.u32 @p2 s14  }
0x52e: {  	p1 =	sge.s32 s0, s19  }
.Ltmp91:
0x52f: {  	_ = 	snop;
	(pc) =	sbr.rel @p1 .LBB2_122-.Ltmp91, $1  }
0x530: {  	_ =	sdelay $0x3  }
0x531: {  	p1 =	sgt.s32 s8, s18;
	s9 =	smov.u32 s18  }
0x532: {  	s21 =	rddreg [dreg:$0x1b];
	s9 =	smov.u32 @p1 s8  }
0x533: {  	s30 =	sadd.s32 s0, s10;
	s9 =	sadd.s32 s9, s21  }
0x534: {  	v33 =	vmov s30;
	s9 =	sadd.s32 s17, s9  }
0x535: {  	v34 =	vshll.u32 v33, $0x9;
	s9 =	sshll.u32 s9, $0x9  }
0x536: {  	v33 =	vshll.u32 v33, $0x7;
	v34 =	vand.u32 $0xFFFFF000, v34;
	s9 =	sshra.s32 s9, $0x2  }
0x537: {  	v35 =	vand.u32 $0x380, v33;
	v61 =	vadd.s32 v21, v34;
	s9 =	sadd.s32 $0x10020, s9  }
0x538: {  	v33 =	vor.u32 v35, v61;
	v36 =	vld [tilespmem:s9+$0xFFFFFFE0];
	_ =	sdelay $0x4  }
0x539: {  	v62 =	vadd.s32 v22, v34;
	[tilespmem:v33+s26+$0x0] =	vst.idx.msk $0xffff, v36  }
0x53a: {  	v33 =	vor.u32 v35, v62;
	v36 =	vld [tilespmem:s9+$0xFFFFFFF0];
	_ =	sdelay $0x4  }
0x53b: {  	v63 =	vadd.s32 v23, v34;
	[tilespmem:v33+s26+$0x0] =	vst.idx.msk $0xffff, v36  }
0x53c: {  	s0 =	sadd.s32 $0x1, s0;
	v33 =	vor.u32 v35, v63;
	v36 =	vld [tilespmem:s9+$0x0]  }
0x53d: {  	p1 =	slt.s32 s0, s19  }
.Ltmp92:
0x53e: {  	_ = 	snop;
	(pc) =	sbr.rel @!p1 .LBB2_121-.Ltmp92, $3  }
0x53f: {  	_ =	sdelay $0x1  }
0x540: {  	v34 =	vadd.s32 v24, v34;
	[tilespmem:v33+s26+$0x0] =	vst.idx.msk $0xffff, v36  }
0x541: {  	v34 =	vor.u32 v35, v34;
	v33 =	vld [tilespmem:s9+$0x10]  }
.LBB2_120:
0x542: {  	s21 =	sadd.s32 s0, s10;
	s0 =	sadd.s32 $0x1, s0  }
0x543: {  	v35 =	vmov s21;
	p1 =	slt.s32 s0, s19  }
0x544: {  	v36 =	vshll.u32 v35, $0x9  }
0x545: {  	v35 =	vshll.u32 v35, $0x7;
	v36 =	vand.u32 $0xFFFFF000, v36  }
0x546: {  	s9 =	sadd.s32 $0x80, s9;
	v35 =	vand.u32 $0x380, v35;
	v37 =	vadd.s32 v21, v36;
	[tilespmem:v34+s26+$0x0] =	vst.idx.msk $0xffff, v33  }
0x547: {  	v33 =	vld [tilespmem:s9+$0xFFFFFFE0];
	v34 =	vor.u32 v35, v37;
	_ =	sdelay $0x4  }
0x548: {  	[tilespmem:v34+s26+$0x0] =	vst.idx.msk $0xffff, v33;
	v33 =	vadd.s32 v22, v36  }
0x549: {  	v34 =	vld [tilespmem:s9+$0xFFFFFFF0];
	v33 =	vor.u32 v35, v33;
	_ =	sdelay $0x4  }
0x54a: {  	[tilespmem:v33+s26+$0x0] =	vst.idx.msk $0xffff, v34;
	v33 =	vadd.s32 v23, v36  }
0x54b: {  	v34 =	vld [tilespmem:s9+$0x0];
	v33 =	vor.u32 v35, v33;
	_ =	sdelay $0x1  }
.Ltmp93:
0x54c: {  	(pc) =	sbr.rel @p1 .LBB2_120-.Ltmp93, $3  }
0x54d: {  	_ =	sdelay $0x1  }
0x54e: {  	[tilespmem:v33+s26+$0x0] =	vst.idx.msk $0xffff, v34;
	v34 =	vadd.s32 v24, v36  }
0x54f: {  	v33 =	vld [tilespmem:s9+$0x10];
	v34 =	vor.u32 v35, v34  }
.LBB2_121:
0x550: {  	_ =	sdelay $0x3  }
0x551: {  	[tilespmem:v34+s26+$0x0] =	vst.idx.msk $0xffff, v33  }
.LBB2_122:
0x552: {  	p1 =	sgt.s32 s31, s1  }
0x553: {  	s0 =	smov.u32 s1;
	p2 =	slt.s32 s15, s5;
	s19 =	smov.u32 s5  }
0x554: {  	s0 =	smov.u32 @p1 s31;
	s19 =	smov.u32 @p2 s15  }
0x555: {  	p1 =	sge.s32 s0, s19  }
.Ltmp94:
0x556: {  	_ = 	snop;
	(pc) =	sbr.rel @p1 .LBB2_126-.Ltmp94, $1  }
0x557: {  	_ =	sdelay $0x3  }
0x558: {  	p1 =	sgt.s32 s31, s18;
	s9 =	smov.u32 s18  }
0x559: {  	s21 =	rddreg [dreg:$0x1c];
	s9 =	smov.u32 @p1 s31  }
0x55a: {  	s30 =	sadd.s32 s0, s10;
	s9 =	sadd.s32 s9, s21  }
0x55b: {  	v33 =	vmov s30;
	s9 =	sadd.s32 s17, s9  }
0x55c: {  	v34 =	vshll.u32 v33, $0x9;
	s9 =	sshll.u32 s9, $0x9  }
0x55d: {  	v33 =	vshll.u32 v33, $0x7;
	v34 =	vand.u32 $0xFFFFF000, v34;
	s9 =	sshra.s32 s9, $0x2  }
0x55e: {  	v35 =	vand.u32 $0x380, v33;
	v61 =	vadd.s32 v25, v34;
	s9 =	sadd.s32 $0x10020, s9  }
0x55f: {  	v33 =	vor.u32 v35, v61;
	v36 =	vld [tilespmem:s9+$0xFFFFFFE0];
	_ =	sdelay $0x4  }
0x560: {  	v62 =	vadd.s32 v26, v34;
	[tilespmem:v33+s26+$0x0] =	vst.idx.msk $0xffff, v36  }
0x561: {  	v33 =	vor.u32 v35, v62;
	v36 =	vld [tilespmem:s9+$0xFFFFFFF0];
	_ =	sdelay $0x4  }
0x562: {  	v63 =	vadd.s32 v27, v34;
	[tilespmem:v33+s26+$0x0] =	vst.idx.msk $0xffff, v36  }
0x563: {  	s0 =	sadd.s32 $0x1, s0;
	v33 =	vor.u32 v35, v63;
	v36 =	vld [tilespmem:s9+$0x0]  }
0x564: {  	p1 =	slt.s32 s0, s19  }
.Ltmp95:
0x565: {  	_ = 	snop;
	(pc) =	sbr.rel @!p1 .LBB2_125-.Ltmp95, $3  }
0x566: {  	_ =	sdelay $0x1  }
0x567: {  	v34 =	vadd.s32 v28, v34;
	[tilespmem:v33+s26+$0x0] =	vst.idx.msk $0xffff, v36  }
0x568: {  	v34 =	vor.u32 v35, v34;
	v33 =	vld [tilespmem:s9+$0x10]  }
.LBB2_124:
0x569: {  	s21 =	sadd.s32 s0, s10;
	s0 =	sadd.s32 $0x1, s0  }
0x56a: {  	v35 =	vmov s21;
	p1 =	slt.s32 s0, s19  }
0x56b: {  	v36 =	vshll.u32 v35, $0x9  }
0x56c: {  	v35 =	vshll.u32 v35, $0x7;
	v36 =	vand.u32 $0xFFFFF000, v36  }
0x56d: {  	s9 =	sadd.s32 $0x80, s9;
	v35 =	vand.u32 $0x380, v35;
	v37 =	vadd.s32 v25, v36;
	[tilespmem:v34+s26+$0x0] =	vst.idx.msk $0xffff, v33  }
0x56e: {  	v33 =	vld [tilespmem:s9+$0xFFFFFFE0];
	v34 =	vor.u32 v35, v37;
	_ =	sdelay $0x4  }
0x56f: {  	[tilespmem:v34+s26+$0x0] =	vst.idx.msk $0xffff, v33;
	v33 =	vadd.s32 v26, v36  }
0x570: {  	v34 =	vld [tilespmem:s9+$0xFFFFFFF0];
	v33 =	vor.u32 v35, v33;
	_ =	sdelay $0x4  }
0x571: {  	[tilespmem:v33+s26+$0x0] =	vst.idx.msk $0xffff, v34;
	v33 =	vadd.s32 v27, v36  }
0x572: {  	v34 =	vld [tilespmem:s9+$0x0];
	v33 =	vor.u32 v35, v33;
	_ =	sdelay $0x1  }
.Ltmp96:
0x573: {  	(pc) =	sbr.rel @p1 .LBB2_124-.Ltmp96, $3  }
0x574: {  	_ =	sdelay $0x1  }
0x575: {  	[tilespmem:v33+s26+$0x0] =	vst.idx.msk $0xffff, v34;
	v34 =	vadd.s32 v28, v36  }
0x576: {  	v33 =	vld [tilespmem:s9+$0x10];
	v34 =	vor.u32 v35, v34  }
.LBB2_125:
0x577: {  	_ =	sdelay $0x3  }
0x578: {  	[tilespmem:v34+s26+$0x0] =	vst.idx.msk $0xffff, v33  }
.LBB2_126:
0x579: {  	p1 =	sgt.s32 s2, s1;
	p2 =	slt.s32 s16, s5  }
0x57a: {  	s1 =	smov.u32 @p1 s2;
	s5 =	smov.u32 @p2 s16  }
0x57b: {  	p1 =	sge.s32 s1, s5  }
.Ltmp97:
0x57c: {  	_ = 	snop;
	(pc) =	sbr.rel @p1 .LBB2_130-.Ltmp97, $1  }
0x57d: {  	_ =	sdelay $0x3  }
0x57e: {  	p1 =	sgt.s32 s2, s18  }
0x57f: {  	s0 =	rddreg [dreg:$0x1d];
	s18 =	smov.u32 @p1 s2  }
0x580: {  	s9 =	sadd.s32 s1, s10;
	s0 =	sadd.s32 s18, s0  }
0x581: {  	v33 =	vmov s9;
	s0 =	sadd.s32 s17, s0  }
0x582: {  	v34 =	vshll.u32 v33, $0x9;
	s0 =	sshll.u32 s0, $0x9  }
0x583: {  	v33 =	vshll.u32 v33, $0x7;
	v34 =	vand.u32 $0xFFFFF000, v34;
	s0 =	sshra.s32 s0, $0x2  }
0x584: {  	v35 =	vand.u32 $0x380, v33;
	v61 =	vadd.s32 v29, v34;
	s9 =	sadd.s32 $0x10020, s0  }
0x585: {  	v33 =	vor.u32 v35, v61;
	v36 =	vld [tilespmem:s9+$0xFFFFFFE0];
	_ =	sdelay $0x4  }
0x586: {  	v62 =	vadd.s32 v30, v34;
	[tilespmem:v33+s26+$0x0] =	vst.idx.msk $0xffff, v36  }
0x587: {  	v33 =	vor.u32 v35, v62;
	v36 =	vld [tilespmem:s9+$0xFFFFFFF0];
	_ =	sdelay $0x4  }
0x588: {  	v63 =	vadd.s32 v31, v34;
	[tilespmem:v33+s26+$0x0] =	vst.idx.msk $0xffff, v36  }
0x589: {  	s0 =	sadd.s32 $0x1, s1;
	v33 =	vor.u32 v35, v63;
	v36 =	vld [tilespmem:s9+$0x0]  }
0x58a: {  	p1 =	slt.s32 s0, s5  }
.Ltmp98:
0x58b: {  	_ = 	snop;
	(pc) =	sbr.rel @!p1 .LBB2_129-.Ltmp98, $3  }
0x58c: {  	_ =	sdelay $0x1  }
0x58d: {  	v34 =	vadd.s32 v32, v34;
	[tilespmem:v33+s26+$0x0] =	vst.idx.msk $0xffff, v36  }
0x58e: {  	v34 =	vor.u32 v35, v34;
	v33 =	vld [tilespmem:s9+$0x10]  }
.LBB2_128:
0x58f: {  	s1 =	sadd.s32 s0, s10;
	s0 =	sadd.s32 $0x1, s0  }
0x590: {  	v35 =	vmov s1;
	p1 =	slt.s32 s0, s5  }
0x591: {  	v36 =	vshll.u32 v35, $0x9  }
0x592: {  	v35 =	vshll.u32 v35, $0x7;
	v36 =	vand.u32 $0xFFFFF000, v36  }
0x593: {  	s9 =	sadd.s32 $0x80, s9;
	v35 =	vand.u32 $0x380, v35;
	v37 =	vadd.s32 v29, v36;
	[tilespmem:v34+s26+$0x0] =	vst.idx.msk $0xffff, v33  }
0x594: {  	v33 =	vld [tilespmem:s9+$0xFFFFFFE0];
	v34 =	vor.u32 v35, v37;
	_ =	sdelay $0x4  }
0x595: {  	[tilespmem:v34+s26+$0x0] =	vst.idx.msk $0xffff, v33;
	v33 =	vadd.s32 v30, v36  }
0x596: {  	v34 =	vld [tilespmem:s9+$0xFFFFFFF0];
	v33 =	vor.u32 v35, v33;
	_ =	sdelay $0x4  }
0x597: {  	[tilespmem:v33+s26+$0x0] =	vst.idx.msk $0xffff, v34;
	v33 =	vadd.s32 v31, v36  }
0x598: {  	v34 =	vld [tilespmem:s9+$0x0];
	v33 =	vor.u32 v35, v33;
	_ =	sdelay $0x1  }
.Ltmp99:
0x599: {  	(pc) =	sbr.rel @p1 .LBB2_128-.Ltmp99, $3  }
0x59a: {  	_ =	sdelay $0x1  }
0x59b: {  	[tilespmem:v33+s26+$0x0] =	vst.idx.msk $0xffff, v34;
	v34 =	vadd.s32 v32, v36  }
0x59c: {  	v33 =	vld [tilespmem:s9+$0x10];
	v34 =	vor.u32 v35, v34  }
.Ltmp100:
0x59d: {  	_ = 	snop;
	(pc) =	sbr.rel .LBB2_129-.Ltmp100, $1  }
0x59e: {  	_ =	sdelay $0x3  }
.LBB2_132:
0x59f: {  	_ =	sfence.sel $0x180000  }
0x5a0: {  	[bflag:$0x0] =	sbarrier.arrive $0xFFFF  }
0x5a1: {  	_ =	strace $0x90000047  }
0x5a2: {  	s0 =	stileid.u32;
	[bflag:$0x2] =	sbarrier.arrive $0xFFFF  }
0x5a3: {  	p0 =	sne.s32 s0, $0x0;
	s0 =	rddreg [dreg:$0x3]  }
0x5a4: {  	s0 =	sadd.s32 @!p0 $0x100000, s0  }
0x5a5: {  	[sflag:s0] =	ssyncadd.tile.s32 @!p0 $0x1;
	_ =	shalt  }
.Lfunc_end2:
_tile_overlayer_lowered:
.L_overlay_start_2:
0x5a6: {  	(tag) =	ssettag $0x2  }
0x5a7: {  	s0 =	rddreg [dreg:$0x0];
	s2 =	stileid.u32  }
0x5a8: {  	s1 =	rddreg [dreg:$0x1];
	p0 =	sne.s32 s2, $0x0  }
0x5a9: {  	s3 =	rddreg [dreg:$0x2];
	[bflag:$0x3] =	sbarrier.arrive $0xFFFF;
	s2 =	simm.s32 @!p0 $0x1C09  }
0x5aa: {  	[timem:s3], [sflag:s2] =	dma.local @!p0 [hbm:s0], s1  }
0x5ab: {  	s0 =	simm.s32 @!p0 $0x9  }
0x5ac: {  	_ =	swait.ge @!p0 [sflag:s0], s1  }
0x5ad: {  	s1 =	ssub.s32 @!p0 $0x0, s1;
	[sflag:s0] =	ssyncset.done @!p0 $0x0  }
0x5ae: {  	[sflag:s0] =	ssyncadd.s32 @!p0 s1  }
0x5af: {  	[bflag:$0x3] =	sbarrier.arrive $0xFFFF  }
0x5b0: {  	_ =	shalt  }

</sc_bundles>
